<compile_context>
chip_gen: v7x
topology: tpu7x:2x2x1
jax: 0.10.2.dev20260603
libtpu: 0.0.44.dev20260713+nightly
codegen_flags: <defaults>
</compile_context>

<pallas_src>
import jax
import jax.numpy as jnp
from jax import lax
from jax.experimental import pallas as pl
from jax.experimental.pallas import tpu as pltpu
from jax.experimental.pallas import tpu_sc as plsc

N = 10000
NP = 10112
NTILE = NP // 16
E = 160000
EROWS = 1280
ERT = EROWS // 16
EP = 50000
PROWS = 448
PRT = PROWS // 16
PAD_NODE = N
BM = NP // 8


def _sc_mesh():
    return plsc.VectorSubcoreMesh(core_axis_name="c", subcore_axis_name="s")


_SC_PARAMS = pltpu.CompilerParams(use_tc_tiling_on_sc=False)



def _degree_kernel(s0R, d0R, s1R, d1R):

    def body(s0_ref, d0_ref, s1_ref, d1_ref, out_ref, h0, h1, idxb, ones, zb,
             hsems0, hsems1):
        c = lax.axis_index("c")
        s = lax.axis_index("s")

        def zset(r, carry):
            zb[r, :] = jnp.zeros((16,), jnp.float32)
            return carry

        lax.fori_loop(0, NTILE, zset, 0)

        def oset(r, carry):
            ones[r, :] = jnp.ones((16,), jnp.float32)
            return carry

        lax.fori_loop(0, 128, oset, 0)

        sl = pl.ds(s * NTILE, NTILE)
        pltpu.sync_copy(zb, h0.at[sl])
        pltpu.sync_copy(zb, h1.at[sl])
        plsc.subcore_barrier()

        def run_hist(idx_hbm, hist, sems):
            pltpu.sync_copy(idx_hbm.at[pl.ds(s * ERT, ERT)], idxb)

            def step(j, carry):
                g = j * 2
                cps = [pltpu.async_copy(ones, hist.at[idxb.at[g + b]],
                                        sems[b], add=True) for b in range(2)]
                for d in cps:
                    d.wait()
                return carry

            lax.fori_loop(0, ERT // 2, step, 0)

        @pl.when(c == 0)
        def _():
            run_hist(s0_ref, h0, hsems0)
            run_hist(d0_ref, h1, hsems1)

        @pl.when(c == 1)
        def _():
            run_hist(s1_ref, h0, hsems0)
            run_hist(d1_ref, h1, hsems1)

        plsc.subcore_barrier()

        @pl.when((c == 0) & (s == 0))
        def _():
            pltpu.sync_copy(h0, out_ref.at[0])

        @pl.when((c == 0) & (s == 1))
        def _():
            pltpu.sync_copy(h1, out_ref.at[1])

        @pl.when((c == 1) & (s == 0))
        def _():
            pltpu.sync_copy(h0, out_ref.at[2])

        @pl.when((c == 1) & (s == 1))
        def _():
            pltpu.sync_copy(h1, out_ref.at[3])

    f = pl.kernel(
        body,
        out_type=jax.ShapeDtypeStruct((4, NP, 16), jnp.float32),
        mesh=_sc_mesh(),
        compiler_params=_SC_PARAMS,
        scratch_types=[
            pltpu.VMEM_SHARED((NP, 16), jnp.float32),
            pltpu.VMEM_SHARED((NP, 16), jnp.float32),
            pltpu.VMEM((ERT, 128), jnp.int32),
            pltpu.VMEM((128, 16), jnp.float32),
            pltpu.VMEM((NTILE, 16), jnp.float32),
            [pltpu.SemaphoreType.DMA] * 2,
            [pltpu.SemaphoreType.DMA] * 2,
        ],
    )
    return f(s0R, d0R, s1R, d1R)


def _message_pass(tbl0, tbl1, zeros2d, srcR, dstR, width):

    NB = 2 if width == 128 else 4
    SCH = 16
    row_w = srcR.shape[1]
    rpt = srcR.shape[0] // 16
    nsup = rpt // SCH
    stage = width <= 32

    def body(t0_ref, t1_ref, z_ref, s_ref, d_ref, o0_ref, o1_ref,
             acc, tstage, srcb, dstb, bufs, gsems, ssems):
        c = lax.axis_index("c")
        s = lax.axis_index("s")
        sl = pl.ds(s * NTILE, NTILE)
        pltpu.sync_copy(z_ref.at[sl], acc.at[sl])
        if stage:
            @pl.when(c == 0)
            def _():
                pltpu.sync_copy(t0_ref.at[sl], tstage.at[sl])

            @pl.when(c == 1)
            def _():
                pltpu.sync_copy(t1_ref.at[sl], tstage.at[sl])
        plsc.subcore_barrier()

        def run(tbl):
            def supo(si, carry):
                base = s * rpt + si * SCH
                pltpu.sync_copy(s_ref.at[pl.ds(base, SCH)], srcb)
                pltpu.sync_copy(d_ref.at[pl.ds(base, SCH)], dstb)

                def chunk(q, carry2):
                    g = q * NB
                    cps = [pltpu.async_copy(tbl.at[srcb.at[g + b]], bufs[b],
                                            gsems[b]) for b in range(NB)]
                    scps = []
                    for b in range(NB):
                        cps[b].wait()
                        scps.append(pltpu.async_copy(
                            bufs[b], acc.at[dstb.at[g + b]], ssems[b], add=True))
                    for d in scps:
                        d.wait()
                    return carry2

                return lax.fori_loop(0, SCH // NB, chunk, carry)

            lax.fori_loop(0, nsup, supo, 0)

        if stage:
            run(tstage)
        else:
            @pl.when(c == 0)
            def _():
                run(t0_ref)

            @pl.when(c == 1)
            def _():
                run(t1_ref)

        plsc.subcore_barrier()

        @pl.when(c == 0)
        def _():
            pltpu.sync_copy(acc.at[sl], o0_ref.at[sl])

        @pl.when(c == 1)
        def _():
            pltpu.sync_copy(acc.at[sl], o1_ref.at[sl])

    f = pl.kernel(
        body,
        out_type=(jax.ShapeDtypeStruct((NP, width), jnp.float32),
                  jax.ShapeDtypeStruct((NP, width), jnp.float32)),
        mesh=_sc_mesh(),
        compiler_params=_SC_PARAMS,
        scratch_types=[
            pltpu.VMEM_SHARED((NP, width), jnp.float32),
            pltpu.VMEM_SHARED((NP, width if stage else 8), jnp.float32),
            pltpu.VMEM((SCH, row_w), jnp.int32),
            pltpu.VMEM((SCH, row_w), jnp.int32),
            [pltpu.VMEM((row_w, width), jnp.float32)] * NB,
            [pltpu.SemaphoreType.DMA] * NB,
            [pltpu.SemaphoreType.DMA] * NB,
        ],
    )
    return f(tbl0, tbl1, zeros2d, srcR, dstR)


def _message_pass_wide(tabs, zeros2d, srcR, dstR):
    NB = 5
    SCH = 20
    rpt = srcR.shape[0] // 16
    nsup = rpt // SCH

    def body(t00_ref, t01_ref, t10_ref, t11_ref, z_ref, s_ref, d_ref,
             o00_ref, o01_ref, o10_ref, o11_ref,
             acc, tstage, srcb, dstb, bufs, gsems, ssems):
        c = lax.axis_index("c")
        s = lax.axis_index("s")
        sl = pl.ds(s * NTILE, NTILE)

        def run():
            def supo(si, carry):
                base = s * rpt + si * SCH
                pltpu.sync_copy(s_ref.at[pl.ds(base, SCH)], srcb)
                pltpu.sync_copy(d_ref.at[pl.ds(base, SCH)], dstb)

                def chunk(q, carry2):
                    g = q * NB
                    cps = [pltpu.async_copy(tstage.at[srcb.at[g + b]], bufs[b],
                                            gsems[b]) for b in range(NB)]
                    scps = []
                    for b in range(NB):
                        cps[b].wait()
                        scps.append(pltpu.async_copy(
                            bufs[b], acc.at[dstb.at[g + b]], ssems[b], add=True))
                    for d in scps:
                        d.wait()
                    return carry2

                return lax.fori_loop(0, SCH // NB, chunk, carry)

            lax.fori_loop(0, nsup, supo, 0)

        for h, (tin0, tin1, out0, out1) in enumerate(
                [(t00_ref, t10_ref, o00_ref, o10_ref),
                 (t01_ref, t11_ref, o01_ref, o11_ref)]):
            pltpu.sync_copy(z_ref.at[sl], acc.at[sl])

            @pl.when(c == 0)
            def _():
                pltpu.sync_copy(tin0.at[sl], tstage.at[sl])

            @pl.when(c == 1)
            def _():
                pltpu.sync_copy(tin1.at[sl], tstage.at[sl])

            plsc.subcore_barrier()
            run()
            plsc.subcore_barrier()

            @pl.when(c == 0)
            def _():
                pltpu.sync_copy(acc.at[sl], out0.at[sl])

            @pl.when(c == 1)
            def _():
                pltpu.sync_copy(acc.at[sl], out1.at[sl])

    f = pl.kernel(
        body,
        out_type=tuple(jax.ShapeDtypeStruct((NP, 64), jnp.float32)
                       for _ in range(4)),
        mesh=_sc_mesh(),
        compiler_params=_SC_PARAMS,
        scratch_types=[
            pltpu.VMEM_SHARED((NP, 64), jnp.float32),
            pltpu.VMEM_SHARED((NP, 64), jnp.float32),
            pltpu.VMEM((SCH, 128), jnp.int32),
            pltpu.VMEM((SCH, 128), jnp.int32),
            [pltpu.VMEM((128, 64), jnp.float32)] * NB,
            [pltpu.SemaphoreType.DMA] * NB,
            [pltpu.SemaphoreType.DMA] * NB,
        ],
    )
    return f(tabs[0], tabs[1], tabs[2], tabs[3], zeros2d, srcR, dstR)


def _gather4(A, B, psR, pdR, nsR, ndR):

    NB = 4

    def body(a_ref, b_ref, ps_ref, pd_ref, ns_ref, nd_ref,
             opa, opb, ona, onb, As, Bs, ib, big, gsems, wsem):
        c = lax.axis_index("c")
        s = lax.axis_index("s")
        sl = pl.ds(s * NTILE, NTILE)
        pltpu.sync_copy(a_ref.at[sl], As.at[sl])
        pltpu.sync_copy(b_ref.at[sl], Bs.at[sl])
        plsc.subcore_barrier()

        def run(idxR, tbl, out):
            pltpu.sync_copy(idxR.at[pl.ds(s * PRT, PRT)], ib)

            def chunk(cc, carry):
                g = cc * NB
                cps = [pltpu.async_copy(tbl.at[ib.at[g + b]],
                                        big.at[pl.ds(b * 128, 128)],
                                        gsems[b]) for b in range(NB)]
                for d in cps:
                    d.wait()
                pltpu.async_copy(
                    big, out.at[pl.ds((s * PRT + g) * 128, NB * 128)],
                    wsem).wait()
                return carry

            lax.fori_loop(0, PRT // NB, chunk, 0)

        @pl.when(c == 0)
        def _():
            run(ps_ref, As, opa)
            run(pd_ref, Bs, opb)

        @pl.when(c == 1)
        def _():
            run(ns_ref, As, ona)
            run(nd_ref, Bs, onb)

    f = pl.kernel(
        body,
        out_type=tuple(jax.ShapeDtypeStruct((PROWS * 128, 64), jnp.float32)
                       for _ in range(4)),
        mesh=_sc_mesh(),
        compiler_params=_SC_PARAMS,
        scratch_types=[
            pltpu.VMEM_SHARED((NP, 64), jnp.float32),
            pltpu.VMEM_SHARED((NP, 64), jnp.float32),
            pltpu.VMEM((PRT, 128), jnp.int32),
            pltpu.VMEM((NB * 128, 64), jnp.float32),
            [pltpu.SemaphoreType.DMA] * NB,
            pltpu.SemaphoreType.DMA,
        ],
    )
    return f(A, B, psR, pdR, nsR, ndR)



def _tc_layer1(x, W1, deg_out0):

    def body(x_ref, w_ref, dg_ref, o0_ref, o1_ref, o2_ref, o3_ref):
        dg = dg_ref[0][:, :1]
        ns = jnp.where(dg > 0, 1.0 / jnp.sqrt(dg), 0.0)
        res = jnp.dot(x_ref[...], w_ref[...], preferred_element_type=jnp.float32)
        res = res * ns
        o0_ref[...] = res[:, 0:64]
        o1_ref[...] = res[:, 64:128]
        o2_ref[...] = res[:, 128:192]
        o3_ref[...] = res[:, 192:256]

    return pl.pallas_call(
        body,
        grid=(8,),
        in_specs=[
            pl.BlockSpec((BM, 512), lambda m: (m, 0)),
            pl.BlockSpec((512, 256), lambda m: (0, 0)),
            pl.BlockSpec((1, BM, 16), lambda m: (0, m, 0)),
        ],
        out_specs=[pl.BlockSpec((BM, 64), lambda m: (m, 0))] * 4,
        out_shape=[jax.ShapeDtypeStruct((NP, 64), jnp.float32)] * 4,
    )(x, W1, deg_out0)


def _tc_layer2(a0, a1, a2, a3, deg_in0, deg_out1, b1_2d, W2):

    def body(a_ref, b_ref, c_ref, d_ref, di_ref, do_ref, b1_ref, w_ref,
             oa_ref, ob_ref):
        di = di_ref[0][:, :1]
        do = do_ref[0][:, :1]
        nd = jnp.where(di > 0, 1.0 / jnp.sqrt(di), 0.0)
        ns = jnp.where(do > 0, 1.0 / jnp.sqrt(do), 0.0)
        agg = jnp.concatenate(
            [a_ref[...], b_ref[...], c_ref[...], d_ref[...]], axis=1)
        t = jnp.maximum(agg * nd + b1_ref[...], 0.0) * ns
        tw = jnp.dot(t, w_ref[...], preferred_element_type=jnp.float32)
        oa_ref[...] = tw[:, :32]
        ob_ref[...] = tw[:, 32:]

    return pl.pallas_call(
        body,
        grid=(8,),
        in_specs=[
            pl.BlockSpec((BM, 64), lambda m: (m, 0)),
            pl.BlockSpec((BM, 64), lambda m: (m, 0)),
            pl.BlockSpec((BM, 64), lambda m: (m, 0)),
            pl.BlockSpec((BM, 64), lambda m: (m, 0)),
            pl.BlockSpec((1, BM, 16), lambda m: (1, m, 0)),
            pl.BlockSpec((1, BM, 16), lambda m: (2, m, 0)),
            pl.BlockSpec((1, 256), lambda m: (0, 0)),
            pl.BlockSpec((256, 64), lambda m: (0, 0)),
        ],
        out_specs=[
            pl.BlockSpec((BM, 32), lambda m: (m, 0)),
            pl.BlockSpec((BM, 32), lambda m: (m, 0)),
        ],
        out_shape=[jax.ShapeDtypeStruct((NP, 32), jnp.float32)] * 2,
    )(a0, a1, a2, a3, deg_in0, deg_out1, b1_2d, W2)


def _tc_pred_prep(a0, a1, deg_in1, b2_2d, Wp1, bp1_2d):

    def body(a_ref, b_ref, di_ref, b2_ref, w_ref, bp_ref, oa_ref, ob_ref):
        di = di_ref[0][:, :1]
        nd = jnp.where(di > 0, 1.0 / jnp.sqrt(di), 0.0)
        h2 = jnp.concatenate([a_ref[...], b_ref[...]], axis=1) * nd + b2_ref[...]
        w = w_ref[...]
        oa_ref[...] = jnp.dot(h2, w[:64], preferred_element_type=jnp.float32) + bp_ref[...]
        ob_ref[...] = jnp.dot(h2, w[64:], preferred_element_type=jnp.float32)

    return pl.pallas_call(
        body,
        grid=(8,),
        in_specs=[
            pl.BlockSpec((BM, 32), lambda m: (m, 0)),
            pl.BlockSpec((BM, 32), lambda m: (m, 0)),
            pl.BlockSpec((1, BM, 16), lambda m: (3, m, 0)),
            pl.BlockSpec((1, 64), lambda m: (0, 0)),
            pl.BlockSpec((128, 64), lambda m: (0, 0)),
            pl.BlockSpec((1, 64), lambda m: (0, 0)),
        ],
        out_specs=[
            pl.BlockSpec((BM, 64), lambda m: (m, 0)),
            pl.BlockSpec((BM, 64), lambda m: (m, 0)),
        ],
        out_shape=[jax.ShapeDtypeStruct((NP, 64), jnp.float32)] * 2,
    )(a0, a1, deg_in1, b2_2d, Wp1, bp1_2d)


def _tc_score(gpa, gpb, gna, gnb, Wp2, bp2_2d):
    ETOT = PROWS * 128
    BMS = ETOT // 16

    def body(pa, pb, na, nb, w_ref, bp_ref, op_ref, on_ref):
        w = w_ref[...]
        bp = bp_ref[...]
        ep = jnp.maximum(pa[...] + pb[...], 0.0)
        en = jnp.maximum(na[...] + nb[...], 0.0)
        op_ref[...] = jnp.dot(ep, w, preferred_element_type=jnp.float32) + bp
        on_ref[...] = jnp.dot(en, w, preferred_element_type=jnp.float32) + bp

    return pl.pallas_call(
        body,
        grid=(16,),
        in_specs=[
            pl.BlockSpec((BMS, 64), lambda m: (m, 0)),
            pl.BlockSpec((BMS, 64), lambda m: (m, 0)),
            pl.BlockSpec((BMS, 64), lambda m: (m, 0)),
            pl.BlockSpec((BMS, 64), lambda m: (m, 0)),
            pl.BlockSpec((64, 1), lambda m: (0, 0)),
            pl.BlockSpec((1, 1), lambda m: (0, 0)),
        ],
        out_specs=[
            pl.BlockSpec((BMS, 1), lambda m: (m, 0)),
            pl.BlockSpec((BMS, 1), lambda m: (m, 0)),
        ],
        out_shape=[jax.ShapeDtypeStruct((ETOT, 1), jnp.float32)] * 2,
    )(gpa, gpb, gna, gnb, Wp2, bp2_2d)



def _pad_reshape(idx, rows, padval, row_w=128):
    tot = rows * row_w
    idx = idx.astype(jnp.int32)
    pad = jnp.full((tot - idx.shape[0],), padval, jnp.int32)
    return jnp.concatenate([idx, pad]).reshape(rows, row_w)


def kernel(x, edge_index_0, edge_index_1, pos_edge_index, neg_edge_index,
           W1, b1, W2, b2, Wp1, bp1, Wp2, bp2):
    s0R = _pad_reshape(edge_index_0[0], EROWS, PAD_NODE)
    d0R = _pad_reshape(edge_index_0[1], EROWS, PAD_NODE)
    s1R = _pad_reshape(edge_index_1[0], EROWS, PAD_NODE)
    d1R = _pad_reshape(edge_index_1[1], EROWS, PAD_NODE)
    psR = _pad_reshape(pos_edge_index[0], PROWS, 0)
    pdR = _pad_reshape(pos_edge_index[1], PROWS, 0)
    nsR = _pad_reshape(neg_edge_index[0], PROWS, 0)
    ndR = _pad_reshape(neg_edge_index[1], PROWS, 0)

    degs = _degree_kernel(s0R, d0R, s1R, d1R)

    xw = _tc_layer1(x, W1, degs)
    agg0 = _message_pass_wide(xw, jnp.zeros((NP, 64), jnp.float32), s0R, d0R)
    twa, twb = _tc_layer2(agg0[0], agg0[1], agg0[2], agg0[3],
                          degs, degs, b1.reshape(1, 256), W2)
    agg1a, agg1b = _message_pass(twa, twb, jnp.zeros((NP, 32), jnp.float32),
                                 s1R, d1R, 32)
    A, B = _tc_pred_prep(agg1a, agg1b, degs, b2.reshape(1, 64),
                         Wp1, bp1.reshape(1, 64))
    gpa, gpb, gna, gnb = _gather4(A, B, psR, pdR, nsR, ndR)
    ps, ns = _tc_score(gpa, gpb, gna, gnb, Wp2, bp2.reshape(1, 1))
    return ps[:EP, 0], ns[:EP, 0]

# --- scband reference (transcript-rebuilt; emitter-appended) ---
"""Pipeline reference for scband-double-gcnno-bn-49228915147575 (READ-ONLY COPY).

The authoritative reference and input builder live on the scoring server;
editing this copy changes nothing except your own understanding.
"""

import jax, jax.numpy as jnp
import numpy as np

N = 10000
E = 160000
EP = 50000
D_IN = 512
D_H = 256
D_OUT = 64


def setup_inputs(seed: int = 0) -> dict:
    key = jax.random.key(seed)
    ks = jax.random.split(key, 16)
    inp = {}
    inp["x"] = jax.random.normal(ks[0], (N, D_IN), dtype=jnp.float32)
    inp["edge_index_0"] = jax.random.randint(ks[1], (2, E), 0, N)
    inp["edge_index_1"] = jax.random.randint(ks[2], (2, E), 0, N)
    inp["pos_edge_index"] = jax.random.randint(ks[3], (2, EP), 0, N)
    inp["neg_edge_index"] = jax.random.randint(ks[4], (2, EP), 0, N)
    # GCN layer 1: 512 -> 256, layer 2: 256 -> 64
    inp["W1"] = jax.random.normal(ks[5], (D_IN, D_H), dtype=jnp.float32) * (1.0 / np.sqrt(D_IN))
    inp["b1"] = jnp.zeros((D_H,), dtype=jnp.float32)
    inp["W2"] = jax.random.normal(ks[6], (D_H, D_OUT), dtype=jnp.float32) * (1.0 / np.sqrt(D_H))
    inp["b2"] = jnp.zeros((D_OUT,), dtype=jnp.float32)
    # MLPPredictor on concat(h_u, h_v): 2*64 -> 64 -> 1
    inp["Wp1"] = jax.random.normal(ks[7], (2 * D_OUT, D_OUT), dtype=jnp.float32) * (1.0 / np.sqrt(2 * D_OUT))
    inp["bp1"] = jnp.zeros((D_OUT,), dtype=jnp.float32)
    inp["Wp2"] = jax.random.normal(ks[8], (D_OUT, 1), dtype=jnp.float32) * (1.0 / np.sqrt(D_OUT))
    inp["bp2"] = jnp.zeros((1,), dtype=jnp.float32)
    return inp


def _graphconv(x, src, dst, W, b):
    # DGL GraphConv with norm='both': h' = D_in^{-1/2} A D_out^{-1/2} x W + b
    deg_in = jnp.zeros((N,), x.dtype).at[dst].add(1.0)
    deg_out = jnp.zeros((N,), x.dtype).at[src].add(1.0)
    norm_dst = jnp.where(deg_in > 0, 1.0 / jnp.sqrt(deg_in), 0.0)
    norm_src = jnp.where(deg_out > 0, 1.0 / jnp.sqrt(deg_out), 0.0)
    h = x * norm_src[:, None]
    msg = h[src]                                    # gather
    agg = jnp.zeros((N, x.shape[1]), x.dtype).at[dst].add(msg)  # scatter-add
    agg = agg * norm_dst[:, None]
    return agg @ W + b


def _mlp_predictor(h, src, dst, Wp1, bp1, Wp2, bp2):
    e = jnp.concatenate([h[src], h[dst]], axis=1)
    e = jax.nn.relu(e @ Wp1 + bp1)
    return (e @ Wp2 + bp2).squeeze(-1)


def reference(x, edge_index_0, edge_index_1, pos_edge_index, neg_edge_index,
              W1, b1, W2, b2, Wp1, bp1, Wp2, bp2):
    # GCNnoBN: conv1 -> relu -> conv2 (no batchnorm)
    h = jax.nn.relu(_graphconv(x, edge_index_0[0], edge_index_0[1], W1, b1))
    h = _graphconv(h, edge_index_1[0], edge_index_1[1], W2, b2)
    pos_score = _mlp_predictor(h, pos_edge_index[0], pos_edge_index[1], Wp1, bp1, Wp2, bp2)
    neg_score = _mlp_predictor(h, neg_edge_index[0], neg_edge_index[1], Wp1, bp1, Wp2, bp2)
    return (pos_score, neg_score)

if __name__ == "__main__":
    import jax
    _d = setup_inputs()
    print(jax.jit(kernel)(*tuple(_d.values())))

</pallas_src>

<mosaic_0001>
#map = affine_map<(d0, d1) -> (0, 0)>
#map1 = affine_map<(d0, d1) -> (0, 0, 0)>
module attributes {stable_mosaic.version = 14 : i64} {
  func.func @body(%arg0: i32, %arg1: i32, %arg2: memref<1280x128xi32, #tpu.memory_space<hbm>>, %arg3: memref<1280x128xi32, #tpu.memory_space<hbm>>, %arg4: memref<1280x128xi32, #tpu.memory_space<hbm>>, %arg5: memref<1280x128xi32, #tpu.memory_space<hbm>>, %arg6: memref<4x10112x16xf32, #tpu.memory_space<hbm>>, %arg7: memref<10112x16xf32, #tpu.memory_space<vmem_shared>>, %arg8: memref<10112x16xf32, #tpu.memory_space<vmem_shared>>, %arg9: memref<80x128xi32, #tpu.memory_space<vmem>>, %arg10: memref<128x16xf32, #tpu.memory_space<vmem>>, %arg11: memref<632x16xf32, #tpu.memory_space<vmem>>, %arg12: memref<!tpu.dma_semaphore, #tpu.memory_space<semaphore_mem>>, %arg13: memref<!tpu.dma_semaphore, #tpu.memory_space<semaphore_mem>>, %arg14: memref<!tpu.dma_semaphore, #tpu.memory_space<semaphore_mem>>, %arg15: memref<!tpu.dma_semaphore, #tpu.memory_space<semaphore_mem>>) attributes {dimension_semantics = [#tpu.dimension_semantics<core_parallel>, #tpu.dimension_semantics<subcore_parallel>], iteration_bounds = array<i64: 2, 16>, scalar_prefetch = 0 : i64, scratch_operands = 9 : i64, tpu.core_type = #tpu.core_type<sc_vector_subcore>, window_params = [{transform_indices = #map}, {transform_indices = #map}, {transform_indices = #map}, {transform_indices = #map}, {transform_indices = #map1}]} {
    %scan3A = arith.constant 0 : i32
    %scan3A_0 = arith.constant 0 : i32
    %scan3A_1 = arith.constant 632 : i32
    %scan3A_2 = arith.addi %scan3A_0, %scan3A_1 : i32
    %scan3A_3 = arith.constant 1 : i32
    scf.for %scan3A_51 = %scan3A_0 to %scan3A_2 step %scan3A_3  : i32 {
      %broadcast_in_dim3A = arith.constant 0.000000e+00 : f32
      %broadcast_in_dim3A_52 = vector.broadcast %broadcast_in_dim3A : f32 to vector<16xf32>
      %swap3A = arith.index_cast %scan3A_51 : i32 to index
      %swap3A_53 = arith.constant 0 : index
      %swap3A_54 = tpu.vector_load %arg11[%swap3A, %swap3A_53] {strides = array<i32>} : memref<632x16xf32, #tpu.memory_space<vmem>>, vector<1x16xf32>,
      %swap3A_55 = vector.shape_cast %swap3A_54 : vector<1x16xf32> to vector<16xf32>
      %swap3A_56 = vector.shape_cast %broadcast_in_dim3A_52 : vector<16xf32> to vector<1x16xf32>
      tpu.vector_store %arg11[%swap3A, %swap3A_53], %swap3A_56 {strides = array<i32>} : memref<632x16xf32, #tpu.memory_space<vmem>>, vector<1x16xf32>,
    }
    %scan3A_4 = arith.constant 632 : i32
    %scan3A_5 = arith.constant 0 : i32
    %scan3A_6 = arith.constant 0 : i32
    %scan3A_7 = arith.constant 128 : i32
    %scan3A_8 = arith.addi %scan3A_6, %scan3A_7 : i32
    %scan3A_9 = arith.constant 1 : i32
    scf.for %scan3A_51 = %scan3A_6 to %scan3A_8 step %scan3A_9  : i32 {
      %broadcast_in_dim3A = arith.constant 1.000000e+00 : f32
      %broadcast_in_dim3A_52 = vector.broadcast %broadcast_in_dim3A : f32 to vector<16xf32>
      %swap3A = arith.index_cast %scan3A_51 : i32 to index
      %swap3A_53 = arith.constant 0 : index
      %swap3A_54 = tpu.vector_load %arg10[%swap3A, %swap3A_53] {strides = array<i32>} : memref<128x16xf32, #tpu.memory_space<vmem>>, vector<1x16xf32>,
      %swap3A_55 = vector.shape_cast %swap3A_54 : vector<1x16xf32> to vector<16xf32>
      %swap3A_56 = vector.shape_cast %broadcast_in_dim3A_52 : vector<16xf32> to vector<1x16xf32>
      tpu.vector_store %arg10[%swap3A, %swap3A_53], %swap3A_56 {strides = array<i32>} : memref<128x16xf32, #tpu.memory_space<vmem>>, vector<1x16xf32>,
    }
    %scan3A_10 = arith.constant 128 : i32
    %mul3A = arith.constant 632 : i32
    %mul3A_11 = arith.muli %arg1, %mul3A : i32
    "tpu.region"() ({
      %run_scoped3A = tpu.sem_alloc : memref<!tpu.dma_semaphore, #tpu.memory_space<semaphore_mem>>
      %dma_start3A = arith.constant 0 : i32
      %dma_start3A_51 = tpu.memref_slice %arg7[%mul3A_11, %dma_start3A] : memref<10112x16xf32, #tpu.memory_space<vmem_shared>> -> memref<632x16xf32, #tpu.memory_space<vmem_shared>>
      %dma_start3A_52 = arith.constant 0 : i32
      %dma_start3A_53 = tpu.memref_slice %arg7[%mul3A_11, %dma_start3A_52] : memref<10112x16xf32, #tpu.memory_space<vmem_shared>> -> memref<632x16xf32, #tpu.memory_space<vmem_shared>>
      tpu.enqueue_dma source(%arg11 : memref<632x16xf32, #tpu.memory_space<vmem>>) target(%dma_start3A_53 : memref<632x16xf32, #tpu.memory_space<vmem_shared>>) target_semaphore(%run_scoped3A : memref<!tpu.dma_semaphore, #tpu.memory_space<semaphore_mem>>)
      %dma_wait3A = arith.constant 0 : i32
      %dma_wait3A_54 = tpu.memref_slice %arg7[%mul3A_11, %dma_wait3A] : memref<10112x16xf32, #tpu.memory_space<vmem_shared>> -> memref<632x16xf32, #tpu.memory_space<vmem_shared>>
      %dma_wait3A_55 = arith.constant 0 : i32
      %dma_wait3A_56 = tpu.memref_slice %arg7[%mul3A_11, %dma_wait3A_55] : memref<10112x16xf32, #tpu.memory_space<vmem_shared>> -> memref<632x16xf32, #tpu.memory_space<vmem_shared>>
      tpu.wait_dma2 semaphore(%run_scoped3A : memref<!tpu.dma_semaphore, #tpu.memory_space<semaphore_mem>>) src(%arg11 : memref<632x16xf32, #tpu.memory_space<vmem>>) dst(%dma_wait3A_56 : memref<632x16xf32, #tpu.memory_space<vmem_shared>>)
      tpu.yield
    }) : () -> ()
    "tpu.region"() ({
      %run_scoped3A = tpu.sem_alloc : memref<!tpu.dma_semaphore, #tpu.memory_space<semaphore_mem>>
      %dma_start3A = arith.constant 0 : i32
      %dma_start3A_51 = tpu.memref_slice %arg8[%mul3A_11, %dma_start3A] : memref<10112x16xf32, #tpu.memory_space<vmem_shared>> -> memref<632x16xf32, #tpu.memory_space<vmem_shared>>
      %dma_start3A_52 = arith.constant 0 : i32
      %dma_start3A_53 = tpu.memref_slice %arg8[%mul3A_11, %dma_start3A_52] : memref<10112x16xf32, #tpu.memory_space<vmem_shared>> -> memref<632x16xf32, #tpu.memory_space<vmem_shared>>
      tpu.enqueue_dma source(%arg11 : memref<632x16xf32, #tpu.memory_space<vmem>>) target(%dma_start3A_53 : memref<632x16xf32, #tpu.memory_space<vmem_shared>>) target_semaphore(%run_scoped3A : memref<!tpu.dma_semaphore, #tpu.memory_space<semaphore_mem>>)
      %dma_wait3A = arith.constant 0 : i32
      %dma_wait3A_54 = tpu.memref_slice %arg8[%mul3A_11, %dma_wait3A] : memref<10112x16xf32, #tpu.memory_space<vmem_shared>> -> memref<632x16xf32, #tpu.memory_space<vmem_shared>>
      %dma_wait3A_55 = arith.constant 0 : i32
      %dma_wait3A_56 = tpu.memref_slice %arg8[%mul3A_11, %dma_wait3A_55] : memref<10112x16xf32, #tpu.memory_space<vmem_shared>> -> memref<632x16xf32, #tpu.memory_space<vmem_shared>>
      tpu.wait_dma2 semaphore(%run_scoped3A : memref<!tpu.dma_semaphore, #tpu.memory_space<semaphore_mem>>) src(%arg11 : memref<632x16xf32, #tpu.memory_space<vmem>>) dst(%dma_wait3A_56 : memref<632x16xf32, #tpu.memory_space<vmem_shared>>)
      tpu.yield
    }) : () -> ()
    %barrier3A = arith.constant 0 : index
    tpu.barrier barrier_id(%barrier3A)
    %eq3A = arith.constant 0 : i32
    %eq3A_12 = arith.cmpi eq, %arg0, %eq3A : i32
    %convert_element_type3A = arith.extui %eq3A_12 : i1 to i32
    %cond3A = arith.constant 0 : i32
    %cond3A_13 = arith.cmpi ne, %convert_element_type3A, %cond3A : i32
    scf.if %cond3A_13 {
      %mul3A_51 = arith.constant 80 : i32
      %mul3A_52 = arith.muli %arg1, %mul3A_51 : i32
      "tpu.region"() ({
        %run_scoped3A = tpu.sem_alloc : memref<!tpu.dma_semaphore, #tpu.memory_space<semaphore_mem>>
        %dma_start3A = arith.constant 0 : i32
        %dma_start3A_67 = tpu.memref_slice %arg2[%mul3A_52, %dma_start3A] : memref<1280x128xi32, #tpu.memory_space<hbm>> -> memref<80x128xi32, #tpu.memory_space<hbm>>
        %dma_start3A_68 = arith.constant 0 : i32
        %dma_start3A_69 = tpu.memref_slice %arg2[%mul3A_52, %dma_start3A_68] : memref<1280x128xi32, #tpu.memory_space<hbm>> -> memref<80x128xi32, #tpu.memory_space<hbm>>
        tpu.enqueue_dma source(%dma_start3A_69 : memref<80x128xi32, #tpu.memory_space<hbm>>) target(%arg9 : memref<80x128xi32, #tpu.memory_space<vmem>>) target_semaphore(%run_scoped3A : memref<!tpu.dma_semaphore, #tpu.memory_space<semaphore_mem>>)
        %dma_wait3A = arith.constant 0 : i32
        %dma_wait3A_70 = tpu.memref_slice %arg2[%mul3A_52, %dma_wait3A] : memref<1280x128xi32, #tpu.memory_space<hbm>> -> memref<80x128xi32, #tpu.memory_space<hbm>>
        %dma_wait3A_71 = arith.constant 0 : i32
        %dma_wait3A_72 = tpu.memref_slice %arg2[%mul3A_52, %dma_wait3A_71] : memref<1280x128xi32, #tpu.memory_space<hbm>> -> memref<80x128xi32, #tpu.memory_space<hbm>>
        tpu.wait_dma2 semaphore(%run_scoped3A : memref<!tpu.dma_semaphore, #tpu.memory_space<semaphore_mem>>) src(%dma_wait3A_72 : memref<80x128xi32, #tpu.memory_space<hbm>>) dst(%arg9 : memref<80x128xi32, #tpu.memory_space<vmem>>)
        tpu.yield
      }) : () -> ()
      %scan3A_53 = arith.constant 0 : i32
      %scan3A_54 = arith.constant 0 : i32
      %scan3A_55 = arith.constant 40 : i32
      %scan3A_56 = arith.addi %scan3A_54, %scan3A_55 : i32
      %scan3A_57 = arith.constant 1 : i32
      scf.for %scan3A_67 = %scan3A_54 to %scan3A_56 step %scan3A_57  : i32 {
        %mul3A_68 = arith.constant 2 : i32
        %mul3A_69 = arith.muli %scan3A_67, %mul3A_68 : i32
        %add3A = arith.constant 0 : i32
        %add3A_70 = arith.addi %mul3A_69, %add3A : i32
        %dma_start3A = arith.constant 0 : i32
        %dma_start3A_71 = tpu.memref_slice %arg9[%add3A_70, %dma_start3A] : memref<80x128xi32, #tpu.memory_space<vmem>> -> memref<1x128xi32, #tpu.memory_space<vmem>>
        %dma_start3A_72 = tpu.memref_squeeze %dma_start3A_71 : memref<1x128xi32, #tpu.memory_space<vmem>> -> memref<128xi32, #tpu.memory_space<vmem>>
        %dma_start3A_73 = arith.constant 0 : i32
        %dma_start3A_74 = arith.constant 0 : i32
        %dma_start3A_75 = tpu.memref_slice %arg7[%dma_start3A_73, %dma_start3A_74] : memref<10112x16xf32, #tpu.memory_space<vmem_shared>> -> memref<10112x16xf32, #tpu.memory_space<vmem_shared>>
        tpu.enqueue_indirect_dma source(%arg10 : memref<128x16xf32, #tpu.memory_space<vmem>>) target(%dma_start3A_75 : memref<10112x16xf32, #tpu.memory_space<vmem_shared>>) offsets(%dma_start3A_72 : memref<128xi32, #tpu.memory_space<vmem>>) semaphore(%arg12 : memref<!tpu.dma_semaphore, #tpu.memory_space<semaphore_mem>>) {add = true}
        %add3A_76 = arith.constant 1 : i32
        %add3A_77 = arith.addi %mul3A_69, %add3A_76 : i32
        %dma_start3A_78 = arith.constant 0 : i32
        %dma_start3A_79 = tpu.memref_slice %arg9[%add3A_77, %dma_start3A_78] : memref<80x128xi32, #tpu.memory_space<vmem>> -> memref<1x128xi32, #tpu.memory_space<vmem>>
        %dma_start3A_80 = tpu.memref_squeeze %dma_start3A_79 : memref<1x128xi32, #tpu.memory_space<vmem>> -> memref<128xi32, #tpu.memory_space<vmem>>
        %dma_start3A_81 = arith.constant 0 : i32
        %dma_start3A_82 = arith.constant 0 : i32
        %dma_start3A_83 = tpu.memref_slice %arg7[%dma_start3A_81, %dma_start3A_82] : memref<10112x16xf32, #tpu.memory_space<vmem_shared>> -> memref<10112x16xf32, #tpu.memory_space<vmem_shared>>
        tpu.enqueue_indirect_dma source(%arg10 : memref<128x16xf32, #tpu.memory_space<vmem>>) target(%dma_start3A_83 : memref<10112x16xf32, #tpu.memory_space<vmem_shared>>) offsets(%dma_start3A_80 : memref<128xi32, #tpu.memory_space<vmem>>) semaphore(%arg13 : memref<!tpu.dma_semaphore, #tpu.memory_space<semaphore_mem>>) {add = true}
        %dma_wait3A = arith.constant 0 : i32
        %dma_wait3A_84 = tpu.memref_slice %arg9[%add3A_70, %dma_wait3A] : memref<80x128xi32, #tpu.memory_space<vmem>> -> memref<1x128xi32, #tpu.memory_space<vmem>>
        %dma_wait3A_85 = tpu.memref_squeeze %dma_wait3A_84 : memref<1x128xi32, #tpu.memory_space<vmem>> -> memref<128xi32, #tpu.memory_space<vmem>>
        %dma_wait3A_86 = arith.constant 0 : i32
        %dma_wait3A_87 = arith.constant 0 : i32
        %dma_wait3A_88 = tpu.memref_slice %arg7[%dma_wait3A_86, %dma_wait3A_87] : memref<10112x16xf32, #tpu.memory_space<vmem_shared>> -> memref<10112x16xf32, #tpu.memory_space<vmem_shared>>
        tpu.wait_indirect_dma semaphore(%arg12 : memref<!tpu.dma_semaphore, #tpu.memory_space<semaphore_mem>>) src(%arg10 : memref<128x16xf32, #tpu.memory_space<vmem>>) dst(%dma_wait3A_88 : memref<10112x16xf32, #tpu.memory_space<vmem_shared>>)
        %dma_wait3A_89 = arith.constant 0 : i32
        %dma_wait3A_90 = tpu.memref_slice %arg9[%add3A_77, %dma_wait3A_89] : memref<80x128xi32, #tpu.memory_space<vmem>> -> memref<1x128xi32, #tpu.memory_space<vmem>>
        %dma_wait3A_91 = tpu.memref_squeeze %dma_wait3A_90 : memref<1x128xi32, #tpu.memory_space<vmem>> -> memref<128xi32, #tpu.memory_space<vmem>>
        %dma_wait3A_92 = arith.constant 0 : i32
        %dma_wait3A_93 = arith.constant 0 : i32
        %dma_wait3A_94 = tpu.memref_slice %arg7[%dma_wait3A_92, %dma_wait3A_93] : memref<10112x16xf32, #tpu.memory_space<vmem_shared>> -> memref<10112x16xf32, #tpu.memory_space<vmem_shared>>
        tpu.wait_indirect_dma semaphore(%arg13 : memref<!tpu.dma_semaphore, #tpu.memory_space<semaphore_mem>>) src(%arg10 : memref<128x16xf32, #tpu.memory_space<vmem>>) dst(%dma_wait3A_94 : memref<10112x16xf32, #tpu.memory_space<vmem_shared>>)
      }
      %scan3A_58 = arith.constant 40 : i32
      %mul3A_59 = arith.constant 80 : i32
      %mul3A_60 = arith.muli %arg1, %mul3A_59 : i32
      "tpu.region"() ({
        %run_scoped3A = tpu.sem_alloc : memref<!tpu.dma_semaphore, #tpu.memory_space<semaphore_mem>>
        %dma_start3A = arith.constant 0 : i32
        %dma_start3A_67 = tpu.memref_slice %arg3[%mul3A_60, %dma_start3A] : memref<1280x128xi32, #tpu.memory_space<hbm>> -> memref<80x128xi32, #tpu.memory_space<hbm>>
        %dma_start3A_68 = arith.constant 0 : i32
        %dma_start3A_69 = tpu.memref_slice %arg3[%mul3A_60, %dma_start3A_68] : memref<1280x128xi32, #tpu.memory_space<hbm>> -> memref<80x128xi32, #tpu.memory_space<hbm>>
        tpu.enqueue_dma source(%dma_start3A_69 : memref<80x128xi32, #tpu.memory_space<hbm>>) target(%arg9 : memref<80x128xi32, #tpu.memory_space<vmem>>) target_semaphore(%run_scoped3A : memref<!tpu.dma_semaphore, #tpu.memory_space<semaphore_mem>>)
        %dma_wait3A = arith.constant 0 : i32
        %dma_wait3A_70 = tpu.memref_slice %arg3[%mul3A_60, %dma_wait3A] : memref<1280x128xi32, #tpu.memory_space<hbm>> -> memref<80x128xi32, #tpu.memory_space<hbm>>
        %dma_wait3A_71 = arith.constant 0 : i32
        %dma_wait3A_72 = tpu.memref_slice %arg3[%mul3A_60, %dma_wait3A_71] : memref<1280x128xi32, #tpu.memory_space<hbm>> -> memref<80x128xi32, #tpu.memory_space<hbm>>
        tpu.wait_dma2 semaphore(%run_scoped3A : memref<!tpu.dma_semaphore, #tpu.memory_space<semaphore_mem>>) src(%dma_wait3A_72 : memref<80x128xi32, #tpu.memory_space<hbm>>) dst(%arg9 : memref<80x128xi32, #tpu.memory_space<vmem>>)
        tpu.yield
      }) : () -> ()
      %scan3A_61 = arith.constant 0 : i32
      %scan3A_62 = arith.constant 0 : i32
      %scan3A_63 = arith.constant 40 : i32
      %scan3A_64 = arith.addi %scan3A_62, %scan3A_63 : i32
      %scan3A_65 = arith.constant 1 : i32
      scf.for %scan3A_67 = %scan3A_62 to %scan3A_64 step %scan3A_65  : i32 {
        %mul3A_68 = arith.constant 2 : i32
        %mul3A_69 = arith.muli %scan3A_67, %mul3A_68 : i32
        %add3A = arith.constant 0 : i32
        %add3A_70 = arith.addi %mul3A_69, %add3A : i32
        %dma_start3A = arith.constant 0 : i32
        %dma_start3A_71 = tpu.memref_slice %arg9[%add3A_70, %dma_start3A] : memref<80x128xi32, #tpu.memory_space<vmem>> -> memref<1x128xi32, #tpu.memory_space<vmem>>
        %dma_start3A_72 = tpu.memref_squeeze %dma_start3A_71 : memref<1x128xi32, #tpu.memory_space<vmem>> -> memref<128xi32, #tpu.memory_space<vmem>>
        %dma_start3A_73 = arith.constant 0 : i32
        %dma_start3A_74 = arith.constant 0 : i32
        %dma_start3A_75 = tpu.memref_slice %arg8[%dma_start3A_73, %dma_start3A_74] : memref<10112x16xf32, #tpu.memory_space<vmem_shared>> -> memref<10112x16xf32, #tpu.memory_space<vmem_shared>>
        tpu.enqueue_indirect_dma source(%arg10 : memref<128x16xf32, #tpu.memory_space<vmem>>) target(%dma_start3A_75 : memref<10112x16xf32, #tpu.memory_space<vmem_shared>>) offsets(%dma_start3A_72 : memref<128xi32, #tpu.memory_space<vmem>>) semaphore(%arg14 : memref<!tpu.dma_semaphore, #tpu.memory_space<semaphore_mem>>) {add = true}
        %add3A_76 = arith.constant 1 : i32
        %add3A_77 = arith.addi %mul3A_69, %add3A_76 : i32
        %dma_start3A_78 = arith.constant 0 : i32
        %dma_start3A_79 = tpu.memref_slice %arg9[%add3A_77, %dma_start3A_78] : memref<80x128xi32, #tpu.memory_space<vmem>> -> memref<1x128xi32, #tpu.memory_space<vmem>>
        %dma_start3A_80 = tpu.memref_squeeze %dma_start3A_79 : memref<1x128xi32, #tpu.memory_space<vmem>> -> memref<128xi32, #tpu.memory_space<vmem>>
        %dma_start3A_81 = arith.constant 0 : i32
        %dma_start3A_82 = arith.constant 0 : i32
        %dma_start3A_83 = tpu.memref_slice %arg8[%dma_start3A_81, %dma_start3A_82] : memref<10112x16xf32, #tpu.memory_space<vmem_shared>> -> memref<10112x16xf32, #tpu.memory_space<vmem_shared>>
        tpu.enqueue_indirect_dma source(%arg10 : memref<128x16xf32, #tpu.memory_space<vmem>>) target(%dma_start3A_83 : memref<10112x16xf32, #tpu.memory_space<vmem_shared>>) offsets(%dma_start3A_80 : memref<128xi32, #tpu.memory_space<vmem>>) semaphore(%arg15 : memref<!tpu.dma_semaphore, #tpu.memory_space<semaphore_mem>>) {add = true}
        %dma_wait3A = arith.constant 0 : i32
        %dma_wait3A_84 = tpu.memref_slice %arg9[%add3A_70, %dma_wait3A] : memref<80x128xi32, #tpu.memory_space<vmem>> -> memref<1x128xi32, #tpu.memory_space<vmem>>
        %dma_wait3A_85 = tpu.memref_squeeze %dma_wait3A_84 : memref<1x128xi32, #tpu.memory_space<vmem>> -> memref<128xi32, #tpu.memory_space<vmem>>
        %dma_wait3A_86 = arith.constant 0 : i32
        %dma_wait3A_87 = arith.constant 0 : i32
        %dma_wait3A_88 = tpu.memref_slice %arg8[%dma_wait3A_86, %dma_wait3A_87] : memref<10112x16xf32, #tpu.memory_space<vmem_shared>> -> memref<10112x16xf32, #tpu.memory_space<vmem_shared>>
        tpu.wait_indirect_dma semaphore(%arg14 : memref<!tpu.dma_semaphore, #tpu.memory_space<semaphore_mem>>) src(%arg10 : memref<128x16xf32, #tpu.memory_space<vmem>>) dst(%dma_wait3A_88 : memref<10112x16xf32, #tpu.memory_space<vmem_shared>>)
        %dma_wait3A_89 = arith.constant 0 : i32
        %dma_wait3A_90 = tpu.memref_slice %arg9[%add3A_77, %dma_wait3A_89] : memref<80x128xi32, #tpu.memory_space<vmem>> -> memref<1x128xi32, #tpu.memory_space<vmem>>
        %dma_wait3A_91 = tpu.memref_squeeze %dma_wait3A_90 : memref<1x128xi32, #tpu.memory_space<vmem>> -> memref<128xi32, #tpu.memory_space<vmem>>
        %dma_wait3A_92 = arith.constant 0 : i32
        %dma_wait3A_93 = arith.constant 0 : i32
        %dma_wait3A_94 = tpu.memref_slice %arg8[%dma_wait3A_92, %dma_wait3A_93] : memref<10112x16xf32, #tpu.memory_space<vmem_shared>> -> memref<10112x16xf32, #tpu.memory_space<vmem_shared>>
        tpu.wait_indirect_dma semaphore(%arg15 : memref<!tpu.dma_semaphore, #tpu.memory_space<semaphore_mem>>) src(%arg10 : memref<128x16xf32, #tpu.memory_space<vmem>>) dst(%dma_wait3A_94 : memref<10112x16xf32, #tpu.memory_space<vmem_shared>>)
      }
      %scan3A_66 = arith.constant 40 : i32
    } else {
    }
    %eq3A_14 = arith.constant 1 : i32
    %eq3A_15 = arith.cmpi eq, %arg0, %eq3A_14 : i32
    %convert_element_type3A_16 = arith.extui %eq3A_15 : i1 to i32
    %cond3A_17 = arith.constant 0 : i32
    %cond3A_18 = arith.cmpi ne, %convert_element_type3A_16, %cond3A_17 : i32
    scf.if %cond3A_18 {
      %mul3A_51 = arith.constant 80 : i32
      %mul3A_52 = arith.muli %arg1, %mul3A_51 : i32
      "tpu.region"() ({
        %run_scoped3A = tpu.sem_alloc : memref<!tpu.dma_semaphore, #tpu.memory_space<semaphore_mem>>
        %dma_start3A = arith.constant 0 : i32
        %dma_start3A_67 = tpu.memref_slice %arg4[%mul3A_52, %dma_start3A] : memref<1280x128xi32, #tpu.memory_space<hbm>> -> memref<80x128xi32, #tpu.memory_space<hbm>>
        %dma_start3A_68 = arith.constant 0 : i32
        %dma_start3A_69 = tpu.memref_slice %arg4[%mul3A_52, %dma_start3A_68] : memref<1280x128xi32, #tpu.memory_space<hbm>> -> memref<80x128xi32, #tpu.memory_space<hbm>>
        tpu.enqueue_dma source(%dma_start3A_69 : memref<80x128xi32, #tpu.memory_space<hbm>>) target(%arg9 : memref<80x128xi32, #tpu.memory_space<vmem>>) target_semaphore(%run_scoped3A : memref<!tpu.dma_semaphore, #tpu.memory_space<semaphore_mem>>)
        %dma_wait3A = arith.constant 0 : i32
        %dma_wait3A_70 = tpu.memref_slice %arg4[%mul3A_52, %dma_wait3A] : memref<1280x128xi32, #tpu.memory_space<hbm>> -> memref<80x128xi32, #tpu.memory_space<hbm>>
        %dma_wait3A_71 = arith.constant 0 : i32
        %dma_wait3A_72 = tpu.memref_slice %arg4[%mul3A_52, %dma_wait3A_71] : memref<1280x128xi32, #tpu.memory_space<hbm>> -> memref<80x128xi32, #tpu.memory_space<hbm>>
        tpu.wait_dma2 semaphore(%run_scoped3A : memref<!tpu.dma_semaphore, #tpu.memory_space<semaphore_mem>>) src(%dma_wait3A_72 : memref<80x128xi32, #tpu.memory_space<hbm>>) dst(%arg9 : memref<80x128xi32, #tpu.memory_space<vmem>>)
        tpu.yield
      }) : () -> ()
      %scan3A_53 = arith.constant 0 : i32
      %scan3A_54 = arith.constant 0 : i32
      %scan3A_55 = arith.constant 40 : i32
      %scan3A_56 = arith.addi %scan3A_54, %scan3A_55 : i32
      %scan3A_57 = arith.constant 1 : i32
      scf.for %scan3A_67 = %scan3A_54 to %scan3A_56 step %scan3A_57  : i32 {
        %mul3A_68 = arith.constant 2 : i32
        %mul3A_69 = arith.muli %scan3A_67, %mul3A_68 : i32
        %add3A = arith.constant 0 : i32
        %add3A_70 = arith.addi %mul3A_69, %add3A : i32
        %dma_start3A = arith.constant 0 : i32
        %dma_start3A_71 = tpu.memref_slice %arg9[%add3A_70, %dma_start3A] : memref<80x128xi32, #tpu.memory_space<vmem>> -> memref<1x128xi32, #tpu.memory_space<vmem>>
        %dma_start3A_72 = tpu.memref_squeeze %dma_start3A_71 : memref<1x128xi32, #tpu.memory_space<vmem>> -> memref<128xi32, #tpu.memory_space<vmem>>
        %dma_start3A_73 = arith.constant 0 : i32
        %dma_start3A_74 = arith.constant 0 : i32
        %dma_start3A_75 = tpu.memref_slice %arg7[%dma_start3A_73, %dma_start3A_74] : memref<10112x16xf32, #tpu.memory_space<vmem_shared>> -> memref<10112x16xf32, #tpu.memory_space<vmem_shared>>
        tpu.enqueue_indirect_dma source(%arg10 : memref<128x16xf32, #tpu.memory_space<vmem>>) target(%dma_start3A_75 : memref<10112x16xf32, #tpu.memory_space<vmem_shared>>) offsets(%dma_start3A_72 : memref<128xi32, #tpu.memory_space<vmem>>) semaphore(%arg12 : memref<!tpu.dma_semaphore, #tpu.memory_space<semaphore_mem>>) {add = true}
        %add3A_76 = arith.constant 1 : i32
        %add3A_77 = arith.addi %mul3A_69, %add3A_76 : i32
        %dma_start3A_78 = arith.constant 0 : i32
        %dma_start3A_79 = tpu.memref_slice %arg9[%add3A_77, %dma_start3A_78] : memref<80x128xi32, #tpu.memory_space<vmem>> -> memref<1x128xi32, #tpu.memory_space<vmem>>
        %dma_start3A_80 = tpu.memref_squeeze %dma_start3A_79 : memref<1x128xi32, #tpu.memory_space<vmem>> -> memref<128xi32, #tpu.memory_space<vmem>>
        %dma_start3A_81 = arith.constant 0 : i32
        %dma_start3A_82 = arith.constant 0 : i32
        %dma_start3A_83 = tpu.memref_slice %arg7[%dma_start3A_81, %dma_start3A_82] : memref<10112x16xf32, #tpu.memory_space<vmem_shared>> -> memref<10112x16xf32, #tpu.memory_space<vmem_shared>>
        tpu.enqueue_indirect_dma source(%arg10 : memref<128x16xf32, #tpu.memory_space<vmem>>) target(%dma_start3A_83 : memref<10112x16xf32, #tpu.memory_space<vmem_shared>>) offsets(%dma_start3A_80 : memref<128xi32, #tpu.memory_space<vmem>>) semaphore(%arg13 : memref<!tpu.dma_semaphore, #tpu.memory_space<semaphore_mem>>) {add = true}
        %dma_wait3A = arith.constant 0 : i32
        %dma_wait3A_84 = tpu.memref_slice %arg9[%add3A_70, %dma_wait3A] : memref<80x128xi32, #tpu.memory_space<vmem>> -> memref<1x128xi32, #tpu.memory_space<vmem>>
        %dma_wait3A_85 = tpu.memref_squeeze %dma_wait3A_84 : memref<1x128xi32, #tpu.memory_space<vmem>> -> memref<128xi32, #tpu.memory_space<vmem>>
        %dma_wait3A_86 = arith.constant 0 : i32
        %dma_wait3A_87 = arith.constant 0 : i32
        %dma_wait3A_88 = tpu.memref_slice %arg7[%dma_wait3A_86, %dma_wait3A_87] : memref<10112x16xf32, #tpu.memory_space<vmem_shared>> -> memref<10112x16xf32, #tpu.memory_space<vmem_shared>>
        tpu.wait_indirect_dma semaphore(%arg12 : memref<!tpu.dma_semaphore, #tpu.memory_space<semaphore_mem>>) src(%arg10 : memref<128x16xf32, #tpu.memory_space<vmem>>) dst(%dma_wait3A_88 : memref<10112x16xf32, #tpu.memory_space<vmem_shared>>)
        %dma_wait3A_89 = arith.constant 0 : i32
        %dma_wait3A_90 = tpu.memref_slice %arg9[%add3A_77, %dma_wait3A_89] : memref<80x128xi32, #tpu.memory_space<vmem>> -> memref<1x128xi32, #tpu.memory_space<vmem>>
        %dma_wait3A_91 = tpu.memref_squeeze %dma_wait3A_90 : memref<1x128xi32, #tpu.memory_space<vmem>> -> memref<128xi32, #tpu.memory_space<vmem>>
        %dma_wait3A_92 = arith.constant 0 : i32
        %dma_wait3A_93 = arith.constant 0 : i32
        %dma_wait3A_94 = tpu.memref_slice %arg7[%dma_wait3A_92, %dma_wait3A_93] : memref<10112x16xf32, #tpu.memory_space<vmem_shared>> -> memref<10112x16xf32, #tpu.memory_space<vmem_shared>>
        tpu.wait_indirect_dma semaphore(%arg13 : memref<!tpu.dma_semaphore, #tpu.memory_space<semaphore_mem>>) src(%arg10 : memref<128x16xf32, #tpu.memory_space<vmem>>) dst(%dma_wait3A_94 : memref<10112x16xf32, #tpu.memory_space<vmem_shared>>)
      }
      %scan3A_58 = arith.constant 40 : i32
      %mul3A_59 = arith.constant 80 : i32
      %mul3A_60 = arith.muli %arg1, %mul3A_59 : i32
      "tpu.region"() ({
        %run_scoped3A = tpu.sem_alloc : memref<!tpu.dma_semaphore, #tpu.memory_space<semaphore_mem>>
        %dma_start3A = arith.constant 0 : i32
        %dma_start3A_67 = tpu.memref_slice %arg5[%mul3A_60, %dma_start3A] : memref<1280x128xi32, #tpu.memory_space<hbm>> -> memref<80x128xi32, #tpu.memory_space<hbm>>
        %dma_start3A_68 = arith.constant 0 : i32
        %dma_start3A_69 = tpu.memref_slice %arg5[%mul3A_60, %dma_start3A_68] : memref<1280x128xi32, #tpu.memory_space<hbm>> -> memref<80x128xi32, #tpu.memory_space<hbm>>
        tpu.enqueue_dma source(%dma_start3A_69 : memref<80x128xi32, #tpu.memory_space<hbm>>) target(%arg9 : memref<80x128xi32, #tpu.memory_space<vmem>>) target_semaphore(%run_scoped3A : memref<!tpu.dma_semaphore, #tpu.memory_space<semaphore_mem>>)
        %dma_wait3A = arith.constant 0 : i32
        %dma_wait3A_70 = tpu.memref_slice %arg5[%mul3A_60, %dma_wait3A] : memref<1280x128xi32, #tpu.memory_space<hbm>> -> memref<80x128xi32, #tpu.memory_space<hbm>>
        %dma_wait3A_71 = arith.constant 0 : i32
        %dma_wait3A_72 = tpu.memref_slice %arg5[%mul3A_60, %dma_wait3A_71] : memref<1280x128xi32, #tpu.memory_space<hbm>> -> memref<80x128xi32, #tpu.memory_space<hbm>>
        tpu.wait_dma2 semaphore(%run_scoped3A : memref<!tpu.dma_semaphore, #tpu.memory_space<semaphore_mem>>) src(%dma_wait3A_72 : memref<80x128xi32, #tpu.memory_space<hbm>>) dst(%arg9 : memref<80x128xi32, #tpu.memory_space<vmem>>)
        tpu.yield
      }) : () -> ()
      %scan3A_61 = arith.constant 0 : i32
      %scan3A_62 = arith.constant 0 : i32
      %scan3A_63 = arith.constant 40 : i32
      %scan3A_64 = arith.addi %scan3A_62, %scan3A_63 : i32
      %scan3A_65 = arith.constant 1 : i32
      scf.for %scan3A_67 = %scan3A_62 to %scan3A_64 step %scan3A_65  : i32 {
        %mul3A_68 = arith.constant 2 : i32
        %mul3A_69 = arith.muli %scan3A_67, %mul3A_68 : i32
        %add3A = arith.constant 0 : i32
        %add3A_70 = arith.addi %mul3A_69, %add3A : i32
        %dma_start3A = arith.constant 0 : i32
        %dma_start3A_71 = tpu.memref_slice %arg9[%add3A_70, %dma_start3A] : memref<80x128xi32, #tpu.memory_space<vmem>> -> memref<1x128xi32, #tpu.memory_space<vmem>>
        %dma_start3A_72 = tpu.memref_squeeze %dma_start3A_71 : memref<1x128xi32, #tpu.memory_space<vmem>> -> memref<128xi32, #tpu.memory_space<vmem>>
        %dma_start3A_73 = arith.constant 0 : i32
        %dma_start3A_74 = arith.constant 0 : i32
        %dma_start3A_75 = tpu.memref_slice %arg8[%dma_start3A_73, %dma_start3A_74] : memref<10112x16xf32, #tpu.memory_space<vmem_shared>> -> memref<10112x16xf32, #tpu.memory_space<vmem_shared>>
        tpu.enqueue_indirect_dma source(%arg10 : memref<128x16xf32, #tpu.memory_space<vmem>>) target(%dma_start3A_75 : memref<10112x16xf32, #tpu.memory_space<vmem_shared>>) offsets(%dma_start3A_72 : memref<128xi32, #tpu.memory_space<vmem>>) semaphore(%arg14 : memref<!tpu.dma_semaphore, #tpu.memory_space<semaphore_mem>>) {add = true}
        %add3A_76 = arith.constant 1 : i32
        %add3A_77 = arith.addi %mul3A_69, %add3A_76 : i32
        %dma_start3A_78 = arith.constant 0 : i32
        %dma_start3A_79 = tpu.memref_slice %arg9[%add3A_77, %dma_start3A_78] : memref<80x128xi32, #tpu.memory_space<vmem>> -> memref<1x128xi32, #tpu.memory_space<vmem>>
        %dma_start3A_80 = tpu.memref_squeeze %dma_start3A_79 : memref<1x128xi32, #tpu.memory_space<vmem>> -> memref<128xi32, #tpu.memory_space<vmem>>
        %dma_start3A_81 = arith.constant 0 : i32
        %dma_start3A_82 = arith.constant 0 : i32
        %dma_start3A_83 = tpu.memref_slice %arg8[%dma_start3A_81, %dma_start3A_82] : memref<10112x16xf32, #tpu.memory_space<vmem_shared>> -> memref<10112x16xf32, #tpu.memory_space<vmem_shared>>
        tpu.enqueue_indirect_dma source(%arg10 : memref<128x16xf32, #tpu.memory_space<vmem>>) target(%dma_start3A_83 : memref<10112x16xf32, #tpu.memory_space<vmem_shared>>) offsets(%dma_start3A_80 : memref<128xi32, #tpu.memory_space<vmem>>) semaphore(%arg15 : memref<!tpu.dma_semaphore, #tpu.memory_space<semaphore_mem>>) {add = true}
        %dma_wait3A = arith.constant 0 : i32
        %dma_wait3A_84 = tpu.memref_slice %arg9[%add3A_70, %dma_wait3A] : memref<80x128xi32, #tpu.memory_space<vmem>> -> memref<1x128xi32, #tpu.memory_space<vmem>>
        %dma_wait3A_85 = tpu.memref_squeeze %dma_wait3A_84 : memref<1x128xi32, #tpu.memory_space<vmem>> -> memref<128xi32, #tpu.memory_space<vmem>>
        %dma_wait3A_86 = arith.constant 0 : i32
        %dma_wait3A_87 = arith.constant 0 : i32
        %dma_wait3A_88 = tpu.memref_slice %arg8[%dma_wait3A_86, %dma_wait3A_87] : memref<10112x16xf32, #tpu.memory_space<vmem_shared>> -> memref<10112x16xf32, #tpu.memory_space<vmem_shared>>
        tpu.wait_indirect_dma semaphore(%arg14 : memref<!tpu.dma_semaphore, #tpu.memory_space<semaphore_mem>>) src(%arg10 : memref<128x16xf32, #tpu.memory_space<vmem>>) dst(%dma_wait3A_88 : memref<10112x16xf32, #tpu.memory_space<vmem_shared>>)
        %dma_wait3A_89 = arith.constant 0 : i32
        %dma_wait3A_90 = tpu.memref_slice %arg9[%add3A_77, %dma_wait3A_89] : memref<80x128xi32, #tpu.memory_space<vmem>> -> memref<1x128xi32, #tpu.memory_space<vmem>>
        %dma_wait3A_91 = tpu.memref_squeeze %dma_wait3A_90 : memref<1x128xi32, #tpu.memory_space<vmem>> -> memref<128xi32, #tpu.memory_space<vmem>>
        %dma_wait3A_92 = arith.constant 0 : i32
        %dma_wait3A_93 = arith.constant 0 : i32
        %dma_wait3A_94 = tpu.memref_slice %arg8[%dma_wait3A_92, %dma_wait3A_93] : memref<10112x16xf32, #tpu.memory_space<vmem_shared>> -> memref<10112x16xf32, #tpu.memory_space<vmem_shared>>
        tpu.wait_indirect_dma semaphore(%arg15 : memref<!tpu.dma_semaphore, #tpu.memory_space<semaphore_mem>>) src(%arg10 : memref<128x16xf32, #tpu.memory_space<vmem>>) dst(%dma_wait3A_94 : memref<10112x16xf32, #tpu.memory_space<vmem_shared>>)
      }
      %scan3A_66 = arith.constant 40 : i32
    } else {
    }
    %barrier3A_19 = arith.constant 0 : index
    tpu.barrier barrier_id(%barrier3A_19)
    %eq3A_20 = arith.constant 0 : i32
    %eq3A_21 = arith.cmpi eq, %arg0, %eq3A_20 : i32
    %eq3A_22 = arith.constant 0 : i32
    %eq3A_23 = arith.cmpi eq, %arg1, %eq3A_22 : i32
    %and3A = arith.andi %eq3A_21, %eq3A_23 : i1
    %convert_element_type3A_24 = arith.extui %and3A : i1 to i32
    %cond3A_25 = arith.constant 0 : i32
    %cond3A_26 = arith.cmpi ne, %convert_element_type3A_24, %cond3A_25 : i32
    scf.if %cond3A_26 {
      %run_scoped3A = arith.constant 0 : i32
      "tpu.region"() ({
        %run_scoped3A_51 = tpu.sem_alloc : memref<!tpu.dma_semaphore, #tpu.memory_space<semaphore_mem>>
        %dma_start3A = arith.constant 0 : i32
        %dma_start3A_52 = arith.constant 0 : i32
        %dma_start3A_53 = tpu.memref_slice %arg6[%run_scoped3A, %dma_start3A, %dma_start3A_52] : memref<4x10112x16xf32, #tpu.memory_space<hbm>> -> memref<1x10112x16xf32, #tpu.memory_space<hbm>>
        %dma_start3A_54 = tpu.memref_squeeze %dma_start3A_53 : memref<1x10112x16xf32, #tpu.memory_space<hbm>> -> memref<10112x16xf32, #tpu.memory_space<hbm>>
        tpu.enqueue_dma source(%arg7 : memref<10112x16xf32, #tpu.memory_space<vmem_shared>>) target(%dma_start3A_54 : memref<10112x16xf32, #tpu.memory_space<hbm>>) target_semaphore(%run_scoped3A_51 : memref<!tpu.dma_semaphore, #tpu.memory_space<semaphore_mem>>)
        %dma_wait3A = arith.constant 0 : i32
        %dma_wait3A_55 = arith.constant 0 : i32
        %dma_wait3A_56 = tpu.memref_slice %arg6[%run_scoped3A, %dma_wait3A, %dma_wait3A_55] : memref<4x10112x16xf32, #tpu.memory_space<hbm>> -> memref<1x10112x16xf32, #tpu.memory_space<hbm>>
        %dma_wait3A_57 = tpu.memref_squeeze %dma_wait3A_56 : memref<1x10112x16xf32, #tpu.memory_space<hbm>> -> memref<10112x16xf32, #tpu.memory_space<hbm>>
        tpu.wait_dma2 semaphore(%run_scoped3A_51 : memref<!tpu.dma_semaphore, #tpu.memory_space<semaphore_mem>>) src(%arg7 : memref<10112x16xf32, #tpu.memory_space<vmem_shared>>) dst(%dma_wait3A_57 : memref<10112x16xf32, #tpu.memory_space<hbm>>)
        tpu.yield
      }) : () -> ()
    } else {
    }
    %eq3A_27 = arith.constant 0 : i32
    %eq3A_28 = arith.cmpi eq, %arg0, %eq3A_27 : i32
    %eq3A_29 = arith.constant 1 : i32
    %eq3A_30 = arith.cmpi eq, %arg1, %eq3A_29 : i32
    %and3A_31 = arith.andi %eq3A_28, %eq3A_30 : i1
    %convert_element_type3A_32 = arith.extui %and3A_31 : i1 to i32
    %cond3A_33 = arith.constant 0 : i32
    %cond3A_34 = arith.cmpi ne, %convert_element_type3A_32, %cond3A_33 : i32
    scf.if %cond3A_34 {
      %run_scoped3A = arith.constant 1 : i32
      "tpu.region"() ({
        %run_scoped3A_51 = tpu.sem_alloc : memref<!tpu.dma_semaphore, #tpu.memory_space<semaphore_mem>>
        %dma_start3A = arith.constant 0 : i32
        %dma_start3A_52 = arith.constant 0 : i32
        %dma_start3A_53 = tpu.memref_slice %arg6[%run_scoped3A, %dma_start3A, %dma_start3A_52] : memref<4x10112x16xf32, #tpu.memory_space<hbm>> -> memref<1x10112x16xf32, #tpu.memory_space<hbm>>
        %dma_start3A_54 = tpu.memref_squeeze %dma_start3A_53 : memref<1x10112x16xf32, #tpu.memory_space<hbm>> -> memref<10112x16xf32, #tpu.memory_space<hbm>>
        tpu.enqueue_dma source(%arg8 : memref<10112x16xf32, #tpu.memory_space<vmem_shared>>) target(%dma_start3A_54 : memref<10112x16xf32, #tpu.memory_space<hbm>>) target_semaphore(%run_scoped3A_51 : memref<!tpu.dma_semaphore, #tpu.memory_space<semaphore_mem>>)
        %dma_wait3A = arith.constant 0 : i32
        %dma_wait3A_55 = arith.constant 0 : i32
        %dma_wait3A_56 = tpu.memref_slice %arg6[%run_scoped3A, %dma_wait3A, %dma_wait3A_55] : memref<4x10112x16xf32, #tpu.memory_space<hbm>> -> memref<1x10112x16xf32, #tpu.memory_space<hbm>>
        %dma_wait3A_57 = tpu.memref_squeeze %dma_wait3A_56 : memref<1x10112x16xf32, #tpu.memory_space<hbm>> -> memref<10112x16xf32, #tpu.memory_space<hbm>>
        tpu.wait_dma2 semaphore(%run_scoped3A_51 : memref<!tpu.dma_semaphore, #tpu.memory_space<semaphore_mem>>) src(%arg8 : memref<10112x16xf32, #tpu.memory_space<vmem_shared>>) dst(%dma_wait3A_57 : memref<10112x16xf32, #tpu.memory_space<hbm>>)
        tpu.yield
      }) : () -> ()
    } else {
    }
    %eq3A_35 = arith.constant 1 : i32
    %eq3A_36 = arith.cmpi eq, %arg0, %eq3A_35 : i32
    %eq3A_37 = arith.constant 0 : i32
    %eq3A_38 = arith.cmpi eq, %arg1, %eq3A_37 : i32
    %and3A_39 = arith.andi %eq3A_36, %eq3A_38 : i1
    %convert_element_type3A_40 = arith.extui %and3A_39 : i1 to i32
    %cond3A_41 = arith.constant 0 : i32
    %cond3A_42 = arith.cmpi ne, %convert_element_type3A_40, %cond3A_41 : i32
    scf.if %cond3A_42 {
      %run_scoped3A = arith.constant 2 : i32
      "tpu.region"() ({
        %run_scoped3A_51 = tpu.sem_alloc : memref<!tpu.dma_semaphore, #tpu.memory_space<semaphore_mem>>
        %dma_start3A = arith.constant 0 : i32
        %dma_start3A_52 = arith.constant 0 : i32
        %dma_start3A_53 = tpu.memref_slice %arg6[%run_scoped3A, %dma_start3A, %dma_start3A_52] : memref<4x10112x16xf32, #tpu.memory_space<hbm>> -> memref<1x10112x16xf32, #tpu.memory_space<hbm>>
        %dma_start3A_54 = tpu.memref_squeeze %dma_start3A_53 : memref<1x10112x16xf32, #tpu.memory_space<hbm>> -> memref<10112x16xf32, #tpu.memory_space<hbm>>
        tpu.enqueue_dma source(%arg7 : memref<10112x16xf32, #tpu.memory_space<vmem_shared>>) target(%dma_start3A_54 : memref<10112x16xf32, #tpu.memory_space<hbm>>) target_semaphore(%run_scoped3A_51 : memref<!tpu.dma_semaphore, #tpu.memory_space<semaphore_mem>>)
        %dma_wait3A = arith.constant 0 : i32
        %dma_wait3A_55 = arith.constant 0 : i32
        %dma_wait3A_56 = tpu.memref_slice %arg6[%run_scoped3A, %dma_wait3A, %dma_wait3A_55] : memref<4x10112x16xf32, #tpu.memory_space<hbm>> -> memref<1x10112x16xf32, #tpu.memory_space<hbm>>
        %dma_wait3A_57 = tpu.memref_squeeze %dma_wait3A_56 : memref<1x10112x16xf32, #tpu.memory_space<hbm>> -> memref<10112x16xf32, #tpu.memory_space<hbm>>
        tpu.wait_dma2 semaphore(%run_scoped3A_51 : memref<!tpu.dma_semaphore, #tpu.memory_space<semaphore_mem>>) src(%arg7 : memref<10112x16xf32, #tpu.memory_space<vmem_shared>>) dst(%dma_wait3A_57 : memref<10112x16xf32, #tpu.memory_space<hbm>>)
        tpu.yield
      }) : () -> ()
    } else {
    }
    %eq3A_43 = arith.constant 1 : i32
    %eq3A_44 = arith.cmpi eq, %arg0, %eq3A_43 : i32
    %eq3A_45 = arith.constant 1 : i32
    %eq3A_46 = arith.cmpi eq, %arg1, %eq3A_45 : i32
    %and3A_47 = arith.andi %eq3A_44, %eq3A_46 : i1
    %convert_element_type3A_48 = arith.extui %and3A_47 : i1 to i32
    %cond3A_49 = arith.constant 0 : i32
    %cond3A_50 = arith.cmpi ne, %convert_element_type3A_48, %cond3A_49 : i32
    scf.if %cond3A_50 {
      %run_scoped3A = arith.constant 3 : i32
      "tpu.region"() ({
        %run_scoped3A_51 = tpu.sem_alloc : memref<!tpu.dma_semaphore, #tpu.memory_space<semaphore_mem>>
        %dma_start3A = arith.constant 0 : i32
        %dma_start3A_52 = arith.constant 0 : i32
        %dma_start3A_53 = tpu.memref_slice %arg6[%run_scoped3A, %dma_start3A, %dma_start3A_52] : memref<4x10112x16xf32, #tpu.memory_space<hbm>> -> memref<1x10112x16xf32, #tpu.memory_space<hbm>>
        %dma_start3A_54 = tpu.memref_squeeze %dma_start3A_53 : memref<1x10112x16xf32, #tpu.memory_space<hbm>> -> memref<10112x16xf32, #tpu.memory_space<hbm>>
        tpu.enqueue_dma source(%arg8 : memref<10112x16xf32, #tpu.memory_space<vmem_shared>>) target(%dma_start3A_54 : memref<10112x16xf32, #tpu.memory_space<hbm>>) target_semaphore(%run_scoped3A_51 : memref<!tpu.dma_semaphore, #tpu.memory_space<semaphore_mem>>)
        %dma_wait3A = arith.constant 0 : i32
        %dma_wait3A_55 = arith.constant 0 : i32
        %dma_wait3A_56 = tpu.memref_slice %arg6[%run_scoped3A, %dma_wait3A, %dma_wait3A_55] : memref<4x10112x16xf32, #tpu.memory_space<hbm>> -> memref<1x10112x16xf32, #tpu.memory_space<hbm>>
        %dma_wait3A_57 = tpu.memref_squeeze %dma_wait3A_56 : memref<1x10112x16xf32, #tpu.memory_space<hbm>> -> memref<10112x16xf32, #tpu.memory_space<hbm>>
        tpu.wait_dma2 semaphore(%run_scoped3A_51 : memref<!tpu.dma_semaphore, #tpu.memory_space<semaphore_mem>>) src(%arg8 : memref<10112x16xf32, #tpu.memory_space<vmem_shared>>) dst(%dma_wait3A_57 : memref<10112x16xf32, #tpu.memory_space<hbm>>)
        tpu.yield
      }) : () -> ()
    } else {
    }
    return
  }
}

#map = affine_map<(d0, d1) -> (0, 0)>
module attributes {stable_mosaic.version = 14 : i64} {
  func.func @body(%arg0: i32, %arg1: i32, %arg2: memref<10112x64xf32, #tpu.memory_space<hbm>>, %arg3: memref<10112x64xf32, #tpu.memory_space<hbm>>, %arg4: memref<10112x64xf32, #tpu.memory_space<hbm>>, %arg5: memref<10112x64xf32, #tpu.memory_space<hbm>>, %arg6: memref<10112x64xf32, #tpu.memory_space<hbm>>, %arg7: memref<1280x128xi32, #tpu.memory_space<hbm>>, %arg8: memref<1280x128xi32, #tpu.memory_space<hbm>>, %arg9: memref<10112x64xf32, #tpu.memory_space<hbm>>, %arg10: memref<10112x64xf32, #tpu.memory_space<hbm>>, %arg11: memref<10112x64xf32, #tpu.memory_space<hbm>>, %arg12: memref<10112x64xf32, #tpu.memory_space<hbm>>, %arg13: memref<10112x64xf32, #tpu.memory_space<vmem_shared>>, %arg14: memref<10112x64xf32, #tpu.memory_space<vmem_shared>>, %arg15: memref<20x128xi32, #tpu.memory_space<vmem>>, %arg16: memref<20x128xi32, #tpu.memory_space<vmem>>, %arg17: memref<128x64xf32, #tpu.memory_space<vmem>>, %arg18: memref<128x64xf32, #tpu.memory_space<vmem>>, %arg19: memref<128x64xf32, #tpu.memory_space<vmem>>, %arg20: memref<128x64xf32, #tpu.memory_space<vmem>>, %arg21: memref<128x64xf32, #tpu.memory_space<vmem>>, %arg22: memref<!tpu.dma_semaphore, #tpu.memory_space<semaphore_mem>>, %arg23: memref<!tpu.dma_semaphore, #tpu.memory_space<semaphore_mem>>, %arg24: memref<!tpu.dma_semaphore, #tpu.memory_space<semaphore_mem>>, %arg25: memref<!tpu.dma_semaphore, #tpu.memory_space<semaphore_mem>>, %arg26: memref<!tpu.dma_semaphore, #tpu.memory_space<semaphore_mem>>, %arg27: memref<!tpu.dma_semaphore, #tpu.memory_space<semaphore_mem>>, %arg28: memref<!tpu.dma_semaphore, #tpu.memory_space<semaphore_mem>>, %arg29: memref<!tpu.dma_semaphore, #tpu.memory_space<semaphore_mem>>, %arg30: memref<!tpu.dma_semaphore, #tpu.memory_space<semaphore_mem>>, %arg31: memref<!tpu.dma_semaphore, #tpu.memory_space<semaphore_mem>>) attributes {dimension_semantics = [#tpu.dimension_semantics<core_parallel>, #tpu.dimension_semantics<subcore_parallel>], iteration_bounds = array<i64: 2, 16>, scalar_prefetch = 0 : i64, scratch_operands = 19 : i64, tpu.core_type = #tpu.core_type<sc_vector_subcore>, window_params = [{transform_indices = #map}, {transform_indices = #map}, {transform_indices = #map}, {transform_indices = #map}, {transform_indices = #map}, {transform_indices = #map}, {transform_indices = #map}, {transform_indices = #map}, {transform_indices = #map}, {transform_indices = #map}, {transform_indices = #map}]} {
    %mul3A = arith.constant 632 : i32
    %mul3A_0 = arith.muli %arg1, %mul3A : i32
    "tpu.region"() ({
      %run_scoped3A = tpu.sem_alloc : memref<!tpu.dma_semaphore, #tpu.memory_space<semaphore_mem>>
      %dma_start3A = arith.constant 0 : i32
      %dma_start3A_52 = tpu.memref_slice %arg13[%mul3A_0, %dma_start3A] : memref<10112x64xf32, #tpu.memory_space<vmem_shared>> -> memref<632x64xf32, #tpu.memory_space<vmem_shared>>
      %dma_start3A_53 = arith.constant 0 : i32
      %dma_start3A_54 = tpu.memref_slice %arg6[%mul3A_0, %dma_start3A_53] : memref<10112x64xf32, #tpu.memory_space<hbm>> -> memref<632x64xf32, #tpu.memory_space<hbm>>
      tpu.enqueue_dma source(%dma_start3A_54 : memref<632x64xf32, #tpu.memory_space<hbm>>) target(%dma_start3A_52 : memref<632x64xf32, #tpu.memory_space<vmem_shared>>) target_semaphore(%run_scoped3A : memref<!tpu.dma_semaphore, #tpu.memory_space<semaphore_mem>>)
      %dma_wait3A = arith.constant 0 : i32
      %dma_wait3A_55 = tpu.memref_slice %arg13[%mul3A_0, %dma_wait3A] : memref<10112x64xf32, #tpu.memory_space<vmem_shared>> -> memref<632x64xf32, #tpu.memory_space<vmem_shared>>
      %dma_wait3A_56 = arith.constant 0 : i32
      %dma_wait3A_57 = tpu.memref_slice %arg6[%mul3A_0, %dma_wait3A_56] : memref<10112x64xf32, #tpu.memory_space<hbm>> -> memref<632x64xf32, #tpu.memory_space<hbm>>
      tpu.wait_dma2 semaphore(%run_scoped3A : memref<!tpu.dma_semaphore, #tpu.memory_space<semaphore_mem>>) src(%dma_wait3A_57 : memref<632x64xf32, #tpu.memory_space<hbm>>) dst(%dma_wait3A_55 : memref<632x64xf32, #tpu.memory_space<vmem_shared>>)
      tpu.yield
    }) : () -> ()
    %eq3A = arith.constant 0 : i32
    %eq3A_1 = arith.cmpi eq, %arg0, %eq3A : i32
    %convert_element_type3A = arith.extui %eq3A_1 : i1 to i32
    %cond3A = arith.constant 0 : i32
    %cond3A_2 = arith.cmpi ne, %convert_element_type3A, %cond3A : i32
    scf.if %cond3A_2 {
      "tpu.region"() ({
        %run_scoped3A = tpu.sem_alloc : memref<!tpu.dma_semaphore, #tpu.memory_space<semaphore_mem>>
        %dma_start3A = arith.constant 0 : i32
        %dma_start3A_52 = tpu.memref_slice %arg14[%mul3A_0, %dma_start3A] : memref<10112x64xf32, #tpu.memory_space<vmem_shared>> -> memref<632x64xf32, #tpu.memory_space<vmem_shared>>
        %dma_start3A_53 = arith.constant 0 : i32
        %dma_start3A_54 = tpu.memref_slice %arg2[%mul3A_0, %dma_start3A_53] : memref<10112x64xf32, #tpu.memory_space<hbm>> -> memref<632x64xf32, #tpu.memory_space<hbm>>
        tpu.enqueue_dma source(%dma_start3A_54 : memref<632x64xf32, #tpu.memory_space<hbm>>) target(%dma_start3A_52 : memref<632x64xf32, #tpu.memory_space<vmem_shared>>) target_semaphore(%run_scoped3A : memref<!tpu.dma_semaphore, #tpu.memory_space<semaphore_mem>>)
        %dma_wait3A = arith.constant 0 : i32
        %dma_wait3A_55 = tpu.memref_slice %arg14[%mul3A_0, %dma_wait3A] : memref<10112x64xf32, #tpu.memory_space<vmem_shared>> -> memref<632x64xf32, #tpu.memory_space<vmem_shared>>
        %dma_wait3A_56 = arith.constant 0 : i32
        %dma_wait3A_57 = tpu.memref_slice %arg2[%mul3A_0, %dma_wait3A_56] : memref<10112x64xf32, #tpu.memory_space<hbm>> -> memref<632x64xf32, #tpu.memory_space<hbm>>
        tpu.wait_dma2 semaphore(%run_scoped3A : memref<!tpu.dma_semaphore, #tpu.memory_space<semaphore_mem>>) src(%dma_wait3A_57 : memref<632x64xf32, #tpu.memory_space<hbm>>) dst(%dma_wait3A_55 : memref<632x64xf32, #tpu.memory_space<vmem_shared>>)
        tpu.yield
      }) : () -> ()
    } else {
    }
    %eq3A_3 = arith.constant 1 : i32
    %eq3A_4 = arith.cmpi eq, %arg0, %eq3A_3 : i32
    %convert_element_type3A_5 = arith.extui %eq3A_4 : i1 to i32
    %cond3A_6 = arith.constant 0 : i32
    %cond3A_7 = arith.cmpi ne, %convert_element_type3A_5, %cond3A_6 : i32
    scf.if %cond3A_7 {
      "tpu.region"() ({
        %run_scoped3A = tpu.sem_alloc : memref<!tpu.dma_semaphore, #tpu.memory_space<semaphore_mem>>
        %dma_start3A = arith.constant 0 : i32
        %dma_start3A_52 = tpu.memref_slice %arg14[%mul3A_0, %dma_start3A] : memref<10112x64xf32, #tpu.memory_space<vmem_shared>> -> memref<632x64xf32, #tpu.memory_space<vmem_shared>>
        %dma_start3A_53 = arith.constant 0 : i32
        %dma_start3A_54 = tpu.memref_slice %arg4[%mul3A_0, %dma_start3A_53] : memref<10112x64xf32, #tpu.memory_space<hbm>> -> memref<632x64xf32, #tpu.memory_space<hbm>>
        tpu.enqueue_dma source(%dma_start3A_54 : memref<632x64xf32, #tpu.memory_space<hbm>>) target(%dma_start3A_52 : memref<632x64xf32, #tpu.memory_space<vmem_shared>>) target_semaphore(%run_scoped3A : memref<!tpu.dma_semaphore, #tpu.memory_space<semaphore_mem>>)
        %dma_wait3A = arith.constant 0 : i32
        %dma_wait3A_55 = tpu.memref_slice %arg14[%mul3A_0, %dma_wait3A] : memref<10112x64xf32, #tpu.memory_space<vmem_shared>> -> memref<632x64xf32, #tpu.memory_space<vmem_shared>>
        %dma_wait3A_56 = arith.constant 0 : i32
        %dma_wait3A_57 = tpu.memref_slice %arg4[%mul3A_0, %dma_wait3A_56] : memref<10112x64xf32, #tpu.memory_space<hbm>> -> memref<632x64xf32, #tpu.memory_space<hbm>>
        tpu.wait_dma2 semaphore(%run_scoped3A : memref<!tpu.dma_semaphore, #tpu.memory_space<semaphore_mem>>) src(%dma_wait3A_57 : memref<632x64xf32, #tpu.memory_space<hbm>>) dst(%dma_wait3A_55 : memref<632x64xf32, #tpu.memory_space<vmem_shared>>)
        tpu.yield
      }) : () -> ()
    } else {
    }
    %barrier3A = arith.constant 0 : index
    tpu.barrier barrier_id(%barrier3A)
    %scan3A = arith.constant 0 : i32
    %scan3A_8 = arith.constant 0 : i32
    %scan3A_9 = arith.constant 4 : i32
    %scan3A_10 = arith.addi %scan3A_8, %scan3A_9 : i32
    %scan3A_11 = arith.constant 1 : i32
    scf.for %scan3A_52 = %scan3A_8 to %scan3A_10 step %scan3A_11  : i32 {
      %mul3A_53 = arith.constant 80 : i32
      %mul3A_54 = arith.muli %arg1, %mul3A_53 : i32
      %mul3A_55 = arith.constant 20 : i32
      %mul3A_56 = arith.muli %scan3A_52, %mul3A_55 : i32
      %add3A = arith.addi %mul3A_54, %mul3A_56 : i32
      "tpu.region"() ({
        %run_scoped3A = tpu.sem_alloc : memref<!tpu.dma_semaphore, #tpu.memory_space<semaphore_mem>>
        %dma_start3A = arith.constant 0 : i32
        %dma_start3A_62 = tpu.memref_slice %arg7[%add3A, %dma_start3A] : memref<1280x128xi32, #tpu.memory_space<hbm>> -> memref<20x128xi32, #tpu.memory_space<hbm>>
        %dma_start3A_63 = arith.constant 0 : i32
        %dma_start3A_64 = tpu.memref_slice %arg7[%add3A, %dma_start3A_63] : memref<1280x128xi32, #tpu.memory_space<hbm>> -> memref<20x128xi32, #tpu.memory_space<hbm>>
        tpu.enqueue_dma source(%dma_start3A_64 : memref<20x128xi32, #tpu.memory_space<hbm>>) target(%arg15 : memref<20x128xi32, #tpu.memory_space<vmem>>) target_semaphore(%run_scoped3A : memref<!tpu.dma_semaphore, #tpu.memory_space<semaphore_mem>>)
        %dma_wait3A = arith.constant 0 : i32
        %dma_wait3A_65 = tpu.memref_slice %arg7[%add3A, %dma_wait3A] : memref<1280x128xi32, #tpu.memory_space<hbm>> -> memref<20x128xi32, #tpu.memory_space<hbm>>
        %dma_wait3A_66 = arith.constant 0 : i32
        %dma_wait3A_67 = tpu.memref_slice %arg7[%add3A, %dma_wait3A_66] : memref<1280x128xi32, #tpu.memory_space<hbm>> -> memref<20x128xi32, #tpu.memory_space<hbm>>
        tpu.wait_dma2 semaphore(%run_scoped3A : memref<!tpu.dma_semaphore, #tpu.memory_space<semaphore_mem>>) src(%dma_wait3A_67 : memref<20x128xi32, #tpu.memory_space<hbm>>) dst(%arg15 : memref<20x128xi32, #tpu.memory_space<vmem>>)
        tpu.yield
      }) : () -> ()
      "tpu.region"() ({
        %run_scoped3A = tpu.sem_alloc : memref<!tpu.dma_semaphore, #tpu.memory_space<semaphore_mem>>
        %dma_start3A = arith.constant 0 : i32
        %dma_start3A_62 = tpu.memref_slice %arg8[%add3A, %dma_start3A] : memref<1280x128xi32, #tpu.memory_space<hbm>> -> memref<20x128xi32, #tpu.memory_space<hbm>>
        %dma_start3A_63 = arith.constant 0 : i32
        %dma_start3A_64 = tpu.memref_slice %arg8[%add3A, %dma_start3A_63] : memref<1280x128xi32, #tpu.memory_space<hbm>> -> memref<20x128xi32, #tpu.memory_space<hbm>>
        tpu.enqueue_dma source(%dma_start3A_64 : memref<20x128xi32, #tpu.memory_space<hbm>>) target(%arg16 : memref<20x128xi32, #tpu.memory_space<vmem>>) target_semaphore(%run_scoped3A : memref<!tpu.dma_semaphore, #tpu.memory_space<semaphore_mem>>)
        %dma_wait3A = arith.constant 0 : i32
        %dma_wait3A_65 = tpu.memref_slice %arg8[%add3A, %dma_wait3A] : memref<1280x128xi32, #tpu.memory_space<hbm>> -> memref<20x128xi32, #tpu.memory_space<hbm>>
        %dma_wait3A_66 = arith.constant 0 : i32
        %dma_wait3A_67 = tpu.memref_slice %arg8[%add3A, %dma_wait3A_66] : memref<1280x128xi32, #tpu.memory_space<hbm>> -> memref<20x128xi32, #tpu.memory_space<hbm>>
        tpu.wait_dma2 semaphore(%run_scoped3A : memref<!tpu.dma_semaphore, #tpu.memory_space<semaphore_mem>>) src(%dma_wait3A_67 : memref<20x128xi32, #tpu.memory_space<hbm>>) dst(%arg16 : memref<20x128xi32, #tpu.memory_space<vmem>>)
        tpu.yield
      }) : () -> ()
      %scan3A_57 = arith.constant 0 : i32
      %scan3A_58 = arith.constant 4 : i32
      %scan3A_59 = arith.addi %scan3A_57, %scan3A_58 : i32
      %scan3A_60 = arith.constant 1 : i32
      scf.for %scan3A_62 = %scan3A_57 to %scan3A_59 step %scan3A_60  : i32 {
        %mul3A_63 = arith.constant 5 : i32
        %mul3A_64 = arith.muli %scan3A_62, %mul3A_63 : i32
        %add3A_65 = arith.constant 0 : i32
        %add3A_66 = arith.addi %mul3A_64, %add3A_65 : i32
        %dma_start3A = arith.constant 0 : i32
        %dma_start3A_67 = tpu.memref_slice %arg15[%add3A_66, %dma_start3A] : memref<20x128xi32, #tpu.memory_space<vmem>> -> memref<1x128xi32, #tpu.memory_space<vmem>>
        %dma_start3A_68 = tpu.memref_squeeze %dma_start3A_67 : memref<1x128xi32, #tpu.memory_space<vmem>> -> memref<128xi32, #tpu.memory_space<vmem>>
        %dma_start3A_69 = arith.constant 0 : i32
        %dma_start3A_70 = arith.constant 0 : i32
        %dma_start3A_71 = tpu.memref_slice %arg14[%dma_start3A_69, %dma_start3A_70] : memref<10112x64xf32, #tpu.memory_space<vmem_shared>> -> memref<10112x64xf32, #tpu.memory_space<vmem_shared>>
        tpu.enqueue_indirect_dma source(%dma_start3A_71 : memref<10112x64xf32, #tpu.memory_space<vmem_shared>>) target(%arg17 : memref<128x64xf32, #tpu.memory_space<vmem>>) offsets(%dma_start3A_68 : memref<128xi32, #tpu.memory_space<vmem>>) semaphore(%arg22 : memref<!tpu.dma_semaphore, #tpu.memory_space<semaphore_mem>>)
        %add3A_72 = arith.constant 1 : i32
        %add3A_73 = arith.addi %mul3A_64, %add3A_72 : i32
        %dma_start3A_74 = arith.constant 0 : i32
        %dma_start3A_75 = tpu.memref_slice %arg15[%add3A_73, %dma_start3A_74] : memref<20x128xi32, #tpu.memory_space<vmem>> -> memref<1x128xi32, #tpu.memory_space<vmem>>
        %dma_start3A_76 = tpu.memref_squeeze %dma_start3A_75 : memref<1x128xi32, #tpu.memory_space<vmem>> -> memref<128xi32, #tpu.memory_space<vmem>>
        %dma_start3A_77 = arith.constant 0 : i32
        %dma_start3A_78 = arith.constant 0 : i32
        %dma_start3A_79 = tpu.memref_slice %arg14[%dma_start3A_77, %dma_start3A_78] : memref<10112x64xf32, #tpu.memory_space<vmem_shared>> -> memref<10112x64xf32, #tpu.memory_space<vmem_shared>>
        tpu.enqueue_indirect_dma source(%dma_start3A_79 : memref<10112x64xf32, #tpu.memory_space<vmem_shared>>) target(%arg18 : memref<128x64xf32, #tpu.memory_space<vmem>>) offsets(%dma_start3A_76 : memref<128xi32, #tpu.memory_space<vmem>>) semaphore(%arg23 : memref<!tpu.dma_semaphore, #tpu.memory_space<semaphore_mem>>)
        %add3A_80 = arith.constant 2 : i32
        %add3A_81 = arith.addi %mul3A_64, %add3A_80 : i32
        %dma_start3A_82 = arith.constant 0 : i32
        %dma_start3A_83 = tpu.memref_slice %arg15[%add3A_81, %dma_start3A_82] : memref<20x128xi32, #tpu.memory_space<vmem>> -> memref<1x128xi32, #tpu.memory_space<vmem>>
        %dma_start3A_84 = tpu.memref_squeeze %dma_start3A_83 : memref<1x128xi32, #tpu.memory_space<vmem>> -> memref<128xi32, #tpu.memory_space<vmem>>
        %dma_start3A_85 = arith.constant 0 : i32
        %dma_start3A_86 = arith.constant 0 : i32
        %dma_start3A_87 = tpu.memref_slice %arg14[%dma_start3A_85, %dma_start3A_86] : memref<10112x64xf32, #tpu.memory_space<vmem_shared>> -> memref<10112x64xf32, #tpu.memory_space<vmem_shared>>
        tpu.enqueue_indirect_dma source(%dma_start3A_87 : memref<10112x64xf32, #tpu.memory_space<vmem_shared>>) target(%arg19 : memref<128x64xf32, #tpu.memory_space<vmem>>) offsets(%dma_start3A_84 : memref<128xi32, #tpu.memory_space<vmem>>) semaphore(%arg24 : memref<!tpu.dma_semaphore, #tpu.memory_space<semaphore_mem>>)
        %add3A_88 = arith.constant 3 : i32
        %add3A_89 = arith.addi %mul3A_64, %add3A_88 : i32
        %dma_start3A_90 = arith.constant 0 : i32
        %dma_start3A_91 = tpu.memref_slice %arg15[%add3A_89, %dma_start3A_90] : memref<20x128xi32, #tpu.memory_space<vmem>> -> memref<1x128xi32, #tpu.memory_space<vmem>>
        %dma_start3A_92 = tpu.memref_squeeze %dma_start3A_91 : memref<1x128xi32, #tpu.memory_space<vmem>> -> memref<128xi32, #tpu.memory_space<vmem>>
        %dma_start3A_93 = arith.constant 0 : i32
        %dma_start3A_94 = arith.constant 0 : i32
        %dma_start3A_95 = tpu.memref_slice %arg14[%dma_start3A_93, %dma_start3A_94] : memref<10112x64xf32, #tpu.memory_space<vmem_shared>> -> memref<10112x64xf32, #tpu.memory_space<vmem_shared>>
        tpu.enqueue_indirect_dma source(%dma_start3A_95 : memref<10112x64xf32, #tpu.memory_space<vmem_shared>>) target(%arg20 : memref<128x64xf32, #tpu.memory_space<vmem>>) offsets(%dma_start3A_92 : memref<128xi32, #tpu.memory_space<vmem>>) semaphore(%arg25 : memref<!tpu.dma_semaphore, #tpu.memory_space<semaphore_mem>>)
        %add3A_96 = arith.constant 4 : i32
        %add3A_97 = arith.addi %mul3A_64, %add3A_96 : i32
        %dma_start3A_98 = arith.constant 0 : i32
        %dma_start3A_99 = tpu.memref_slice %arg15[%add3A_97, %dma_start3A_98] : memref<20x128xi32, #tpu.memory_space<vmem>> -> memref<1x128xi32, #tpu.memory_space<vmem>>
        %dma_start3A_100 = tpu.memref_squeeze %dma_start3A_99 : memref<1x128xi32, #tpu.memory_space<vmem>> -> memref<128xi32, #tpu.memory_space<vmem>>
        %dma_start3A_101 = arith.constant 0 : i32
        %dma_start3A_102 = arith.constant 0 : i32
        %dma_start3A_103 = tpu.memref_slice %arg14[%dma_start3A_101, %dma_start3A_102] : memref<10112x64xf32, #tpu.memory_space<vmem_shared>> -> memref<10112x64xf32, #tpu.memory_space<vmem_shared>>
        tpu.enqueue_indirect_dma source(%dma_start3A_103 : memref<10112x64xf32, #tpu.memory_space<vmem_shared>>) target(%arg21 : memref<128x64xf32, #tpu.memory_space<vmem>>) offsets(%dma_start3A_100 : memref<128xi32, #tpu.memory_space<vmem>>) semaphore(%arg26 : memref<!tpu.dma_semaphore, #tpu.memory_space<semaphore_mem>>)
        %dma_wait3A = arith.constant 0 : i32
        %dma_wait3A_104 = tpu.memref_slice %arg15[%add3A_66, %dma_wait3A] : memref<20x128xi32, #tpu.memory_space<vmem>> -> memref<1x128xi32, #tpu.memory_space<vmem>>
        %dma_wait3A_105 = tpu.memref_squeeze %dma_wait3A_104 : memref<1x128xi32, #tpu.memory_space<vmem>> -> memref<128xi32, #tpu.memory_space<vmem>>
        %dma_wait3A_106 = arith.constant 0 : i32
        %dma_wait3A_107 = arith.constant 0 : i32
        %dma_wait3A_108 = tpu.memref_slice %arg14[%dma_wait3A_106, %dma_wait3A_107] : memref<10112x64xf32, #tpu.memory_space<vmem_shared>> -> memref<10112x64xf32, #tpu.memory_space<vmem_shared>>
        tpu.wait_indirect_dma semaphore(%arg22 : memref<!tpu.dma_semaphore, #tpu.memory_space<semaphore_mem>>) src(%dma_wait3A_108 : memref<10112x64xf32, #tpu.memory_space<vmem_shared>>) dst(%arg17 : memref<128x64xf32, #tpu.memory_space<vmem>>)
        %add3A_109 = arith.constant 0 : i32
        %add3A_110 = arith.addi %mul3A_64, %add3A_109 : i32
        %dma_start3A_111 = arith.constant 0 : i32
        %dma_start3A_112 = tpu.memref_slice %arg16[%add3A_110, %dma_start3A_111] : memref<20x128xi32, #tpu.memory_space<vmem>> -> memref<1x128xi32, #tpu.memory_space<vmem>>
        %dma_start3A_113 = tpu.memref_squeeze %dma_start3A_112 : memref<1x128xi32, #tpu.memory_space<vmem>> -> memref<128xi32, #tpu.memory_space<vmem>>
        %dma_start3A_114 = arith.constant 0 : i32
        %dma_start3A_115 = arith.constant 0 : i32
        %dma_start3A_116 = tpu.memref_slice %arg13[%dma_start3A_114, %dma_start3A_115] : memref<10112x64xf32, #tpu.memory_space<vmem_shared>> -> memref<10112x64xf32, #tpu.memory_space<vmem_shared>>
        tpu.enqueue_indirect_dma source(%arg17 : memref<128x64xf32, #tpu.memory_space<vmem>>) target(%dma_start3A_116 : memref<10112x64xf32, #tpu.memory_space<vmem_shared>>) offsets(%dma_start3A_113 : memref<128xi32, #tpu.memory_space<vmem>>) semaphore(%arg27 : memref<!tpu.dma_semaphore, #tpu.memory_space<semaphore_mem>>) {add = true}
        %dma_wait3A_117 = arith.constant 0 : i32
        %dma_wait3A_118 = tpu.memref_slice %arg15[%add3A_73, %dma_wait3A_117] : memref<20x128xi32, #tpu.memory_space<vmem>> -> memref<1x128xi32, #tpu.memory_space<vmem>>
        %dma_wait3A_119 = tpu.memref_squeeze %dma_wait3A_118 : memref<1x128xi32, #tpu.memory_space<vmem>> -> memref<128xi32, #tpu.memory_space<vmem>>
        %dma_wait3A_120 = arith.constant 0 : i32
        %dma_wait3A_121 = arith.constant 0 : i32
        %dma_wait3A_122 = tpu.memref_slice %arg14[%dma_wait3A_120, %dma_wait3A_121] : memref<10112x64xf32, #tpu.memory_space<vmem_shared>> -> memref<10112x64xf32, #tpu.memory_space<vmem_shared>>
        tpu.wait_indirect_dma semaphore(%arg23 : memref<!tpu.dma_semaphore, #tpu.memory_space<semaphore_mem>>) src(%dma_wait3A_122 : memref<10112x64xf32, #tpu.memory_space<vmem_shared>>) dst(%arg18 : memref<128x64xf32, #tpu.memory_space<vmem>>)
        %add3A_123 = arith.constant 1 : i32
        %add3A_124 = arith.addi %mul3A_64, %add3A_123 : i32
        %dma_start3A_125 = arith.constant 0 : i32
        %dma_start3A_126 = tpu.memref_slice %arg16[%add3A_124, %dma_start3A_125] : memref<20x128xi32, #tpu.memory_space<vmem>> -> memref<1x128xi32, #tpu.memory_space<vmem>>
        %dma_start3A_127 = tpu.memref_squeeze %dma_start3A_126 : memref<1x128xi32, #tpu.memory_space<vmem>> -> memref<128xi32, #tpu.memory_space<vmem>>
        %dma_start3A_128 = arith.constant 0 : i32
        %dma_start3A_129 = arith.constant 0 : i32
        %dma_start3A_130 = tpu.memref_slice %arg13[%dma_start3A_128, %dma_start3A_129] : memref<10112x64xf32, #tpu.memory_space<vmem_shared>> -> memref<10112x64xf32, #tpu.memory_space<vmem_shared>>
        tpu.enqueue_indirect_dma source(%arg18 : memref<128x64xf32, #tpu.memory_space<vmem>>) target(%dma_start3A_130 : memref<10112x64xf32, #tpu.memory_space<vmem_shared>>) offsets(%dma_start3A_127 : memref<128xi32, #tpu.memory_space<vmem>>) semaphore(%arg28 : memref<!tpu.dma_semaphore, #tpu.memory_space<semaphore_mem>>) {add = true}
        %dma_wait3A_131 = arith.constant 0 : i32
        %dma_wait3A_132 = tpu.memref_slice %arg15[%add3A_81, %dma_wait3A_131] : memref<20x128xi32, #tpu.memory_space<vmem>> -> memref<1x128xi32, #tpu.memory_space<vmem>>
        %dma_wait3A_133 = tpu.memref_squeeze %dma_wait3A_132 : memref<1x128xi32, #tpu.memory_space<vmem>> -> memref<128xi32, #tpu.memory_space<vmem>>
        %dma_wait3A_134 = arith.constant 0 : i32
        %dma_wait3A_135 = arith.constant 0 : i32
        %dma_wait3A_136 = tpu.memref_slice %arg14[%dma_wait3A_134, %dma_wait3A_135] : memref<10112x64xf32, #tpu.memory_space<vmem_shared>> -> memref<10112x64xf32, #tpu.memory_space<vmem_shared>>
        tpu.wait_indirect_dma semaphore(%arg24 : memref<!tpu.dma_semaphore, #tpu.memory_space<semaphore_mem>>) src(%dma_wait3A_136 : memref<10112x64xf32, #tpu.memory_space<vmem_shared>>) dst(%arg19 : memref<128x64xf32, #tpu.memory_space<vmem>>)
        %add3A_137 = arith.constant 2 : i32
        %add3A_138 = arith.addi %mul3A_64, %add3A_137 : i32
        %dma_start3A_139 = arith.constant 0 : i32
        %dma_start3A_140 = tpu.memref_slice %arg16[%add3A_138, %dma_start3A_139] : memref<20x128xi32, #tpu.memory_space<vmem>> -> memref<1x128xi32, #tpu.memory_space<vmem>>
        %dma_start3A_141 = tpu.memref_squeeze %dma_start3A_140 : memref<1x128xi32, #tpu.memory_space<vmem>> -> memref<128xi32, #tpu.memory_space<vmem>>
        %dma_start3A_142 = arith.constant 0 : i32
        %dma_start3A_143 = arith.constant 0 : i32
        %dma_start3A_144 = tpu.memref_slice %arg13[%dma_start3A_142, %dma_start3A_143] : memref<10112x64xf32, #tpu.memory_space<vmem_shared>> -> memref<10112x64xf32, #tpu.memory_space<vmem_shared>>
        tpu.enqueue_indirect_dma source(%arg19 : memref<128x64xf32, #tpu.memory_space<vmem>>) target(%dma_start3A_144 : memref<10112x64xf32, #tpu.memory_space<vmem_shared>>) offsets(%dma_start3A_141 : memref<128xi32, #tpu.memory_space<vmem>>) semaphore(%arg29 : memref<!tpu.dma_semaphore, #tpu.memory_space<semaphore_mem>>) {add = true}
        %dma_wait3A_145 = arith.constant 0 : i32
        %dma_wait3A_146 = tpu.memref_slice %arg15[%add3A_89, %dma_wait3A_145] : memref<20x128xi32, #tpu.memory_space<vmem>> -> memref<1x128xi32, #tpu.memory_space<vmem>>
        %dma_wait3A_147 = tpu.memref_squeeze %dma_wait3A_146 : memref<1x128xi32, #tpu.memory_space<vmem>> -> memref<128xi32, #tpu.memory_space<vmem>>
        %dma_wait3A_148 = arith.constant 0 : i32
        %dma_wait3A_149 = arith.constant 0 : i32
        %dma_wait3A_150 = tpu.memref_slice %arg14[%dma_wait3A_148, %dma_wait3A_149] : memref<10112x64xf32, #tpu.memory_space<vmem_shared>> -> memref<10112x64xf32, #tpu.memory_space<vmem_shared>>
        tpu.wait_indirect_dma semaphore(%arg25 : memref<!tpu.dma_semaphore, #tpu.memory_space<semaphore_mem>>) src(%dma_wait3A_150 : memref<10112x64xf32, #tpu.memory_space<vmem_shared>>) dst(%arg20 : memref<128x64xf32, #tpu.memory_space<vmem>>)
        %add3A_151 = arith.constant 3 : i32
        %add3A_152 = arith.addi %mul3A_64, %add3A_151 : i32
        %dma_start3A_153 = arith.constant 0 : i32
        %dma_start3A_154 = tpu.memref_slice %arg16[%add3A_152, %dma_start3A_153] : memref<20x128xi32, #tpu.memory_space<vmem>> -> memref<1x128xi32, #tpu.memory_space<vmem>>
        %dma_start3A_155 = tpu.memref_squeeze %dma_start3A_154 : memref<1x128xi32, #tpu.memory_space<vmem>> -> memref<128xi32, #tpu.memory_space<vmem>>
        %dma_start3A_156 = arith.constant 0 : i32
        %dma_start3A_157 = arith.constant 0 : i32
        %dma_start3A_158 = tpu.memref_slice %arg13[%dma_start3A_156, %dma_start3A_157] : memref<10112x64xf32, #tpu.memory_space<vmem_shared>> -> memref<10112x64xf32, #tpu.memory_space<vmem_shared>>
        tpu.enqueue_indirect_dma source(%arg20 : memref<128x64xf32, #tpu.memory_space<vmem>>) target(%dma_start3A_158 : memref<10112x64xf32, #tpu.memory_space<vmem_shared>>) offsets(%dma_start3A_155 : memref<128xi32, #tpu.memory_space<vmem>>) semaphore(%arg30 : memref<!tpu.dma_semaphore, #tpu.memory_space<semaphore_mem>>) {add = true}
        %dma_wait3A_159 = arith.constant 0 : i32
        %dma_wait3A_160 = tpu.memref_slice %arg15[%add3A_97, %dma_wait3A_159] : memref<20x128xi32, #tpu.memory_space<vmem>> -> memref<1x128xi32, #tpu.memory_space<vmem>>
        %dma_wait3A_161 = tpu.memref_squeeze %dma_wait3A_160 : memref<1x128xi32, #tpu.memory_space<vmem>> -> memref<128xi32, #tpu.memory_space<vmem>>
        %dma_wait3A_162 = arith.constant 0 : i32
        %dma_wait3A_163 = arith.constant 0 : i32
        %dma_wait3A_164 = tpu.memref_slice %arg14[%dma_wait3A_162, %dma_wait3A_163] : memref<10112x64xf32, #tpu.memory_space<vmem_shared>> -> memref<10112x64xf32, #tpu.memory_space<vmem_shared>>
        tpu.wait_indirect_dma semaphore(%arg26 : memref<!tpu.dma_semaphore, #tpu.memory_space<semaphore_mem>>) src(%dma_wait3A_164 : memref<10112x64xf32, #tpu.memory_space<vmem_shared>>) dst(%arg21 : memref<128x64xf32, #tpu.memory_space<vmem>>)
        %add3A_165 = arith.constant 4 : i32
        %add3A_166 = arith.addi %mul3A_64, %add3A_165 : i32
        %dma_start3A_167 = arith.constant 0 : i32
        %dma_start3A_168 = tpu.memref_slice %arg16[%add3A_166, %dma_start3A_167] : memref<20x128xi32, #tpu.memory_space<vmem>> -> memref<1x128xi32, #tpu.memory_space<vmem>>
        %dma_start3A_169 = tpu.memref_squeeze %dma_start3A_168 : memref<1x128xi32, #tpu.memory_space<vmem>> -> memref<128xi32, #tpu.memory_space<vmem>>
        %dma_start3A_170 = arith.constant 0 : i32
        %dma_start3A_171 = arith.constant 0 : i32
        %dma_start3A_172 = tpu.memref_slice %arg13[%dma_start3A_170, %dma_start3A_171] : memref<10112x64xf32, #tpu.memory_space<vmem_shared>> -> memref<10112x64xf32, #tpu.memory_space<vmem_shared>>
        tpu.enqueue_indirect_dma source(%arg21 : memref<128x64xf32, #tpu.memory_space<vmem>>) target(%dma_start3A_172 : memref<10112x64xf32, #tpu.memory_space<vmem_shared>>) offsets(%dma_start3A_169 : memref<128xi32, #tpu.memory_space<vmem>>) semaphore(%arg31 : memref<!tpu.dma_semaphore, #tpu.memory_space<semaphore_mem>>) {add = true}
        %dma_wait3A_173 = arith.constant 0 : i32
        %dma_wait3A_174 = tpu.memref_slice %arg16[%add3A_110, %dma_wait3A_173] : memref<20x128xi32, #tpu.memory_space<vmem>> -> memref<1x128xi32, #tpu.memory_space<vmem>>
        %dma_wait3A_175 = tpu.memref_squeeze %dma_wait3A_174 : memref<1x128xi32, #tpu.memory_space<vmem>> -> memref<128xi32, #tpu.memory_space<vmem>>
        %dma_wait3A_176 = arith.constant 0 : i32
        %dma_wait3A_177 = arith.constant 0 : i32
        %dma_wait3A_178 = tpu.memref_slice %arg13[%dma_wait3A_176, %dma_wait3A_177] : memref<10112x64xf32, #tpu.memory_space<vmem_shared>> -> memref<10112x64xf32, #tpu.memory_space<vmem_shared>>
        tpu.wait_indirect_dma semaphore(%arg27 : memref<!tpu.dma_semaphore, #tpu.memory_space<semaphore_mem>>) src(%arg17 : memref<128x64xf32, #tpu.memory_space<vmem>>) dst(%dma_wait3A_178 : memref<10112x64xf32, #tpu.memory_space<vmem_shared>>)
        %dma_wait3A_179 = arith.constant 0 : i32
        %dma_wait3A_180 = tpu.memref_slice %arg16[%add3A_124, %dma_wait3A_179] : memref<20x128xi32, #tpu.memory_space<vmem>> -> memref<1x128xi32, #tpu.memory_space<vmem>>
        %dma_wait3A_181 = tpu.memref_squeeze %dma_wait3A_180 : memref<1x128xi32, #tpu.memory_space<vmem>> -> memref<128xi32, #tpu.memory_space<vmem>>
        %dma_wait3A_182 = arith.constant 0 : i32
        %dma_wait3A_183 = arith.constant 0 : i32
        %dma_wait3A_184 = tpu.memref_slice %arg13[%dma_wait3A_182, %dma_wait3A_183] : memref<10112x64xf32, #tpu.memory_space<vmem_shared>> -> memref<10112x64xf32, #tpu.memory_space<vmem_shared>>
        tpu.wait_indirect_dma semaphore(%arg28 : memref<!tpu.dma_semaphore, #tpu.memory_space<semaphore_mem>>) src(%arg18 : memref<128x64xf32, #tpu.memory_space<vmem>>) dst(%dma_wait3A_184 : memref<10112x64xf32, #tpu.memory_space<vmem_shared>>)
        %dma_wait3A_185 = arith.constant 0 : i32
        %dma_wait3A_186 = tpu.memref_slice %arg16[%add3A_138, %dma_wait3A_185] : memref<20x128xi32, #tpu.memory_space<vmem>> -> memref<1x128xi32, #tpu.memory_space<vmem>>
        %dma_wait3A_187 = tpu.memref_squeeze %dma_wait3A_186 : memref<1x128xi32, #tpu.memory_space<vmem>> -> memref<128xi32, #tpu.memory_space<vmem>>
        %dma_wait3A_188 = arith.constant 0 : i32
        %dma_wait3A_189 = arith.constant 0 : i32
        %dma_wait3A_190 = tpu.memref_slice %arg13[%dma_wait3A_188, %dma_wait3A_189] : memref<10112x64xf32, #tpu.memory_space<vmem_shared>> -> memref<10112x64xf32, #tpu.memory_space<vmem_shared>>
        tpu.wait_indirect_dma semaphore(%arg29 : memref<!tpu.dma_semaphore, #tpu.memory_space<semaphore_mem>>) src(%arg19 : memref<128x64xf32, #tpu.memory_space<vmem>>) dst(%dma_wait3A_190 : memref<10112x64xf32, #tpu.memory_space<vmem_shared>>)
        %dma_wait3A_191 = arith.constant 0 : i32
        %dma_wait3A_192 = tpu.memref_slice %arg16[%add3A_152, %dma_wait3A_191] : memref<20x128xi32, #tpu.memory_space<vmem>> -> memref<1x128xi32, #tpu.memory_space<vmem>>
        %dma_wait3A_193 = tpu.memref_squeeze %dma_wait3A_192 : memref<1x128xi32, #tpu.memory_space<vmem>> -> memref<128xi32, #tpu.memory_space<vmem>>
        %dma_wait3A_194 = arith.constant 0 : i32
        %dma_wait3A_195 = arith.constant 0 : i32
        %dma_wait3A_196 = tpu.memref_slice %arg13[%dma_wait3A_194, %dma_wait3A_195] : memref<10112x64xf32, #tpu.memory_space<vmem_shared>> -> memref<10112x64xf32, #tpu.memory_space<vmem_shared>>
        tpu.wait_indirect_dma semaphore(%arg30 : memref<!tpu.dma_semaphore, #tpu.memory_space<semaphore_mem>>) src(%arg20 : memref<128x64xf32, #tpu.memory_space<vmem>>) dst(%dma_wait3A_196 : memref<10112x64xf32, #tpu.memory_space<vmem_shared>>)
        %dma_wait3A_197 = arith.constant 0 : i32
        %dma_wait3A_198 = tpu.memref_slice %arg16[%add3A_166, %dma_wait3A_197] : memref<20x128xi32, #tpu.memory_space<vmem>> -> memref<1x128xi32, #tpu.memory_space<vmem>>
        %dma_wait3A_199 = tpu.memref_squeeze %dma_wait3A_198 : memref<1x128xi32, #tpu.memory_space<vmem>> -> memref<128xi32, #tpu.memory_space<vmem>>
        %dma_wait3A_200 = arith.constant 0 : i32
        %dma_wait3A_201 = arith.constant 0 : i32
        %dma_wait3A_202 = tpu.memref_slice %arg13[%dma_wait3A_200, %dma_wait3A_201] : memref<10112x64xf32, #tpu.memory_space<vmem_shared>> -> memref<10112x64xf32, #tpu.memory_space<vmem_shared>>
        tpu.wait_indirect_dma semaphore(%arg31 : memref<!tpu.dma_semaphore, #tpu.memory_space<semaphore_mem>>) src(%arg21 : memref<128x64xf32, #tpu.memory_space<vmem>>) dst(%dma_wait3A_202 : memref<10112x64xf32, #tpu.memory_space<vmem_shared>>)
      }
      %scan3A_61 = arith.constant 4 : i32
    }
    %scan3A_12 = arith.constant 4 : i32
    %barrier3A_13 = arith.constant 0 : index
    tpu.barrier barrier_id(%barrier3A_13)
    %eq3A_14 = arith.constant 0 : i32
    %eq3A_15 = arith.cmpi eq, %arg0, %eq3A_14 : i32
    %convert_element_type3A_16 = arith.extui %eq3A_15 : i1 to i32
    %cond3A_17 = arith.constant 0 : i32
    %cond3A_18 = arith.cmpi ne, %convert_element_type3A_16, %cond3A_17 : i32
    scf.if %cond3A_18 {
      "tpu.region"() ({
        %run_scoped3A = tpu.sem_alloc : memref<!tpu.dma_semaphore, #tpu.memory_space<semaphore_mem>>
        %dma_start3A = arith.constant 0 : i32
        %dma_start3A_52 = tpu.memref_slice %arg9[%mul3A_0, %dma_start3A] : memref<10112x64xf32, #tpu.memory_space<hbm>> -> memref<632x64xf32, #tpu.memory_space<hbm>>
        %dma_start3A_53 = arith.constant 0 : i32
        %dma_start3A_54 = tpu.memref_slice %arg13[%mul3A_0, %dma_start3A_53] : memref<10112x64xf32, #tpu.memory_space<vmem_shared>> -> memref<632x64xf32, #tpu.memory_space<vmem_shared>>
        tpu.enqueue_dma source(%dma_start3A_54 : memref<632x64xf32, #tpu.memory_space<vmem_shared>>) target(%dma_start3A_52 : memref<632x64xf32, #tpu.memory_space<hbm>>) target_semaphore(%run_scoped3A : memref<!tpu.dma_semaphore, #tpu.memory_space<semaphore_mem>>)
        %dma_wait3A = arith.constant 0 : i32
        %dma_wait3A_55 = tpu.memref_slice %arg9[%mul3A_0, %dma_wait3A] : memref<10112x64xf32, #tpu.memory_space<hbm>> -> memref<632x64xf32, #tpu.memory_space<hbm>>
        %dma_wait3A_56 = arith.constant 0 : i32
        %dma_wait3A_57 = tpu.memref_slice %arg13[%mul3A_0, %dma_wait3A_56] : memref<10112x64xf32, #tpu.memory_space<vmem_shared>> -> memref<632x64xf32, #tpu.memory_space<vmem_shared>>
        tpu.wait_dma2 semaphore(%run_scoped3A : memref<!tpu.dma_semaphore, #tpu.memory_space<semaphore_mem>>) src(%dma_wait3A_57 : memref<632x64xf32, #tpu.memory_space<vmem_shared>>) dst(%dma_wait3A_55 : memref<632x64xf32, #tpu.memory_space<hbm>>)
        tpu.yield
      }) : () -> ()
    } else {
    }
    %eq3A_19 = arith.constant 1 : i32
    %eq3A_20 = arith.cmpi eq, %arg0, %eq3A_19 : i32
    %convert_element_type3A_21 = arith.extui %eq3A_20 : i1 to i32
    %cond3A_22 = arith.constant 0 : i32
    %cond3A_23 = arith.cmpi ne, %convert_element_type3A_21, %cond3A_22 : i32
    scf.if %cond3A_23 {
      "tpu.region"() ({
        %run_scoped3A = tpu.sem_alloc : memref<!tpu.dma_semaphore, #tpu.memory_space<semaphore_mem>>
        %dma_start3A = arith.constant 0 : i32
        %dma_start3A_52 = tpu.memref_slice %arg11[%mul3A_0, %dma_start3A] : memref<10112x64xf32, #tpu.memory_space<hbm>> -> memref<632x64xf32, #tpu.memory_space<hbm>>
        %dma_start3A_53 = arith.constant 0 : i32
        %dma_start3A_54 = tpu.memref_slice %arg13[%mul3A_0, %dma_start3A_53] : memref<10112x64xf32, #tpu.memory_space<vmem_shared>> -> memref<632x64xf32, #tpu.memory_space<vmem_shared>>
        tpu.enqueue_dma source(%dma_start3A_54 : memref<632x64xf32, #tpu.memory_space<vmem_shared>>) target(%dma_start3A_52 : memref<632x64xf32, #tpu.memory_space<hbm>>) target_semaphore(%run_scoped3A : memref<!tpu.dma_semaphore, #tpu.memory_space<semaphore_mem>>)
        %dma_wait3A = arith.constant 0 : i32
        %dma_wait3A_55 = tpu.memref_slice %arg11[%mul3A_0, %dma_wait3A] : memref<10112x64xf32, #tpu.memory_space<hbm>> -> memref<632x64xf32, #tpu.memory_space<hbm>>
        %dma_wait3A_56 = arith.constant 0 : i32
        %dma_wait3A_57 = tpu.memref_slice %arg13[%mul3A_0, %dma_wait3A_56] : memref<10112x64xf32, #tpu.memory_space<vmem_shared>> -> memref<632x64xf32, #tpu.memory_space<vmem_shared>>
        tpu.wait_dma2 semaphore(%run_scoped3A : memref<!tpu.dma_semaphore, #tpu.memory_space<semaphore_mem>>) src(%dma_wait3A_57 : memref<632x64xf32, #tpu.memory_space<vmem_shared>>) dst(%dma_wait3A_55 : memref<632x64xf32, #tpu.memory_space<hbm>>)
        tpu.yield
      }) : () -> ()
    } else {
    }
    "tpu.region"() ({
      %run_scoped3A = tpu.sem_alloc : memref<!tpu.dma_semaphore, #tpu.memory_space<semaphore_mem>>
      %dma_start3A = arith.constant 0 : i32
      %dma_start3A_52 = tpu.memref_slice %arg13[%mul3A_0, %dma_start3A] : memref<10112x64xf32, #tpu.memory_space<vmem_shared>> -> memref<632x64xf32, #tpu.memory_space<vmem_shared>>
      %dma_start3A_53 = arith.constant 0 : i32
      %dma_start3A_54 = tpu.memref_slice %arg6[%mul3A_0, %dma_start3A_53] : memref<10112x64xf32, #tpu.memory_space<hbm>> -> memref<632x64xf32, #tpu.memory_space<hbm>>
      tpu.enqueue_dma source(%dma_start3A_54 : memref<632x64xf32, #tpu.memory_space<hbm>>) target(%dma_start3A_52 : memref<632x64xf32, #tpu.memory_space<vmem_shared>>) target_semaphore(%run_scoped3A : memref<!tpu.dma_semaphore, #tpu.memory_space<semaphore_mem>>)
      %dma_wait3A = arith.constant 0 : i32
      %dma_wait3A_55 = tpu.memref_slice %arg13[%mul3A_0, %dma_wait3A] : memref<10112x64xf32, #tpu.memory_space<vmem_shared>> -> memref<632x64xf32, #tpu.memory_space<vmem_shared>>
      %dma_wait3A_56 = arith.constant 0 : i32
      %dma_wait3A_57 = tpu.memref_slice %arg6[%mul3A_0, %dma_wait3A_56] : memref<10112x64xf32, #tpu.memory_space<hbm>> -> memref<632x64xf32, #tpu.memory_space<hbm>>
      tpu.wait_dma2 semaphore(%run_scoped3A : memref<!tpu.dma_semaphore, #tpu.memory_space<semaphore_mem>>) src(%dma_wait3A_57 : memref<632x64xf32, #tpu.memory_space<hbm>>) dst(%dma_wait3A_55 : memref<632x64xf32, #tpu.memory_space<vmem_shared>>)
      tpu.yield
    }) : () -> ()
    %eq3A_24 = arith.constant 0 : i32
    %eq3A_25 = arith.cmpi eq, %arg0, %eq3A_24 : i32
    %convert_element_type3A_26 = arith.extui %eq3A_25 : i1 to i32
    %cond3A_27 = arith.constant 0 : i32
    %cond3A_28 = arith.cmpi ne, %convert_element_type3A_26, %cond3A_27 : i32
    scf.if %cond3A_28 {
      "tpu.region"() ({
        %run_scoped3A = tpu.sem_alloc : memref<!tpu.dma_semaphore, #tpu.memory_space<semaphore_mem>>
        %dma_start3A = arith.constant 0 : i32
        %dma_start3A_52 = tpu.memref_slice %arg14[%mul3A_0, %dma_start3A] : memref<10112x64xf32, #tpu.memory_space<vmem_shared>> -> memref<632x64xf32, #tpu.memory_space<vmem_shared>>
        %dma_start3A_53 = arith.constant 0 : i32
        %dma_start3A_54 = tpu.memref_slice %arg3[%mul3A_0, %dma_start3A_53] : memref<10112x64xf32, #tpu.memory_space<hbm>> -> memref<632x64xf32, #tpu.memory_space<hbm>>
        tpu.enqueue_dma source(%dma_start3A_54 : memref<632x64xf32, #tpu.memory_space<hbm>>) target(%dma_start3A_52 : memref<632x64xf32, #tpu.memory_space<vmem_shared>>) target_semaphore(%run_scoped3A : memref<!tpu.dma_semaphore, #tpu.memory_space<semaphore_mem>>)
        %dma_wait3A = arith.constant 0 : i32
        %dma_wait3A_55 = tpu.memref_slice %arg14[%mul3A_0, %dma_wait3A] : memref<10112x64xf32, #tpu.memory_space<vmem_shared>> -> memref<632x64xf32, #tpu.memory_space<vmem_shared>>
        %dma_wait3A_56 = arith.constant 0 : i32
        %dma_wait3A_57 = tpu.memref_slice %arg3[%mul3A_0, %dma_wait3A_56] : memref<10112x64xf32, #tpu.memory_space<hbm>> -> memref<632x64xf32, #tpu.memory_space<hbm>>
        tpu.wait_dma2 semaphore(%run_scoped3A : memref<!tpu.dma_semaphore, #tpu.memory_space<semaphore_mem>>) src(%dma_wait3A_57 : memref<632x64xf32, #tpu.memory_space<hbm>>) dst(%dma_wait3A_55 : memref<632x64xf32, #tpu.memory_space<vmem_shared>>)
        tpu.yield
      }) : () -> ()
    } else {
    }
    %eq3A_29 = arith.constant 1 : i32
    %eq3A_30 = arith.cmpi eq, %arg0, %eq3A_29 : i32
    %convert_element_type3A_31 = arith.extui %eq3A_30 : i1 to i32
    %cond3A_32 = arith.constant 0 : i32
    %cond3A_33 = arith.cmpi ne, %convert_element_type3A_31, %cond3A_32 : i32
    scf.if %cond3A_33 {
      "tpu.region"() ({
        %run_scoped3A = tpu.sem_alloc : memref<!tpu.dma_semaphore, #tpu.memory_space<semaphore_mem>>
        %dma_start3A = arith.constant 0 : i32
        %dma_start3A_52 = tpu.memref_slice %arg14[%mul3A_0, %dma_start3A] : memref<10112x64xf32, #tpu.memory_space<vmem_shared>> -> memref<632x64xf32, #tpu.memory_space<vmem_shared>>
        %dma_start3A_53 = arith.constant 0 : i32
        %dma_start3A_54 = tpu.memref_slice %arg5[%mul3A_0, %dma_start3A_53] : memref<10112x64xf32, #tpu.memory_space<hbm>> -> memref<632x64xf32, #tpu.memory_space<hbm>>
        tpu.enqueue_dma source(%dma_start3A_54 : memref<632x64xf32, #tpu.memory_space<hbm>>) target(%dma_start3A_52 : memref<632x64xf32, #tpu.memory_space<vmem_shared>>) target_semaphore(%run_scoped3A : memref<!tpu.dma_semaphore, #tpu.memory_space<semaphore_mem>>)
        %dma_wait3A = arith.constant 0 : i32
        %dma_wait3A_55 = tpu.memref_slice %arg14[%mul3A_0, %dma_wait3A] : memref<10112x64xf32, #tpu.memory_space<vmem_shared>> -> memref<632x64xf32, #tpu.memory_space<vmem_shared>>
        %dma_wait3A_56 = arith.constant 0 : i32
        %dma_wait3A_57 = tpu.memref_slice %arg5[%mul3A_0, %dma_wait3A_56] : memref<10112x64xf32, #tpu.memory_space<hbm>> -> memref<632x64xf32, #tpu.memory_space<hbm>>
        tpu.wait_dma2 semaphore(%run_scoped3A : memref<!tpu.dma_semaphore, #tpu.memory_space<semaphore_mem>>) src(%dma_wait3A_57 : memref<632x64xf32, #tpu.memory_space<hbm>>) dst(%dma_wait3A_55 : memref<632x64xf32, #tpu.memory_space<vmem_shared>>)
        tpu.yield
      }) : () -> ()
    } else {
    }
    %barrier3A_34 = arith.constant 0 : index
    tpu.barrier barrier_id(%barrier3A_34)
    %scan3A_35 = arith.constant 0 : i32
    %scan3A_36 = arith.constant 0 : i32
    %scan3A_37 = arith.constant 4 : i32
    %scan3A_38 = arith.addi %scan3A_36, %scan3A_37 : i32
    %scan3A_39 = arith.constant 1 : i32
    scf.for %scan3A_52 = %scan3A_36 to %scan3A_38 step %scan3A_39  : i32 {
      %mul3A_53 = arith.constant 80 : i32
      %mul3A_54 = arith.muli %arg1, %mul3A_53 : i32
      %mul3A_55 = arith.constant 20 : i32
      %mul3A_56 = arith.muli %scan3A_52, %mul3A_55 : i32
      %add3A = arith.addi %mul3A_54, %mul3A_56 : i32
      "tpu.region"() ({
        %run_scoped3A = tpu.sem_alloc : memref<!tpu.dma_semaphore, #tpu.memory_space<semaphore_mem>>
        %dma_start3A = arith.constant 0 : i32
        %dma_start3A_62 = tpu.memref_slice %arg7[%add3A, %dma_start3A] : memref<1280x128xi32, #tpu.memory_space<hbm>> -> memref<20x128xi32, #tpu.memory_space<hbm>>
        %dma_start3A_63 = arith.constant 0 : i32
        %dma_start3A_64 = tpu.memref_slice %arg7[%add3A, %dma_start3A_63] : memref<1280x128xi32, #tpu.memory_space<hbm>> -> memref<20x128xi32, #tpu.memory_space<hbm>>
        tpu.enqueue_dma source(%dma_start3A_64 : memref<20x128xi32, #tpu.memory_space<hbm>>) target(%arg15 : memref<20x128xi32, #tpu.memory_space<vmem>>) target_semaphore(%run_scoped3A : memref<!tpu.dma_semaphore, #tpu.memory_space<semaphore_mem>>)
        %dma_wait3A = arith.constant 0 : i32
        %dma_wait3A_65 = tpu.memref_slice %arg7[%add3A, %dma_wait3A] : memref<1280x128xi32, #tpu.memory_space<hbm>> -> memref<20x128xi32, #tpu.memory_space<hbm>>
        %dma_wait3A_66 = arith.constant 0 : i32
        %dma_wait3A_67 = tpu.memref_slice %arg7[%add3A, %dma_wait3A_66] : memref<1280x128xi32, #tpu.memory_space<hbm>> -> memref<20x128xi32, #tpu.memory_space<hbm>>
        tpu.wait_dma2 semaphore(%run_scoped3A : memref<!tpu.dma_semaphore, #tpu.memory_space<semaphore_mem>>) src(%dma_wait3A_67 : memref<20x128xi32, #tpu.memory_space<hbm>>) dst(%arg15 : memref<20x128xi32, #tpu.memory_space<vmem>>)
        tpu.yield
      }) : () -> ()
      "tpu.region"() ({
        %run_scoped3A = tpu.sem_alloc : memref<!tpu.dma_semaphore, #tpu.memory_space<semaphore_mem>>
        %dma_start3A = arith.constant 0 : i32
        %dma_start3A_62 = tpu.memref_slice %arg8[%add3A, %dma_start3A] : memref<1280x128xi32, #tpu.memory_space<hbm>> -> memref<20x128xi32, #tpu.memory_space<hbm>>
        %dma_start3A_63 = arith.constant 0 : i32
        %dma_start3A_64 = tpu.memref_slice %arg8[%add3A, %dma_start3A_63] : memref<1280x128xi32, #tpu.memory_space<hbm>> -> memref<20x128xi32, #tpu.memory_space<hbm>>
        tpu.enqueue_dma source(%dma_start3A_64 : memref<20x128xi32, #tpu.memory_space<hbm>>) target(%arg16 : memref<20x128xi32, #tpu.memory_space<vmem>>) target_semaphore(%run_scoped3A : memref<!tpu.dma_semaphore, #tpu.memory_space<semaphore_mem>>)
        %dma_wait3A = arith.constant 0 : i32
        %dma_wait3A_65 = tpu.memref_slice %arg8[%add3A, %dma_wait3A] : memref<1280x128xi32, #tpu.memory_space<hbm>> -> memref<20x128xi32, #tpu.memory_space<hbm>>
        %dma_wait3A_66 = arith.constant 0 : i32
        %dma_wait3A_67 = tpu.memref_slice %arg8[%add3A, %dma_wait3A_66] : memref<1280x128xi32, #tpu.memory_space<hbm>> -> memref<20x128xi32, #tpu.memory_space<hbm>>
        tpu.wait_dma2 semaphore(%run_scoped3A : memref<!tpu.dma_semaphore, #tpu.memory_space<semaphore_mem>>) src(%dma_wait3A_67 : memref<20x128xi32, #tpu.memory_space<hbm>>) dst(%arg16 : memref<20x128xi32, #tpu.memory_space<vmem>>)
        tpu.yield
      }) : () -> ()
      %scan3A_57 = arith.constant 0 : i32
      %scan3A_58 = arith.constant 4 : i32
      %scan3A_59 = arith.addi %scan3A_57, %scan3A_58 : i32
      %scan3A_60 = arith.constant 1 : i32
      scf.for %scan3A_62 = %scan3A_57 to %scan3A_59 step %scan3A_60  : i32 {
        %mul3A_63 = arith.constant 5 : i32
        %mul3A_64 = arith.muli %scan3A_62, %mul3A_63 : i32
        %add3A_65 = arith.constant 0 : i32
        %add3A_66 = arith.addi %mul3A_64, %add3A_65 : i32
        %dma_start3A = arith.constant 0 : i32
        %dma_start3A_67 = tpu.memref_slice %arg15[%add3A_66, %dma_start3A] : memref<20x128xi32, #tpu.memory_space<vmem>> -> memref<1x128xi32, #tpu.memory_space<vmem>>
        %dma_start3A_68 = tpu.memref_squeeze %dma_start3A_67 : memref<1x128xi32, #tpu.memory_space<vmem>> -> memref<128xi32, #tpu.memory_space<vmem>>
        %dma_start3A_69 = arith.constant 0 : i32
        %dma_start3A_70 = arith.constant 0 : i32
        %dma_start3A_71 = tpu.memref_slice %arg14[%dma_start3A_69, %dma_start3A_70] : memref<10112x64xf32, #tpu.memory_space<vmem_shared>> -> memref<10112x64xf32, #tpu.memory_space<vmem_shared>>
        tpu.enqueue_indirect_dma source(%dma_start3A_71 : memref<10112x64xf32, #tpu.memory_space<vmem_shared>>) target(%arg17 : memref<128x64xf32, #tpu.memory_space<vmem>>) offsets(%dma_start3A_68 : memref<128xi32, #tpu.memory_space<vmem>>) semaphore(%arg22 : memref<!tpu.dma_semaphore, #tpu.memory_space<semaphore_mem>>)
        %add3A_72 = arith.constant 1 : i32
        %add3A_73 = arith.addi %mul3A_64, %add3A_72 : i32
        %dma_start3A_74 = arith.constant 0 : i32
        %dma_start3A_75 = tpu.memref_slice %arg15[%add3A_73, %dma_start3A_74] : memref<20x128xi32, #tpu.memory_space<vmem>> -> memref<1x128xi32, #tpu.memory_space<vmem>>
        %dma_start3A_76 = tpu.memref_squeeze %dma_start3A_75 : memref<1x128xi32, #tpu.memory_space<vmem>> -> memref<128xi32, #tpu.memory_space<vmem>>
        %dma_start3A_77 = arith.constant 0 : i32
        %dma_start3A_78 = arith.constant 0 : i32
        %dma_start3A_79 = tpu.memref_slice %arg14[%dma_start3A_77, %dma_start3A_78] : memref<10112x64xf32, #tpu.memory_space<vmem_shared>> -> memref<10112x64xf32, #tpu.memory_space<vmem_shared>>
        tpu.enqueue_indirect_dma source(%dma_start3A_79 : memref<10112x64xf32, #tpu.memory_space<vmem_shared>>) target(%arg18 : memref<128x64xf32, #tpu.memory_space<vmem>>) offsets(%dma_start3A_76 : memref<128xi32, #tpu.memory_space<vmem>>) semaphore(%arg23 : memref<!tpu.dma_semaphore, #tpu.memory_space<semaphore_mem>>)
        %add3A_80 = arith.constant 2 : i32
        %add3A_81 = arith.addi %mul3A_64, %add3A_80 : i32
        %dma_start3A_82 = arith.constant 0 : i32
        %dma_start3A_83 = tpu.memref_slice %arg15[%add3A_81, %dma_start3A_82] : memref<20x128xi32, #tpu.memory_space<vmem>> -> memref<1x128xi32, #tpu.memory_space<vmem>>
        %dma_start3A_84 = tpu.memref_squeeze %dma_start3A_83 : memref<1x128xi32, #tpu.memory_space<vmem>> -> memref<128xi32, #tpu.memory_space<vmem>>
        %dma_start3A_85 = arith.constant 0 : i32
        %dma_start3A_86 = arith.constant 0 : i32
        %dma_start3A_87 = tpu.memref_slice %arg14[%dma_start3A_85, %dma_start3A_86] : memref<10112x64xf32, #tpu.memory_space<vmem_shared>> -> memref<10112x64xf32, #tpu.memory_space<vmem_shared>>
        tpu.enqueue_indirect_dma source(%dma_start3A_87 : memref<10112x64xf32, #tpu.memory_space<vmem_shared>>) target(%arg19 : memref<128x64xf32, #tpu.memory_space<vmem>>) offsets(%dma_start3A_84 : memref<128xi32, #tpu.memory_space<vmem>>) semaphore(%arg24 : memref<!tpu.dma_semaphore, #tpu.memory_space<semaphore_mem>>)
        %add3A_88 = arith.constant 3 : i32
        %add3A_89 = arith.addi %mul3A_64, %add3A_88 : i32
        %dma_start3A_90 = arith.constant 0 : i32
        %dma_start3A_91 = tpu.memref_slice %arg15[%add3A_89, %dma_start3A_90] : memref<20x128xi32, #tpu.memory_space<vmem>> -> memref<1x128xi32, #tpu.memory_space<vmem>>
        %dma_start3A_92 = tpu.memref_squeeze %dma_start3A_91 : memref<1x128xi32, #tpu.memory_space<vmem>> -> memref<128xi32, #tpu.memory_space<vmem>>
        %dma_start3A_93 = arith.constant 0 : i32
        %dma_start3A_94 = arith.constant 0 : i32
        %dma_start3A_95 = tpu.memref_slice %arg14[%dma_start3A_93, %dma_start3A_94] : memref<10112x64xf32, #tpu.memory_space<vmem_shared>> -> memref<10112x64xf32, #tpu.memory_space<vmem_shared>>
        tpu.enqueue_indirect_dma source(%dma_start3A_95 : memref<10112x64xf32, #tpu.memory_space<vmem_shared>>) target(%arg20 : memref<128x64xf32, #tpu.memory_space<vmem>>) offsets(%dma_start3A_92 : memref<128xi32, #tpu.memory_space<vmem>>) semaphore(%arg25 : memref<!tpu.dma_semaphore, #tpu.memory_space<semaphore_mem>>)
        %add3A_96 = arith.constant 4 : i32
        %add3A_97 = arith.addi %mul3A_64, %add3A_96 : i32
        %dma_start3A_98 = arith.constant 0 : i32
        %dma_start3A_99 = tpu.memref_slice %arg15[%add3A_97, %dma_start3A_98] : memref<20x128xi32, #tpu.memory_space<vmem>> -> memref<1x128xi32, #tpu.memory_space<vmem>>
        %dma_start3A_100 = tpu.memref_squeeze %dma_start3A_99 : memref<1x128xi32, #tpu.memory_space<vmem>> -> memref<128xi32, #tpu.memory_space<vmem>>
        %dma_start3A_101 = arith.constant 0 : i32
        %dma_start3A_102 = arith.constant 0 : i32
        %dma_start3A_103 = tpu.memref_slice %arg14[%dma_start3A_101, %dma_start3A_102] : memref<10112x64xf32, #tpu.memory_space<vmem_shared>> -> memref<10112x64xf32, #tpu.memory_space<vmem_shared>>
        tpu.enqueue_indirect_dma source(%dma_start3A_103 : memref<10112x64xf32, #tpu.memory_space<vmem_shared>>) target(%arg21 : memref<128x64xf32, #tpu.memory_space<vmem>>) offsets(%dma_start3A_100 : memref<128xi32, #tpu.memory_space<vmem>>) semaphore(%arg26 : memref<!tpu.dma_semaphore, #tpu.memory_space<semaphore_mem>>)
        %dma_wait3A = arith.constant 0 : i32
        %dma_wait3A_104 = tpu.memref_slice %arg15[%add3A_66, %dma_wait3A] : memref<20x128xi32, #tpu.memory_space<vmem>> -> memref<1x128xi32, #tpu.memory_space<vmem>>
        %dma_wait3A_105 = tpu.memref_squeeze %dma_wait3A_104 : memref<1x128xi32, #tpu.memory_space<vmem>> -> memref<128xi32, #tpu.memory_space<vmem>>
        %dma_wait3A_106 = arith.constant 0 : i32
        %dma_wait3A_107 = arith.constant 0 : i32
        %dma_wait3A_108 = tpu.memref_slice %arg14[%dma_wait3A_106, %dma_wait3A_107] : memref<10112x64xf32, #tpu.memory_space<vmem_shared>> -> memref<10112x64xf32, #tpu.memory_space<vmem_shared>>
        tpu.wait_indirect_dma semaphore(%arg22 : memref<!tpu.dma_semaphore, #tpu.memory_space<semaphore_mem>>) src(%dma_wait3A_108 : memref<10112x64xf32, #tpu.memory_space<vmem_shared>>) dst(%arg17 : memref<128x64xf32, #tpu.memory_space<vmem>>)
        %add3A_109 = arith.constant 0 : i32
        %add3A_110 = arith.addi %mul3A_64, %add3A_109 : i32
        %dma_start3A_111 = arith.constant 0 : i32
        %dma_start3A_112 = tpu.memref_slice %arg16[%add3A_110, %dma_start3A_111] : memref<20x128xi32, #tpu.memory_space<vmem>> -> memref<1x128xi32, #tpu.memory_space<vmem>>
        %dma_start3A_113 = tpu.memref_squeeze %dma_start3A_112 : memref<1x128xi32, #tpu.memory_space<vmem>> -> memref<128xi32, #tpu.memory_space<vmem>>
        %dma_start3A_114 = arith.constant 0 : i32
        %dma_start3A_115 = arith.constant 0 : i32
        %dma_start3A_116 = tpu.memref_slice %arg13[%dma_start3A_114, %dma_start3A_115] : memref<10112x64xf32, #tpu.memory_space<vmem_shared>> -> memref<10112x64xf32, #tpu.memory_space<vmem_shared>>
        tpu.enqueue_indirect_dma source(%arg17 : memref<128x64xf32, #tpu.memory_space<vmem>>) target(%dma_start3A_116 : memref<10112x64xf32, #tpu.memory_space<vmem_shared>>) offsets(%dma_start3A_113 : memref<128xi32, #tpu.memory_space<vmem>>) semaphore(%arg27 : memref<!tpu.dma_semaphore, #tpu.memory_space<semaphore_mem>>) {add = true}
        %dma_wait3A_117 = arith.constant 0 : i32
        %dma_wait3A_118 = tpu.memref_slice %arg15[%add3A_73, %dma_wait3A_117] : memref<20x128xi32, #tpu.memory_space<vmem>> -> memref<1x128xi32, #tpu.memory_space<vmem>>
        %dma_wait3A_119 = tpu.memref_squeeze %dma_wait3A_118 : memref<1x128xi32, #tpu.memory_space<vmem>> -> memref<128xi32, #tpu.memory_space<vmem>>
        %dma_wait3A_120 = arith.constant 0 : i32
        %dma_wait3A_121 = arith.constant 0 : i32
        %dma_wait3A_122 = tpu.memref_slice %arg14[%dma_wait3A_120, %dma_wait3A_121] : memref<10112x64xf32, #tpu.memory_space<vmem_shared>> -> memref<10112x64xf32, #tpu.memory_space<vmem_shared>>
        tpu.wait_indirect_dma semaphore(%arg23 : memref<!tpu.dma_semaphore, #tpu.memory_space<semaphore_mem>>) src(%dma_wait3A_122 : memref<10112x64xf32, #tpu.memory_space<vmem_shared>>) dst(%arg18 : memref<128x64xf32, #tpu.memory_space<vmem>>)
        %add3A_123 = arith.constant 1 : i32
        %add3A_124 = arith.addi %mul3A_64, %add3A_123 : i32
        %dma_start3A_125 = arith.constant 0 : i32
        %dma_start3A_126 = tpu.memref_slice %arg16[%add3A_124, %dma_start3A_125] : memref<20x128xi32, #tpu.memory_space<vmem>> -> memref<1x128xi32, #tpu.memory_space<vmem>>
        %dma_start3A_127 = tpu.memref_squeeze %dma_start3A_126 : memref<1x128xi32, #tpu.memory_space<vmem>> -> memref<128xi32, #tpu.memory_space<vmem>>
        %dma_start3A_128 = arith.constant 0 : i32
        %dma_start3A_129 = arith.constant 0 : i32
        %dma_start3A_130 = tpu.memref_slice %arg13[%dma_start3A_128, %dma_start3A_129] : memref<10112x64xf32, #tpu.memory_space<vmem_shared>> -> memref<10112x64xf32, #tpu.memory_space<vmem_shared>>
        tpu.enqueue_indirect_dma source(%arg18 : memref<128x64xf32, #tpu.memory_space<vmem>>) target(%dma_start3A_130 : memref<10112x64xf32, #tpu.memory_space<vmem_shared>>) offsets(%dma_start3A_127 : memref<128xi32, #tpu.memory_space<vmem>>) semaphore(%arg28 : memref<!tpu.dma_semaphore, #tpu.memory_space<semaphore_mem>>) {add = true}
        %dma_wait3A_131 = arith.constant 0 : i32
        %dma_wait3A_132 = tpu.memref_slice %arg15[%add3A_81, %dma_wait3A_131] : memref<20x128xi32, #tpu.memory_space<vmem>> -> memref<1x128xi32, #tpu.memory_space<vmem>>
        %dma_wait3A_133 = tpu.memref_squeeze %dma_wait3A_132 : memref<1x128xi32, #tpu.memory_space<vmem>> -> memref<128xi32, #tpu.memory_space<vmem>>
        %dma_wait3A_134 = arith.constant 0 : i32
        %dma_wait3A_135 = arith.constant 0 : i32
        %dma_wait3A_136 = tpu.memref_slice %arg14[%dma_wait3A_134, %dma_wait3A_135] : memref<10112x64xf32, #tpu.memory_space<vmem_shared>> -> memref<10112x64xf32, #tpu.memory_space<vmem_shared>>
        tpu.wait_indirect_dma semaphore(%arg24 : memref<!tpu.dma_semaphore, #tpu.memory_space<semaphore_mem>>) src(%dma_wait3A_136 : memref<10112x64xf32, #tpu.memory_space<vmem_shared>>) dst(%arg19 : memref<128x64xf32, #tpu.memory_space<vmem>>)
        %add3A_137 = arith.constant 2 : i32
        %add3A_138 = arith.addi %mul3A_64, %add3A_137 : i32
        %dma_start3A_139 = arith.constant 0 : i32
        %dma_start3A_140 = tpu.memref_slice %arg16[%add3A_138, %dma_start3A_139] : memref<20x128xi32, #tpu.memory_space<vmem>> -> memref<1x128xi32, #tpu.memory_space<vmem>>
        %dma_start3A_141 = tpu.memref_squeeze %dma_start3A_140 : memref<1x128xi32, #tpu.memory_space<vmem>> -> memref<128xi32, #tpu.memory_space<vmem>>
        %dma_start3A_142 = arith.constant 0 : i32
        %dma_start3A_143 = arith.constant 0 : i32
        %dma_start3A_144 = tpu.memref_slice %arg13[%dma_start3A_142, %dma_start3A_143] : memref<10112x64xf32, #tpu.memory_space<vmem_shared>> -> memref<10112x64xf32, #tpu.memory_space<vmem_shared>>
        tpu.enqueue_indirect_dma source(%arg19 : memref<128x64xf32, #tpu.memory_space<vmem>>) target(%dma_start3A_144 : memref<10112x64xf32, #tpu.memory_space<vmem_shared>>) offsets(%dma_start3A_141 : memref<128xi32, #tpu.memory_space<vmem>>) semaphore(%arg29 : memref<!tpu.dma_semaphore, #tpu.memory_space<semaphore_mem>>) {add = true}
        %dma_wait3A_145 = arith.constant 0 : i32
        %dma_wait3A_146 = tpu.memref_slice %arg15[%add3A_89, %dma_wait3A_145] : memref<20x128xi32, #tpu.memory_space<vmem>> -> memref<1x128xi32, #tpu.memory_space<vmem>>
        %dma_wait3A_147 = tpu.memref_squeeze %dma_wait3A_146 : memref<1x128xi32, #tpu.memory_space<vmem>> -> memref<128xi32, #tpu.memory_space<vmem>>
        %dma_wait3A_148 = arith.constant 0 : i32
        %dma_wait3A_149 = arith.constant 0 : i32
        %dma_wait3A_150 = tpu.memref_slice %arg14[%dma_wait3A_148, %dma_wait3A_149] : memref<10112x64xf32, #tpu.memory_space<vmem_shared>> -> memref<10112x64xf32, #tpu.memory_space<vmem_shared>>
        tpu.wait_indirect_dma semaphore(%arg25 : memref<!tpu.dma_semaphore, #tpu.memory_space<semaphore_mem>>) src(%dma_wait3A_150 : memref<10112x64xf32, #tpu.memory_space<vmem_shared>>) dst(%arg20 : memref<128x64xf32, #tpu.memory_space<vmem>>)
        %add3A_151 = arith.constant 3 : i32
        %add3A_152 = arith.addi %mul3A_64, %add3A_151 : i32
        %dma_start3A_153 = arith.constant 0 : i32
        %dma_start3A_154 = tpu.memref_slice %arg16[%add3A_152, %dma_start3A_153] : memref<20x128xi32, #tpu.memory_space<vmem>> -> memref<1x128xi32, #tpu.memory_space<vmem>>
        %dma_start3A_155 = tpu.memref_squeeze %dma_start3A_154 : memref<1x128xi32, #tpu.memory_space<vmem>> -> memref<128xi32, #tpu.memory_space<vmem>>
        %dma_start3A_156 = arith.constant 0 : i32
        %dma_start3A_157 = arith.constant 0 : i32
        %dma_start3A_158 = tpu.memref_slice %arg13[%dma_start3A_156, %dma_start3A_157] : memref<10112x64xf32, #tpu.memory_space<vmem_shared>> -> memref<10112x64xf32, #tpu.memory_space<vmem_shared>>
        tpu.enqueue_indirect_dma source(%arg20 : memref<128x64xf32, #tpu.memory_space<vmem>>) target(%dma_start3A_158 : memref<10112x64xf32, #tpu.memory_space<vmem_shared>>) offsets(%dma_start3A_155 : memref<128xi32, #tpu.memory_space<vmem>>) semaphore(%arg30 : memref<!tpu.dma_semaphore, #tpu.memory_space<semaphore_mem>>) {add = true}
        %dma_wait3A_159 = arith.constant 0 : i32
        %dma_wait3A_160 = tpu.memref_slice %arg15[%add3A_97, %dma_wait3A_159] : memref<20x128xi32, #tpu.memory_space<vmem>> -> memref<1x128xi32, #tpu.memory_space<vmem>>
        %dma_wait3A_161 = tpu.memref_squeeze %dma_wait3A_160 : memref<1x128xi32, #tpu.memory_space<vmem>> -> memref<128xi32, #tpu.memory_space<vmem>>
        %dma_wait3A_162 = arith.constant 0 : i32
        %dma_wait3A_163 = arith.constant 0 : i32
        %dma_wait3A_164 = tpu.memref_slice %arg14[%dma_wait3A_162, %dma_wait3A_163] : memref<10112x64xf32, #tpu.memory_space<vmem_shared>> -> memref<10112x64xf32, #tpu.memory_space<vmem_shared>>
        tpu.wait_indirect_dma semaphore(%arg26 : memref<!tpu.dma_semaphore, #tpu.memory_space<semaphore_mem>>) src(%dma_wait3A_164 : memref<10112x64xf32, #tpu.memory_space<vmem_shared>>) dst(%arg21 : memref<128x64xf32, #tpu.memory_space<vmem>>)
        %add3A_165 = arith.constant 4 : i32
        %add3A_166 = arith.addi %mul3A_64, %add3A_165 : i32
        %dma_start3A_167 = arith.constant 0 : i32
        %dma_start3A_168 = tpu.memref_slice %arg16[%add3A_166, %dma_start3A_167] : memref<20x128xi32, #tpu.memory_space<vmem>> -> memref<1x128xi32, #tpu.memory_space<vmem>>
        %dma_start3A_169 = tpu.memref_squeeze %dma_start3A_168 : memref<1x128xi32, #tpu.memory_space<vmem>> -> memref<128xi32, #tpu.memory_space<vmem>>
        %dma_start3A_170 = arith.constant 0 : i32
        %dma_start3A_171 = arith.constant 0 : i32
        %dma_start3A_172 = tpu.memref_slice %arg13[%dma_start3A_170, %dma_start3A_171] : memref<10112x64xf32, #tpu.memory_space<vmem_shared>> -> memref<10112x64xf32, #tpu.memory_space<vmem_shared>>
        tpu.enqueue_indirect_dma source(%arg21 : memref<128x64xf32, #tpu.memory_space<vmem>>) target(%dma_start3A_172 : memref<10112x64xf32, #tpu.memory_space<vmem_shared>>) offsets(%dma_start3A_169 : memref<128xi32, #tpu.memory_space<vmem>>) semaphore(%arg31 : memref<!tpu.dma_semaphore, #tpu.memory_space<semaphore_mem>>) {add = true}
        %dma_wait3A_173 = arith.constant 0 : i32
        %dma_wait3A_174 = tpu.memref_slice %arg16[%add3A_110, %dma_wait3A_173] : memref<20x128xi32, #tpu.memory_space<vmem>> -> memref<1x128xi32, #tpu.memory_space<vmem>>
        %dma_wait3A_175 = tpu.memref_squeeze %dma_wait3A_174 : memref<1x128xi32, #tpu.memory_space<vmem>> -> memref<128xi32, #tpu.memory_space<vmem>>
        %dma_wait3A_176 = arith.constant 0 : i32
        %dma_wait3A_177 = arith.constant 0 : i32
        %dma_wait3A_178 = tpu.memref_slice %arg13[%dma_wait3A_176, %dma_wait3A_177] : memref<10112x64xf32, #tpu.memory_space<vmem_shared>> -> memref<10112x64xf32, #tpu.memory_space<vmem_shared>>
        tpu.wait_indirect_dma semaphore(%arg27 : memref<!tpu.dma_semaphore, #tpu.memory_space<semaphore_mem>>) src(%arg17 : memref<128x64xf32, #tpu.memory_space<vmem>>) dst(%dma_wait3A_178 : memref<10112x64xf32, #tpu.memory_space<vmem_shared>>)
        %dma_wait3A_179 = arith.constant 0 : i32
        %dma_wait3A_180 = tpu.memref_slice %arg16[%add3A_124, %dma_wait3A_179] : memref<20x128xi32, #tpu.memory_space<vmem>> -> memref<1x128xi32, #tpu.memory_space<vmem>>
        %dma_wait3A_181 = tpu.memref_squeeze %dma_wait3A_180 : memref<1x128xi32, #tpu.memory_space<vmem>> -> memref<128xi32, #tpu.memory_space<vmem>>
        %dma_wait3A_182 = arith.constant 0 : i32
        %dma_wait3A_183 = arith.constant 0 : i32
        %dma_wait3A_184 = tpu.memref_slice %arg13[%dma_wait3A_182, %dma_wait3A_183] : memref<10112x64xf32, #tpu.memory_space<vmem_shared>> -> memref<10112x64xf32, #tpu.memory_space<vmem_shared>>
        tpu.wait_indirect_dma semaphore(%arg28 : memref<!tpu.dma_semaphore, #tpu.memory_space<semaphore_mem>>) src(%arg18 : memref<128x64xf32, #tpu.memory_space<vmem>>) dst(%dma_wait3A_184 : memref<10112x64xf32, #tpu.memory_space<vmem_shared>>)
        %dma_wait3A_185 = arith.constant 0 : i32
        %dma_wait3A_186 = tpu.memref_slice %arg16[%add3A_138, %dma_wait3A_185] : memref<20x128xi32, #tpu.memory_space<vmem>> -> memref<1x128xi32, #tpu.memory_space<vmem>>
        %dma_wait3A_187 = tpu.memref_squeeze %dma_wait3A_186 : memref<1x128xi32, #tpu.memory_space<vmem>> -> memref<128xi32, #tpu.memory_space<vmem>>
        %dma_wait3A_188 = arith.constant 0 : i32
        %dma_wait3A_189 = arith.constant 0 : i32
        %dma_wait3A_190 = tpu.memref_slice %arg13[%dma_wait3A_188, %dma_wait3A_189] : memref<10112x64xf32, #tpu.memory_space<vmem_shared>> -> memref<10112x64xf32, #tpu.memory_space<vmem_shared>>
        tpu.wait_indirect_dma semaphore(%arg29 : memref<!tpu.dma_semaphore, #tpu.memory_space<semaphore_mem>>) src(%arg19 : memref<128x64xf32, #tpu.memory_space<vmem>>) dst(%dma_wait3A_190 : memref<10112x64xf32, #tpu.memory_space<vmem_shared>>)
        %dma_wait3A_191 = arith.constant 0 : i32
        %dma_wait3A_192 = tpu.memref_slice %arg16[%add3A_152, %dma_wait3A_191] : memref<20x128xi32, #tpu.memory_space<vmem>> -> memref<1x128xi32, #tpu.memory_space<vmem>>
        %dma_wait3A_193 = tpu.memref_squeeze %dma_wait3A_192 : memref<1x128xi32, #tpu.memory_space<vmem>> -> memref<128xi32, #tpu.memory_space<vmem>>
        %dma_wait3A_194 = arith.constant 0 : i32
        %dma_wait3A_195 = arith.constant 0 : i32
        %dma_wait3A_196 = tpu.memref_slice %arg13[%dma_wait3A_194, %dma_wait3A_195] : memref<10112x64xf32, #tpu.memory_space<vmem_shared>> -> memref<10112x64xf32, #tpu.memory_space<vmem_shared>>
        tpu.wait_indirect_dma semaphore(%arg30 : memref<!tpu.dma_semaphore, #tpu.memory_space<semaphore_mem>>) src(%arg20 : memref<128x64xf32, #tpu.memory_space<vmem>>) dst(%dma_wait3A_196 : memref<10112x64xf32, #tpu.memory_space<vmem_shared>>)
        %dma_wait3A_197 = arith.constant 0 : i32
        %dma_wait3A_198 = tpu.memref_slice %arg16[%add3A_166, %dma_wait3A_197] : memref<20x128xi32, #tpu.memory_space<vmem>> -> memref<1x128xi32, #tpu.memory_space<vmem>>
        %dma_wait3A_199 = tpu.memref_squeeze %dma_wait3A_198 : memref<1x128xi32, #tpu.memory_space<vmem>> -> memref<128xi32, #tpu.memory_space<vmem>>
        %dma_wait3A_200 = arith.constant 0 : i32
        %dma_wait3A_201 = arith.constant 0 : i32
        %dma_wait3A_202 = tpu.memref_slice %arg13[%dma_wait3A_200, %dma_wait3A_201] : memref<10112x64xf32, #tpu.memory_space<vmem_shared>> -> memref<10112x64xf32, #tpu.memory_space<vmem_shared>>
        tpu.wait_indirect_dma semaphore(%arg31 : memref<!tpu.dma_semaphore, #tpu.memory_space<semaphore_mem>>) src(%arg21 : memref<128x64xf32, #tpu.memory_space<vmem>>) dst(%dma_wait3A_202 : memref<10112x64xf32, #tpu.memory_space<vmem_shared>>)
      }
      %scan3A_61 = arith.constant 4 : i32
    }
    %scan3A_40 = arith.constant 4 : i32
    %barrier3A_41 = arith.constant 0 : index
    tpu.barrier barrier_id(%barrier3A_41)
    %eq3A_42 = arith.constant 0 : i32
    %eq3A_43 = arith.cmpi eq, %arg0, %eq3A_42 : i32
    %convert_element_type3A_44 = arith.extui %eq3A_43 : i1 to i32
    %cond3A_45 = arith.constant 0 : i32
    %cond3A_46 = arith.cmpi ne, %convert_element_type3A_44, %cond3A_45 : i32
    scf.if %cond3A_46 {
      "tpu.region"() ({
        %run_scoped3A = tpu.sem_alloc : memref<!tpu.dma_semaphore, #tpu.memory_space<semaphore_mem>>
        %dma_start3A = arith.constant 0 : i32
        %dma_start3A_52 = tpu.memref_slice %arg10[%mul3A_0, %dma_start3A] : memref<10112x64xf32, #tpu.memory_space<hbm>> -> memref<632x64xf32, #tpu.memory_space<hbm>>
        %dma_start3A_53 = arith.constant 0 : i32
        %dma_start3A_54 = tpu.memref_slice %arg13[%mul3A_0, %dma_start3A_53] : memref<10112x64xf32, #tpu.memory_space<vmem_shared>> -> memref<632x64xf32, #tpu.memory_space<vmem_shared>>
        tpu.enqueue_dma source(%dma_start3A_54 : memref<632x64xf32, #tpu.memory_space<vmem_shared>>) target(%dma_start3A_52 : memref<632x64xf32, #tpu.memory_space<hbm>>) target_semaphore(%run_scoped3A : memref<!tpu.dma_semaphore, #tpu.memory_space<semaphore_mem>>)
        %dma_wait3A = arith.constant 0 : i32
        %dma_wait3A_55 = tpu.memref_slice %arg10[%mul3A_0, %dma_wait3A] : memref<10112x64xf32, #tpu.memory_space<hbm>> -> memref<632x64xf32, #tpu.memory_space<hbm>>
        %dma_wait3A_56 = arith.constant 0 : i32
        %dma_wait3A_57 = tpu.memref_slice %arg13[%mul3A_0, %dma_wait3A_56] : memref<10112x64xf32, #tpu.memory_space<vmem_shared>> -> memref<632x64xf32, #tpu.memory_space<vmem_shared>>
        tpu.wait_dma2 semaphore(%run_scoped3A : memref<!tpu.dma_semaphore, #tpu.memory_space<semaphore_mem>>) src(%dma_wait3A_57 : memref<632x64xf32, #tpu.memory_space<vmem_shared>>) dst(%dma_wait3A_55 : memref<632x64xf32, #tpu.memory_space<hbm>>)
        tpu.yield
      }) : () -> ()
    } else {
    }
    %eq3A_47 = arith.constant 1 : i32
    %eq3A_48 = arith.cmpi eq, %arg0, %eq3A_47 : i32
    %convert_element_type3A_49 = arith.extui %eq3A_48 : i1 to i32
    %cond3A_50 = arith.constant 0 : i32
    %cond3A_51 = arith.cmpi ne, %convert_element_type3A_49, %cond3A_50 : i32
    scf.if %cond3A_51 {
      "tpu.region"() ({
        %run_scoped3A = tpu.sem_alloc : memref<!tpu.dma_semaphore, #tpu.memory_space<semaphore_mem>>
        %dma_start3A = arith.constant 0 : i32
        %dma_start3A_52 = tpu.memref_slice %arg12[%mul3A_0, %dma_start3A] : memref<10112x64xf32, #tpu.memory_space<hbm>> -> memref<632x64xf32, #tpu.memory_space<hbm>>
        %dma_start3A_53 = arith.constant 0 : i32
        %dma_start3A_54 = tpu.memref_slice %arg13[%mul3A_0, %dma_start3A_53] : memref<10112x64xf32, #tpu.memory_space<vmem_shared>> -> memref<632x64xf32, #tpu.memory_space<vmem_shared>>
        tpu.enqueue_dma source(%dma_start3A_54 : memref<632x64xf32, #tpu.memory_space<vmem_shared>>) target(%dma_start3A_52 : memref<632x64xf32, #tpu.memory_space<hbm>>) target_semaphore(%run_scoped3A : memref<!tpu.dma_semaphore, #tpu.memory_space<semaphore_mem>>)
        %dma_wait3A = arith.constant 0 : i32
        %dma_wait3A_55 = tpu.memref_slice %arg12[%mul3A_0, %dma_wait3A] : memref<10112x64xf32, #tpu.memory_space<hbm>> -> memref<632x64xf32, #tpu.memory_space<hbm>>
        %dma_wait3A_56 = arith.constant 0 : i32
        %dma_wait3A_57 = tpu.memref_slice %arg13[%mul3A_0, %dma_wait3A_56] : memref<10112x64xf32, #tpu.memory_space<vmem_shared>> -> memref<632x64xf32, #tpu.memory_space<vmem_shared>>
        tpu.wait_dma2 semaphore(%run_scoped3A : memref<!tpu.dma_semaphore, #tpu.memory_space<semaphore_mem>>) src(%dma_wait3A_57 : memref<632x64xf32, #tpu.memory_space<vmem_shared>>) dst(%dma_wait3A_55 : memref<632x64xf32, #tpu.memory_space<hbm>>)
        tpu.yield
      }) : () -> ()
    } else {
    }
    return
  }
}

#map = affine_map<(d0, d1) -> (0, 0)>
module attributes {stable_mosaic.version = 14 : i64} {
  func.func @body(%arg0: i32, %arg1: i32, %arg2: memref<10112x64xf32, #tpu.memory_space<hbm>>, %arg3: memref<10112x64xf32, #tpu.memory_space<hbm>>, %arg4: memref<448x128xi32, #tpu.memory_space<hbm>>, %arg5: memref<448x128xi32, #tpu.memory_space<hbm>>, %arg6: memref<448x128xi32, #tpu.memory_space<hbm>>, %arg7: memref<448x128xi32, #tpu.memory_space<hbm>>, %arg8: memref<57344x64xf32, #tpu.memory_space<hbm>>, %arg9: memref<57344x64xf32, #tpu.memory_space<hbm>>, %arg10: memref<57344x64xf32, #tpu.memory_space<hbm>>, %arg11: memref<57344x64xf32, #tpu.memory_space<hbm>>, %arg12: memref<10112x64xf32, #tpu.memory_space<vmem_shared>>, %arg13: memref<10112x64xf32, #tpu.memory_space<vmem_shared>>, %arg14: memref<28x128xi32, #tpu.memory_space<vmem>>, %arg15: memref<512x64xf32, #tpu.memory_space<vmem>>, %arg16: memref<!tpu.dma_semaphore, #tpu.memory_space<semaphore_mem>>, %arg17: memref<!tpu.dma_semaphore, #tpu.memory_space<semaphore_mem>>, %arg18: memref<!tpu.dma_semaphore, #tpu.memory_space<semaphore_mem>>, %arg19: memref<!tpu.dma_semaphore, #tpu.memory_space<semaphore_mem>>, %arg20: memref<!tpu.dma_semaphore, #tpu.memory_space<semaphore_mem>>) attributes {dimension_semantics = [#tpu.dimension_semantics<core_parallel>, #tpu.dimension_semantics<subcore_parallel>], iteration_bounds = array<i64: 2, 16>, scalar_prefetch = 0 : i64, scratch_operands = 9 : i64, tpu.core_type = #tpu.core_type<sc_vector_subcore>, window_params = [{transform_indices = #map}, {transform_indices = #map}, {transform_indices = #map}, {transform_indices = #map}, {transform_indices = #map}, {transform_indices = #map}, {transform_indices = #map}, {transform_indices = #map}, {transform_indices = #map}, {transform_indices = #map}]} {
    %mul3A = arith.constant 632 : i32
    %mul3A_0 = arith.muli %arg1, %mul3A : i32
    "tpu.region"() ({
      %run_scoped3A = tpu.sem_alloc : memref<!tpu.dma_semaphore, #tpu.memory_space<semaphore_mem>>
      %dma_start3A = arith.constant 0 : i32
      %dma_start3A_8 = tpu.memref_slice %arg12[%mul3A_0, %dma_start3A] : memref<10112x64xf32, #tpu.memory_space<vmem_shared>> -> memref<632x64xf32, #tpu.memory_space<vmem_shared>>
      %dma_start3A_9 = arith.constant 0 : i32
      %dma_start3A_10 = tpu.memref_slice %arg2[%mul3A_0, %dma_start3A_9] : memref<10112x64xf32, #tpu.memory_space<hbm>> -> memref<632x64xf32, #tpu.memory_space<hbm>>
      tpu.enqueue_dma source(%dma_start3A_10 : memref<632x64xf32, #tpu.memory_space<hbm>>) target(%dma_start3A_8 : memref<632x64xf32, #tpu.memory_space<vmem_shared>>) target_semaphore(%run_scoped3A : memref<!tpu.dma_semaphore, #tpu.memory_space<semaphore_mem>>)
      %dma_wait3A = arith.constant 0 : i32
      %dma_wait3A_11 = tpu.memref_slice %arg12[%mul3A_0, %dma_wait3A] : memref<10112x64xf32, #tpu.memory_space<vmem_shared>> -> memref<632x64xf32, #tpu.memory_space<vmem_shared>>
      %dma_wait3A_12 = arith.constant 0 : i32
      %dma_wait3A_13 = tpu.memref_slice %arg2[%mul3A_0, %dma_wait3A_12] : memref<10112x64xf32, #tpu.memory_space<hbm>> -> memref<632x64xf32, #tpu.memory_space<hbm>>
      tpu.wait_dma2 semaphore(%run_scoped3A : memref<!tpu.dma_semaphore, #tpu.memory_space<semaphore_mem>>) src(%dma_wait3A_13 : memref<632x64xf32, #tpu.memory_space<hbm>>) dst(%dma_wait3A_11 : memref<632x64xf32, #tpu.memory_space<vmem_shared>>)
      tpu.yield
    }) : () -> ()
    "tpu.region"() ({
      %run_scoped3A = tpu.sem_alloc : memref<!tpu.dma_semaphore, #tpu.memory_space<semaphore_mem>>
      %dma_start3A = arith.constant 0 : i32
      %dma_start3A_8 = tpu.memref_slice %arg13[%mul3A_0, %dma_start3A] : memref<10112x64xf32, #tpu.memory_space<vmem_shared>> -> memref<632x64xf32, #tpu.memory_space<vmem_shared>>
      %dma_start3A_9 = arith.constant 0 : i32
      %dma_start3A_10 = tpu.memref_slice %arg3[%mul3A_0, %dma_start3A_9] : memref<10112x64xf32, #tpu.memory_space<hbm>> -> memref<632x64xf32, #tpu.memory_space<hbm>>
      tpu.enqueue_dma source(%dma_start3A_10 : memref<632x64xf32, #tpu.memory_space<hbm>>) target(%dma_start3A_8 : memref<632x64xf32, #tpu.memory_space<vmem_shared>>) target_semaphore(%run_scoped3A : memref<!tpu.dma_semaphore, #tpu.memory_space<semaphore_mem>>)
      %dma_wait3A = arith.constant 0 : i32
      %dma_wait3A_11 = tpu.memref_slice %arg13[%mul3A_0, %dma_wait3A] : memref<10112x64xf32, #tpu.memory_space<vmem_shared>> -> memref<632x64xf32, #tpu.memory_space<vmem_shared>>
      %dma_wait3A_12 = arith.constant 0 : i32
      %dma_wait3A_13 = tpu.memref_slice %arg3[%mul3A_0, %dma_wait3A_12] : memref<10112x64xf32, #tpu.memory_space<hbm>> -> memref<632x64xf32, #tpu.memory_space<hbm>>
      tpu.wait_dma2 semaphore(%run_scoped3A : memref<!tpu.dma_semaphore, #tpu.memory_space<semaphore_mem>>) src(%dma_wait3A_13 : memref<632x64xf32, #tpu.memory_space<hbm>>) dst(%dma_wait3A_11 : memref<632x64xf32, #tpu.memory_space<vmem_shared>>)
      tpu.yield
    }) : () -> ()
    %barrier3A = arith.constant 0 : index
    tpu.barrier barrier_id(%barrier3A)
    %eq3A = arith.constant 0 : i32
    %eq3A_1 = arith.cmpi eq, %arg0, %eq3A : i32
    %convert_element_type3A = arith.extui %eq3A_1 : i1 to i32
    %cond3A = arith.constant 0 : i32
    %cond3A_2 = arith.cmpi ne, %convert_element_type3A, %cond3A : i32
    scf.if %cond3A_2 {
      %mul3A_8 = arith.constant 28 : i32
      %mul3A_9 = arith.muli %arg1, %mul3A_8 : i32
      "tpu.region"() ({
        %run_scoped3A = tpu.sem_alloc : memref<!tpu.dma_semaphore, #tpu.memory_space<semaphore_mem>>
        %dma_start3A = arith.constant 0 : i32
        %dma_start3A_23 = tpu.memref_slice %arg4[%mul3A_9, %dma_start3A] : memref<448x128xi32, #tpu.memory_space<hbm>> -> memref<28x128xi32, #tpu.memory_space<hbm>>
        %dma_start3A_24 = arith.constant 0 : i32
        %dma_start3A_25 = tpu.memref_slice %arg4[%mul3A_9, %dma_start3A_24] : memref<448x128xi32, #tpu.memory_space<hbm>> -> memref<28x128xi32, #tpu.memory_space<hbm>>
        tpu.enqueue_dma source(%dma_start3A_25 : memref<28x128xi32, #tpu.memory_space<hbm>>) target(%arg14 : memref<28x128xi32, #tpu.memory_space<vmem>>) target_semaphore(%run_scoped3A : memref<!tpu.dma_semaphore, #tpu.memory_space<semaphore_mem>>)
        %dma_wait3A = arith.constant 0 : i32
        %dma_wait3A_26 = tpu.memref_slice %arg4[%mul3A_9, %dma_wait3A] : memref<448x128xi32, #tpu.memory_space<hbm>> -> memref<28x128xi32, #tpu.memory_space<hbm>>
        %dma_wait3A_27 = arith.constant 0 : i32
        %dma_wait3A_28 = tpu.memref_slice %arg4[%mul3A_9, %dma_wait3A_27] : memref<448x128xi32, #tpu.memory_space<hbm>> -> memref<28x128xi32, #tpu.memory_space<hbm>>
        tpu.wait_dma2 semaphore(%run_scoped3A : memref<!tpu.dma_semaphore, #tpu.memory_space<semaphore_mem>>) src(%dma_wait3A_28 : memref<28x128xi32, #tpu.memory_space<hbm>>) dst(%arg14 : memref<28x128xi32, #tpu.memory_space<vmem>>)
        tpu.yield
      }) : () -> ()
      %scan3A = arith.constant 0 : i32
      %scan3A_10 = arith.constant 0 : i32
      %scan3A_11 = arith.constant 7 : i32
      %scan3A_12 = arith.addi %scan3A_10, %scan3A_11 : i32
      %scan3A_13 = arith.constant 1 : i32
      scf.for %scan3A_23 = %scan3A_10 to %scan3A_12 step %scan3A_13  : i32 {
        %mul3A_24 = arith.constant 4 : i32
        %mul3A_25 = arith.muli %scan3A_23, %mul3A_24 : i32
        %add3A = arith.constant 0 : i32
        %add3A_26 = arith.addi %mul3A_25, %add3A : i32
        %dma_start3A = arith.constant 0 : i32
        %dma_start3A_27 = arith.constant 0 : i32
        %dma_start3A_28 = tpu.memref_slice %arg15[%dma_start3A, %dma_start3A_27] : memref<512x64xf32, #tpu.memory_space<vmem>> -> memref<128x64xf32, #tpu.memory_space<vmem>>
        %dma_start3A_29 = arith.constant 0 : i32
        %dma_start3A_30 = tpu.memref_slice %arg14[%add3A_26, %dma_start3A_29] : memref<28x128xi32, #tpu.memory_space<vmem>> -> memref<1x128xi32, #tpu.memory_space<vmem>>
        %dma_start3A_31 = tpu.memref_squeeze %dma_start3A_30 : memref<1x128xi32, #tpu.memory_space<vmem>> -> memref<128xi32, #tpu.memory_space<vmem>>
        %dma_start3A_32 = arith.constant 0 : i32
        %dma_start3A_33 = arith.constant 0 : i32
        %dma_start3A_34 = tpu.memref_slice %arg12[%dma_start3A_32, %dma_start3A_33] : memref<10112x64xf32, #tpu.memory_space<vmem_shared>> -> memref<10112x64xf32, #tpu.memory_space<vmem_shared>>
        tpu.enqueue_indirect_dma source(%dma_start3A_34 : memref<10112x64xf32, #tpu.memory_space<vmem_shared>>) target(%dma_start3A_28 : memref<128x64xf32, #tpu.memory_space<vmem>>) offsets(%dma_start3A_31 : memref<128xi32, #tpu.memory_space<vmem>>) semaphore(%arg16 : memref<!tpu.dma_semaphore, #tpu.memory_space<semaphore_mem>>)
        %add3A_35 = arith.constant 1 : i32
        %add3A_36 = arith.addi %mul3A_25, %add3A_35 : i32
        %dma_start3A_37 = arith.constant 128 : i32
        %dma_start3A_38 = arith.constant 0 : i32
        %dma_start3A_39 = tpu.memref_slice %arg15[%dma_start3A_37, %dma_start3A_38] : memref<512x64xf32, #tpu.memory_space<vmem>> -> memref<128x64xf32, #tpu.memory_space<vmem>>
        %dma_start3A_40 = arith.constant 0 : i32
        %dma_start3A_41 = tpu.memref_slice %arg14[%add3A_36, %dma_start3A_40] : memref<28x128xi32, #tpu.memory_space<vmem>> -> memref<1x128xi32, #tpu.memory_space<vmem>>
        %dma_start3A_42 = tpu.memref_squeeze %dma_start3A_41 : memref<1x128xi32, #tpu.memory_space<vmem>> -> memref<128xi32, #tpu.memory_space<vmem>>
        %dma_start3A_43 = arith.constant 0 : i32
        %dma_start3A_44 = arith.constant 0 : i32
        %dma_start3A_45 = tpu.memref_slice %arg12[%dma_start3A_43, %dma_start3A_44] : memref<10112x64xf32, #tpu.memory_space<vmem_shared>> -> memref<10112x64xf32, #tpu.memory_space<vmem_shared>>
        tpu.enqueue_indirect_dma source(%dma_start3A_45 : memref<10112x64xf32, #tpu.memory_space<vmem_shared>>) target(%dma_start3A_39 : memref<128x64xf32, #tpu.memory_space<vmem>>) offsets(%dma_start3A_42 : memref<128xi32, #tpu.memory_space<vmem>>) semaphore(%arg17 : memref<!tpu.dma_semaphore, #tpu.memory_space<semaphore_mem>>)
        %add3A_46 = arith.constant 2 : i32
        %add3A_47 = arith.addi %mul3A_25, %add3A_46 : i32
        %dma_start3A_48 = arith.constant 256 : i32
        %dma_start3A_49 = arith.constant 0 : i32
        %dma_start3A_50 = tpu.memref_slice %arg15[%dma_start3A_48, %dma_start3A_49] : memref<512x64xf32, #tpu.memory_space<vmem>> -> memref<128x64xf32, #tpu.memory_space<vmem>>
        %dma_start3A_51 = arith.constant 0 : i32
        %dma_start3A_52 = tpu.memref_slice %arg14[%add3A_47, %dma_start3A_51] : memref<28x128xi32, #tpu.memory_space<vmem>> -> memref<1x128xi32, #tpu.memory_space<vmem>>
        %dma_start3A_53 = tpu.memref_squeeze %dma_start3A_52 : memref<1x128xi32, #tpu.memory_space<vmem>> -> memref<128xi32, #tpu.memory_space<vmem>>
        %dma_start3A_54 = arith.constant 0 : i32
        %dma_start3A_55 = arith.constant 0 : i32
        %dma_start3A_56 = tpu.memref_slice %arg12[%dma_start3A_54, %dma_start3A_55] : memref<10112x64xf32, #tpu.memory_space<vmem_shared>> -> memref<10112x64xf32, #tpu.memory_space<vmem_shared>>
        tpu.enqueue_indirect_dma source(%dma_start3A_56 : memref<10112x64xf32, #tpu.memory_space<vmem_shared>>) target(%dma_start3A_50 : memref<128x64xf32, #tpu.memory_space<vmem>>) offsets(%dma_start3A_53 : memref<128xi32, #tpu.memory_space<vmem>>) semaphore(%arg18 : memref<!tpu.dma_semaphore, #tpu.memory_space<semaphore_mem>>)
        %add3A_57 = arith.constant 3 : i32
        %add3A_58 = arith.addi %mul3A_25, %add3A_57 : i32
        %dma_start3A_59 = arith.constant 384 : i32
        %dma_start3A_60 = arith.constant 0 : i32
        %dma_start3A_61 = tpu.memref_slice %arg15[%dma_start3A_59, %dma_start3A_60] : memref<512x64xf32, #tpu.memory_space<vmem>> -> memref<128x64xf32, #tpu.memory_space<vmem>>
        %dma_start3A_62 = arith.constant 0 : i32
        %dma_start3A_63 = tpu.memref_slice %arg14[%add3A_58, %dma_start3A_62] : memref<28x128xi32, #tpu.memory_space<vmem>> -> memref<1x128xi32, #tpu.memory_space<vmem>>
        %dma_start3A_64 = tpu.memref_squeeze %dma_start3A_63 : memref<1x128xi32, #tpu.memory_space<vmem>> -> memref<128xi32, #tpu.memory_space<vmem>>
        %dma_start3A_65 = arith.constant 0 : i32
        %dma_start3A_66 = arith.constant 0 : i32
        %dma_start3A_67 = tpu.memref_slice %arg12[%dma_start3A_65, %dma_start3A_66] : memref<10112x64xf32, #tpu.memory_space<vmem_shared>> -> memref<10112x64xf32, #tpu.memory_space<vmem_shared>>
        tpu.enqueue_indirect_dma source(%dma_start3A_67 : memref<10112x64xf32, #tpu.memory_space<vmem_shared>>) target(%dma_start3A_61 : memref<128x64xf32, #tpu.memory_space<vmem>>) offsets(%dma_start3A_64 : memref<128xi32, #tpu.memory_space<vmem>>) semaphore(%arg19 : memref<!tpu.dma_semaphore, #tpu.memory_space<semaphore_mem>>)
        %dma_wait3A = arith.constant 0 : i32
        %dma_wait3A_68 = arith.constant 0 : i32
        %dma_wait3A_69 = tpu.memref_slice %arg15[%dma_wait3A, %dma_wait3A_68] : memref<512x64xf32, #tpu.memory_space<vmem>> -> memref<128x64xf32, #tpu.memory_space<vmem>>
        %dma_wait3A_70 = arith.constant 0 : i32
        %dma_wait3A_71 = tpu.memref_slice %arg14[%add3A_26, %dma_wait3A_70] : memref<28x128xi32, #tpu.memory_space<vmem>> -> memref<1x128xi32, #tpu.memory_space<vmem>>
        %dma_wait3A_72 = tpu.memref_squeeze %dma_wait3A_71 : memref<1x128xi32, #tpu.memory_space<vmem>> -> memref<128xi32, #tpu.memory_space<vmem>>
        %dma_wait3A_73 = arith.constant 0 : i32
        %dma_wait3A_74 = arith.constant 0 : i32
        %dma_wait3A_75 = tpu.memref_slice %arg12[%dma_wait3A_73, %dma_wait3A_74] : memref<10112x64xf32, #tpu.memory_space<vmem_shared>> -> memref<10112x64xf32, #tpu.memory_space<vmem_shared>>
        tpu.wait_indirect_dma semaphore(%arg16 : memref<!tpu.dma_semaphore, #tpu.memory_space<semaphore_mem>>) src(%dma_wait3A_75 : memref<10112x64xf32, #tpu.memory_space<vmem_shared>>) dst(%dma_wait3A_69 : memref<128x64xf32, #tpu.memory_space<vmem>>)
        %dma_wait3A_76 = arith.constant 128 : i32
        %dma_wait3A_77 = arith.constant 0 : i32
        %dma_wait3A_78 = tpu.memref_slice %arg15[%dma_wait3A_76, %dma_wait3A_77] : memref<512x64xf32, #tpu.memory_space<vmem>> -> memref<128x64xf32, #tpu.memory_space<vmem>>
        %dma_wait3A_79 = arith.constant 0 : i32
        %dma_wait3A_80 = tpu.memref_slice %arg14[%add3A_36, %dma_wait3A_79] : memref<28x128xi32, #tpu.memory_space<vmem>> -> memref<1x128xi32, #tpu.memory_space<vmem>>
        %dma_wait3A_81 = tpu.memref_squeeze %dma_wait3A_80 : memref<1x128xi32, #tpu.memory_space<vmem>> -> memref<128xi32, #tpu.memory_space<vmem>>
        %dma_wait3A_82 = arith.constant 0 : i32
        %dma_wait3A_83 = arith.constant 0 : i32
        %dma_wait3A_84 = tpu.memref_slice %arg12[%dma_wait3A_82, %dma_wait3A_83] : memref<10112x64xf32, #tpu.memory_space<vmem_shared>> -> memref<10112x64xf32, #tpu.memory_space<vmem_shared>>
        tpu.wait_indirect_dma semaphore(%arg17 : memref<!tpu.dma_semaphore, #tpu.memory_space<semaphore_mem>>) src(%dma_wait3A_84 : memref<10112x64xf32, #tpu.memory_space<vmem_shared>>) dst(%dma_wait3A_78 : memref<128x64xf32, #tpu.memory_space<vmem>>)
        %dma_wait3A_85 = arith.constant 256 : i32
        %dma_wait3A_86 = arith.constant 0 : i32
        %dma_wait3A_87 = tpu.memref_slice %arg15[%dma_wait3A_85, %dma_wait3A_86] : memref<512x64xf32, #tpu.memory_space<vmem>> -> memref<128x64xf32, #tpu.memory_space<vmem>>
        %dma_wait3A_88 = arith.constant 0 : i32
        %dma_wait3A_89 = tpu.memref_slice %arg14[%add3A_47, %dma_wait3A_88] : memref<28x128xi32, #tpu.memory_space<vmem>> -> memref<1x128xi32, #tpu.memory_space<vmem>>
        %dma_wait3A_90 = tpu.memref_squeeze %dma_wait3A_89 : memref<1x128xi32, #tpu.memory_space<vmem>> -> memref<128xi32, #tpu.memory_space<vmem>>
        %dma_wait3A_91 = arith.constant 0 : i32
        %dma_wait3A_92 = arith.constant 0 : i32
        %dma_wait3A_93 = tpu.memref_slice %arg12[%dma_wait3A_91, %dma_wait3A_92] : memref<10112x64xf32, #tpu.memory_space<vmem_shared>> -> memref<10112x64xf32, #tpu.memory_space<vmem_shared>>
        tpu.wait_indirect_dma semaphore(%arg18 : memref<!tpu.dma_semaphore, #tpu.memory_space<semaphore_mem>>) src(%dma_wait3A_93 : memref<10112x64xf32, #tpu.memory_space<vmem_shared>>) dst(%dma_wait3A_87 : memref<128x64xf32, #tpu.memory_space<vmem>>)
        %dma_wait3A_94 = arith.constant 384 : i32
        %dma_wait3A_95 = arith.constant 0 : i32
        %dma_wait3A_96 = tpu.memref_slice %arg15[%dma_wait3A_94, %dma_wait3A_95] : memref<512x64xf32, #tpu.memory_space<vmem>> -> memref<128x64xf32, #tpu.memory_space<vmem>>
        %dma_wait3A_97 = arith.constant 0 : i32
        %dma_wait3A_98 = tpu.memref_slice %arg14[%add3A_58, %dma_wait3A_97] : memref<28x128xi32, #tpu.memory_space<vmem>> -> memref<1x128xi32, #tpu.memory_space<vmem>>
        %dma_wait3A_99 = tpu.memref_squeeze %dma_wait3A_98 : memref<1x128xi32, #tpu.memory_space<vmem>> -> memref<128xi32, #tpu.memory_space<vmem>>
        %dma_wait3A_100 = arith.constant 0 : i32
        %dma_wait3A_101 = arith.constant 0 : i32
        %dma_wait3A_102 = tpu.memref_slice %arg12[%dma_wait3A_100, %dma_wait3A_101] : memref<10112x64xf32, #tpu.memory_space<vmem_shared>> -> memref<10112x64xf32, #tpu.memory_space<vmem_shared>>
        tpu.wait_indirect_dma semaphore(%arg19 : memref<!tpu.dma_semaphore, #tpu.memory_space<semaphore_mem>>) src(%dma_wait3A_102 : memref<10112x64xf32, #tpu.memory_space<vmem_shared>>) dst(%dma_wait3A_96 : memref<128x64xf32, #tpu.memory_space<vmem>>)
        %mul3A_103 = arith.constant 28 : i32
        %mul3A_104 = arith.muli %arg1, %mul3A_103 : i32
        %add3A_105 = arith.addi %mul3A_104, %mul3A_25 : i32
        %mul3A_106 = arith.constant 128 : i32
        %mul3A_107 = arith.muli %add3A_105, %mul3A_106 : i32
        %dma_start3A_108 = arith.constant 0 : i32
        %dma_start3A_109 = tpu.memref_slice %arg8[%mul3A_107, %dma_start3A_108] : memref<57344x64xf32, #tpu.memory_space<hbm>> -> memref<512x64xf32, #tpu.memory_space<hbm>>
        %dma_start3A_110 = arith.constant 0 : i32
        %dma_start3A_111 = tpu.memref_slice %arg8[%mul3A_107, %dma_start3A_110] : memref<57344x64xf32, #tpu.memory_space<hbm>> -> memref<512x64xf32, #tpu.memory_space<hbm>>
        tpu.enqueue_dma source(%arg15 : memref<512x64xf32, #tpu.memory_space<vmem>>) target(%dma_start3A_111 : memref<512x64xf32, #tpu.memory_space<hbm>>) target_semaphore(%arg20 : memref<!tpu.dma_semaphore, #tpu.memory_space<semaphore_mem>>)
        %dma_wait3A_112 = arith.constant 0 : i32
        %dma_wait3A_113 = tpu.memref_slice %arg8[%mul3A_107, %dma_wait3A_112] : memref<57344x64xf32, #tpu.memory_space<hbm>> -> memref<512x64xf32, #tpu.memory_space<hbm>>
        %dma_wait3A_114 = arith.constant 0 : i32
        %dma_wait3A_115 = tpu.memref_slice %arg8[%mul3A_107, %dma_wait3A_114] : memref<57344x64xf32, #tpu.memory_space<hbm>> -> memref<512x64xf32, #tpu.memory_space<hbm>>
        tpu.wait_dma2 semaphore(%arg20 : memref<!tpu.dma_semaphore, #tpu.memory_space<semaphore_mem>>) src(%arg15 : memref<512x64xf32, #tpu.memory_space<vmem>>) dst(%dma_wait3A_115 : memref<512x64xf32, #tpu.memory_space<hbm>>)
      }
      %scan3A_14 = arith.constant 7 : i32
      %mul3A_15 = arith.constant 28 : i32
      %mul3A_16 = arith.muli %arg1, %mul3A_15 : i32
      "tpu.region"() ({
        %run_scoped3A = tpu.sem_alloc : memref<!tpu.dma_semaphore, #tpu.memory_space<semaphore_mem>>
        %dma_start3A = arith.constant 0 : i32
        %dma_start3A_23 = tpu.memref_slice %arg5[%mul3A_16, %dma_start3A] : memref<448x128xi32, #tpu.memory_space<hbm>> -> memref<28x128xi32, #tpu.memory_space<hbm>>
        %dma_start3A_24 = arith.constant 0 : i32
        %dma_start3A_25 = tpu.memref_slice %arg5[%mul3A_16, %dma_start3A_24] : memref<448x128xi32, #tpu.memory_space<hbm>> -> memref<28x128xi32, #tpu.memory_space<hbm>>
        tpu.enqueue_dma source(%dma_start3A_25 : memref<28x128xi32, #tpu.memory_space<hbm>>) target(%arg14 : memref<28x128xi32, #tpu.memory_space<vmem>>) target_semaphore(%run_scoped3A : memref<!tpu.dma_semaphore, #tpu.memory_space<semaphore_mem>>)
        %dma_wait3A = arith.constant 0 : i32
        %dma_wait3A_26 = tpu.memref_slice %arg5[%mul3A_16, %dma_wait3A] : memref<448x128xi32, #tpu.memory_space<hbm>> -> memref<28x128xi32, #tpu.memory_space<hbm>>
        %dma_wait3A_27 = arith.constant 0 : i32
        %dma_wait3A_28 = tpu.memref_slice %arg5[%mul3A_16, %dma_wait3A_27] : memref<448x128xi32, #tpu.memory_space<hbm>> -> memref<28x128xi32, #tpu.memory_space<hbm>>
        tpu.wait_dma2 semaphore(%run_scoped3A : memref<!tpu.dma_semaphore, #tpu.memory_space<semaphore_mem>>) src(%dma_wait3A_28 : memref<28x128xi32, #tpu.memory_space<hbm>>) dst(%arg14 : memref<28x128xi32, #tpu.memory_space<vmem>>)
        tpu.yield
      }) : () -> ()
      %scan3A_17 = arith.constant 0 : i32
      %scan3A_18 = arith.constant 0 : i32
      %scan3A_19 = arith.constant 7 : i32
      %scan3A_20 = arith.addi %scan3A_18, %scan3A_19 : i32
      %scan3A_21 = arith.constant 1 : i32
      scf.for %scan3A_23 = %scan3A_18 to %scan3A_20 step %scan3A_21  : i32 {
        %mul3A_24 = arith.constant 4 : i32
        %mul3A_25 = arith.muli %scan3A_23, %mul3A_24 : i32
        %add3A = arith.constant 0 : i32
        %add3A_26 = arith.addi %mul3A_25, %add3A : i32
        %dma_start3A = arith.constant 0 : i32
        %dma_start3A_27 = arith.constant 0 : i32
        %dma_start3A_28 = tpu.memref_slice %arg15[%dma_start3A, %dma_start3A_27] : memref<512x64xf32, #tpu.memory_space<vmem>> -> memref<128x64xf32, #tpu.memory_space<vmem>>
        %dma_start3A_29 = arith.constant 0 : i32
        %dma_start3A_30 = tpu.memref_slice %arg14[%add3A_26, %dma_start3A_29] : memref<28x128xi32, #tpu.memory_space<vmem>> -> memref<1x128xi32, #tpu.memory_space<vmem>>
        %dma_start3A_31 = tpu.memref_squeeze %dma_start3A_30 : memref<1x128xi32, #tpu.memory_space<vmem>> -> memref<128xi32, #tpu.memory_space<vmem>>
        %dma_start3A_32 = arith.constant 0 : i32
        %dma_start3A_33 = arith.constant 0 : i32
        %dma_start3A_34 = tpu.memref_slice %arg13[%dma_start3A_32, %dma_start3A_33] : memref<10112x64xf32, #tpu.memory_space<vmem_shared>> -> memref<10112x64xf32, #tpu.memory_space<vmem_shared>>
        tpu.enqueue_indirect_dma source(%dma_start3A_34 : memref<10112x64xf32, #tpu.memory_space<vmem_shared>>) target(%dma_start3A_28 : memref<128x64xf32, #tpu.memory_space<vmem>>) offsets(%dma_start3A_31 : memref<128xi32, #tpu.memory_space<vmem>>) semaphore(%arg16 : memref<!tpu.dma_semaphore, #tpu.memory_space<semaphore_mem>>)
        %add3A_35 = arith.constant 1 : i32
        %add3A_36 = arith.addi %mul3A_25, %add3A_35 : i32
        %dma_start3A_37 = arith.constant 128 : i32
        %dma_start3A_38 = arith.constant 0 : i32
        %dma_start3A_39 = tpu.memref_slice %arg15[%dma_start3A_37, %dma_start3A_38] : memref<512x64xf32, #tpu.memory_space<vmem>> -> memref<128x64xf32, #tpu.memory_space<vmem>>
        %dma_start3A_40 = arith.constant 0 : i32
        %dma_start3A_41 = tpu.memref_slice %arg14[%add3A_36, %dma_start3A_40] : memref<28x128xi32, #tpu.memory_space<vmem>> -> memref<1x128xi32, #tpu.memory_space<vmem>>
        %dma_start3A_42 = tpu.memref_squeeze %dma_start3A_41 : memref<1x128xi32, #tpu.memory_space<vmem>> -> memref<128xi32, #tpu.memory_space<vmem>>
        %dma_start3A_43 = arith.constant 0 : i32
        %dma_start3A_44 = arith.constant 0 : i32
        %dma_start3A_45 = tpu.memref_slice %arg13[%dma_start3A_43, %dma_start3A_44] : memref<10112x64xf32, #tpu.memory_space<vmem_shared>> -> memref<10112x64xf32, #tpu.memory_space<vmem_shared>>
        tpu.enqueue_indirect_dma source(%dma_start3A_45 : memref<10112x64xf32, #tpu.memory_space<vmem_shared>>) target(%dma_start3A_39 : memref<128x64xf32, #tpu.memory_space<vmem>>) offsets(%dma_start3A_42 : memref<128xi32, #tpu.memory_space<vmem>>) semaphore(%arg17 : memref<!tpu.dma_semaphore, #tpu.memory_space<semaphore_mem>>)
        %add3A_46 = arith.constant 2 : i32
        %add3A_47 = arith.addi %mul3A_25, %add3A_46 : i32
        %dma_start3A_48 = arith.constant 256 : i32
        %dma_start3A_49 = arith.constant 0 : i32
        %dma_start3A_50 = tpu.memref_slice %arg15[%dma_start3A_48, %dma_start3A_49] : memref<512x64xf32, #tpu.memory_space<vmem>> -> memref<128x64xf32, #tpu.memory_space<vmem>>
        %dma_start3A_51 = arith.constant 0 : i32
        %dma_start3A_52 = tpu.memref_slice %arg14[%add3A_47, %dma_start3A_51] : memref<28x128xi32, #tpu.memory_space<vmem>> -> memref<1x128xi32, #tpu.memory_space<vmem>>
        %dma_start3A_53 = tpu.memref_squeeze %dma_start3A_52 : memref<1x128xi32, #tpu.memory_space<vmem>> -> memref<128xi32, #tpu.memory_space<vmem>>
        %dma_start3A_54 = arith.constant 0 : i32
        %dma_start3A_55 = arith.constant 0 : i32
        %dma_start3A_56 = tpu.memref_slice %arg13[%dma_start3A_54, %dma_start3A_55] : memref<10112x64xf32, #tpu.memory_space<vmem_shared>> -> memref<10112x64xf32, #tpu.memory_space<vmem_shared>>
        tpu.enqueue_indirect_dma source(%dma_start3A_56 : memref<10112x64xf32, #tpu.memory_space<vmem_shared>>) target(%dma_start3A_50 : memref<128x64xf32, #tpu.memory_space<vmem>>) offsets(%dma_start3A_53 : memref<128xi32, #tpu.memory_space<vmem>>) semaphore(%arg18 : memref<!tpu.dma_semaphore, #tpu.memory_space<semaphore_mem>>)
        %add3A_57 = arith.constant 3 : i32
        %add3A_58 = arith.addi %mul3A_25, %add3A_57 : i32
        %dma_start3A_59 = arith.constant 384 : i32
        %dma_start3A_60 = arith.constant 0 : i32
        %dma_start3A_61 = tpu.memref_slice %arg15[%dma_start3A_59, %dma_start3A_60] : memref<512x64xf32, #tpu.memory_space<vmem>> -> memref<128x64xf32, #tpu.memory_space<vmem>>
        %dma_start3A_62 = arith.constant 0 : i32
        %dma_start3A_63 = tpu.memref_slice %arg14[%add3A_58, %dma_start3A_62] : memref<28x128xi32, #tpu.memory_space<vmem>> -> memref<1x128xi32, #tpu.memory_space<vmem>>
        %dma_start3A_64 = tpu.memref_squeeze %dma_start3A_63 : memref<1x128xi32, #tpu.memory_space<vmem>> -> memref<128xi32, #tpu.memory_space<vmem>>
        %dma_start3A_65 = arith.constant 0 : i32
        %dma_start3A_66 = arith.constant 0 : i32
        %dma_start3A_67 = tpu.memref_slice %arg13[%dma_start3A_65, %dma_start3A_66] : memref<10112x64xf32, #tpu.memory_space<vmem_shared>> -> memref<10112x64xf32, #tpu.memory_space<vmem_shared>>
        tpu.enqueue_indirect_dma source(%dma_start3A_67 : memref<10112x64xf32, #tpu.memory_space<vmem_shared>>) target(%dma_start3A_61 : memref<128x64xf32, #tpu.memory_space<vmem>>) offsets(%dma_start3A_64 : memref<128xi32, #tpu.memory_space<vmem>>) semaphore(%arg19 : memref<!tpu.dma_semaphore, #tpu.memory_space<semaphore_mem>>)
        %dma_wait3A = arith.constant 0 : i32
        %dma_wait3A_68 = arith.constant 0 : i32
        %dma_wait3A_69 = tpu.memref_slice %arg15[%dma_wait3A, %dma_wait3A_68] : memref<512x64xf32, #tpu.memory_space<vmem>> -> memref<128x64xf32, #tpu.memory_space<vmem>>
        %dma_wait3A_70 = arith.constant 0 : i32
        %dma_wait3A_71 = tpu.memref_slice %arg14[%add3A_26, %dma_wait3A_70] : memref<28x128xi32, #tpu.memory_space<vmem>> -> memref<1x128xi32, #tpu.memory_space<vmem>>
        %dma_wait3A_72 = tpu.memref_squeeze %dma_wait3A_71 : memref<1x128xi32, #tpu.memory_space<vmem>> -> memref<128xi32, #tpu.memory_space<vmem>>
        %dma_wait3A_73 = arith.constant 0 : i32
        %dma_wait3A_74 = arith.constant 0 : i32
        %dma_wait3A_75 = tpu.memref_slice %arg13[%dma_wait3A_73, %dma_wait3A_74] : memref<10112x64xf32, #tpu.memory_space<vmem_shared>> -> memref<10112x64xf32, #tpu.memory_space<vmem_shared>>
        tpu.wait_indirect_dma semaphore(%arg16 : memref<!tpu.dma_semaphore, #tpu.memory_space<semaphore_mem>>) src(%dma_wait3A_75 : memref<10112x64xf32, #tpu.memory_space<vmem_shared>>) dst(%dma_wait3A_69 : memref<128x64xf32, #tpu.memory_space<vmem>>)
        %dma_wait3A_76 = arith.constant 128 : i32
        %dma_wait3A_77 = arith.constant 0 : i32
        %dma_wait3A_78 = tpu.memref_slice %arg15[%dma_wait3A_76, %dma_wait3A_77] : memref<512x64xf32, #tpu.memory_space<vmem>> -> memref<128x64xf32, #tpu.memory_space<vmem>>
        %dma_wait3A_79 = arith.constant 0 : i32
        %dma_wait3A_80 = tpu.memref_slice %arg14[%add3A_36, %dma_wait3A_79] : memref<28x128xi32, #tpu.memory_space<vmem>> -> memref<1x128xi32, #tpu.memory_space<vmem>>
        %dma_wait3A_81 = tpu.memref_squeeze %dma_wait3A_80 : memref<1x128xi32, #tpu.memory_space<vmem>> -> memref<128xi32, #tpu.memory_space<vmem>>
        %dma_wait3A_82 = arith.constant 0 : i32
        %dma_wait3A_83 = arith.constant 0 : i32
        %dma_wait3A_84 = tpu.memref_slice %arg13[%dma_wait3A_82, %dma_wait3A_83] : memref<10112x64xf32, #tpu.memory_space<vmem_shared>> -> memref<10112x64xf32, #tpu.memory_space<vmem_shared>>
        tpu.wait_indirect_dma semaphore(%arg17 : memref<!tpu.dma_semaphore, #tpu.memory_space<semaphore_mem>>) src(%dma_wait3A_84 : memref<10112x64xf32, #tpu.memory_space<vmem_shared>>) dst(%dma_wait3A_78 : memref<128x64xf32, #tpu.memory_space<vmem>>)
        %dma_wait3A_85 = arith.constant 256 : i32
        %dma_wait3A_86 = arith.constant 0 : i32
        %dma_wait3A_87 = tpu.memref_slice %arg15[%dma_wait3A_85, %dma_wait3A_86] : memref<512x64xf32, #tpu.memory_space<vmem>> -> memref<128x64xf32, #tpu.memory_space<vmem>>
        %dma_wait3A_88 = arith.constant 0 : i32
        %dma_wait3A_89 = tpu.memref_slice %arg14[%add3A_47, %dma_wait3A_88] : memref<28x128xi32, #tpu.memory_space<vmem>> -> memref<1x128xi32, #tpu.memory_space<vmem>>
        %dma_wait3A_90 = tpu.memref_squeeze %dma_wait3A_89 : memref<1x128xi32, #tpu.memory_space<vmem>> -> memref<128xi32, #tpu.memory_space<vmem>>
        %dma_wait3A_91 = arith.constant 0 : i32
        %dma_wait3A_92 = arith.constant 0 : i32
        %dma_wait3A_93 = tpu.memref_slice %arg13[%dma_wait3A_91, %dma_wait3A_92] : memref<10112x64xf32, #tpu.memory_space<vmem_shared>> -> memref<10112x64xf32, #tpu.memory_space<vmem_shared>>
        tpu.wait_indirect_dma semaphore(%arg18 : memref<!tpu.dma_semaphore, #tpu.memory_space<semaphore_mem>>) src(%dma_wait3A_93 : memref<10112x64xf32, #tpu.memory_space<vmem_shared>>) dst(%dma_wait3A_87 : memref<128x64xf32, #tpu.memory_space<vmem>>)
        %dma_wait3A_94 = arith.constant 384 : i32
        %dma_wait3A_95 = arith.constant 0 : i32
        %dma_wait3A_96 = tpu.memref_slice %arg15[%dma_wait3A_94, %dma_wait3A_95] : memref<512x64xf32, #tpu.memory_space<vmem>> -> memref<128x64xf32, #tpu.memory_space<vmem>>
        %dma_wait3A_97 = arith.constant 0 : i32
        %dma_wait3A_98 = tpu.memref_slice %arg14[%add3A_58, %dma_wait3A_97] : memref<28x128xi32, #tpu.memory_space<vmem>> -> memref<1x128xi32, #tpu.memory_space<vmem>>
        %dma_wait3A_99 = tpu.memref_squeeze %dma_wait3A_98 : memref<1x128xi32, #tpu.memory_space<vmem>> -> memref<128xi32, #tpu.memory_space<vmem>>
        %dma_wait3A_100 = arith.constant 0 : i32
        %dma_wait3A_101 = arith.constant 0 : i32
        %dma_wait3A_102 = tpu.memref_slice %arg13[%dma_wait3A_100, %dma_wait3A_101] : memref<10112x64xf32, #tpu.memory_space<vmem_shared>> -> memref<10112x64xf32, #tpu.memory_space<vmem_shared>>
        tpu.wait_indirect_dma semaphore(%arg19 : memref<!tpu.dma_semaphore, #tpu.memory_space<semaphore_mem>>) src(%dma_wait3A_102 : memref<10112x64xf32, #tpu.memory_space<vmem_shared>>) dst(%dma_wait3A_96 : memref<128x64xf32, #tpu.memory_space<vmem>>)
        %mul3A_103 = arith.constant 28 : i32
        %mul3A_104 = arith.muli %arg1, %mul3A_103 : i32
        %add3A_105 = arith.addi %mul3A_104, %mul3A_25 : i32
        %mul3A_106 = arith.constant 128 : i32
        %mul3A_107 = arith.muli %add3A_105, %mul3A_106 : i32
        %dma_start3A_108 = arith.constant 0 : i32
        %dma_start3A_109 = tpu.memref_slice %arg9[%mul3A_107, %dma_start3A_108] : memref<57344x64xf32, #tpu.memory_space<hbm>> -> memref<512x64xf32, #tpu.memory_space<hbm>>
        %dma_start3A_110 = arith.constant 0 : i32
        %dma_start3A_111 = tpu.memref_slice %arg9[%mul3A_107, %dma_start3A_110] : memref<57344x64xf32, #tpu.memory_space<hbm>> -> memref<512x64xf32, #tpu.memory_space<hbm>>
        tpu.enqueue_dma source(%arg15 : memref<512x64xf32, #tpu.memory_space<vmem>>) target(%dma_start3A_111 : memref<512x64xf32, #tpu.memory_space<hbm>>) target_semaphore(%arg20 : memref<!tpu.dma_semaphore, #tpu.memory_space<semaphore_mem>>)
        %dma_wait3A_112 = arith.constant 0 : i32
        %dma_wait3A_113 = tpu.memref_slice %arg9[%mul3A_107, %dma_wait3A_112] : memref<57344x64xf32, #tpu.memory_space<hbm>> -> memref<512x64xf32, #tpu.memory_space<hbm>>
        %dma_wait3A_114 = arith.constant 0 : i32
        %dma_wait3A_115 = tpu.memref_slice %arg9[%mul3A_107, %dma_wait3A_114] : memref<57344x64xf32, #tpu.memory_space<hbm>> -> memref<512x64xf32, #tpu.memory_space<hbm>>
        tpu.wait_dma2 semaphore(%arg20 : memref<!tpu.dma_semaphore, #tpu.memory_space<semaphore_mem>>) src(%arg15 : memref<512x64xf32, #tpu.memory_space<vmem>>) dst(%dma_wait3A_115 : memref<512x64xf32, #tpu.memory_space<hbm>>)
      }
      %scan3A_22 = arith.constant 7 : i32
    } else {
    }
    %eq3A_3 = arith.constant 1 : i32
    %eq3A_4 = arith.cmpi eq, %arg0, %eq3A_3 : i32
    %convert_element_type3A_5 = arith.extui %eq3A_4 : i1 to i32
    %cond3A_6 = arith.constant 0 : i32
    %cond3A_7 = arith.cmpi ne, %convert_element_type3A_5, %cond3A_6 : i32
    scf.if %cond3A_7 {
      %mul3A_8 = arith.constant 28 : i32
      %mul3A_9 = arith.muli %arg1, %mul3A_8 : i32
      "tpu.region"() ({
        %run_scoped3A = tpu.sem_alloc : memref<!tpu.dma_semaphore, #tpu.memory_space<semaphore_mem>>
        %dma_start3A = arith.constant 0 : i32
        %dma_start3A_23 = tpu.memref_slice %arg6[%mul3A_9, %dma_start3A] : memref<448x128xi32, #tpu.memory_space<hbm>> -> memref<28x128xi32, #tpu.memory_space<hbm>>
        %dma_start3A_24 = arith.constant 0 : i32
        %dma_start3A_25 = tpu.memref_slice %arg6[%mul3A_9, %dma_start3A_24] : memref<448x128xi32, #tpu.memory_space<hbm>> -> memref<28x128xi32, #tpu.memory_space<hbm>>
        tpu.enqueue_dma source(%dma_start3A_25 : memref<28x128xi32, #tpu.memory_space<hbm>>) target(%arg14 : memref<28x128xi32, #tpu.memory_space<vmem>>) target_semaphore(%run_scoped3A : memref<!tpu.dma_semaphore, #tpu.memory_space<semaphore_mem>>)
        %dma_wait3A = arith.constant 0 : i32
        %dma_wait3A_26 = tpu.memref_slice %arg6[%mul3A_9, %dma_wait3A] : memref<448x128xi32, #tpu.memory_space<hbm>> -> memref<28x128xi32, #tpu.memory_space<hbm>>
        %dma_wait3A_27 = arith.constant 0 : i32
        %dma_wait3A_28 = tpu.memref_slice %arg6[%mul3A_9, %dma_wait3A_27] : memref<448x128xi32, #tpu.memory_space<hbm>> -> memref<28x128xi32, #tpu.memory_space<hbm>>
        tpu.wait_dma2 semaphore(%run_scoped3A : memref<!tpu.dma_semaphore, #tpu.memory_space<semaphore_mem>>) src(%dma_wait3A_28 : memref<28x128xi32, #tpu.memory_space<hbm>>) dst(%arg14 : memref<28x128xi32, #tpu.memory_space<vmem>>)
        tpu.yield
      }) : () -> ()
      %scan3A = arith.constant 0 : i32
      %scan3A_10 = arith.constant 0 : i32
      %scan3A_11 = arith.constant 7 : i32
      %scan3A_12 = arith.addi %scan3A_10, %scan3A_11 : i32
      %scan3A_13 = arith.constant 1 : i32
      scf.for %scan3A_23 = %scan3A_10 to %scan3A_12 step %scan3A_13  : i32 {
        %mul3A_24 = arith.constant 4 : i32
        %mul3A_25 = arith.muli %scan3A_23, %mul3A_24 : i32
        %add3A = arith.constant 0 : i32
        %add3A_26 = arith.addi %mul3A_25, %add3A : i32
        %dma_start3A = arith.constant 0 : i32
        %dma_start3A_27 = arith.constant 0 : i32
        %dma_start3A_28 = tpu.memref_slice %arg15[%dma_start3A, %dma_start3A_27] : memref<512x64xf32, #tpu.memory_space<vmem>> -> memref<128x64xf32, #tpu.memory_space<vmem>>
        %dma_start3A_29 = arith.constant 0 : i32
        %dma_start3A_30 = tpu.memref_slice %arg14[%add3A_26, %dma_start3A_29] : memref<28x128xi32, #tpu.memory_space<vmem>> -> memref<1x128xi32, #tpu.memory_space<vmem>>
        %dma_start3A_31 = tpu.memref_squeeze %dma_start3A_30 : memref<1x128xi32, #tpu.memory_space<vmem>> -> memref<128xi32, #tpu.memory_space<vmem>>
        %dma_start3A_32 = arith.constant 0 : i32
        %dma_start3A_33 = arith.constant 0 : i32
        %dma_start3A_34 = tpu.memref_slice %arg12[%dma_start3A_32, %dma_start3A_33] : memref<10112x64xf32, #tpu.memory_space<vmem_shared>> -> memref<10112x64xf32, #tpu.memory_space<vmem_shared>>
        tpu.enqueue_indirect_dma source(%dma_start3A_34 : memref<10112x64xf32, #tpu.memory_space<vmem_shared>>) target(%dma_start3A_28 : memref<128x64xf32, #tpu.memory_space<vmem>>) offsets(%dma_start3A_31 : memref<128xi32, #tpu.memory_space<vmem>>) semaphore(%arg16 : memref<!tpu.dma_semaphore, #tpu.memory_space<semaphore_mem>>)
        %add3A_35 = arith.constant 1 : i32
        %add3A_36 = arith.addi %mul3A_25, %add3A_35 : i32
        %dma_start3A_37 = arith.constant 128 : i32
        %dma_start3A_38 = arith.constant 0 : i32
        %dma_start3A_39 = tpu.memref_slice %arg15[%dma_start3A_37, %dma_start3A_38] : memref<512x64xf32, #tpu.memory_space<vmem>> -> memref<128x64xf32, #tpu.memory_space<vmem>>
        %dma_start3A_40 = arith.constant 0 : i32
        %dma_start3A_41 = tpu.memref_slice %arg14[%add3A_36, %dma_start3A_40] : memref<28x128xi32, #tpu.memory_space<vmem>> -> memref<1x128xi32, #tpu.memory_space<vmem>>
        %dma_start3A_42 = tpu.memref_squeeze %dma_start3A_41 : memref<1x128xi32, #tpu.memory_space<vmem>> -> memref<128xi32, #tpu.memory_space<vmem>>
        %dma_start3A_43 = arith.constant 0 : i32
        %dma_start3A_44 = arith.constant 0 : i32
        %dma_start3A_45 = tpu.memref_slice %arg12[%dma_start3A_43, %dma_start3A_44] : memref<10112x64xf32, #tpu.memory_space<vmem_shared>> -> memref<10112x64xf32, #tpu.memory_space<vmem_shared>>
        tpu.enqueue_indirect_dma source(%dma_start3A_45 : memref<10112x64xf32, #tpu.memory_space<vmem_shared>>) target(%dma_start3A_39 : memref<128x64xf32, #tpu.memory_space<vmem>>) offsets(%dma_start3A_42 : memref<128xi32, #tpu.memory_space<vmem>>) semaphore(%arg17 : memref<!tpu.dma_semaphore, #tpu.memory_space<semaphore_mem>>)
        %add3A_46 = arith.constant 2 : i32
        %add3A_47 = arith.addi %mul3A_25, %add3A_46 : i32
        %dma_start3A_48 = arith.constant 256 : i32
        %dma_start3A_49 = arith.constant 0 : i32
        %dma_start3A_50 = tpu.memref_slice %arg15[%dma_start3A_48, %dma_start3A_49] : memref<512x64xf32, #tpu.memory_space<vmem>> -> memref<128x64xf32, #tpu.memory_space<vmem>>
        %dma_start3A_51 = arith.constant 0 : i32
        %dma_start3A_52 = tpu.memref_slice %arg14[%add3A_47, %dma_start3A_51] : memref<28x128xi32, #tpu.memory_space<vmem>> -> memref<1x128xi32, #tpu.memory_space<vmem>>
        %dma_start3A_53 = tpu.memref_squeeze %dma_start3A_52 : memref<1x128xi32, #tpu.memory_space<vmem>> -> memref<128xi32, #tpu.memory_space<vmem>>
        %dma_start3A_54 = arith.constant 0 : i32
        %dma_start3A_55 = arith.constant 0 : i32
        %dma_start3A_56 = tpu.memref_slice %arg12[%dma_start3A_54, %dma_start3A_55] : memref<10112x64xf32, #tpu.memory_space<vmem_shared>> -> memref<10112x64xf32, #tpu.memory_space<vmem_shared>>
        tpu.enqueue_indirect_dma source(%dma_start3A_56 : memref<10112x64xf32, #tpu.memory_space<vmem_shared>>) target(%dma_start3A_50 : memref<128x64xf32, #tpu.memory_space<vmem>>) offsets(%dma_start3A_53 : memref<128xi32, #tpu.memory_space<vmem>>) semaphore(%arg18 : memref<!tpu.dma_semaphore, #tpu.memory_space<semaphore_mem>>)
        %add3A_57 = arith.constant 3 : i32
        %add3A_58 = arith.addi %mul3A_25, %add3A_57 : i32
        %dma_start3A_59 = arith.constant 384 : i32
        %dma_start3A_60 = arith.constant 0 : i32
        %dma_start3A_61 = tpu.memref_slice %arg15[%dma_start3A_59, %dma_start3A_60] : memref<512x64xf32, #tpu.memory_space<vmem>> -> memref<128x64xf32, #tpu.memory_space<vmem>>
        %dma_start3A_62 = arith.constant 0 : i32
        %dma_start3A_63 = tpu.memref_slice %arg14[%add3A_58, %dma_start3A_62] : memref<28x128xi32, #tpu.memory_space<vmem>> -> memref<1x128xi32, #tpu.memory_space<vmem>>
        %dma_start3A_64 = tpu.memref_squeeze %dma_start3A_63 : memref<1x128xi32, #tpu.memory_space<vmem>> -> memref<128xi32, #tpu.memory_space<vmem>>
        %dma_start3A_65 = arith.constant 0 : i32
        %dma_start3A_66 = arith.constant 0 : i32
        %dma_start3A_67 = tpu.memref_slice %arg12[%dma_start3A_65, %dma_start3A_66] : memref<10112x64xf32, #tpu.memory_space<vmem_shared>> -> memref<10112x64xf32, #tpu.memory_space<vmem_shared>>
        tpu.enqueue_indirect_dma source(%dma_start3A_67 : memref<10112x64xf32, #tpu.memory_space<vmem_shared>>) target(%dma_start3A_61 : memref<128x64xf32, #tpu.memory_space<vmem>>) offsets(%dma_start3A_64 : memref<128xi32, #tpu.memory_space<vmem>>) semaphore(%arg19 : memref<!tpu.dma_semaphore, #tpu.memory_space<semaphore_mem>>)
        %dma_wait3A = arith.constant 0 : i32
        %dma_wait3A_68 = arith.constant 0 : i32
        %dma_wait3A_69 = tpu.memref_slice %arg15[%dma_wait3A, %dma_wait3A_68] : memref<512x64xf32, #tpu.memory_space<vmem>> -> memref<128x64xf32, #tpu.memory_space<vmem>>
        %dma_wait3A_70 = arith.constant 0 : i32
        %dma_wait3A_71 = tpu.memref_slice %arg14[%add3A_26, %dma_wait3A_70] : memref<28x128xi32, #tpu.memory_space<vmem>> -> memref<1x128xi32, #tpu.memory_space<vmem>>
        %dma_wait3A_72 = tpu.memref_squeeze %dma_wait3A_71 : memref<1x128xi32, #tpu.memory_space<vmem>> -> memref<128xi32, #tpu.memory_space<vmem>>
        %dma_wait3A_73 = arith.constant 0 : i32
        %dma_wait3A_74 = arith.constant 0 : i32
        %dma_wait3A_75 = tpu.memref_slice %arg12[%dma_wait3A_73, %dma_wait3A_74] : memref<10112x64xf32, #tpu.memory_space<vmem_shared>> -> memref<10112x64xf32, #tpu.memory_space<vmem_shared>>
        tpu.wait_indirect_dma semaphore(%arg16 : memref<!tpu.dma_semaphore, #tpu.memory_space<semaphore_mem>>) src(%dma_wait3A_75 : memref<10112x64xf32, #tpu.memory_space<vmem_shared>>) dst(%dma_wait3A_69 : memref<128x64xf32, #tpu.memory_space<vmem>>)
        %dma_wait3A_76 = arith.constant 128 : i32
        %dma_wait3A_77 = arith.constant 0 : i32
        %dma_wait3A_78 = tpu.memref_slice %arg15[%dma_wait3A_76, %dma_wait3A_77] : memref<512x64xf32, #tpu.memory_space<vmem>> -> memref<128x64xf32, #tpu.memory_space<vmem>>
        %dma_wait3A_79 = arith.constant 0 : i32
        %dma_wait3A_80 = tpu.memref_slice %arg14[%add3A_36, %dma_wait3A_79] : memref<28x128xi32, #tpu.memory_space<vmem>> -> memref<1x128xi32, #tpu.memory_space<vmem>>
        %dma_wait3A_81 = tpu.memref_squeeze %dma_wait3A_80 : memref<1x128xi32, #tpu.memory_space<vmem>> -> memref<128xi32, #tpu.memory_space<vmem>>
        %dma_wait3A_82 = arith.constant 0 : i32
        %dma_wait3A_83 = arith.constant 0 : i32
        %dma_wait3A_84 = tpu.memref_slice %arg12[%dma_wait3A_82, %dma_wait3A_83] : memref<10112x64xf32, #tpu.memory_space<vmem_shared>> -> memref<10112x64xf32, #tpu.memory_space<vmem_shared>>
        tpu.wait_indirect_dma semaphore(%arg17 : memref<!tpu.dma_semaphore, #tpu.memory_space<semaphore_mem>>) src(%dma_wait3A_84 : memref<10112x64xf32, #tpu.memory_space<vmem_shared>>) dst(%dma_wait3A_78 : memref<128x64xf32, #tpu.memory_space<vmem>>)
        %dma_wait3A_85 = arith.constant 256 : i32
        %dma_wait3A_86 = arith.constant 0 : i32
        %dma_wait3A_87 = tpu.memref_slice %arg15[%dma_wait3A_85, %dma_wait3A_86] : memref<512x64xf32, #tpu.memory_space<vmem>> -> memref<128x64xf32, #tpu.memory_space<vmem>>
        %dma_wait3A_88 = arith.constant 0 : i32
        %dma_wait3A_89 = tpu.memref_slice %arg14[%add3A_47, %dma_wait3A_88] : memref<28x128xi32, #tpu.memory_space<vmem>> -> memref<1x128xi32, #tpu.memory_space<vmem>>
        %dma_wait3A_90 = tpu.memref_squeeze %dma_wait3A_89 : memref<1x128xi32, #tpu.memory_space<vmem>> -> memref<128xi32, #tpu.memory_space<vmem>>
        %dma_wait3A_91 = arith.constant 0 : i32
        %dma_wait3A_92 = arith.constant 0 : i32
        %dma_wait3A_93 = tpu.memref_slice %arg12[%dma_wait3A_91, %dma_wait3A_92] : memref<10112x64xf32, #tpu.memory_space<vmem_shared>> -> memref<10112x64xf32, #tpu.memory_space<vmem_shared>>
        tpu.wait_indirect_dma semaphore(%arg18 : memref<!tpu.dma_semaphore, #tpu.memory_space<semaphore_mem>>) src(%dma_wait3A_93 : memref<10112x64xf32, #tpu.memory_space<vmem_shared>>) dst(%dma_wait3A_87 : memref<128x64xf32, #tpu.memory_space<vmem>>)
        %dma_wait3A_94 = arith.constant 384 : i32
        %dma_wait3A_95 = arith.constant 0 : i32
        %dma_wait3A_96 = tpu.memref_slice %arg15[%dma_wait3A_94, %dma_wait3A_95] : memref<512x64xf32, #tpu.memory_space<vmem>> -> memref<128x64xf32, #tpu.memory_space<vmem>>
        %dma_wait3A_97 = arith.constant 0 : i32
        %dma_wait3A_98 = tpu.memref_slice %arg14[%add3A_58, %dma_wait3A_97] : memref<28x128xi32, #tpu.memory_space<vmem>> -> memref<1x128xi32, #tpu.memory_space<vmem>>
        %dma_wait3A_99 = tpu.memref_squeeze %dma_wait3A_98 : memref<1x128xi32, #tpu.memory_space<vmem>> -> memref<128xi32, #tpu.memory_space<vmem>>
        %dma_wait3A_100 = arith.constant 0 : i32
        %dma_wait3A_101 = arith.constant 0 : i32
        %dma_wait3A_102 = tpu.memref_slice %arg12[%dma_wait3A_100, %dma_wait3A_101] : memref<10112x64xf32, #tpu.memory_space<vmem_shared>> -> memref<10112x64xf32, #tpu.memory_space<vmem_shared>>
        tpu.wait_indirect_dma semaphore(%arg19 : memref<!tpu.dma_semaphore, #tpu.memory_space<semaphore_mem>>) src(%dma_wait3A_102 : memref<10112x64xf32, #tpu.memory_space<vmem_shared>>) dst(%dma_wait3A_96 : memref<128x64xf32, #tpu.memory_space<vmem>>)
        %mul3A_103 = arith.constant 28 : i32
        %mul3A_104 = arith.muli %arg1, %mul3A_103 : i32
        %add3A_105 = arith.addi %mul3A_104, %mul3A_25 : i32
        %mul3A_106 = arith.constant 128 : i32
        %mul3A_107 = arith.muli %add3A_105, %mul3A_106 : i32
        %dma_start3A_108 = arith.constant 0 : i32
        %dma_start3A_109 = tpu.memref_slice %arg10[%mul3A_107, %dma_start3A_108] : memref<57344x64xf32, #tpu.memory_space<hbm>> -> memref<512x64xf32, #tpu.memory_space<hbm>>
        %dma_start3A_110 = arith.constant 0 : i32
        %dma_start3A_111 = tpu.memref_slice %arg10[%mul3A_107, %dma_start3A_110] : memref<57344x64xf32, #tpu.memory_space<hbm>> -> memref<512x64xf32, #tpu.memory_space<hbm>>
        tpu.enqueue_dma source(%arg15 : memref<512x64xf32, #tpu.memory_space<vmem>>) target(%dma_start3A_111 : memref<512x64xf32, #tpu.memory_space<hbm>>) target_semaphore(%arg20 : memref<!tpu.dma_semaphore, #tpu.memory_space<semaphore_mem>>)
        %dma_wait3A_112 = arith.constant 0 : i32
        %dma_wait3A_113 = tpu.memref_slice %arg10[%mul3A_107, %dma_wait3A_112] : memref<57344x64xf32, #tpu.memory_space<hbm>> -> memref<512x64xf32, #tpu.memory_space<hbm>>
        %dma_wait3A_114 = arith.constant 0 : i32
        %dma_wait3A_115 = tpu.memref_slice %arg10[%mul3A_107, %dma_wait3A_114] : memref<57344x64xf32, #tpu.memory_space<hbm>> -> memref<512x64xf32, #tpu.memory_space<hbm>>
        tpu.wait_dma2 semaphore(%arg20 : memref<!tpu.dma_semaphore, #tpu.memory_space<semaphore_mem>>) src(%arg15 : memref<512x64xf32, #tpu.memory_space<vmem>>) dst(%dma_wait3A_115 : memref<512x64xf32, #tpu.memory_space<hbm>>)
      }
      %scan3A_14 = arith.constant 7 : i32
      %mul3A_15 = arith.constant 28 : i32
      %mul3A_16 = arith.muli %arg1, %mul3A_15 : i32
      "tpu.region"() ({
        %run_scoped3A = tpu.sem_alloc : memref<!tpu.dma_semaphore, #tpu.memory_space<semaphore_mem>>
        %dma_start3A = arith.constant 0 : i32
        %dma_start3A_23 = tpu.memref_slice %arg7[%mul3A_16, %dma_start3A] : memref<448x128xi32, #tpu.memory_space<hbm>> -> memref<28x128xi32, #tpu.memory_space<hbm>>
        %dma_start3A_24 = arith.constant 0 : i32
        %dma_start3A_25 = tpu.memref_slice %arg7[%mul3A_16, %dma_start3A_24] : memref<448x128xi32, #tpu.memory_space<hbm>> -> memref<28x128xi32, #tpu.memory_space<hbm>>
        tpu.enqueue_dma source(%dma_start3A_25 : memref<28x128xi32, #tpu.memory_space<hbm>>) target(%arg14 : memref<28x128xi32, #tpu.memory_space<vmem>>) target_semaphore(%run_scoped3A : memref<!tpu.dma_semaphore, #tpu.memory_space<semaphore_mem>>)
        %dma_wait3A = arith.constant 0 : i32
        %dma_wait3A_26 = tpu.memref_slice %arg7[%mul3A_16, %dma_wait3A] : memref<448x128xi32, #tpu.memory_space<hbm>> -> memref<28x128xi32, #tpu.memory_space<hbm>>
        %dma_wait3A_27 = arith.constant 0 : i32
        %dma_wait3A_28 = tpu.memref_slice %arg7[%mul3A_16, %dma_wait3A_27] : memref<448x128xi32, #tpu.memory_space<hbm>> -> memref<28x128xi32, #tpu.memory_space<hbm>>
        tpu.wait_dma2 semaphore(%run_scoped3A : memref<!tpu.dma_semaphore, #tpu.memory_space<semaphore_mem>>) src(%dma_wait3A_28 : memref<28x128xi32, #tpu.memory_space<hbm>>) dst(%arg14 : memref<28x128xi32, #tpu.memory_space<vmem>>)
        tpu.yield
      }) : () -> ()
      %scan3A_17 = arith.constant 0 : i32
      %scan3A_18 = arith.constant 0 : i32
      %scan3A_19 = arith.constant 7 : i32
      %scan3A_20 = arith.addi %scan3A_18, %scan3A_19 : i32
      %scan3A_21 = arith.constant 1 : i32
      scf.for %scan3A_23 = %scan3A_18 to %scan3A_20 step %scan3A_21  : i32 {
        %mul3A_24 = arith.constant 4 : i32
        %mul3A_25 = arith.muli %scan3A_23, %mul3A_24 : i32
        %add3A = arith.constant 0 : i32
        %add3A_26 = arith.addi %mul3A_25, %add3A : i32
        %dma_start3A = arith.constant 0 : i32
        %dma_start3A_27 = arith.constant 0 : i32
        %dma_start3A_28 = tpu.memref_slice %arg15[%dma_start3A, %dma_start3A_27] : memref<512x64xf32, #tpu.memory_space<vmem>> -> memref<128x64xf32, #tpu.memory_space<vmem>>
        %dma_start3A_29 = arith.constant 0 : i32
        %dma_start3A_30 = tpu.memref_slice %arg14[%add3A_26, %dma_start3A_29] : memref<28x128xi32, #tpu.memory_space<vmem>> -> memref<1x128xi32, #tpu.memory_space<vmem>>
        %dma_start3A_31 = tpu.memref_squeeze %dma_start3A_30 : memref<1x128xi32, #tpu.memory_space<vmem>> -> memref<128xi32, #tpu.memory_space<vmem>>
        %dma_start3A_32 = arith.constant 0 : i32
        %dma_start3A_33 = arith.constant 0 : i32
        %dma_start3A_34 = tpu.memref_slice %arg13[%dma_start3A_32, %dma_start3A_33] : memref<10112x64xf32, #tpu.memory_space<vmem_shared>> -> memref<10112x64xf32, #tpu.memory_space<vmem_shared>>
        tpu.enqueue_indirect_dma source(%dma_start3A_34 : memref<10112x64xf32, #tpu.memory_space<vmem_shared>>) target(%dma_start3A_28 : memref<128x64xf32, #tpu.memory_space<vmem>>) offsets(%dma_start3A_31 : memref<128xi32, #tpu.memory_space<vmem>>) semaphore(%arg16 : memref<!tpu.dma_semaphore, #tpu.memory_space<semaphore_mem>>)
        %add3A_35 = arith.constant 1 : i32
        %add3A_36 = arith.addi %mul3A_25, %add3A_35 : i32
        %dma_start3A_37 = arith.constant 128 : i32
        %dma_start3A_38 = arith.constant 0 : i32
        %dma_start3A_39 = tpu.memref_slice %arg15[%dma_start3A_37, %dma_start3A_38] : memref<512x64xf32, #tpu.memory_space<vmem>> -> memref<128x64xf32, #tpu.memory_space<vmem>>
        %dma_start3A_40 = arith.constant 0 : i32
        %dma_start3A_41 = tpu.memref_slice %arg14[%add3A_36, %dma_start3A_40] : memref<28x128xi32, #tpu.memory_space<vmem>> -> memref<1x128xi32, #tpu.memory_space<vmem>>
        %dma_start3A_42 = tpu.memref_squeeze %dma_start3A_41 : memref<1x128xi32, #tpu.memory_space<vmem>> -> memref<128xi32, #tpu.memory_space<vmem>>
        %dma_start3A_43 = arith.constant 0 : i32
        %dma_start3A_44 = arith.constant 0 : i32
        %dma_start3A_45 = tpu.memref_slice %arg13[%dma_start3A_43, %dma_start3A_44] : memref<10112x64xf32, #tpu.memory_space<vmem_shared>> -> memref<10112x64xf32, #tpu.memory_space<vmem_shared>>
        tpu.enqueue_indirect_dma source(%dma_start3A_45 : memref<10112x64xf32, #tpu.memory_space<vmem_shared>>) target(%dma_start3A_39 : memref<128x64xf32, #tpu.memory_space<vmem>>) offsets(%dma_start3A_42 : memref<128xi32, #tpu.memory_space<vmem>>) semaphore(%arg17 : memref<!tpu.dma_semaphore, #tpu.memory_space<semaphore_mem>>)
        %add3A_46 = arith.constant 2 : i32
        %add3A_47 = arith.addi %mul3A_25, %add3A_46 : i32
        %dma_start3A_48 = arith.constant 256 : i32
        %dma_start3A_49 = arith.constant 0 : i32
        %dma_start3A_50 = tpu.memref_slice %arg15[%dma_start3A_48, %dma_start3A_49] : memref<512x64xf32, #tpu.memory_space<vmem>> -> memref<128x64xf32, #tpu.memory_space<vmem>>
        %dma_start3A_51 = arith.constant 0 : i32
        %dma_start3A_52 = tpu.memref_slice %arg14[%add3A_47, %dma_start3A_51] : memref<28x128xi32, #tpu.memory_space<vmem>> -> memref<1x128xi32, #tpu.memory_space<vmem>>
        %dma_start3A_53 = tpu.memref_squeeze %dma_start3A_52 : memref<1x128xi32, #tpu.memory_space<vmem>> -> memref<128xi32, #tpu.memory_space<vmem>>
        %dma_start3A_54 = arith.constant 0 : i32
        %dma_start3A_55 = arith.constant 0 : i32
        %dma_start3A_56 = tpu.memref_slice %arg13[%dma_start3A_54, %dma_start3A_55] : memref<10112x64xf32, #tpu.memory_space<vmem_shared>> -> memref<10112x64xf32, #tpu.memory_space<vmem_shared>>
        tpu.enqueue_indirect_dma source(%dma_start3A_56 : memref<10112x64xf32, #tpu.memory_space<vmem_shared>>) target(%dma_start3A_50 : memref<128x64xf32, #tpu.memory_space<vmem>>) offsets(%dma_start3A_53 : memref<128xi32, #tpu.memory_space<vmem>>) semaphore(%arg18 : memref<!tpu.dma_semaphore, #tpu.memory_space<semaphore_mem>>)
        %add3A_57 = arith.constant 3 : i32
        %add3A_58 = arith.addi %mul3A_25, %add3A_57 : i32
        %dma_start3A_59 = arith.constant 384 : i32
        %dma_start3A_60 = arith.constant 0 : i32
        %dma_start3A_61 = tpu.memref_slice %arg15[%dma_start3A_59, %dma_start3A_60] : memref<512x64xf32, #tpu.memory_space<vmem>> -> memref<128x64xf32, #tpu.memory_space<vmem>>
        %dma_start3A_62 = arith.constant 0 : i32
        %dma_start3A_63 = tpu.memref_slice %arg14[%add3A_58, %dma_start3A_62] : memref<28x128xi32, #tpu.memory_space<vmem>> -> memref<1x128xi32, #tpu.memory_space<vmem>>
        %dma_start3A_64 = tpu.memref_squeeze %dma_start3A_63 : memref<1x128xi32, #tpu.memory_space<vmem>> -> memref<128xi32, #tpu.memory_space<vmem>>
        %dma_start3A_65 = arith.constant 0 : i32
        %dma_start3A_66 = arith.constant 0 : i32
        %dma_start3A_67 = tpu.memref_slice %arg13[%dma_start3A_65, %dma_start3A_66] : memref<10112x64xf32, #tpu.memory_space<vmem_shared>> -> memref<10112x64xf32, #tpu.memory_space<vmem_shared>>
        tpu.enqueue_indirect_dma source(%dma_start3A_67 : memref<10112x64xf32, #tpu.memory_space<vmem_shared>>) target(%dma_start3A_61 : memref<128x64xf32, #tpu.memory_space<vmem>>) offsets(%dma_start3A_64 : memref<128xi32, #tpu.memory_space<vmem>>) semaphore(%arg19 : memref<!tpu.dma_semaphore, #tpu.memory_space<semaphore_mem>>)
        %dma_wait3A = arith.constant 0 : i32
        %dma_wait3A_68 = arith.constant 0 : i32
        %dma_wait3A_69 = tpu.memref_slice %arg15[%dma_wait3A, %dma_wait3A_68] : memref<512x64xf32, #tpu.memory_space<vmem>> -> memref<128x64xf32, #tpu.memory_space<vmem>>
        %dma_wait3A_70 = arith.constant 0 : i32
        %dma_wait3A_71 = tpu.memref_slice %arg14[%add3A_26, %dma_wait3A_70] : memref<28x128xi32, #tpu.memory_space<vmem>> -> memref<1x128xi32, #tpu.memory_space<vmem>>
        %dma_wait3A_72 = tpu.memref_squeeze %dma_wait3A_71 : memref<1x128xi32, #tpu.memory_space<vmem>> -> memref<128xi32, #tpu.memory_space<vmem>>
        %dma_wait3A_73 = arith.constant 0 : i32
        %dma_wait3A_74 = arith.constant 0 : i32
        %dma_wait3A_75 = tpu.memref_slice %arg13[%dma_wait3A_73, %dma_wait3A_74] : memref<10112x64xf32, #tpu.memory_space<vmem_shared>> -> memref<10112x64xf32, #tpu.memory_space<vmem_shared>>
        tpu.wait_indirect_dma semaphore(%arg16 : memref<!tpu.dma_semaphore, #tpu.memory_space<semaphore_mem>>) src(%dma_wait3A_75 : memref<10112x64xf32, #tpu.memory_space<vmem_shared>>) dst(%dma_wait3A_69 : memref<128x64xf32, #tpu.memory_space<vmem>>)
        %dma_wait3A_76 = arith.constant 128 : i32
        %dma_wait3A_77 = arith.constant 0 : i32
        %dma_wait3A_78 = tpu.memref_slice %arg15[%dma_wait3A_76, %dma_wait3A_77] : memref<512x64xf32, #tpu.memory_space<vmem>> -> memref<128x64xf32, #tpu.memory_space<vmem>>
        %dma_wait3A_79 = arith.constant 0 : i32
        %dma_wait3A_80 = tpu.memref_slice %arg14[%add3A_36, %dma_wait3A_79] : memref<28x128xi32, #tpu.memory_space<vmem>> -> memref<1x128xi32, #tpu.memory_space<vmem>>
        %dma_wait3A_81 = tpu.memref_squeeze %dma_wait3A_80 : memref<1x128xi32, #tpu.memory_space<vmem>> -> memref<128xi32, #tpu.memory_space<vmem>>
        %dma_wait3A_82 = arith.constant 0 : i32
        %dma_wait3A_83 = arith.constant 0 : i32
        %dma_wait3A_84 = tpu.memref_slice %arg13[%dma_wait3A_82, %dma_wait3A_83] : memref<10112x64xf32, #tpu.memory_space<vmem_shared>> -> memref<10112x64xf32, #tpu.memory_space<vmem_shared>>
        tpu.wait_indirect_dma semaphore(%arg17 : memref<!tpu.dma_semaphore, #tpu.memory_space<semaphore_mem>>) src(%dma_wait3A_84 : memref<10112x64xf32, #tpu.memory_space<vmem_shared>>) dst(%dma_wait3A_78 : memref<128x64xf32, #tpu.memory_space<vmem>>)
        %dma_wait3A_85 = arith.constant 256 : i32
        %dma_wait3A_86 = arith.constant 0 : i32
        %dma_wait3A_87 = tpu.memref_slice %arg15[%dma_wait3A_85, %dma_wait3A_86] : memref<512x64xf32, #tpu.memory_space<vmem>> -> memref<128x64xf32, #tpu.memory_space<vmem>>
        %dma_wait3A_88 = arith.constant 0 : i32
        %dma_wait3A_89 = tpu.memref_slice %arg14[%add3A_47, %dma_wait3A_88] : memref<28x128xi32, #tpu.memory_space<vmem>> -> memref<1x128xi32, #tpu.memory_space<vmem>>
        %dma_wait3A_90 = tpu.memref_squeeze %dma_wait3A_89 : memref<1x128xi32, #tpu.memory_space<vmem>> -> memref<128xi32, #tpu.memory_space<vmem>>
        %dma_wait3A_91 = arith.constant 0 : i32
        %dma_wait3A_92 = arith.constant 0 : i32
        %dma_wait3A_93 = tpu.memref_slice %arg13[%dma_wait3A_91, %dma_wait3A_92] : memref<10112x64xf32, #tpu.memory_space<vmem_shared>> -> memref<10112x64xf32, #tpu.memory_space<vmem_shared>>
        tpu.wait_indirect_dma semaphore(%arg18 : memref<!tpu.dma_semaphore, #tpu.memory_space<semaphore_mem>>) src(%dma_wait3A_93 : memref<10112x64xf32, #tpu.memory_space<vmem_shared>>) dst(%dma_wait3A_87 : memref<128x64xf32, #tpu.memory_space<vmem>>)
        %dma_wait3A_94 = arith.constant 384 : i32
        %dma_wait3A_95 = arith.constant 0 : i32
        %dma_wait3A_96 = tpu.memref_slice %arg15[%dma_wait3A_94, %dma_wait3A_95] : memref<512x64xf32, #tpu.memory_space<vmem>> -> memref<128x64xf32, #tpu.memory_space<vmem>>
        %dma_wait3A_97 = arith.constant 0 : i32
        %dma_wait3A_98 = tpu.memref_slice %arg14[%add3A_58, %dma_wait3A_97] : memref<28x128xi32, #tpu.memory_space<vmem>> -> memref<1x128xi32, #tpu.memory_space<vmem>>
        %dma_wait3A_99 = tpu.memref_squeeze %dma_wait3A_98 : memref<1x128xi32, #tpu.memory_space<vmem>> -> memref<128xi32, #tpu.memory_space<vmem>>
        %dma_wait3A_100 = arith.constant 0 : i32
        %dma_wait3A_101 = arith.constant 0 : i32
        %dma_wait3A_102 = tpu.memref_slice %arg13[%dma_wait3A_100, %dma_wait3A_101] : memref<10112x64xf32, #tpu.memory_space<vmem_shared>> -> memref<10112x64xf32, #tpu.memory_space<vmem_shared>>
        tpu.wait_indirect_dma semaphore(%arg19 : memref<!tpu.dma_semaphore, #tpu.memory_space<semaphore_mem>>) src(%dma_wait3A_102 : memref<10112x64xf32, #tpu.memory_space<vmem_shared>>) dst(%dma_wait3A_96 : memref<128x64xf32, #tpu.memory_space<vmem>>)
        %mul3A_103 = arith.constant 28 : i32
        %mul3A_104 = arith.muli %arg1, %mul3A_103 : i32
        %add3A_105 = arith.addi %mul3A_104, %mul3A_25 : i32
        %mul3A_106 = arith.constant 128 : i32
        %mul3A_107 = arith.muli %add3A_105, %mul3A_106 : i32
        %dma_start3A_108 = arith.constant 0 : i32
        %dma_start3A_109 = tpu.memref_slice %arg11[%mul3A_107, %dma_start3A_108] : memref<57344x64xf32, #tpu.memory_space<hbm>> -> memref<512x64xf32, #tpu.memory_space<hbm>>
        %dma_start3A_110 = arith.constant 0 : i32
        %dma_start3A_111 = tpu.memref_slice %arg11[%mul3A_107, %dma_start3A_110] : memref<57344x64xf32, #tpu.memory_space<hbm>> -> memref<512x64xf32, #tpu.memory_space<hbm>>
        tpu.enqueue_dma source(%arg15 : memref<512x64xf32, #tpu.memory_space<vmem>>) target(%dma_start3A_111 : memref<512x64xf32, #tpu.memory_space<hbm>>) target_semaphore(%arg20 : memref<!tpu.dma_semaphore, #tpu.memory_space<semaphore_mem>>)
        %dma_wait3A_112 = arith.constant 0 : i32
        %dma_wait3A_113 = tpu.memref_slice %arg11[%mul3A_107, %dma_wait3A_112] : memref<57344x64xf32, #tpu.memory_space<hbm>> -> memref<512x64xf32, #tpu.memory_space<hbm>>
        %dma_wait3A_114 = arith.constant 0 : i32
        %dma_wait3A_115 = tpu.memref_slice %arg11[%mul3A_107, %dma_wait3A_114] : memref<57344x64xf32, #tpu.memory_space<hbm>> -> memref<512x64xf32, #tpu.memory_space<hbm>>
        tpu.wait_dma2 semaphore(%arg20 : memref<!tpu.dma_semaphore, #tpu.memory_space<semaphore_mem>>) src(%arg15 : memref<512x64xf32, #tpu.memory_space<vmem>>) dst(%dma_wait3A_115 : memref<512x64xf32, #tpu.memory_space<hbm>>)
      }
      %scan3A_22 = arith.constant 7 : i32
    } else {
    }
    return
  }
}

#map = affine_map<(d0, d1) -> (0, 0)>
module attributes {stable_mosaic.version = 14 : i64} {
  func.func @body(%arg0: i32, %arg1: i32, %arg2: memref<10112x32xf32, #tpu.memory_space<hbm>>, %arg3: memref<10112x32xf32, #tpu.memory_space<hbm>>, %arg4: memref<10112x32xf32, #tpu.memory_space<hbm>>, %arg5: memref<1280x128xi32, #tpu.memory_space<hbm>>, %arg6: memref<1280x128xi32, #tpu.memory_space<hbm>>, %arg7: memref<10112x32xf32, #tpu.memory_space<hbm>>, %arg8: memref<10112x32xf32, #tpu.memory_space<hbm>>, %arg9: memref<10112x32xf32, #tpu.memory_space<vmem_shared>>, %arg10: memref<10112x32xf32, #tpu.memory_space<vmem_shared>>, %arg11: memref<16x128xi32, #tpu.memory_space<vmem>>, %arg12: memref<16x128xi32, #tpu.memory_space<vmem>>, %arg13: memref<128x32xf32, #tpu.memory_space<vmem>>, %arg14: memref<128x32xf32, #tpu.memory_space<vmem>>, %arg15: memref<128x32xf32, #tpu.memory_space<vmem>>, %arg16: memref<128x32xf32, #tpu.memory_space<vmem>>, %arg17: memref<!tpu.dma_semaphore, #tpu.memory_space<semaphore_mem>>, %arg18: memref<!tpu.dma_semaphore, #tpu.memory_space<semaphore_mem>>, %arg19: memref<!tpu.dma_semaphore, #tpu.memory_space<semaphore_mem>>, %arg20: memref<!tpu.dma_semaphore, #tpu.memory_space<semaphore_mem>>, %arg21: memref<!tpu.dma_semaphore, #tpu.memory_space<semaphore_mem>>, %arg22: memref<!tpu.dma_semaphore, #tpu.memory_space<semaphore_mem>>, %arg23: memref<!tpu.dma_semaphore, #tpu.memory_space<semaphore_mem>>, %arg24: memref<!tpu.dma_semaphore, #tpu.memory_space<semaphore_mem>>) attributes {dimension_semantics = [#tpu.dimension_semantics<core_parallel>, #tpu.dimension_semantics<subcore_parallel>], iteration_bounds = array<i64: 2, 16>, scalar_prefetch = 0 : i64, scratch_operands = 16 : i64, tpu.core_type = #tpu.core_type<sc_vector_subcore>, window_params = [{transform_indices = #map}, {transform_indices = #map}, {transform_indices = #map}, {transform_indices = #map}, {transform_indices = #map}, {transform_indices = #map}, {transform_indices = #map}]} {
    %mul3A = arith.constant 632 : i32
    %mul3A_0 = arith.muli %arg1, %mul3A : i32
    "tpu.region"() ({
      %run_scoped3A = tpu.sem_alloc : memref<!tpu.dma_semaphore, #tpu.memory_space<semaphore_mem>>
      %dma_start3A = arith.constant 0 : i32
      %dma_start3A_24 = tpu.memref_slice %arg9[%mul3A_0, %dma_start3A] : memref<10112x32xf32, #tpu.memory_space<vmem_shared>> -> memref<632x32xf32, #tpu.memory_space<vmem_shared>>
      %dma_start3A_25 = arith.constant 0 : i32
      %dma_start3A_26 = tpu.memref_slice %arg4[%mul3A_0, %dma_start3A_25] : memref<10112x32xf32, #tpu.memory_space<hbm>> -> memref<632x32xf32, #tpu.memory_space<hbm>>
      tpu.enqueue_dma source(%dma_start3A_26 : memref<632x32xf32, #tpu.memory_space<hbm>>) target(%dma_start3A_24 : memref<632x32xf32, #tpu.memory_space<vmem_shared>>) target_semaphore(%run_scoped3A : memref<!tpu.dma_semaphore, #tpu.memory_space<semaphore_mem>>)
      %dma_wait3A = arith.constant 0 : i32
      %dma_wait3A_27 = tpu.memref_slice %arg9[%mul3A_0, %dma_wait3A] : memref<10112x32xf32, #tpu.memory_space<vmem_shared>> -> memref<632x32xf32, #tpu.memory_space<vmem_shared>>
      %dma_wait3A_28 = arith.constant 0 : i32
      %dma_wait3A_29 = tpu.memref_slice %arg4[%mul3A_0, %dma_wait3A_28] : memref<10112x32xf32, #tpu.memory_space<hbm>> -> memref<632x32xf32, #tpu.memory_space<hbm>>
      tpu.wait_dma2 semaphore(%run_scoped3A : memref<!tpu.dma_semaphore, #tpu.memory_space<semaphore_mem>>) src(%dma_wait3A_29 : memref<632x32xf32, #tpu.memory_space<hbm>>) dst(%dma_wait3A_27 : memref<632x32xf32, #tpu.memory_space<vmem_shared>>)
      tpu.yield
    }) : () -> ()
    %eq3A = arith.constant 0 : i32
    %eq3A_1 = arith.cmpi eq, %arg0, %eq3A : i32
    %convert_element_type3A = arith.extui %eq3A_1 : i1 to i32
    %cond3A = arith.constant 0 : i32
    %cond3A_2 = arith.cmpi ne, %convert_element_type3A, %cond3A : i32
    scf.if %cond3A_2 {
      "tpu.region"() ({
        %run_scoped3A = tpu.sem_alloc : memref<!tpu.dma_semaphore, #tpu.memory_space<semaphore_mem>>
        %dma_start3A = arith.constant 0 : i32
        %dma_start3A_24 = tpu.memref_slice %arg10[%mul3A_0, %dma_start3A] : memref<10112x32xf32, #tpu.memory_space<vmem_shared>> -> memref<632x32xf32, #tpu.memory_space<vmem_shared>>
        %dma_start3A_25 = arith.constant 0 : i32
        %dma_start3A_26 = tpu.memref_slice %arg2[%mul3A_0, %dma_start3A_25] : memref<10112x32xf32, #tpu.memory_space<hbm>> -> memref<632x32xf32, #tpu.memory_space<hbm>>
        tpu.enqueue_dma source(%dma_start3A_26 : memref<632x32xf32, #tpu.memory_space<hbm>>) target(%dma_start3A_24 : memref<632x32xf32, #tpu.memory_space<vmem_shared>>) target_semaphore(%run_scoped3A : memref<!tpu.dma_semaphore, #tpu.memory_space<semaphore_mem>>)
        %dma_wait3A = arith.constant 0 : i32
        %dma_wait3A_27 = tpu.memref_slice %arg10[%mul3A_0, %dma_wait3A] : memref<10112x32xf32, #tpu.memory_space<vmem_shared>> -> memref<632x32xf32, #tpu.memory_space<vmem_shared>>
        %dma_wait3A_28 = arith.constant 0 : i32
        %dma_wait3A_29 = tpu.memref_slice %arg2[%mul3A_0, %dma_wait3A_28] : memref<10112x32xf32, #tpu.memory_space<hbm>> -> memref<632x32xf32, #tpu.memory_space<hbm>>
        tpu.wait_dma2 semaphore(%run_scoped3A : memref<!tpu.dma_semaphore, #tpu.memory_space<semaphore_mem>>) src(%dma_wait3A_29 : memref<632x32xf32, #tpu.memory_space<hbm>>) dst(%dma_wait3A_27 : memref<632x32xf32, #tpu.memory_space<vmem_shared>>)
        tpu.yield
      }) : () -> ()
    } else {
    }
    %eq3A_3 = arith.constant 1 : i32
    %eq3A_4 = arith.cmpi eq, %arg0, %eq3A_3 : i32
    %convert_element_type3A_5 = arith.extui %eq3A_4 : i1 to i32
    %cond3A_6 = arith.constant 0 : i32
    %cond3A_7 = arith.cmpi ne, %convert_element_type3A_5, %cond3A_6 : i32
    scf.if %cond3A_7 {
      "tpu.region"() ({
        %run_scoped3A = tpu.sem_alloc : memref<!tpu.dma_semaphore, #tpu.memory_space<semaphore_mem>>
        %dma_start3A = arith.constant 0 : i32
        %dma_start3A_24 = tpu.memref_slice %arg10[%mul3A_0, %dma_start3A] : memref<10112x32xf32, #tpu.memory_space<vmem_shared>> -> memref<632x32xf32, #tpu.memory_space<vmem_shared>>
        %dma_start3A_25 = arith.constant 0 : i32
        %dma_start3A_26 = tpu.memref_slice %arg3[%mul3A_0, %dma_start3A_25] : memref<10112x32xf32, #tpu.memory_space<hbm>> -> memref<632x32xf32, #tpu.memory_space<hbm>>
        tpu.enqueue_dma source(%dma_start3A_26 : memref<632x32xf32, #tpu.memory_space<hbm>>) target(%dma_start3A_24 : memref<632x32xf32, #tpu.memory_space<vmem_shared>>) target_semaphore(%run_scoped3A : memref<!tpu.dma_semaphore, #tpu.memory_space<semaphore_mem>>)
        %dma_wait3A = arith.constant 0 : i32
        %dma_wait3A_27 = tpu.memref_slice %arg10[%mul3A_0, %dma_wait3A] : memref<10112x32xf32, #tpu.memory_space<vmem_shared>> -> memref<632x32xf32, #tpu.memory_space<vmem_shared>>
        %dma_wait3A_28 = arith.constant 0 : i32
        %dma_wait3A_29 = tpu.memref_slice %arg3[%mul3A_0, %dma_wait3A_28] : memref<10112x32xf32, #tpu.memory_space<hbm>> -> memref<632x32xf32, #tpu.memory_space<hbm>>
        tpu.wait_dma2 semaphore(%run_scoped3A : memref<!tpu.dma_semaphore, #tpu.memory_space<semaphore_mem>>) src(%dma_wait3A_29 : memref<632x32xf32, #tpu.memory_space<hbm>>) dst(%dma_wait3A_27 : memref<632x32xf32, #tpu.memory_space<vmem_shared>>)
        tpu.yield
      }) : () -> ()
    } else {
    }
    %barrier3A = arith.constant 0 : index
    tpu.barrier barrier_id(%barrier3A)
    %scan3A = arith.constant 0 : i32
    %scan3A_8 = arith.constant 0 : i32
    %scan3A_9 = arith.constant 5 : i32
    %scan3A_10 = arith.addi %scan3A_8, %scan3A_9 : i32
    %scan3A_11 = arith.constant 1 : i32
    scf.for %scan3A_24 = %scan3A_8 to %scan3A_10 step %scan3A_11  : i32 {
      %mul3A_25 = arith.constant 80 : i32
      %mul3A_26 = arith.muli %arg1, %mul3A_25 : i32
      %mul3A_27 = arith.constant 16 : i32
      %mul3A_28 = arith.muli %scan3A_24, %mul3A_27 : i32
      %add3A = arith.addi %mul3A_26, %mul3A_28 : i32
      "tpu.region"() ({
        %run_scoped3A = tpu.sem_alloc : memref<!tpu.dma_semaphore, #tpu.memory_space<semaphore_mem>>
        %dma_start3A = arith.constant 0 : i32
        %dma_start3A_34 = tpu.memref_slice %arg5[%add3A, %dma_start3A] : memref<1280x128xi32, #tpu.memory_space<hbm>> -> memref<16x128xi32, #tpu.memory_space<hbm>>
        %dma_start3A_35 = arith.constant 0 : i32
        %dma_start3A_36 = tpu.memref_slice %arg5[%add3A, %dma_start3A_35] : memref<1280x128xi32, #tpu.memory_space<hbm>> -> memref<16x128xi32, #tpu.memory_space<hbm>>
        tpu.enqueue_dma source(%dma_start3A_36 : memref<16x128xi32, #tpu.memory_space<hbm>>) target(%arg11 : memref<16x128xi32, #tpu.memory_space<vmem>>) target_semaphore(%run_scoped3A : memref<!tpu.dma_semaphore, #tpu.memory_space<semaphore_mem>>)
        %dma_wait3A = arith.constant 0 : i32
        %dma_wait3A_37 = tpu.memref_slice %arg5[%add3A, %dma_wait3A] : memref<1280x128xi32, #tpu.memory_space<hbm>> -> memref<16x128xi32, #tpu.memory_space<hbm>>
        %dma_wait3A_38 = arith.constant 0 : i32
        %dma_wait3A_39 = tpu.memref_slice %arg5[%add3A, %dma_wait3A_38] : memref<1280x128xi32, #tpu.memory_space<hbm>> -> memref<16x128xi32, #tpu.memory_space<hbm>>
        tpu.wait_dma2 semaphore(%run_scoped3A : memref<!tpu.dma_semaphore, #tpu.memory_space<semaphore_mem>>) src(%dma_wait3A_39 : memref<16x128xi32, #tpu.memory_space<hbm>>) dst(%arg11 : memref<16x128xi32, #tpu.memory_space<vmem>>)
        tpu.yield
      }) : () -> ()
      "tpu.region"() ({
        %run_scoped3A = tpu.sem_alloc : memref<!tpu.dma_semaphore, #tpu.memory_space<semaphore_mem>>
        %dma_start3A = arith.constant 0 : i32
        %dma_start3A_34 = tpu.memref_slice %arg6[%add3A, %dma_start3A] : memref<1280x128xi32, #tpu.memory_space<hbm>> -> memref<16x128xi32, #tpu.memory_space<hbm>>
        %dma_start3A_35 = arith.constant 0 : i32
        %dma_start3A_36 = tpu.memref_slice %arg6[%add3A, %dma_start3A_35] : memref<1280x128xi32, #tpu.memory_space<hbm>> -> memref<16x128xi32, #tpu.memory_space<hbm>>
        tpu.enqueue_dma source(%dma_start3A_36 : memref<16x128xi32, #tpu.memory_space<hbm>>) target(%arg12 : memref<16x128xi32, #tpu.memory_space<vmem>>) target_semaphore(%run_scoped3A : memref<!tpu.dma_semaphore, #tpu.memory_space<semaphore_mem>>)
        %dma_wait3A = arith.constant 0 : i32
        %dma_wait3A_37 = tpu.memref_slice %arg6[%add3A, %dma_wait3A] : memref<1280x128xi32, #tpu.memory_space<hbm>> -> memref<16x128xi32, #tpu.memory_space<hbm>>
        %dma_wait3A_38 = arith.constant 0 : i32
        %dma_wait3A_39 = tpu.memref_slice %arg6[%add3A, %dma_wait3A_38] : memref<1280x128xi32, #tpu.memory_space<hbm>> -> memref<16x128xi32, #tpu.memory_space<hbm>>
        tpu.wait_dma2 semaphore(%run_scoped3A : memref<!tpu.dma_semaphore, #tpu.memory_space<semaphore_mem>>) src(%dma_wait3A_39 : memref<16x128xi32, #tpu.memory_space<hbm>>) dst(%arg12 : memref<16x128xi32, #tpu.memory_space<vmem>>)
        tpu.yield
      }) : () -> ()
      %scan3A_29 = arith.constant 0 : i32
      %scan3A_30 = arith.constant 4 : i32
      %scan3A_31 = arith.addi %scan3A_29, %scan3A_30 : i32
      %scan3A_32 = arith.constant 1 : i32
      scf.for %scan3A_34 = %scan3A_29 to %scan3A_31 step %scan3A_32  : i32 {
        %mul3A_35 = arith.constant 4 : i32
        %mul3A_36 = arith.muli %scan3A_34, %mul3A_35 : i32
        %add3A_37 = arith.constant 0 : i32
        %add3A_38 = arith.addi %mul3A_36, %add3A_37 : i32
        %dma_start3A = arith.constant 0 : i32
        %dma_start3A_39 = tpu.memref_slice %arg11[%add3A_38, %dma_start3A] : memref<16x128xi32, #tpu.memory_space<vmem>> -> memref<1x128xi32, #tpu.memory_space<vmem>>
        %dma_start3A_40 = tpu.memref_squeeze %dma_start3A_39 : memref<1x128xi32, #tpu.memory_space<vmem>> -> memref<128xi32, #tpu.memory_space<vmem>>
        %dma_start3A_41 = arith.constant 0 : i32
        %dma_start3A_42 = arith.constant 0 : i32
        %dma_start3A_43 = tpu.memref_slice %arg10[%dma_start3A_41, %dma_start3A_42] : memref<10112x32xf32, #tpu.memory_space<vmem_shared>> -> memref<10112x32xf32, #tpu.memory_space<vmem_shared>>
        tpu.enqueue_indirect_dma source(%dma_start3A_43 : memref<10112x32xf32, #tpu.memory_space<vmem_shared>>) target(%arg13 : memref<128x32xf32, #tpu.memory_space<vmem>>) offsets(%dma_start3A_40 : memref<128xi32, #tpu.memory_space<vmem>>) semaphore(%arg17 : memref<!tpu.dma_semaphore, #tpu.memory_space<semaphore_mem>>)
        %add3A_44 = arith.constant 1 : i32
        %add3A_45 = arith.addi %mul3A_36, %add3A_44 : i32
        %dma_start3A_46 = arith.constant 0 : i32
        %dma_start3A_47 = tpu.memref_slice %arg11[%add3A_45, %dma_start3A_46] : memref<16x128xi32, #tpu.memory_space<vmem>> -> memref<1x128xi32, #tpu.memory_space<vmem>>
        %dma_start3A_48 = tpu.memref_squeeze %dma_start3A_47 : memref<1x128xi32, #tpu.memory_space<vmem>> -> memref<128xi32, #tpu.memory_space<vmem>>
        %dma_start3A_49 = arith.constant 0 : i32
        %dma_start3A_50 = arith.constant 0 : i32
        %dma_start3A_51 = tpu.memref_slice %arg10[%dma_start3A_49, %dma_start3A_50] : memref<10112x32xf32, #tpu.memory_space<vmem_shared>> -> memref<10112x32xf32, #tpu.memory_space<vmem_shared>>
        tpu.enqueue_indirect_dma source(%dma_start3A_51 : memref<10112x32xf32, #tpu.memory_space<vmem_shared>>) target(%arg14 : memref<128x32xf32, #tpu.memory_space<vmem>>) offsets(%dma_start3A_48 : memref<128xi32, #tpu.memory_space<vmem>>) semaphore(%arg18 : memref<!tpu.dma_semaphore, #tpu.memory_space<semaphore_mem>>)
        %add3A_52 = arith.constant 2 : i32
        %add3A_53 = arith.addi %mul3A_36, %add3A_52 : i32
        %dma_start3A_54 = arith.constant 0 : i32
        %dma_start3A_55 = tpu.memref_slice %arg11[%add3A_53, %dma_start3A_54] : memref<16x128xi32, #tpu.memory_space<vmem>> -> memref<1x128xi32, #tpu.memory_space<vmem>>
        %dma_start3A_56 = tpu.memref_squeeze %dma_start3A_55 : memref<1x128xi32, #tpu.memory_space<vmem>> -> memref<128xi32, #tpu.memory_space<vmem>>
        %dma_start3A_57 = arith.constant 0 : i32
        %dma_start3A_58 = arith.constant 0 : i32
        %dma_start3A_59 = tpu.memref_slice %arg10[%dma_start3A_57, %dma_start3A_58] : memref<10112x32xf32, #tpu.memory_space<vmem_shared>> -> memref<10112x32xf32, #tpu.memory_space<vmem_shared>>
        tpu.enqueue_indirect_dma source(%dma_start3A_59 : memref<10112x32xf32, #tpu.memory_space<vmem_shared>>) target(%arg15 : memref<128x32xf32, #tpu.memory_space<vmem>>) offsets(%dma_start3A_56 : memref<128xi32, #tpu.memory_space<vmem>>) semaphore(%arg19 : memref<!tpu.dma_semaphore, #tpu.memory_space<semaphore_mem>>)
        %add3A_60 = arith.constant 3 : i32
        %add3A_61 = arith.addi %mul3A_36, %add3A_60 : i32
        %dma_start3A_62 = arith.constant 0 : i32
        %dma_start3A_63 = tpu.memref_slice %arg11[%add3A_61, %dma_start3A_62] : memref<16x128xi32, #tpu.memory_space<vmem>> -> memref<1x128xi32, #tpu.memory_space<vmem>>
        %dma_start3A_64 = tpu.memref_squeeze %dma_start3A_63 : memref<1x128xi32, #tpu.memory_space<vmem>> -> memref<128xi32, #tpu.memory_space<vmem>>
        %dma_start3A_65 = arith.constant 0 : i32
        %dma_start3A_66 = arith.constant 0 : i32
        %dma_start3A_67 = tpu.memref_slice %arg10[%dma_start3A_65, %dma_start3A_66] : memref<10112x32xf32, #tpu.memory_space<vmem_shared>> -> memref<10112x32xf32, #tpu.memory_space<vmem_shared>>
        tpu.enqueue_indirect_dma source(%dma_start3A_67 : memref<10112x32xf32, #tpu.memory_space<vmem_shared>>) target(%arg16 : memref<128x32xf32, #tpu.memory_space<vmem>>) offsets(%dma_start3A_64 : memref<128xi32, #tpu.memory_space<vmem>>) semaphore(%arg20 : memref<!tpu.dma_semaphore, #tpu.memory_space<semaphore_mem>>)
        %dma_wait3A = arith.constant 0 : i32
        %dma_wait3A_68 = tpu.memref_slice %arg11[%add3A_38, %dma_wait3A] : memref<16x128xi32, #tpu.memory_space<vmem>> -> memref<1x128xi32, #tpu.memory_space<vmem>>
        %dma_wait3A_69 = tpu.memref_squeeze %dma_wait3A_68 : memref<1x128xi32, #tpu.memory_space<vmem>> -> memref<128xi32, #tpu.memory_space<vmem>>
        %dma_wait3A_70 = arith.constant 0 : i32
        %dma_wait3A_71 = arith.constant 0 : i32
        %dma_wait3A_72 = tpu.memref_slice %arg10[%dma_wait3A_70, %dma_wait3A_71] : memref<10112x32xf32, #tpu.memory_space<vmem_shared>> -> memref<10112x32xf32, #tpu.memory_space<vmem_shared>>
        tpu.wait_indirect_dma semaphore(%arg17 : memref<!tpu.dma_semaphore, #tpu.memory_space<semaphore_mem>>) src(%dma_wait3A_72 : memref<10112x32xf32, #tpu.memory_space<vmem_shared>>) dst(%arg13 : memref<128x32xf32, #tpu.memory_space<vmem>>)
        %add3A_73 = arith.constant 0 : i32
        %add3A_74 = arith.addi %mul3A_36, %add3A_73 : i32
        %dma_start3A_75 = arith.constant 0 : i32
        %dma_start3A_76 = tpu.memref_slice %arg12[%add3A_74, %dma_start3A_75] : memref<16x128xi32, #tpu.memory_space<vmem>> -> memref<1x128xi32, #tpu.memory_space<vmem>>
        %dma_start3A_77 = tpu.memref_squeeze %dma_start3A_76 : memref<1x128xi32, #tpu.memory_space<vmem>> -> memref<128xi32, #tpu.memory_space<vmem>>
        %dma_start3A_78 = arith.constant 0 : i32
        %dma_start3A_79 = arith.constant 0 : i32
        %dma_start3A_80 = tpu.memref_slice %arg9[%dma_start3A_78, %dma_start3A_79] : memref<10112x32xf32, #tpu.memory_space<vmem_shared>> -> memref<10112x32xf32, #tpu.memory_space<vmem_shared>>
        tpu.enqueue_indirect_dma source(%arg13 : memref<128x32xf32, #tpu.memory_space<vmem>>) target(%dma_start3A_80 : memref<10112x32xf32, #tpu.memory_space<vmem_shared>>) offsets(%dma_start3A_77 : memref<128xi32, #tpu.memory_space<vmem>>) semaphore(%arg21 : memref<!tpu.dma_semaphore, #tpu.memory_space<semaphore_mem>>) {add = true}
        %dma_wait3A_81 = arith.constant 0 : i32
        %dma_wait3A_82 = tpu.memref_slice %arg11[%add3A_45, %dma_wait3A_81] : memref<16x128xi32, #tpu.memory_space<vmem>> -> memref<1x128xi32, #tpu.memory_space<vmem>>
        %dma_wait3A_83 = tpu.memref_squeeze %dma_wait3A_82 : memref<1x128xi32, #tpu.memory_space<vmem>> -> memref<128xi32, #tpu.memory_space<vmem>>
        %dma_wait3A_84 = arith.constant 0 : i32
        %dma_wait3A_85 = arith.constant 0 : i32
        %dma_wait3A_86 = tpu.memref_slice %arg10[%dma_wait3A_84, %dma_wait3A_85] : memref<10112x32xf32, #tpu.memory_space<vmem_shared>> -> memref<10112x32xf32, #tpu.memory_space<vmem_shared>>
        tpu.wait_indirect_dma semaphore(%arg18 : memref<!tpu.dma_semaphore, #tpu.memory_space<semaphore_mem>>) src(%dma_wait3A_86 : memref<10112x32xf32, #tpu.memory_space<vmem_shared>>) dst(%arg14 : memref<128x32xf32, #tpu.memory_space<vmem>>)
        %add3A_87 = arith.constant 1 : i32
        %add3A_88 = arith.addi %mul3A_36, %add3A_87 : i32
        %dma_start3A_89 = arith.constant 0 : i32
        %dma_start3A_90 = tpu.memref_slice %arg12[%add3A_88, %dma_start3A_89] : memref<16x128xi32, #tpu.memory_space<vmem>> -> memref<1x128xi32, #tpu.memory_space<vmem>>
        %dma_start3A_91 = tpu.memref_squeeze %dma_start3A_90 : memref<1x128xi32, #tpu.memory_space<vmem>> -> memref<128xi32, #tpu.memory_space<vmem>>
        %dma_start3A_92 = arith.constant 0 : i32
        %dma_start3A_93 = arith.constant 0 : i32
        %dma_start3A_94 = tpu.memref_slice %arg9[%dma_start3A_92, %dma_start3A_93] : memref<10112x32xf32, #tpu.memory_space<vmem_shared>> -> memref<10112x32xf32, #tpu.memory_space<vmem_shared>>
        tpu.enqueue_indirect_dma source(%arg14 : memref<128x32xf32, #tpu.memory_space<vmem>>) target(%dma_start3A_94 : memref<10112x32xf32, #tpu.memory_space<vmem_shared>>) offsets(%dma_start3A_91 : memref<128xi32, #tpu.memory_space<vmem>>) semaphore(%arg22 : memref<!tpu.dma_semaphore, #tpu.memory_space<semaphore_mem>>) {add = true}
        %dma_wait3A_95 = arith.constant 0 : i32
        %dma_wait3A_96 = tpu.memref_slice %arg11[%add3A_53, %dma_wait3A_95] : memref<16x128xi32, #tpu.memory_space<vmem>> -> memref<1x128xi32, #tpu.memory_space<vmem>>
        %dma_wait3A_97 = tpu.memref_squeeze %dma_wait3A_96 : memref<1x128xi32, #tpu.memory_space<vmem>> -> memref<128xi32, #tpu.memory_space<vmem>>
        %dma_wait3A_98 = arith.constant 0 : i32
        %dma_wait3A_99 = arith.constant 0 : i32
        %dma_wait3A_100 = tpu.memref_slice %arg10[%dma_wait3A_98, %dma_wait3A_99] : memref<10112x32xf32, #tpu.memory_space<vmem_shared>> -> memref<10112x32xf32, #tpu.memory_space<vmem_shared>>
        tpu.wait_indirect_dma semaphore(%arg19 : memref<!tpu.dma_semaphore, #tpu.memory_space<semaphore_mem>>) src(%dma_wait3A_100 : memref<10112x32xf32, #tpu.memory_space<vmem_shared>>) dst(%arg15 : memref<128x32xf32, #tpu.memory_space<vmem>>)
        %add3A_101 = arith.constant 2 : i32
        %add3A_102 = arith.addi %mul3A_36, %add3A_101 : i32
        %dma_start3A_103 = arith.constant 0 : i32
        %dma_start3A_104 = tpu.memref_slice %arg12[%add3A_102, %dma_start3A_103] : memref<16x128xi32, #tpu.memory_space<vmem>> -> memref<1x128xi32, #tpu.memory_space<vmem>>
        %dma_start3A_105 = tpu.memref_squeeze %dma_start3A_104 : memref<1x128xi32, #tpu.memory_space<vmem>> -> memref<128xi32, #tpu.memory_space<vmem>>
        %dma_start3A_106 = arith.constant 0 : i32
        %dma_start3A_107 = arith.constant 0 : i32
        %dma_start3A_108 = tpu.memref_slice %arg9[%dma_start3A_106, %dma_start3A_107] : memref<10112x32xf32, #tpu.memory_space<vmem_shared>> -> memref<10112x32xf32, #tpu.memory_space<vmem_shared>>
        tpu.enqueue_indirect_dma source(%arg15 : memref<128x32xf32, #tpu.memory_space<vmem>>) target(%dma_start3A_108 : memref<10112x32xf32, #tpu.memory_space<vmem_shared>>) offsets(%dma_start3A_105 : memref<128xi32, #tpu.memory_space<vmem>>) semaphore(%arg23 : memref<!tpu.dma_semaphore, #tpu.memory_space<semaphore_mem>>) {add = true}
        %dma_wait3A_109 = arith.constant 0 : i32
        %dma_wait3A_110 = tpu.memref_slice %arg11[%add3A_61, %dma_wait3A_109] : memref<16x128xi32, #tpu.memory_space<vmem>> -> memref<1x128xi32, #tpu.memory_space<vmem>>
        %dma_wait3A_111 = tpu.memref_squeeze %dma_wait3A_110 : memref<1x128xi32, #tpu.memory_space<vmem>> -> memref<128xi32, #tpu.memory_space<vmem>>
        %dma_wait3A_112 = arith.constant 0 : i32
        %dma_wait3A_113 = arith.constant 0 : i32
        %dma_wait3A_114 = tpu.memref_slice %arg10[%dma_wait3A_112, %dma_wait3A_113] : memref<10112x32xf32, #tpu.memory_space<vmem_shared>> -> memref<10112x32xf32, #tpu.memory_space<vmem_shared>>
        tpu.wait_indirect_dma semaphore(%arg20 : memref<!tpu.dma_semaphore, #tpu.memory_space<semaphore_mem>>) src(%dma_wait3A_114 : memref<10112x32xf32, #tpu.memory_space<vmem_shared>>) dst(%arg16 : memref<128x32xf32, #tpu.memory_space<vmem>>)
        %add3A_115 = arith.constant 3 : i32
        %add3A_116 = arith.addi %mul3A_36, %add3A_115 : i32
        %dma_start3A_117 = arith.constant 0 : i32
        %dma_start3A_118 = tpu.memref_slice %arg12[%add3A_116, %dma_start3A_117] : memref<16x128xi32, #tpu.memory_space<vmem>> -> memref<1x128xi32, #tpu.memory_space<vmem>>
        %dma_start3A_119 = tpu.memref_squeeze %dma_start3A_118 : memref<1x128xi32, #tpu.memory_space<vmem>> -> memref<128xi32, #tpu.memory_space<vmem>>
        %dma_start3A_120 = arith.constant 0 : i32
        %dma_start3A_121 = arith.constant 0 : i32
        %dma_start3A_122 = tpu.memref_slice %arg9[%dma_start3A_120, %dma_start3A_121] : memref<10112x32xf32, #tpu.memory_space<vmem_shared>> -> memref<10112x32xf32, #tpu.memory_space<vmem_shared>>
        tpu.enqueue_indirect_dma source(%arg16 : memref<128x32xf32, #tpu.memory_space<vmem>>) target(%dma_start3A_122 : memref<10112x32xf32, #tpu.memory_space<vmem_shared>>) offsets(%dma_start3A_119 : memref<128xi32, #tpu.memory_space<vmem>>) semaphore(%arg24 : memref<!tpu.dma_semaphore, #tpu.memory_space<semaphore_mem>>) {add = true}
        %dma_wait3A_123 = arith.constant 0 : i32
        %dma_wait3A_124 = tpu.memref_slice %arg12[%add3A_74, %dma_wait3A_123] : memref<16x128xi32, #tpu.memory_space<vmem>> -> memref<1x128xi32, #tpu.memory_space<vmem>>
        %dma_wait3A_125 = tpu.memref_squeeze %dma_wait3A_124 : memref<1x128xi32, #tpu.memory_space<vmem>> -> memref<128xi32, #tpu.memory_space<vmem>>
        %dma_wait3A_126 = arith.constant 0 : i32
        %dma_wait3A_127 = arith.constant 0 : i32
        %dma_wait3A_128 = tpu.memref_slice %arg9[%dma_wait3A_126, %dma_wait3A_127] : memref<10112x32xf32, #tpu.memory_space<vmem_shared>> -> memref<10112x32xf32, #tpu.memory_space<vmem_shared>>
        tpu.wait_indirect_dma semaphore(%arg21 : memref<!tpu.dma_semaphore, #tpu.memory_space<semaphore_mem>>) src(%arg13 : memref<128x32xf32, #tpu.memory_space<vmem>>) dst(%dma_wait3A_128 : memref<10112x32xf32, #tpu.memory_space<vmem_shared>>)
        %dma_wait3A_129 = arith.constant 0 : i32
        %dma_wait3A_130 = tpu.memref_slice %arg12[%add3A_88, %dma_wait3A_129] : memref<16x128xi32, #tpu.memory_space<vmem>> -> memref<1x128xi32, #tpu.memory_space<vmem>>
        %dma_wait3A_131 = tpu.memref_squeeze %dma_wait3A_130 : memref<1x128xi32, #tpu.memory_space<vmem>> -> memref<128xi32, #tpu.memory_space<vmem>>
        %dma_wait3A_132 = arith.constant 0 : i32
        %dma_wait3A_133 = arith.constant 0 : i32
        %dma_wait3A_134 = tpu.memref_slice %arg9[%dma_wait3A_132, %dma_wait3A_133] : memref<10112x32xf32, #tpu.memory_space<vmem_shared>> -> memref<10112x32xf32, #tpu.memory_space<vmem_shared>>
        tpu.wait_indirect_dma semaphore(%arg22 : memref<!tpu.dma_semaphore, #tpu.memory_space<semaphore_mem>>) src(%arg14 : memref<128x32xf32, #tpu.memory_space<vmem>>) dst(%dma_wait3A_134 : memref<10112x32xf32, #tpu.memory_space<vmem_shared>>)
        %dma_wait3A_135 = arith.constant 0 : i32
        %dma_wait3A_136 = tpu.memref_slice %arg12[%add3A_102, %dma_wait3A_135] : memref<16x128xi32, #tpu.memory_space<vmem>> -> memref<1x128xi32, #tpu.memory_space<vmem>>
        %dma_wait3A_137 = tpu.memref_squeeze %dma_wait3A_136 : memref<1x128xi32, #tpu.memory_space<vmem>> -> memref<128xi32, #tpu.memory_space<vmem>>
        %dma_wait3A_138 = arith.constant 0 : i32
        %dma_wait3A_139 = arith.constant 0 : i32
        %dma_wait3A_140 = tpu.memref_slice %arg9[%dma_wait3A_138, %dma_wait3A_139] : memref<10112x32xf32, #tpu.memory_space<vmem_shared>> -> memref<10112x32xf32, #tpu.memory_space<vmem_shared>>
        tpu.wait_indirect_dma semaphore(%arg23 : memref<!tpu.dma_semaphore, #tpu.memory_space<semaphore_mem>>) src(%arg15 : memref<128x32xf32, #tpu.memory_space<vmem>>) dst(%dma_wait3A_140 : memref<10112x32xf32, #tpu.memory_space<vmem_shared>>)
        %dma_wait3A_141 = arith.constant 0 : i32
        %dma_wait3A_142 = tpu.memref_slice %arg12[%add3A_116, %dma_wait3A_141] : memref<16x128xi32, #tpu.memory_space<vmem>> -> memref<1x128xi32, #tpu.memory_space<vmem>>
        %dma_wait3A_143 = tpu.memref_squeeze %dma_wait3A_142 : memref<1x128xi32, #tpu.memory_space<vmem>> -> memref<128xi32, #tpu.memory_space<vmem>>
        %dma_wait3A_144 = arith.constant 0 : i32
        %dma_wait3A_145 = arith.constant 0 : i32
        %dma_wait3A_146 = tpu.memref_slice %arg9[%dma_wait3A_144, %dma_wait3A_145] : memref<10112x32xf32, #tpu.memory_space<vmem_shared>> -> memref<10112x32xf32, #tpu.memory_space<vmem_shared>>
        tpu.wait_indirect_dma semaphore(%arg24 : memref<!tpu.dma_semaphore, #tpu.memory_space<semaphore_mem>>) src(%arg16 : memref<128x32xf32, #tpu.memory_space<vmem>>) dst(%dma_wait3A_146 : memref<10112x32xf32, #tpu.memory_space<vmem_shared>>)
      }
      %scan3A_33 = arith.constant 4 : i32
    }
    %scan3A_12 = arith.constant 5 : i32
    %barrier3A_13 = arith.constant 0 : index
    tpu.barrier barrier_id(%barrier3A_13)
    %eq3A_14 = arith.constant 0 : i32
    %eq3A_15 = arith.cmpi eq, %arg0, %eq3A_14 : i32
    %convert_element_type3A_16 = arith.extui %eq3A_15 : i1 to i32
    %cond3A_17 = arith.constant 0 : i32
    %cond3A_18 = arith.cmpi ne, %convert_element_type3A_16, %cond3A_17 : i32
    scf.if %cond3A_18 {
      "tpu.region"() ({
        %run_scoped3A = tpu.sem_alloc : memref<!tpu.dma_semaphore, #tpu.memory_space<semaphore_mem>>
        %dma_start3A = arith.constant 0 : i32
        %dma_start3A_24 = tpu.memref_slice %arg7[%mul3A_0, %dma_start3A] : memref<10112x32xf32, #tpu.memory_space<hbm>> -> memref<632x32xf32, #tpu.memory_space<hbm>>
        %dma_start3A_25 = arith.constant 0 : i32
        %dma_start3A_26 = tpu.memref_slice %arg9[%mul3A_0, %dma_start3A_25] : memref<10112x32xf32, #tpu.memory_space<vmem_shared>> -> memref<632x32xf32, #tpu.memory_space<vmem_shared>>
        tpu.enqueue_dma source(%dma_start3A_26 : memref<632x32xf32, #tpu.memory_space<vmem_shared>>) target(%dma_start3A_24 : memref<632x32xf32, #tpu.memory_space<hbm>>) target_semaphore(%run_scoped3A : memref<!tpu.dma_semaphore, #tpu.memory_space<semaphore_mem>>)
        %dma_wait3A = arith.constant 0 : i32
        %dma_wait3A_27 = tpu.memref_slice %arg7[%mul3A_0, %dma_wait3A] : memref<10112x32xf32, #tpu.memory_space<hbm>> -> memref<632x32xf32, #tpu.memory_space<hbm>>
        %dma_wait3A_28 = arith.constant 0 : i32
        %dma_wait3A_29 = tpu.memref_slice %arg9[%mul3A_0, %dma_wait3A_28] : memref<10112x32xf32, #tpu.memory_space<vmem_shared>> -> memref<632x32xf32, #tpu.memory_space<vmem_shared>>
        tpu.wait_dma2 semaphore(%run_scoped3A : memref<!tpu.dma_semaphore, #tpu.memory_space<semaphore_mem>>) src(%dma_wait3A_29 : memref<632x32xf32, #tpu.memory_space<vmem_shared>>) dst(%dma_wait3A_27 : memref<632x32xf32, #tpu.memory_space<hbm>>)
        tpu.yield
      }) : () -> ()
    } else {
    }
    %eq3A_19 = arith.constant 1 : i32
    %eq3A_20 = arith.cmpi eq, %arg0, %eq3A_19 : i32
    %convert_element_type3A_21 = arith.extui %eq3A_20 : i1 to i32
    %cond3A_22 = arith.constant 0 : i32
    %cond3A_23 = arith.cmpi ne, %convert_element_type3A_21, %cond3A_22 : i32
    scf.if %cond3A_23 {
      "tpu.region"() ({
        %run_scoped3A = tpu.sem_alloc : memref<!tpu.dma_semaphore, #tpu.memory_space<semaphore_mem>>
        %dma_start3A = arith.constant 0 : i32
        %dma_start3A_24 = tpu.memref_slice %arg8[%mul3A_0, %dma_start3A] : memref<10112x32xf32, #tpu.memory_space<hbm>> -> memref<632x32xf32, #tpu.memory_space<hbm>>
        %dma_start3A_25 = arith.constant 0 : i32
        %dma_start3A_26 = tpu.memref_slice %arg9[%mul3A_0, %dma_start3A_25] : memref<10112x32xf32, #tpu.memory_space<vmem_shared>> -> memref<632x32xf32, #tpu.memory_space<vmem_shared>>
        tpu.enqueue_dma source(%dma_start3A_26 : memref<632x32xf32, #tpu.memory_space<vmem_shared>>) target(%dma_start3A_24 : memref<632x32xf32, #tpu.memory_space<hbm>>) target_semaphore(%run_scoped3A : memref<!tpu.dma_semaphore, #tpu.memory_space<semaphore_mem>>)
        %dma_wait3A = arith.constant 0 : i32
        %dma_wait3A_27 = tpu.memref_slice %arg8[%mul3A_0, %dma_wait3A] : memref<10112x32xf32, #tpu.memory_space<hbm>> -> memref<632x32xf32, #tpu.memory_space<hbm>>
        %dma_wait3A_28 = arith.constant 0 : i32
        %dma_wait3A_29 = tpu.memref_slice %arg9[%mul3A_0, %dma_wait3A_28] : memref<10112x32xf32, #tpu.memory_space<vmem_shared>> -> memref<632x32xf32, #tpu.memory_space<vmem_shared>>
        tpu.wait_dma2 semaphore(%run_scoped3A : memref<!tpu.dma_semaphore, #tpu.memory_space<semaphore_mem>>) src(%dma_wait3A_29 : memref<632x32xf32, #tpu.memory_space<vmem_shared>>) dst(%dma_wait3A_27 : memref<632x32xf32, #tpu.memory_space<hbm>>)
        tpu.yield
      }) : () -> ()
    } else {
    }
    return
  }
}

module attributes {stable_mosaic.version = 14 : i64} {
  func.func @body(%arg0: i32, %arg1: memref<1264x512xf32, #tpu.memory_space<vmem>>, %arg2: memref<512x256xf32, #tpu.memory_space<vmem>>, %arg3: memref<1x1264x16xf32, #tpu.memory_space<vmem>>, %arg4: memref<1264x64xf32, #tpu.memory_space<vmem>>, %arg5: memref<1264x64xf32, #tpu.memory_space<vmem>>, %arg6: memref<1264x64xf32, #tpu.memory_space<vmem>>, %arg7: memref<1264x64xf32, #tpu.memory_space<vmem>>) attributes {dimension_semantics = [#tpu.dimension_semantics<arbitrary>], iteration_bounds = array<i64: 8>, scalar_prefetch = 0 : i64, scratch_operands = 0 : i64, tpu.core_type = #tpu.core_type<tc>, window_params = [{transform_indices = @transform_0, window_bounds = array<i64: 1264, 512>}, {pipeline_mode = #tpu.pipeline_mode<synchronous>, transform_indices = @transform_1, window_bounds = array<i64: 512, 256>}, {transform_indices = @transform_2, window_bounds = array<i64: 1, 1264, 16>}, {transform_indices = @transform_3, window_bounds = array<i64: 1264, 64>}, {transform_indices = @transform_4, window_bounds = array<i64: 1264, 64>}, {transform_indices = @transform_5, window_bounds = array<i64: 1264, 64>}, {transform_indices = @transform_6, window_bounds = array<i64: 1264, 64>}]} {
    %get3A = arith.constant 0 : index
    %get3A_0 = arith.constant 0 : index
    %get3A_1 = arith.constant 0 : index
    %get3A_2 = vector.load %arg3[%get3A, %get3A_0, %get3A_1] : memref<1x1264x16xf32, #tpu.memory_space<vmem>>, vector<1x1264x16xf32>
    %get3A_3 = vector.shape_cast %get3A_2 : vector<1x1264x16xf32> to vector<1264x16xf32>
    %slice3A = vector.extract_strided_slice %get3A_3 {offsets = [0, 0], sizes = [1264, 1], strides = [1, 1]} : vector<1264x16xf32> to vector<1264x1xf32>
    %gt3A = arith.constant 0.000000e+00 : f32
    %gt3A_4 = vector.broadcast %gt3A : f32 to vector<1264x1xf32>
    %gt3A_5 = arith.cmpf ogt, %slice3A, %gt3A_4 : vector<1264x1xf32>
    %sqrt3A = math.sqrt %slice3A : vector<1264x1xf32>
    %div3A = arith.constant 1.000000e+00 : f32
    %div3A_6 = vector.broadcast %div3A : f32 to vector<1264x1xf32>
    %div3A_7 = arith.divf %div3A_6, %sqrt3A : vector<1264x1xf32>
    %jit3A = arith.constant 0.000000e+00 : f32
    %broadcast_in_dim3A = vector.broadcast %jit3A : f32 to vector<1264x1xf32>
    %select_n3A = arith.select %gt3A_5, %div3A_7, %broadcast_in_dim3A : vector<1264x1xi1>, vector<1264x1xf32>
    %get3A_8 = arith.constant 0 : index
    %get3A_9 = arith.constant 0 : index
    %get3A_10 = vector.load %arg1[%get3A_8, %get3A_9] : memref<1264x512xf32, #tpu.memory_space<vmem>>, vector<1264x512xf32>
    %get3A_11 = arith.constant 0 : index
    %get3A_12 = arith.constant 0 : index
    %get3A_13 = vector.load %arg2[%get3A_11, %get3A_12] : memref<512x256xf32, #tpu.memory_space<vmem>>, vector<512x256xf32>
    %dot_general3A = arith.constant dense<0.000000e+00> : vector<1264x256xf32>
    %dot_general3A_14 = tpu.matmul %get3A_10, %get3A_13, %dot_general3A {dimension_numbers = #tpu.dot_dimension_numbers<[1], [0], [0], [1], [0, 0, 1, 1], [], []>, transpose_lhs_hint = false} : vector<1264x512xf32>, vector<512x256xf32>, vector<1264x256xf32> -> vector<1264x256xf32>
    %mul3A = vector.broadcast %select_n3A : vector<1264x1xf32> to vector<1264x256xf32>
    %mul3A_15 = arith.mulf %dot_general3A_14, %mul3A : vector<1264x256xf32>
    %slice3A_16 = vector.extract_strided_slice %mul3A_15 {offsets = [0, 0], sizes = [1264, 64], strides = [1, 1]} : vector<1264x256xf32> to vector<1264x64xf32>
    %swap3A = arith.constant 0 : index
    %swap3A_17 = arith.constant 0 : index
    %swap3A_18 = vector.load %arg4[%swap3A, %swap3A_17] : memref<1264x64xf32, #tpu.memory_space<vmem>>, vector<1264x64xf32>
    tpu.vector_store %arg4[%swap3A, %swap3A_17], %slice3A_16 {strides = array<i32>} : memref<1264x64xf32, #tpu.memory_space<vmem>>, vector<1264x64xf32>,
    %slice3A_19 = vector.extract_strided_slice %mul3A_15 {offsets = [0, 64], sizes = [1264, 64], strides = [1, 1]} : vector<1264x256xf32> to vector<1264x64xf32>
    %swap3A_20 = arith.constant 0 : index
    %swap3A_21 = arith.constant 0 : index
    %swap3A_22 = vector.load %arg5[%swap3A_20, %swap3A_21] : memref<1264x64xf32, #tpu.memory_space<vmem>>, vector<1264x64xf32>
    tpu.vector_store %arg5[%swap3A_20, %swap3A_21], %slice3A_19 {strides = array<i32>} : memref<1264x64xf32, #tpu.memory_space<vmem>>, vector<1264x64xf32>,
    %slice3A_23 = vector.extract_strided_slice %mul3A_15 {offsets = [0, 128], sizes = [1264, 64], strides = [1, 1]} : vector<1264x256xf32> to vector<1264x64xf32>
    %swap3A_24 = arith.constant 0 : index
    %swap3A_25 = arith.constant 0 : index
    %swap3A_26 = vector.load %arg6[%swap3A_24, %swap3A_25] : memref<1264x64xf32, #tpu.memory_space<vmem>>, vector<1264x64xf32>
    tpu.vector_store %arg6[%swap3A_24, %swap3A_25], %slice3A_23 {strides = array<i32>} : memref<1264x64xf32, #tpu.memory_space<vmem>>, vector<1264x64xf32>,
    %slice3A_27 = vector.extract_strided_slice %mul3A_15 {offsets = [0, 192], sizes = [1264, 64], strides = [1, 1]} : vector<1264x256xf32> to vector<1264x64xf32>
    %swap3A_28 = arith.constant 0 : index
    %swap3A_29 = arith.constant 0 : index
    %swap3A_30 = vector.load %arg7[%swap3A_28, %swap3A_29] : memref<1264x64xf32, #tpu.memory_space<vmem>>, vector<1264x64xf32>
    tpu.vector_store %arg7[%swap3A_28, %swap3A_29], %slice3A_27 {strides = array<i32>} : memref<1264x64xf32, #tpu.memory_space<vmem>>, vector<1264x64xf32>,
    return
  }
  func.func @transform_0(%arg0: i32) -> (i32, i32) {
    %c0_i32 = arith.constant 0 : i32
    %c0_i32_0 = arith.constant 0 : i32
    return %arg0, %c0_i32 : i32, i32
  }
  func.func @transform_1(%arg0: i32) -> (i32, i32) {
    %c0_i32 = arith.constant 0 : i32
    %c0_i32_0 = arith.constant 0 : i32
    %c0_i32_1 = arith.constant 0 : i32
    return %c0_i32, %c0_i32_0 : i32, i32
  }
  func.func @transform_2(%arg0: i32) -> (i32, i32, i32) {
    %c0_i32 = arith.constant 0 : i32
    %c0_i32_0 = arith.constant 0 : i32
    %c0_i32_1 = arith.constant 0 : i32
    return %c0_i32, %arg0, %c0_i32_0 : i32, i32, i32
  }
  func.func @transform_3(%arg0: i32) -> (i32, i32) {
    %c0_i32 = arith.constant 0 : i32
    %c0_i32_0 = arith.constant 0 : i32
    return %arg0, %c0_i32 : i32, i32
  }
  func.func @transform_4(%arg0: i32) -> (i32, i32) {
    %c0_i32 = arith.constant 0 : i32
    %c0_i32_0 = arith.constant 0 : i32
    return %arg0, %c0_i32 : i32, i32
  }
  func.func @transform_5(%arg0: i32) -> (i32, i32) {
    %c0_i32 = arith.constant 0 : i32
    %c0_i32_0 = arith.constant 0 : i32
    return %arg0, %c0_i32 : i32, i32
  }
  func.func @transform_6(%arg0: i32) -> (i32, i32) {
    %c0_i32 = arith.constant 0 : i32
    %c0_i32_0 = arith.constant 0 : i32
    return %arg0, %c0_i32 : i32, i32
  }
}

module attributes {stable_mosaic.version = 14 : i64} {
  func.func @body(%arg0: i32, %arg1: memref<1264x64xf32, #tpu.memory_space<vmem>>, %arg2: memref<1264x64xf32, #tpu.memory_space<vmem>>, %arg3: memref<1264x64xf32, #tpu.memory_space<vmem>>, %arg4: memref<1264x64xf32, #tpu.memory_space<vmem>>, %arg5: memref<1x1264x16xf32, #tpu.memory_space<vmem>>, %arg6: memref<1x1264x16xf32, #tpu.memory_space<vmem>>, %arg7: memref<1x256xf32, #tpu.memory_space<vmem>>, %arg8: memref<256x64xf32, #tpu.memory_space<vmem>>, %arg9: memref<1264x32xf32, #tpu.memory_space<vmem>>, %arg10: memref<1264x32xf32, #tpu.memory_space<vmem>>) attributes {dimension_semantics = [#tpu.dimension_semantics<arbitrary>], iteration_bounds = array<i64: 8>, scalar_prefetch = 0 : i64, scratch_operands = 0 : i64, tpu.core_type = #tpu.core_type<tc>, window_params = [{transform_indices = @transform_0, window_bounds = array<i64: 1264, 64>}, {transform_indices = @transform_1, window_bounds = array<i64: 1264, 64>}, {transform_indices = @transform_2, window_bounds = array<i64: 1264, 64>}, {transform_indices = @transform_3, window_bounds = array<i64: 1264, 64>}, {transform_indices = @transform_4, window_bounds = array<i64: 1, 1264, 16>}, {transform_indices = @transform_5, window_bounds = array<i64: 1, 1264, 16>}, {pipeline_mode = #tpu.pipeline_mode<synchronous>, transform_indices = @transform_6, window_bounds = array<i64: 1, 256>}, {pipeline_mode = #tpu.pipeline_mode<synchronous>, transform_indices = @transform_7, window_bounds = array<i64: 256, 64>}, {transform_indices = @transform_8, window_bounds = array<i64: 1264, 32>}, {transform_indices = @transform_9, window_bounds = array<i64: 1264, 32>}]} {
    %get3A = arith.constant 0 : index
    %get3A_0 = arith.constant 0 : index
    %get3A_1 = arith.constant 0 : index
    %get3A_2 = vector.load %arg5[%get3A, %get3A_0, %get3A_1] : memref<1x1264x16xf32, #tpu.memory_space<vmem>>, vector<1x1264x16xf32>
    %get3A_3 = vector.shape_cast %get3A_2 : vector<1x1264x16xf32> to vector<1264x16xf32>
    %slice3A = vector.extract_strided_slice %get3A_3 {offsets = [0, 0], sizes = [1264, 1], strides = [1, 1]} : vector<1264x16xf32> to vector<1264x1xf32>
    %get3A_4 = arith.constant 0 : index
    %get3A_5 = arith.constant 0 : index
    %get3A_6 = arith.constant 0 : index
    %get3A_7 = vector.load %arg6[%get3A_4, %get3A_5, %get3A_6] : memref<1x1264x16xf32, #tpu.memory_space<vmem>>, vector<1x1264x16xf32>
    %get3A_8 = vector.shape_cast %get3A_7 : vector<1x1264x16xf32> to vector<1264x16xf32>
    %slice3A_9 = vector.extract_strided_slice %get3A_8 {offsets = [0, 0], sizes = [1264, 1], strides = [1, 1]} : vector<1264x16xf32> to vector<1264x1xf32>
    %gt3A = arith.constant 0.000000e+00 : f32
    %gt3A_10 = vector.broadcast %gt3A : f32 to vector<1264x1xf32>
    %gt3A_11 = arith.cmpf ogt, %slice3A, %gt3A_10 : vector<1264x1xf32>
    %sqrt3A = math.sqrt %slice3A : vector<1264x1xf32>
    %div3A = arith.constant 1.000000e+00 : f32
    %div3A_12 = vector.broadcast %div3A : f32 to vector<1264x1xf32>
    %div3A_13 = arith.divf %div3A_12, %sqrt3A : vector<1264x1xf32>
    %jit3A = arith.constant 0.000000e+00 : f32
    %broadcast_in_dim3A = vector.broadcast %jit3A : f32 to vector<1264x1xf32>
    %select_n3A = arith.select %gt3A_11, %div3A_13, %broadcast_in_dim3A : vector<1264x1xi1>, vector<1264x1xf32>
    %gt3A_14 = arith.constant 0.000000e+00 : f32
    %gt3A_15 = vector.broadcast %gt3A_14 : f32 to vector<1264x1xf32>
    %gt3A_16 = arith.cmpf ogt, %slice3A_9, %gt3A_15 : vector<1264x1xf32>
    %sqrt3A_17 = math.sqrt %slice3A_9 : vector<1264x1xf32>
    %div3A_18 = arith.constant 1.000000e+00 : f32
    %div3A_19 = vector.broadcast %div3A_18 : f32 to vector<1264x1xf32>
    %div3A_20 = arith.divf %div3A_19, %sqrt3A_17 : vector<1264x1xf32>
    %jit3A_21 = arith.constant 0.000000e+00 : f32
    %broadcast_in_dim3A_22 = vector.broadcast %jit3A_21 : f32 to vector<1264x1xf32>
    %select_n3A_23 = arith.select %gt3A_16, %div3A_20, %broadcast_in_dim3A_22 : vector<1264x1xi1>, vector<1264x1xf32>
    %get3A_24 = arith.constant 0 : index
    %get3A_25 = arith.constant 0 : index
    %get3A_26 = vector.load %arg1[%get3A_24, %get3A_25] : memref<1264x64xf32, #tpu.memory_space<vmem>>, vector<1264x64xf32>
    %get3A_27 = arith.constant 0 : index
    %get3A_28 = arith.constant 0 : index
    %get3A_29 = vector.load %arg2[%get3A_27, %get3A_28] : memref<1264x64xf32, #tpu.memory_space<vmem>>, vector<1264x64xf32>
    %get3A_30 = arith.constant 0 : index
    %get3A_31 = arith.constant 0 : index
    %get3A_32 = vector.load %arg3[%get3A_30, %get3A_31] : memref<1264x64xf32, #tpu.memory_space<vmem>>, vector<1264x64xf32>
    %get3A_33 = arith.constant 0 : index
    %get3A_34 = arith.constant 0 : index
    %get3A_35 = vector.load %arg4[%get3A_33, %get3A_34] : memref<1264x64xf32, #tpu.memory_space<vmem>>, vector<1264x64xf32>
    %concatenate3A = tpu.concatenate %get3A_26, %get3A_29, %get3A_32, %get3A_35 in 1 : vector<1264x64xf32>, vector<1264x64xf32>, vector<1264x64xf32>, vector<1264x64xf32> -> vector<1264x256xf32>
    %mul3A = vector.broadcast %select_n3A : vector<1264x1xf32> to vector<1264x256xf32>
    %mul3A_36 = arith.mulf %concatenate3A, %mul3A : vector<1264x256xf32>
    %get3A_37 = arith.constant 0 : index
    %get3A_38 = arith.constant 0 : index
    %get3A_39 = vector.load %arg7[%get3A_37, %get3A_38] : memref<1x256xf32, #tpu.memory_space<vmem>>, vector<1x256xf32>
    %add3A = vector.broadcast %get3A_39 : vector<1x256xf32> to vector<1264x256xf32>
    %add3A_40 = arith.addf %mul3A_36, %add3A : vector<1264x256xf32>
    %max3A = arith.constant 0.000000e+00 : f32
    %max3A_41 = vector.broadcast %max3A : f32 to vector<1264x256xf32>
    %max3A_42 = arith.maximumf %add3A_40, %max3A_41 : vector<1264x256xf32>
    %mul3A_43 = vector.broadcast %select_n3A_23 : vector<1264x1xf32> to vector<1264x256xf32>
    %mul3A_44 = arith.mulf %max3A_42, %mul3A_43 : vector<1264x256xf32>
    %get3A_45 = arith.constant 0 : index
    %get3A_46 = arith.constant 0 : index
    %get3A_47 = vector.load %arg8[%get3A_45, %get3A_46] : memref<256x64xf32, #tpu.memory_space<vmem>>, vector<256x64xf32>
    %dot_general3A = arith.constant dense<0.000000e+00> : vector<1264x64xf32>
    %dot_general3A_48 = tpu.matmul %mul3A_44, %get3A_47, %dot_general3A {dimension_numbers = #tpu.dot_dimension_numbers<[1], [0], [0], [1], [0, 0, 1, 1], [], []>, transpose_lhs_hint = false} : vector<1264x256xf32>, vector<256x64xf32>, vector<1264x64xf32> -> vector<1264x64xf32>
    %slice3A_49 = vector.extract_strided_slice %dot_general3A_48 {offsets = [0, 0], sizes = [1264, 32], strides = [1, 1]} : vector<1264x64xf32> to vector<1264x32xf32>
    %swap3A = arith.constant 0 : index
    %swap3A_50 = arith.constant 0 : index
    %swap3A_51 = vector.load %arg9[%swap3A, %swap3A_50] : memref<1264x32xf32, #tpu.memory_space<vmem>>, vector<1264x32xf32>
    tpu.vector_store %arg9[%swap3A, %swap3A_50], %slice3A_49 {strides = array<i32>} : memref<1264x32xf32, #tpu.memory_space<vmem>>, vector<1264x32xf32>,
    %slice3A_52 = vector.extract_strided_slice %dot_general3A_48 {offsets = [0, 32], sizes = [1264, 32], strides = [1, 1]} : vector<1264x64xf32> to vector<1264x32xf32>
    %swap3A_53 = arith.constant 0 : index
    %swap3A_54 = arith.constant 0 : index
    %swap3A_55 = vector.load %arg10[%swap3A_53, %swap3A_54] : memref<1264x32xf32, #tpu.memory_space<vmem>>, vector<1264x32xf32>
    tpu.vector_store %arg10[%swap3A_53, %swap3A_54], %slice3A_52 {strides = array<i32>} : memref<1264x32xf32, #tpu.memory_space<vmem>>, vector<1264x32xf32>,
    return
  }
  func.func @transform_0(%arg0: i32) -> (i32, i32) {
    %c0_i32 = arith.constant 0 : i32
    %c0_i32_0 = arith.constant 0 : i32
    return %arg0, %c0_i32 : i32, i32
  }
  func.func @transform_1(%arg0: i32) -> (i32, i32) {
    %c0_i32 = arith.constant 0 : i32
    %c0_i32_0 = arith.constant 0 : i32
    return %arg0, %c0_i32 : i32, i32
  }
  func.func @transform_2(%arg0: i32) -> (i32, i32) {
    %c0_i32 = arith.constant 0 : i32
    %c0_i32_0 = arith.constant 0 : i32
    return %arg0, %c0_i32 : i32, i32
  }
  func.func @transform_3(%arg0: i32) -> (i32, i32) {
    %c0_i32 = arith.constant 0 : i32
    %c0_i32_0 = arith.constant 0 : i32
    return %arg0, %c0_i32 : i32, i32
  }
  func.func @transform_4(%arg0: i32) -> (i32, i32, i32) {
    %c1_i32 = arith.constant 1 : i32
    %c0_i32 = arith.constant 0 : i32
    %c0_i32_0 = arith.constant 0 : i32
    return %c1_i32, %arg0, %c0_i32 : i32, i32, i32
  }
  func.func @transform_5(%arg0: i32) -> (i32, i32, i32) {
    %c2_i32 = arith.constant 2 : i32
    %c0_i32 = arith.constant 0 : i32
    %c0_i32_0 = arith.constant 0 : i32
    return %c2_i32, %arg0, %c0_i32 : i32, i32, i32
  }
  func.func @transform_6(%arg0: i32) -> (i32, i32) {
    %c0_i32 = arith.constant 0 : i32
    %c0_i32_0 = arith.constant 0 : i32
    %c0_i32_1 = arith.constant 0 : i32
    return %c0_i32, %c0_i32_0 : i32, i32
  }
  func.func @transform_7(%arg0: i32) -> (i32, i32) {
    %c0_i32 = arith.constant 0 : i32
    %c0_i32_0 = arith.constant 0 : i32
    %c0_i32_1 = arith.constant 0 : i32
    return %c0_i32, %c0_i32_0 : i32, i32
  }
  func.func @transform_8(%arg0: i32) -> (i32, i32) {
    %c0_i32 = arith.constant 0 : i32
    %c0_i32_0 = arith.constant 0 : i32
    return %arg0, %c0_i32 : i32, i32
  }
  func.func @transform_9(%arg0: i32) -> (i32, i32) {
    %c0_i32 = arith.constant 0 : i32
    %c0_i32_0 = arith.constant 0 : i32
    return %arg0, %c0_i32 : i32, i32
  }
}

module attributes {stable_mosaic.version = 14 : i64} {
  func.func @body(%arg0: i32, %arg1: memref<1264x32xf32, #tpu.memory_space<vmem>>, %arg2: memref<1264x32xf32, #tpu.memory_space<vmem>>, %arg3: memref<1x1264x16xf32, #tpu.memory_space<vmem>>, %arg4: memref<1x64xf32, #tpu.memory_space<vmem>>, %arg5: memref<128x64xf32, #tpu.memory_space<vmem>>, %arg6: memref<1x64xf32, #tpu.memory_space<vmem>>, %arg7: memref<1264x64xf32, #tpu.memory_space<vmem>>, %arg8: memref<1264x64xf32, #tpu.memory_space<vmem>>) attributes {dimension_semantics = [#tpu.dimension_semantics<arbitrary>], iteration_bounds = array<i64: 8>, scalar_prefetch = 0 : i64, scratch_operands = 0 : i64, tpu.core_type = #tpu.core_type<tc>, window_params = [{transform_indices = @transform_0, window_bounds = array<i64: 1264, 32>}, {transform_indices = @transform_1, window_bounds = array<i64: 1264, 32>}, {transform_indices = @transform_2, window_bounds = array<i64: 1, 1264, 16>}, {pipeline_mode = #tpu.pipeline_mode<synchronous>, transform_indices = @transform_3, window_bounds = array<i64: 1, 64>}, {pipeline_mode = #tpu.pipeline_mode<synchronous>, transform_indices = @transform_4, window_bounds = array<i64: 128, 64>}, {pipeline_mode = #tpu.pipeline_mode<synchronous>, transform_indices = @transform_5, window_bounds = array<i64: 1, 64>}, {transform_indices = @transform_6, window_bounds = array<i64: 1264, 64>}, {transform_indices = @transform_7, window_bounds = array<i64: 1264, 64>}]} {
    %get3A = arith.constant 0 : index
    %get3A_0 = arith.constant 0 : index
    %get3A_1 = arith.constant 0 : index
    %get3A_2 = vector.load %arg3[%get3A, %get3A_0, %get3A_1] : memref<1x1264x16xf32, #tpu.memory_space<vmem>>, vector<1x1264x16xf32>
    %get3A_3 = vector.shape_cast %get3A_2 : vector<1x1264x16xf32> to vector<1264x16xf32>
    %slice3A = vector.extract_strided_slice %get3A_3 {offsets = [0, 0], sizes = [1264, 1], strides = [1, 1]} : vector<1264x16xf32> to vector<1264x1xf32>
    %gt3A = arith.constant 0.000000e+00 : f32
    %gt3A_4 = vector.broadcast %gt3A : f32 to vector<1264x1xf32>
    %gt3A_5 = arith.cmpf ogt, %slice3A, %gt3A_4 : vector<1264x1xf32>
    %sqrt3A = math.sqrt %slice3A : vector<1264x1xf32>
    %div3A = arith.constant 1.000000e+00 : f32
    %div3A_6 = vector.broadcast %div3A : f32 to vector<1264x1xf32>
    %div3A_7 = arith.divf %div3A_6, %sqrt3A : vector<1264x1xf32>
    %jit3A = arith.constant 0.000000e+00 : f32
    %broadcast_in_dim3A = vector.broadcast %jit3A : f32 to vector<1264x1xf32>
    %select_n3A = arith.select %gt3A_5, %div3A_7, %broadcast_in_dim3A : vector<1264x1xi1>, vector<1264x1xf32>
    %get3A_8 = arith.constant 0 : index
    %get3A_9 = arith.constant 0 : index
    %get3A_10 = vector.load %arg1[%get3A_8, %get3A_9] : memref<1264x32xf32, #tpu.memory_space<vmem>>, vector<1264x32xf32>
    %get3A_11 = arith.constant 0 : index
    %get3A_12 = arith.constant 0 : index
    %get3A_13 = vector.load %arg2[%get3A_11, %get3A_12] : memref<1264x32xf32, #tpu.memory_space<vmem>>, vector<1264x32xf32>
    %concatenate3A = tpu.concatenate %get3A_10, %get3A_13 in 1 : vector<1264x32xf32>, vector<1264x32xf32> -> vector<1264x64xf32>
    %mul3A = vector.broadcast %select_n3A : vector<1264x1xf32> to vector<1264x64xf32>
    %mul3A_14 = arith.mulf %concatenate3A, %mul3A : vector<1264x64xf32>
    %get3A_15 = arith.constant 0 : index
    %get3A_16 = arith.constant 0 : index
    %get3A_17 = vector.load %arg4[%get3A_15, %get3A_16] : memref<1x64xf32, #tpu.memory_space<vmem>>, vector<1x64xf32>
    %add3A = vector.broadcast %get3A_17 : vector<1x64xf32> to vector<1264x64xf32>
    %add3A_18 = arith.addf %mul3A_14, %add3A : vector<1264x64xf32>
    %get3A_19 = arith.constant 0 : index
    %get3A_20 = arith.constant 0 : index
    %get3A_21 = vector.load %arg5[%get3A_19, %get3A_20] : memref<128x64xf32, #tpu.memory_space<vmem>>, vector<128x64xf32>
    %slice3A_22 = vector.extract_strided_slice %get3A_21 {offsets = [0, 0], sizes = [64, 64], strides = [1, 1]} : vector<128x64xf32> to vector<64x64xf32>
    %dot_general3A = arith.constant dense<0.000000e+00> : vector<1264x64xf32>
    %dot_general3A_23 = tpu.matmul %add3A_18, %slice3A_22, %dot_general3A {dimension_numbers = #tpu.dot_dimension_numbers<[1], [0], [0], [1], [0, 0, 1, 1], [], []>, transpose_lhs_hint = false} : vector<1264x64xf32>, vector<64x64xf32>, vector<1264x64xf32> -> vector<1264x64xf32>
    %get3A_24 = arith.constant 0 : index
    %get3A_25 = arith.constant 0 : index
    %get3A_26 = vector.load %arg6[%get3A_24, %get3A_25] : memref<1x64xf32, #tpu.memory_space<vmem>>, vector<1x64xf32>
    %add3A_27 = vector.broadcast %get3A_26 : vector<1x64xf32> to vector<1264x64xf32>
    %add3A_28 = arith.addf %dot_general3A_23, %add3A_27 : vector<1264x64xf32>
    %swap3A = arith.constant 0 : index
    %swap3A_29 = arith.constant 0 : index
    %swap3A_30 = vector.load %arg7[%swap3A, %swap3A_29] : memref<1264x64xf32, #tpu.memory_space<vmem>>, vector<1264x64xf32>
    tpu.vector_store %arg7[%swap3A, %swap3A_29], %add3A_28 {strides = array<i32>} : memref<1264x64xf32, #tpu.memory_space<vmem>>, vector<1264x64xf32>,
    %slice3A_31 = vector.extract_strided_slice %get3A_21 {offsets = [64, 0], sizes = [64, 64], strides = [1, 1]} : vector<128x64xf32> to vector<64x64xf32>
    %dot_general3A_32 = arith.constant dense<0.000000e+00> : vector<1264x64xf32>
    %dot_general3A_33 = tpu.matmul %add3A_18, %slice3A_31, %dot_general3A_32 {dimension_numbers = #tpu.dot_dimension_numbers<[1], [0], [0], [1], [0, 0, 1, 1], [], []>, transpose_lhs_hint = false} : vector<1264x64xf32>, vector<64x64xf32>, vector<1264x64xf32> -> vector<1264x64xf32>
    %swap3A_34 = arith.constant 0 : index
    %swap3A_35 = arith.constant 0 : index
    %swap3A_36 = vector.load %arg8[%swap3A_34, %swap3A_35] : memref<1264x64xf32, #tpu.memory_space<vmem>>, vector<1264x64xf32>
    tpu.vector_store %arg8[%swap3A_34, %swap3A_35], %dot_general3A_33 {strides = array<i32>} : memref<1264x64xf32, #tpu.memory_space<vmem>>, vector<1264x64xf32>,
    return
  }
  func.func @transform_0(%arg0: i32) -> (i32, i32) {
    %c0_i32 = arith.constant 0 : i32
    %c0_i32_0 = arith.constant 0 : i32
    return %arg0, %c0_i32 : i32, i32
  }
  func.func @transform_1(%arg0: i32) -> (i32, i32) {
    %c0_i32 = arith.constant 0 : i32
    %c0_i32_0 = arith.constant 0 : i32
    return %arg0, %c0_i32 : i32, i32
  }
  func.func @transform_2(%arg0: i32) -> (i32, i32, i32) {
    %c3_i32 = arith.constant 3 : i32
    %c0_i32 = arith.constant 0 : i32
    %c0_i32_0 = arith.constant 0 : i32
    return %c3_i32, %arg0, %c0_i32 : i32, i32, i32
  }
  func.func @transform_3(%arg0: i32) -> (i32, i32) {
    %c0_i32 = arith.constant 0 : i32
    %c0_i32_0 = arith.constant 0 : i32
    %c0_i32_1 = arith.constant 0 : i32
    return %c0_i32, %c0_i32_0 : i32, i32
  }
  func.func @transform_4(%arg0: i32) -> (i32, i32) {
    %c0_i32 = arith.constant 0 : i32
    %c0_i32_0 = arith.constant 0 : i32
    %c0_i32_1 = arith.constant 0 : i32
    return %c0_i32, %c0_i32_0 : i32, i32
  }
  func.func @transform_5(%arg0: i32) -> (i32, i32) {
    %c0_i32 = arith.constant 0 : i32
    %c0_i32_0 = arith.constant 0 : i32
    %c0_i32_1 = arith.constant 0 : i32
    return %c0_i32, %c0_i32_0 : i32, i32
  }
  func.func @transform_6(%arg0: i32) -> (i32, i32) {
    %c0_i32 = arith.constant 0 : i32
    %c0_i32_0 = arith.constant 0 : i32
    return %arg0, %c0_i32 : i32, i32
  }
  func.func @transform_7(%arg0: i32) -> (i32, i32) {
    %c0_i32 = arith.constant 0 : i32
    %c0_i32_0 = arith.constant 0 : i32
    return %arg0, %c0_i32 : i32, i32
  }
}

module attributes {stable_mosaic.version = 14 : i64} {
  func.func @body(%arg0: i32, %arg1: memref<3584x64xf32, #tpu.memory_space<vmem>>, %arg2: memref<3584x64xf32, #tpu.memory_space<vmem>>, %arg3: memref<3584x64xf32, #tpu.memory_space<vmem>>, %arg4: memref<3584x64xf32, #tpu.memory_space<vmem>>, %arg5: memref<64x1xf32, #tpu.memory_space<vmem>>, %arg6: memref<1x1xf32, #tpu.memory_space<vmem>>, %arg7: memref<3584x1xf32, #tpu.memory_space<vmem>>, %arg8: memref<3584x1xf32, #tpu.memory_space<vmem>>) attributes {dimension_semantics = [#tpu.dimension_semantics<arbitrary>], iteration_bounds = array<i64: 16>, scalar_prefetch = 0 : i64, scratch_operands = 0 : i64, tpu.core_type = #tpu.core_type<tc>, window_params = [{transform_indices = @transform_0, window_bounds = array<i64: 3584, 64>}, {transform_indices = @transform_1, window_bounds = array<i64: 3584, 64>}, {transform_indices = @transform_2, window_bounds = array<i64: 3584, 64>}, {transform_indices = @transform_3, window_bounds = array<i64: 3584, 64>}, {pipeline_mode = #tpu.pipeline_mode<synchronous>, transform_indices = @transform_4, window_bounds = array<i64: 64, 1>}, {pipeline_mode = #tpu.pipeline_mode<synchronous>, transform_indices = @transform_5, window_bounds = array<i64: 1, 1>}, {transform_indices = @transform_6, window_bounds = array<i64: 3584, 1>}, {transform_indices = @transform_7, window_bounds = array<i64: 3584, 1>}]} {
    %get3A = arith.constant 0 : index
    %get3A_0 = arith.constant 0 : index
    %get3A_1 = vector.load %arg5[%get3A, %get3A_0] : memref<64x1xf32, #tpu.memory_space<vmem>>, vector<64x1xf32>
    %get3A_2 = arith.constant 0 : index
    %get3A_3 = arith.constant 0 : index
    %get3A_4 = vector.load %arg6[%get3A_2, %get3A_3] : memref<1x1xf32, #tpu.memory_space<vmem>>, vector<1x1xf32>
    %get3A_5 = arith.constant 0 : index
    %get3A_6 = arith.constant 0 : index
    %get3A_7 = vector.load %arg1[%get3A_5, %get3A_6] : memref<3584x64xf32, #tpu.memory_space<vmem>>, vector<3584x64xf32>
    %get3A_8 = arith.constant 0 : index
    %get3A_9 = arith.constant 0 : index
    %get3A_10 = vector.load %arg2[%get3A_8, %get3A_9] : memref<3584x64xf32, #tpu.memory_space<vmem>>, vector<3584x64xf32>
    %add3A = arith.addf %get3A_7, %get3A_10 : vector<3584x64xf32>
    %max3A = arith.constant 0.000000e+00 : f32
    %max3A_11 = vector.broadcast %max3A : f32 to vector<3584x64xf32>
    %max3A_12 = arith.maximumf %add3A, %max3A_11 : vector<3584x64xf32>
    %get3A_13 = arith.constant 0 : index
    %get3A_14 = arith.constant 0 : index
    %get3A_15 = vector.load %arg3[%get3A_13, %get3A_14] : memref<3584x64xf32, #tpu.memory_space<vmem>>, vector<3584x64xf32>
    %get3A_16 = arith.constant 0 : index
    %get3A_17 = arith.constant 0 : index
    %get3A_18 = vector.load %arg4[%get3A_16, %get3A_17] : memref<3584x64xf32, #tpu.memory_space<vmem>>, vector<3584x64xf32>
    %add3A_19 = arith.addf %get3A_15, %get3A_18 : vector<3584x64xf32>
    %max3A_20 = arith.constant 0.000000e+00 : f32
    %max3A_21 = vector.broadcast %max3A_20 : f32 to vector<3584x64xf32>
    %max3A_22 = arith.maximumf %add3A_19, %max3A_21 : vector<3584x64xf32>
    %dot_general3A = arith.constant dense<0.000000e+00> : vector<3584x1xf32>
    %dot_general3A_23 = tpu.matmul %max3A_12, %get3A_1, %dot_general3A {dimension_numbers = #tpu.dot_dimension_numbers<[1], [0], [0], [1], [0, 0, 1, 1], [], []>, transpose_lhs_hint = false} : vector<3584x64xf32>, vector<64x1xf32>, vector<3584x1xf32> -> vector<3584x1xf32>
    %add3A_24 = vector.broadcast %get3A_4 : vector<1x1xf32> to vector<3584x1xf32>
    %add3A_25 = arith.addf %dot_general3A_23, %add3A_24 : vector<3584x1xf32>
    %swap3A = arith.constant 0 : index
    %swap3A_26 = arith.constant 0 : index
    %swap3A_27 = vector.load %arg7[%swap3A, %swap3A_26] : memref<3584x1xf32, #tpu.memory_space<vmem>>, vector<3584x1xf32>
    tpu.vector_store %arg7[%swap3A, %swap3A_26], %add3A_25 {strides = array<i32>} : memref<3584x1xf32, #tpu.memory_space<vmem>>, vector<3584x1xf32>,
    %dot_general3A_28 = arith.constant dense<0.000000e+00> : vector<3584x1xf32>
    %dot_general3A_29 = tpu.matmul %max3A_22, %get3A_1, %dot_general3A_28 {dimension_numbers = #tpu.dot_dimension_numbers<[1], [0], [0], [1], [0, 0, 1, 1], [], []>, transpose_lhs_hint = false} : vector<3584x64xf32>, vector<64x1xf32>, vector<3584x1xf32> -> vector<3584x1xf32>
    %add3A_30 = vector.broadcast %get3A_4 : vector<1x1xf32> to vector<3584x1xf32>
    %add3A_31 = arith.addf %dot_general3A_29, %add3A_30 : vector<3584x1xf32>
    %swap3A_32 = arith.constant 0 : index
    %swap3A_33 = arith.constant 0 : index
    %swap3A_34 = vector.load %arg8[%swap3A_32, %swap3A_33] : memref<3584x1xf32, #tpu.memory_space<vmem>>, vector<3584x1xf32>
    tpu.vector_store %arg8[%swap3A_32, %swap3A_33], %add3A_31 {strides = array<i32>} : memref<3584x1xf32, #tpu.memory_space<vmem>>, vector<3584x1xf32>,
    return
  }
  func.func @transform_0(%arg0: i32) -> (i32, i32) {
    %c0_i32 = arith.constant 0 : i32
    %c0_i32_0 = arith.constant 0 : i32
    return %arg0, %c0_i32 : i32, i32
  }
  func.func @transform_1(%arg0: i32) -> (i32, i32) {
    %c0_i32 = arith.constant 0 : i32
    %c0_i32_0 = arith.constant 0 : i32
    return %arg0, %c0_i32 : i32, i32
  }
  func.func @transform_2(%arg0: i32) -> (i32, i32) {
    %c0_i32 = arith.constant 0 : i32
    %c0_i32_0 = arith.constant 0 : i32
    return %arg0, %c0_i32 : i32, i32
  }
  func.func @transform_3(%arg0: i32) -> (i32, i32) {
    %c0_i32 = arith.constant 0 : i32
    %c0_i32_0 = arith.constant 0 : i32
    return %arg0, %c0_i32 : i32, i32
  }
  func.func @transform_4(%arg0: i32) -> (i32, i32) {
    %c0_i32 = arith.constant 0 : i32
    %c0_i32_0 = arith.constant 0 : i32
    %c0_i32_1 = arith.constant 0 : i32
    return %c0_i32, %c0_i32_0 : i32, i32
  }
  func.func @transform_5(%arg0: i32) -> (i32, i32) {
    %c0_i32 = arith.constant 0 : i32
    %c0_i32_0 = arith.constant 0 : i32
    %c0_i32_1 = arith.constant 0 : i32
    return %c0_i32, %c0_i32_0 : i32, i32
  }
  func.func @transform_6(%arg0: i32) -> (i32, i32) {
    %c0_i32 = arith.constant 0 : i32
    %c0_i32_0 = arith.constant 0 : i32
    return %arg0, %c0_i32 : i32, i32
  }
  func.func @transform_7(%arg0: i32) -> (i32, i32) {
    %c0_i32 = arith.constant 0 : i32
    %c0_i32_0 = arith.constant 0 : i32
    return %arg0, %c0_i32 : i32, i32
  }
}

</mosaic_0001>

<sc_bundles>
// kernel: kernel.10.cloned.1.call-start
scs
__scs_entry_jumppad:
0x0: {  	(pc) =	sbr.rel $0x88, $3  }
0x1: {  	(tag) =	ssettag $0x0;
	lr =	simm.s32 $0x1  }
0x2: {  	[smem:$0x3F94] =	sst lr;
	_ =	strace $0xD0000000  }
0x3: {  	_ = 	snop  }
0x4: {  	_ = 	snop  }
0x5: {  	_ = 	snop  }
0x6: {  	_ = 	snop  }
0x7: {  	_ = 	snop  }
__scs_overlays_trampoline_lowered:
0x8: {  	[smem:$0x3FA3] =	sst s0  }
0x9: {  	[smem:$0x3FA4] =	sst s1  }
0xa: {  	[smem:$0x3FA5] =	sst s2  }
0xb: {  	[smem:$0x3FA6] =	sst s3  }
0xc: {  	[smem:$0x3FA7] =	sst s4  }
0xd: {  	[smem:$0x3FA8] =	sst s5  }
0xe: {  	[smem:$0x3FA9] =	sst s6  }
0xf: {  	[smem:$0x3FAA] =	sst s7  }
0x10: {  	[smem:$0x3FAB] =	sst s8  }
0x11: {  	[smem:$0x3FAC] =	sst s9;
	s0 =	simm.s32 @!p0 $0x0  }
0x12: {  	s1 =	sld [smem:$0x3F92];
	s0 =	simm.s32 @p0 $0x1  }
0x13: {  	[smem:$0x3FAD] =	sst s0;
	s0 =	simm.s32 @!p1 $0x0  }
0x14: {  	s2 =	sld [smem:$0x3F91];
	s0 =	simm.s32 @p1 $0x1  }
0x15: {  	[smem:$0x3FAE] =	sst s0;
	s0 =	simm.s32 @!p2 $0x0  }
0x16: {  	s3 =	sld [smem:$0x3FDB];
	s0 =	simm.s32 @p2 $0x1  }
0x17: {  	s4 =	simm.s32 $0x1BF5;
	[smem:$0x3FB0] =	sst s0  }
0x18: {  	s0 =	sld [smem:$0x3F93];
	_ =	swait.ge [sflag:s4], $0x0  }
0x19: {  	s7 =	sld [smem:$0x3F94]  }
0x1a: {  	s8 =	sadd.s32 $0xFFFFE003, lr  }
0x1b: {  	s9 =	sadd.s32 $0xFFFFFEF7, lr;
	s5 =	simm.s32 $0xFFFFFFFF;
	p2 =	slt.u32 s8, $0xFFFFF086  }
0x1c: {  	p1 =	slt.u32 s9, $0xF7A;
	s5 =	simm.s32 @!p2 $0x0  }
0x1d: {  	s5 =	simm.s32 @p1 $0x1;
	p0 =	seq.s32 s7, s2  }
0x1e: {  	s7 =	smul.u32 @!p0 $0xF7A, s2;
	p2 =	seq.s32 @!p0 s5, $0x0  }
0x1f: {  	s9 =	smul.u32 $0xF7A, s1;
	s8 =	simm.s32 @!p0 $0x1BF5;
	p2 =	por !p2, p0  }
0x20: {  	[sflag:s8] =	ssyncset.s32 @!p0 $0xFFFFF086;
	s6 =	sadd.s32 @!p0 s3, s7;
	s7 =	simm.s32 @!p0 $0x108  }
0x21: {  	s3 =	sadd.s32 s3, s9;
	s6 =	sadd.s32 @!p0 $0x88, s6;
	s7 =	simm.s32 @p2 $0x1082  }
0x22: {  	[simem:s7], [sflag:s8] =	dma.local @!p0 [hbm:s6], $0xF7A  }
0x23: {  	s9 =	sor.u32 $0xD0000000, s2;
	s6 =	simm.s32 $0x108;
	_ =	swait.ge @!p0 [sflag:s8], $0x0  }
0x24: {  	s3 =	sadd.s32 $0x88, s3;
	s6 =	simm.s32 @!p1 $0x1082;
	[sflag:s4] =	ssyncset.s32 $0xFFFFF086  }
0x25: {  	[simem:s6], [sflag:s4] =	dma.local [hbm:s3], $0xF7A  }
0x26: {  	[smem:$0x3F94] =	sst s1;
	(tag) =	ssettag s2;
	_ =	strace s9  }
0x27: {  	s1 =	sld [smem:$0x3FA4]  }
0x28: {  	s2 =	sld [smem:$0x3FA5]  }
0x29: {  	s4 =	sld [smem:$0x3FA7]  }
0x2a: {  	p0 =	seq.s32 s5, $0x0;
	s5 =	sld [smem:$0x3FA8]  }
0x2b: {  	s6 =	sld [smem:$0x3FA9]  }
0x2c: {  	s7 =	sld [smem:$0x3FAA]  }
0x2d: {  	s3 =	simm.s32 $0x108;
	s8 =	sld [smem:$0x3FAB]  }
0x2e: {  	s3 =	simm.s32 @!p0 $0x1082;
	s9 =	sld [smem:$0x3FAC]  }
0x2f: {  	lr =	sadd.s32 s0, s3;
	s0 =	sld [smem:$0x3FA3]  }
0x30: {  	s3 =	sld [smem:$0x3FA6]  }
0x31: {  	[smem:$0x3FAF] =	sst s10  }
0x32: {  	s10 =	sld [smem:$0x3FAD];
	_ =	sdelay $0x3  }
0x33: {  	p0 =	seq.s32 s10, $0x1;
	s10 =	sld [smem:$0x3FAF];
	_ =	sdelay $0x3  }
0x34: {  	[smem:$0x3FAF] =	sst s10  }
0x35: {  	s10 =	sld [smem:$0x3FAE];
	_ =	sdelay $0x3  }
0x36: {  	p1 =	seq.s32 s10, $0x1;
	s10 =	sld [smem:$0x3FAF];
	_ =	sdelay $0x3  }
0x37: {  	[smem:$0x3FAF] =	sst s10  }
0x38: {  	s10 =	sld [smem:$0x3FB0]  }
0x39: {  	_ = 	snop;
	(pc) =	sbr.ind lr, $3  }
0x3a: {  	_ = 	snop  }
0x3b: {  	_ = 	snop  }
0x3c: {  	p2 =	seq.s32 s10, $0x1;
	s10 =	sld [smem:$0x3FAF]  }
0x3d: {  	_ =	shalt  }
0x3e: {  	_ =	shalt  }
0x3f: {  	_ =	shalt  }
0x40: {  	_ =	shalt  }
0x41: {  	_ =	shalt  }
0x42: {  	_ =	shalt  }
0x43: {  	_ =	shalt  }
0x44: {  	_ =	shalt  }
0x45: {  	_ =	shalt  }
0x46: {  	_ =	shalt  }
0x47: {  	_ =	shalt  }
0x48: {  	_ =	shalt  }
0x49: {  	_ =	shalt  }
0x4a: {  	_ =	shalt  }
0x4b: {  	_ =	shalt  }
0x4c: {  	_ =	shalt  }
0x4d: {  	_ =	shalt  }
0x4e: {  	_ =	shalt  }
0x4f: {  	_ =	shalt  }
0x50: {  	_ =	shalt  }
0x51: {  	_ =	shalt  }
0x52: {  	_ =	shalt  }
0x53: {  	_ =	shalt  }
0x54: {  	_ =	shalt  }
0x55: {  	_ =	shalt  }
0x56: {  	_ =	shalt  }
0x57: {  	_ =	shalt  }
0x58: {  	_ =	shalt  }
0x59: {  	_ =	shalt  }
0x5a: {  	_ =	shalt  }
0x5b: {  	_ =	shalt  }
0x5c: {  	_ =	shalt  }
0x5d: {  	_ =	shalt  }
0x5e: {  	_ =	shalt  }
0x5f: {  	_ =	shalt  }
0x60: {  	_ =	shalt  }
0x61: {  	_ =	shalt  }
0x62: {  	_ =	shalt  }
0x63: {  	_ =	shalt  }
0x64: {  	_ =	shalt  }
0x65: {  	_ =	shalt  }
0x66: {  	_ =	shalt  }
0x67: {  	_ =	shalt  }
0x68: {  	_ =	shalt  }
0x69: {  	_ =	shalt  }
0x6a: {  	_ =	shalt  }
0x6b: {  	_ =	shalt  }
0x6c: {  	_ =	shalt  }
0x6d: {  	_ =	shalt  }
0x6e: {  	_ =	shalt  }
0x6f: {  	_ =	shalt  }
0x70: {  	_ =	shalt  }
0x71: {  	_ =	shalt  }
0x72: {  	_ =	shalt  }
0x73: {  	_ =	shalt  }
0x74: {  	_ =	shalt  }
0x75: {  	_ =	shalt  }
0x76: {  	_ =	shalt  }
0x77: {  	_ =	shalt  }
0x78: {  	_ =	shalt  }
0x79: {  	_ =	shalt  }
0x7a: {  	_ =	shalt  }
0x7b: {  	_ =	shalt  }
0x7c: {  	_ =	shalt  }
0x7d: {  	_ =	shalt  }
0x7e: {  	_ =	shalt  }
0x7f: {  	_ =	shalt  }
0x80: {  	_ =	shalt  }
0x81: {  	_ =	shalt  }
0x82: {  	_ =	shalt  }
0x83: {  	_ =	shalt  }
0x84: {  	_ =	shalt  }
0x85: {  	_ =	shalt  }
0x86: {  	_ =	shalt  }
0x87: {  	_ =	shalt  }
.Lfunc_end0:
.L_simem_size_0:
called_computation_lowered:
.L_overlay_start_0:
0x88: {  	s2 =	sld [smem:$0x3FD9]  }
0x89: {  	s3 =	sld [smem:$0x3FFE];
	_ =	sdelay $0x1  }
0x8a: {  	s1 =	srdreg.scid  }
0x8b: {  	s0 =	sand.u32 $0x1, s1  }
0x8c: {  	s16 =	sshll.u32 s0, $0xA;
	s2 =	sadd.s32 s3, s2  }
0x8d: {  	s2 =	sadd.s32 s2, s16  }
0x8e: {  	[smem:$0x3FBB] =	sst s2  }
0x8f: {  	_ = 	snop  }
0x90: {  	(tm) =	ssettm $0x1  }
0x91: {  	s17 =	sld [smem:$0x3FFB];
	_ =	sdelay $0x3  }
0x92: {  	_ =	strace s17  }
0x93: {  	s2 =	sld [smem:$0x3FFC];
	_ =	sdelay $0x3  }
0x94: {  	_ =	strace s2  }
0x95: {  	s2 =	sld [smem:$0x3FFD];
	_ =	sdelay $0x3  }
0x96: {  	_ =	strace s2  }
0x97: {  	_ =	strace $0x8FFFFFFF  }
0x98: {  	s18 =	sld [smem:$0x3FDB];
	_ =	sdelay $0x1  }
0x99: {  	s19 =	simm.s32 $_scs_section_size  }
0x9a: {  	s4 =	simm.s32 $_size__tile_overlayer_lowered;
	s5 =	simm.s32 $_tile_overlayer_lowered  }
0x9b: {  	s22 =	simm.s32 $0x1BFF;
	s21 =	sshll.u32 s5, $0x1;
	s2 =	sadd.s32 s19, s18  }
0x9c: {  	s6 =	simm.s32 $0x0;
	s20 =	sshll.u32 s4, $0x1;
	s4 =	sadd.s32 s21, s2  }
0x9d: {  	[timem:s6], [sflag:s22] =	dma.local [hbm:s4], s20  }
0x9e: {  	_ =	swait.ge [sflag:s22], s20  }
0x9f: {  	s3 =	ssub.s32 $0x0, s20;
	[sflag:s22] =	ssyncset.done $0x0  }
0xa0: {  	[sflag:s22] =	ssyncadd.s32 s3;
	_ =	sdelay $0x1  }
0xa1: {  	s23 =	simm.s32 $0x1B8B  }
0xa2: {  	_ =	swait.ge [sflag:s23], $0x1  }
0xa3: {  	[sflag:s23] =	ssyncset.done $0x0  }
0xa4: {  	s25 =	simm.s32 $0x1B8E;
	s24 =	sld [smem:$0x3FFE];
	[sflag:s23] =	ssyncadd.s32 $0xFFFFFFFF  }
0xa5: {  	s26 =	simm.s32 $execute0_lowered;
	[smem:$0x3FD2] =	sst s25  }
0xa6: {  	s4 =	sshll.u32 s26, $0x1;
	_ =	strace $0x80000046;
	[dreg:$0x1] =	wrdreg $0xFFFFFFFF  }
0xa7: {  	s28 =	simm.s32 $_size_execute0_lowered;
	s2 =	sadd.s32 s2, s4;
	[dreg:$0x0] =	wrdreg $0x0  }
0xa8: {  	s4 =	sshll.u32 s28, $0x1;
	[dreg:$0x2] =	wrdreg s2  }
0xa9: {  	[dreg:$0x3] =	wrdreg s4  }
0xaa: {  	[dreg:$0x4] =	wrdreg $0xC0  }
0xab: {  	_ =	task [dreg:s6], $0x5FFFF  }
0xac: {  	[dreg:$0x1] =	wrdreg $0xFFFFFFFF  }
0xad: {  	[dreg:$0x0] =	wrdreg $0x60  }
0xae: {  	[dreg:$0x2] =	wrdreg s24  }
0xaf: {  	[dreg:$0x3] =	wrdreg $0x0  }
0xb0: {  	[dreg:$0x4] =	wrdreg $0x27800  }
0xb1: {  	[dreg:$0x5] =	wrdreg $0x9  }
0xb2: {  	_ =	task.clear_ibuf [dreg:s6], $0x6FFFF;
	_ =	strace $0x90000046  }
0xb3: {  	s29 =	simm.s32 $0x9;
	_ =	strace $0x80000048  }
0xb4: {  	_ =	swait.ge [sflag:s29], $0x1  }
0xb5: {  	[sflag:s29] =	ssyncadd.s32 $0xFFFFFFFF  }
0xb6: {  	_ =	strace $0x90000048  }
0xb7: {  	_ =	sfence  }
0xb8: {  	s30 =	sld [smem:$0x0];
	_ =	sdelay $0x2  }
0xb9: {  	s31 =	sshll.u32 s1, $0xD;
	s1 =	sshrl.u32 s1, $0x2  }
0xba: {  	s3 =	sand.u32 $0x4000, s31;
	s1 =	sadd.s32 s1, s30  }
0xbb: {  	s0 =	sor.u32 s3, s0;
	s1 =	sshll.u32 s1, $0x11  }
0xbc: {  	s0 =	sor.u32 s1, s0  }
0xbd: {  	s0 =	sadd.s32 $0x8F2B, s0  }
0xbe: {  	[sflag:s0] =	ssyncadd.remote.s32 $0x1  }
0xbf: {  	_ =	sfence.sel $0xFFFF  }
0xc0: {  	[dreg:$0x0] =	wrdreg $0xFFFFFFFF;
	(pc) =	sbr.abs _section_cstart, $3  }
0xc1: {  	[dreg:$0x1] =	wrdreg $0xFFFFFFFF  }
0xc2: {  	_ =	task.clear_ibuf [dreg:s6], $0x2FFFF;
	_ =	strace $0x9FFFFFFF  }
0xc3: {  	(tm) =	ssettm $0x7FFFFFFF  }
tec
execute0_lowered:
.L_overlay_start_1:
0x0: {  	(tag) =	ssettag $0x1  }
0x1: {  	s14 =	rddreg [dreg:$0x0]  }
0x2: {  	s2 =	rddreg [dreg:$0x1]  }
0x3: {  	s3 =	rddreg [dreg:$0x2]  }
0x4: {  	s1 =	stileid.u32;
	s5 =	srdreg.scid;
	s4 =	simm.s32 $0x0  }
0x5: {  	s17 =	simm.s32 $0x5;
	s18 =	simm.s32 $0x4F00;
	s19 =	simm.s32 $0x80  }
0x6: {  	s20 =	simm.s32 $0x7700;
	s21 =	simm.s32 $0x1;
	s22 =	simm.s32 $0x2  }
0x7: {  	s23 =	simm.s32 $0x3;
	s24 =	simm.s32 $0x4;
	s26 =	simm.s32 $0x1C05  }
0x8: {  	s6 =	smul.u32 $0x500, s1;
	s16 =	sand.u32 $0x1, s5;
	[smem:$0x7FF] =	sst s4  }
0x9: {  	s8 =	smul.u32 $0x2780, s1;
	s5 =	sadd.s32 $0x15600, s14;
	p2 =	seq.s32 s1, $0x0  }
0xa: {  	p3 =	seq.s32 s1, $0x1;
	s12 =	sadd.s32 $0x1F400, s14;
	s13 =	sadd.s32 $0x1A500, s14  }
0xb: {  	s7 =	ssub.s32 $0x2, s16;
	_ =	strace $0x80000047;
	p1 =	seq.s32 s16, $0x0  }
0xc: {  	p0 =	seq.s32 s16, $0x1;
	s25 =	sor.u32 s1, s16;
	p4 =	sne.s32 s16, $0x0  }
0xd: {  	s16 =	simm.s32 $0x7F00;
	s11 =	sadd.s32 s6, s14;
	s31 =	sshrl.u32 s7, $0x1  }
0xe: {  	s6 =	sadd.s32 s8, s2;
	p1 =	por !p1, !p3;
	p2 =	por !p2, !p0  }
.Ltmp0:
0xf: {  	p3 =	por !p3, !p0;
	s14 =	sadd.s32 $0x24300, s14;
	(pc) =	sbr.rel .LBB2_1-.Ltmp0, $4  }
0x10: {  	p5 =	sne.s32 s25, $0x0;
	s25 =	simm.s32 $0x1C45;
	s15 =	ssub.s32 s7, s31  }
0x11: {  	s7 =	sadd.s32 s8, s3;
	s8 =	sadd.s32 $0x6600, s11;
	s9 =	sadd.s32 $0x1600, s11  }
0x12: {  	s10 =	sadd.s32 $0x10600, s11;
	s11 =	sadd.s32 $0xB600, s11;
	p1 =	por !p1, !p1  }
0x13: {  	v0 =	vimm.f32 $0.0e+00;
	v1 =	vimm.f32 $1.000000000e+00;
	p2 =	por !p2, !p2;
	p3 =	por !p3, !p3;
	s15 =	smax.u32 s15, $0x1  }
.LBB2_22:
0x14: {  	s0 =	sshrl.u32 s2, $0x3  }
0x15: {  	[hbm:s12], [sflag:s26] =	dma.local [spmem:s0], $0x4F00  }
.LBB2_23:
0x16: {  	_ =	swait.ge [sflag:s17], $0x4F00  }
0x17: {  	[sflag:s17] =	ssyncset.done $0x0  }
0x18: {  	[sflag:s17] =	ssyncadd.s32 $0xFFFFB100  }
.LBB2_24:
0x19: {  	s4 =	sadd.s32 $0x1, s4  }
0x1a: {  	p6 =	sne.s32 s4, s15  }
.Ltmp1:
0x1b: {  	_ = 	snop;
	(pc) =	sbr.rel @!p6 .LBB2_25-.Ltmp1, $1  }
0x1c: {  	_ =	sdelay $0x3  }
.LBB2_1:
0x1d: {  	s28 =	simm.s32 $0x0  }
.LBB2_2:
0x1e: {  	p6 =	sne.s32 s28, $0x9DC0  }
.Ltmp2:
0x1f: {  	_ = 	snop;
	(pc) =	sbr.rel @p6 .LBB2_2-.Ltmp2, $3  }
0x20: {  	_ =	sdelay $0x1  }
0x21: {  	s29 =	sshra.s32 s28, $0x2  }
0x22: {  	s28 =	sadd.s32 $0x40, s28;
	[tilespmem:s29+$0x7F00] =	vst v0  }
0x23: {  	s28 =	simm.s32 $0x40;
	s29 =	simm.s32 $0x0  }
.LBB2_4:
0x24: {  	p6 =	sne.s32 s28, $0x1FC0;
	[tilespmem:s29+$0x7700] =	vst v1;
	s29 =	smov.u32 s28;
	s28 =	sadd.s32 $0x40, s28  }
.Ltmp3:
0x25: {  	(pc) =	sbr.rel @p6 .LBB2_4-.Ltmp3, $2  }
0x26: {  	_ =	sdelay $0x2  }
0x27: {  	s29 =	sshra.s32 s29, $0x2  }
0x28: {  	[tilespmem:s29+$0x7700] =	vst v1  }
0x29: {  	[spmem:s6] =	stream.linear.scatter [tilespmem:s16], [sflag:$0x5], $0x2780, $0x38;
	[tilespmem:$0xA680] =	vst v63  }
0x2a: {  	_ =	swait.ge [sflag:s17], $0x2780  }
0x2b: {  	[sflag:s17] =	ssyncset.done $0x0  }
0x2c: {  	[sflag:s17] =	ssyncadd.s32 $0xFFFFD880  }
0x2d: {  	[spmem:s7] =	stream.linear.scatter [tilespmem:s16], [sflag:$0x5], $0x2780, $0x38;
	[tilespmem:$0xA680] =	vst v63  }
.Ltmp4:
0x2e: {  	_ =	swait.ge [sflag:s17], $0x2780;
	(pc) =	sbr.rel @p4 .LBB2_11-.Ltmp4, $3  }
0x2f: {  	[sflag:s17] =	ssyncset.done $0x0  }
0x30: {  	[sflag:s17] =	ssyncadd.s32 $0xFFFFD880  }
0x31: {  	[bflag:$0x0] =	sbarrier.arrive $0xFFFF;
	_ =	sdelay $0x1  }
0x32: {  	s28 =	simm.s32 $0x0  }
0x33: {  	[tilespmem:s18], [sflag:$0x5] =	stream.linear.gather [hbm4b:s8+s28], $0x2800, $0x38;
	[tilespmem:$0xA680] =	vst v63  }
0x34: {  	_ =	swait.ge [sflag:s17], $0x2800  }
0x35: {  	[sflag:s17] =	ssyncset.done $0x0  }
0x36: {  	s28 =	simm.s32 $0x4F00;
	[sflag:s17] =	ssyncadd.s32 $0xFFFFD800  }
0x37: {  	[spmem:s2] =	stream.indirect.scatter.add.f32 [tilespmem:s20], [sflag:$0x1], $0x10, s28, s19, $0xb8;
	[tilespmem:$0xA680] =	vst v63  }
0x38: {  	s28 =	simm.s32 $0x4F80  }
0x39: {  	[spmem:s2] =	stream.indirect.scatter.add.f32 [tilespmem:s20], [sflag:$0x2], $0x10, s28, s19, $0xb8;
	[tilespmem:$0xA680] =	vst v63  }
0x3a: {  	_ =	swait.ge [sflag:s21], $0x800  }
0x3b: {  	[sflag:s21] =	ssyncset.done $0x0  }
0x3c: {  	[sflag:s21] =	ssyncadd.s32 $0xFFFFF800  }
0x3d: {  	_ =	swait.ge [sflag:s22], $0x800  }
0x3e: {  	s29 =	simm.s32 $0x800;
	s28 =	simm.s32 $0x100;
	[sflag:s22] =	ssyncset.done $0x0  }
.LBB2_7:
0x3f: {  	s30 =	sadd.s32 $0x4F00, s28  }
0x40: {  	[sflag:s22] =	ssyncadd.s32 $0xFFFFF800;
	s31 =	smov.u32 s29;
	s0 =	sadd.s32 $0x400, s29  }
0x41: {  	[spmem:s2] =	stream.indirect.scatter.add.f32 [tilespmem:s20], [sflag:$0x1], $0x10, s30, s19, $0xb8;
	[tilespmem:$0xA680] =	vst v63  }
0x42: {  	p6 =	sne.s32 s29, $0x9C00;
	s28 =	sadd.s32 $0x4F80, s28  }
0x43: {  	[spmem:s2] =	stream.indirect.scatter.add.f32 [tilespmem:s20], [sflag:$0x2], $0x10, s28, s19, $0xb8;
	[tilespmem:$0xA680] =	vst v63  }
.Ltmp5:
0x44: {  	_ =	swait.ge [sflag:s21], $0x800;
	(pc) =	sbr.rel @p6 .LBB2_7-.Ltmp5, $4  }
0x45: {  	[sflag:s21] =	ssyncset.done $0x0  }
0x46: {  	[sflag:s21] =	ssyncadd.s32 $0xFFFFF800  }
0x47: {  	_ =	swait.ge [sflag:s22], $0x800  }
0x48: {  	s29 =	smov.u32 s0;
	s28 =	sshra.s32 s31, $0x2;
	[sflag:s22] =	ssyncset.done $0x0  }
0x49: {  	s0 =	sadd.s32 $0x4F00, s28;
	[sflag:s22] =	ssyncadd.s32 $0xFFFFF800  }
0x4a: {  	[spmem:s2] =	stream.indirect.scatter.add.f32 [tilespmem:s20], [sflag:$0x1], $0x10, s0, s19, $0xb8;
	[tilespmem:$0xA680] =	vst v63  }
0x4b: {  	s30 =	sadd.s32 $0x4F80, s28  }
0x4c: {  	[spmem:s2] =	stream.indirect.scatter.add.f32 [tilespmem:s20], [sflag:$0x2], $0x10, s30, s19, $0xb8;
	[tilespmem:$0xA680] =	vst v63  }
0x4d: {  	_ =	swait.ge [sflag:s21], $0x800  }
0x4e: {  	[sflag:s21] =	ssyncset.done $0x0  }
0x4f: {  	[sflag:s21] =	ssyncadd.s32 $0xFFFFF800  }
0x50: {  	_ =	swait.ge [sflag:s22], $0x800  }
0x51: {  	[sflag:s22] =	ssyncset.done $0x0  }
0x52: {  	s31 =	simm.s32 $0x0;
	[sflag:s22] =	ssyncadd.s32 $0xFFFFF800  }
0x53: {  	[tilespmem:s18], [sflag:$0x5] =	stream.linear.gather [hbm4b:s9+s31], $0x2800, $0x38;
	[tilespmem:$0xA680] =	vst v63  }
0x54: {  	_ =	swait.ge [sflag:s17], $0x2800  }
0x55: {  	[sflag:s17] =	ssyncset.done $0x0  }
0x56: {  	s30 =	simm.s32 $0x4F00;
	[sflag:s17] =	ssyncadd.s32 $0xFFFFD800  }
0x57: {  	[spmem:s3] =	stream.indirect.scatter.add.f32 [tilespmem:s20], [sflag:$0x3], $0x10, s30, s19, $0xb8;
	[tilespmem:$0xA680] =	vst v63  }
0x58: {  	s31 =	simm.s32 $0x4F80  }
0x59: {  	[spmem:s3] =	stream.indirect.scatter.add.f32 [tilespmem:s20], [sflag:$0x4], $0x10, s31, s19, $0xb8;
	[tilespmem:$0xA680] =	vst v63  }
0x5a: {  	_ =	swait.ge [sflag:s23], $0x800  }
0x5b: {  	[sflag:s23] =	ssyncset.done $0x0  }
0x5c: {  	[sflag:s23] =	ssyncadd.s32 $0xFFFFF800  }
0x5d: {  	_ =	swait.ge [sflag:s24], $0x800  }
0x5e: {  	s29 =	simm.s32 $0x800;
	s28 =	simm.s32 $0x100;
	[sflag:s24] =	ssyncset.done $0x0  }
.LBB2_9:
0x5f: {  	s0 =	sadd.s32 $0x4F00, s28  }
0x60: {  	[sflag:s24] =	ssyncadd.s32 $0xFFFFF800;
	s30 =	smov.u32 s29;
	s31 =	sadd.s32 $0x400, s29  }
0x61: {  	[spmem:s3] =	stream.indirect.scatter.add.f32 [tilespmem:s20], [sflag:$0x3], $0x10, s0, s19, $0xb8;
	[tilespmem:$0xA680] =	vst v63  }
0x62: {  	p6 =	sne.s32 s29, $0x9C00;
	s0 =	sadd.s32 $0x4F80, s28  }
0x63: {  	[spmem:s3] =	stream.indirect.scatter.add.f32 [tilespmem:s20], [sflag:$0x4], $0x10, s0, s19, $0xb8;
	[tilespmem:$0xA680] =	vst v63  }
.Ltmp6:
0x64: {  	_ =	swait.ge [sflag:s23], $0x800;
	(pc) =	sbr.rel @p6 .LBB2_9-.Ltmp6, $4  }
0x65: {  	[sflag:s23] =	ssyncset.done $0x0  }
0x66: {  	[sflag:s23] =	ssyncadd.s32 $0xFFFFF800  }
0x67: {  	_ =	swait.ge [sflag:s24], $0x800  }
0x68: {  	s28 =	sshra.s32 s30, $0x2;
	s29 =	smov.u32 s31;
	[sflag:s24] =	ssyncset.done $0x0  }
0x69: {  	s0 =	sadd.s32 $0x4F00, s28;
	[sflag:s24] =	ssyncadd.s32 $0xFFFFF800  }
0x6a: {  	[spmem:s3] =	stream.indirect.scatter.add.f32 [tilespmem:s20], [sflag:$0x3], $0x10, s0, s19, $0xb8;
	[tilespmem:$0xA680] =	vst v63  }
0x6b: {  	s31 =	sadd.s32 $0x4F80, s28  }
0x6c: {  	[spmem:s3] =	stream.indirect.scatter.add.f32 [tilespmem:s20], [sflag:$0x4], $0x10, s31, s19, $0xb8;
	[tilespmem:$0xA680] =	vst v63  }
0x6d: {  	_ =	swait.ge [sflag:s23], $0x800  }
0x6e: {  	[sflag:s23] =	ssyncset.done $0x0  }
0x6f: {  	[sflag:s23] =	ssyncadd.s32 $0xFFFFF800  }
0x70: {  	_ =	swait.ge [sflag:s24], $0x800  }
0x71: {  	[sflag:s24] =	ssyncset.done $0x0  }
0x72: {  	[sflag:s24] =	ssyncadd.s32 $0xFFFFF800  }
.LBB2_11:
.Ltmp7:
0x73: {  	(pc) =	sbr.rel @!p0 .LBB2_17-.Ltmp7, $1  }
0x74: {  	_ =	sdelay $0x3  }
0x75: {  	s0 =	simm.s32 $0x0  }
0x76: {  	[tilespmem:s18], [sflag:$0x5] =	stream.linear.gather [hbm4b:s10+s0], $0x2800, $0x38;
	[tilespmem:$0xA680] =	vst v63  }
0x77: {  	_ =	swait.ge [sflag:s17], $0x2800  }
0x78: {  	[sflag:s17] =	ssyncset.done $0x0  }
0x79: {  	s30 =	simm.s32 $0x4F00;
	[sflag:s17] =	ssyncadd.s32 $0xFFFFD800  }
0x7a: {  	[spmem:s2] =	stream.indirect.scatter.add.f32 [tilespmem:s20], [sflag:$0x1], $0x10, s30, s19, $0xb8;
	[tilespmem:$0xA680] =	vst v63  }
0x7b: {  	s31 =	simm.s32 $0x4F80  }
0x7c: {  	[spmem:s2] =	stream.indirect.scatter.add.f32 [tilespmem:s20], [sflag:$0x2], $0x10, s31, s19, $0xb8;
	[tilespmem:$0xA680] =	vst v63  }
0x7d: {  	_ =	swait.ge [sflag:s21], $0x800  }
0x7e: {  	[sflag:s21] =	ssyncset.done $0x0  }
0x7f: {  	[sflag:s21] =	ssyncadd.s32 $0xFFFFF800  }
0x80: {  	_ =	swait.ge [sflag:s22], $0x800  }
0x81: {  	s29 =	simm.s32 $0x800;
	s28 =	simm.s32 $0x100;
	[sflag:s22] =	ssyncset.done $0x0  }
.LBB2_13:
0x82: {  	s0 =	sadd.s32 $0x4F00, s28  }
0x83: {  	[sflag:s22] =	ssyncadd.s32 $0xFFFFF800;
	s30 =	smov.u32 s29;
	s31 =	sadd.s32 $0x400, s29  }
0x84: {  	[spmem:s2] =	stream.indirect.scatter.add.f32 [tilespmem:s20], [sflag:$0x1], $0x10, s0, s19, $0xb8;
	[tilespmem:$0xA680] =	vst v63  }
0x85: {  	p6 =	sne.s32 s29, $0x9C00;
	s0 =	sadd.s32 $0x4F80, s28  }
0x86: {  	[spmem:s2] =	stream.indirect.scatter.add.f32 [tilespmem:s20], [sflag:$0x2], $0x10, s0, s19, $0xb8;
	[tilespmem:$0xA680] =	vst v63  }
.Ltmp8:
0x87: {  	_ =	swait.ge [sflag:s21], $0x800;
	(pc) =	sbr.rel @p6 .LBB2_13-.Ltmp8, $4  }
0x88: {  	[sflag:s21] =	ssyncset.done $0x0  }
0x89: {  	[sflag:s21] =	ssyncadd.s32 $0xFFFFF800  }
0x8a: {  	_ =	swait.ge [sflag:s22], $0x800  }
0x8b: {  	s28 =	sshra.s32 s30, $0x2;
	s29 =	smov.u32 s31;
	[sflag:s22] =	ssyncset.done $0x0  }
0x8c: {  	s0 =	sadd.s32 $0x4F00, s28;
	[sflag:s22] =	ssyncadd.s32 $0xFFFFF800  }
0x8d: {  	[spmem:s2] =	stream.indirect.scatter.add.f32 [tilespmem:s20], [sflag:$0x1], $0x10, s0, s19, $0xb8;
	[tilespmem:$0xA680] =	vst v63  }
0x8e: {  	s30 =	sadd.s32 $0x4F80, s28  }
0x8f: {  	[spmem:s2] =	stream.indirect.scatter.add.f32 [tilespmem:s20], [sflag:$0x2], $0x10, s30, s19, $0xb8;
	[tilespmem:$0xA680] =	vst v63  }
0x90: {  	_ =	swait.ge [sflag:s21], $0x800  }
0x91: {  	[sflag:s21] =	ssyncset.done $0x0  }
0x92: {  	[sflag:s21] =	ssyncadd.s32 $0xFFFFF800  }
0x93: {  	_ =	swait.ge [sflag:s22], $0x800  }
0x94: {  	[sflag:s22] =	ssyncset.done $0x0  }
0x95: {  	s31 =	simm.s32 $0x0;
	[sflag:s22] =	ssyncadd.s32 $0xFFFFF800  }
0x96: {  	[tilespmem:s18], [sflag:$0x5] =	stream.linear.gather [hbm4b:s11+s31], $0x2800, $0x38;
	[tilespmem:$0xA680] =	vst v63  }
0x97: {  	_ =	swait.ge [sflag:s17], $0x2800  }
0x98: {  	[sflag:s17] =	ssyncset.done $0x0  }
0x99: {  	s30 =	simm.s32 $0x4F00;
	[sflag:s17] =	ssyncadd.s32 $0xFFFFD800  }
0x9a: {  	[spmem:s3] =	stream.indirect.scatter.add.f32 [tilespmem:s20], [sflag:$0x3], $0x10, s30, s19, $0xb8;
	[tilespmem:$0xA680] =	vst v63  }
0x9b: {  	s31 =	simm.s32 $0x4F80  }
0x9c: {  	[spmem:s3] =	stream.indirect.scatter.add.f32 [tilespmem:s20], [sflag:$0x4], $0x10, s31, s19, $0xb8;
	[tilespmem:$0xA680] =	vst v63  }
0x9d: {  	_ =	swait.ge [sflag:s23], $0x800  }
0x9e: {  	[sflag:s23] =	ssyncset.done $0x0  }
0x9f: {  	[sflag:s23] =	ssyncadd.s32 $0xFFFFF800  }
0xa0: {  	_ =	swait.ge [sflag:s24], $0x800  }
0xa1: {  	s29 =	simm.s32 $0x800;
	s28 =	simm.s32 $0x100;
	[sflag:s24] =	ssyncset.done $0x0  }
.LBB2_15:
0xa2: {  	s0 =	sadd.s32 $0x4F00, s28  }
0xa3: {  	[sflag:s24] =	ssyncadd.s32 $0xFFFFF800;
	s30 =	smov.u32 s29;
	s31 =	sadd.s32 $0x400, s29  }
0xa4: {  	[spmem:s3] =	stream.indirect.scatter.add.f32 [tilespmem:s20], [sflag:$0x3], $0x10, s0, s19, $0xb8;
	[tilespmem:$0xA680] =	vst v63  }
0xa5: {  	p6 =	sne.s32 s29, $0x9C00;
	s0 =	sadd.s32 $0x4F80, s28  }
0xa6: {  	[spmem:s3] =	stream.indirect.scatter.add.f32 [tilespmem:s20], [sflag:$0x4], $0x10, s0, s19, $0xb8;
	[tilespmem:$0xA680] =	vst v63  }
.Ltmp9:
0xa7: {  	_ =	swait.ge [sflag:s23], $0x800;
	(pc) =	sbr.rel @p6 .LBB2_15-.Ltmp9, $4  }
0xa8: {  	[sflag:s23] =	ssyncset.done $0x0  }
0xa9: {  	[sflag:s23] =	ssyncadd.s32 $0xFFFFF800  }
0xaa: {  	_ =	swait.ge [sflag:s24], $0x800  }
0xab: {  	s28 =	sshra.s32 s30, $0x2;
	s29 =	smov.u32 s31;
	[sflag:s24] =	ssyncset.done $0x0  }
0xac: {  	s0 =	sadd.s32 $0x4F00, s28;
	[sflag:s24] =	ssyncadd.s32 $0xFFFFF800  }
0xad: {  	[spmem:s3] =	stream.indirect.scatter.add.f32 [tilespmem:s20], [sflag:$0x3], $0x10, s0, s19, $0xb8;
	[tilespmem:$0xA680] =	vst v63  }
0xae: {  	s31 =	sadd.s32 $0x4F80, s28  }
0xaf: {  	[spmem:s3] =	stream.indirect.scatter.add.f32 [tilespmem:s20], [sflag:$0x4], $0x10, s31, s19, $0xb8;
	[tilespmem:$0xA680] =	vst v63  }
0xb0: {  	_ =	swait.ge [sflag:s23], $0x800  }
0xb1: {  	[sflag:s23] =	ssyncset.done $0x0  }
0xb2: {  	[sflag:s23] =	ssyncadd.s32 $0xFFFFF800  }
0xb3: {  	_ =	swait.ge [sflag:s24], $0x800  }
0xb4: {  	[sflag:s24] =	ssyncset.done $0x0  }
0xb5: {  	[sflag:s24] =	ssyncadd.s32 $0xFFFFF800  }
.LBB2_17:
0xb6: {  	s0 =	sshll.u32 @!p5 s1, $0x6  }
0xb7: {  	[bflag:$0x0] =	sbarrier.arrive $0xFFFF;
	s28 =	sshrl.u32 @!p5 s2, $0x3;
	s0 =	sor.u32 @!p5 $0x1C05, s0  }
0xb8: {  	[hbm:s5], [sflag:s0] =	dma.local @!p5 [spmem:s28], $0x4F00  }
.Ltmp10:
0xb9: {  	_ = 	snop;
	(pc) =	sbr.rel @!p1 .LBB2_21-.Ltmp10, $4  }
0xba: {  	s0 =	simm.s32 @!p5 $0x5  }
0xbb: {  	_ =	swait.ge @!p5 [sflag:s0], $0x4F00  }
0xbc: {  	[sflag:s0] =	ssyncset.done @!p5 $0x0  }
0xbd: {  	[sflag:s0] =	ssyncadd.s32 @!p5 $0xFFFFB100  }
.Ltmp11:
0xbe: {  	s0 =	sshrl.u32 s3, $0x3;
	(pc) =	sbr.rel .LBB2_19-.Ltmp11, $4  }
0xbf: {  	[hbm:s13], [sflag:s25] =	dma.local [spmem:s0], $0x4F00  }
0xc0: {  	_ =	swait.ge [sflag:s17], $0x4F00  }
0xc1: {  	[sflag:s17] =	ssyncset.done $0x0  }
0xc2: {  	[sflag:s17] =	ssyncadd.s32 $0xFFFFB100  }
.LBB2_21:
.Ltmp12:
0xc3: {  	(pc) =	sbr.rel @p2 .LBB2_22-.Ltmp12, $1  }
0xc4: {  	_ =	sdelay $0x3  }
.LBB2_19:
.Ltmp13:
0xc5: {  	(pc) =	sbr.rel @!p3 .LBB2_24-.Ltmp13, $1  }
0xc6: {  	_ =	sdelay $0x3  }
.Ltmp14:
0xc7: {  	(pc) =	sbr.rel .LBB2_23-.Ltmp14, $3  }
0xc8: {  	_ =	sdelay $0x1  }
0xc9: {  	s0 =	sshrl.u32 s3, $0x3  }
0xca: {  	[hbm:s14], [sflag:s25] =	dma.local [spmem:s0], $0x4F00  }
.LBB2_25:
0xcb: {  	_ =	sfence.sel $0x180000  }
0xcc: {  	[bflag:$0x0] =	sbarrier.arrive $0xFFFF  }
0xcd: {  	_ =	strace $0x90000047  }
0xce: {  	[bflag:$0x2] =	sbarrier.arrive $0xFFFF  }
0xcf: {  	p0 =	sne.s32 s1, $0x0;
	s0 =	rddreg [dreg:$0x3]  }
0xd0: {  	s0 =	sadd.s32 @!p0 $0x100000, s0  }
0xd1: {  	[sflag:s0] =	ssyncadd.tile.s32 @!p0 $0x1;
	_ =	shalt  }
.Lfunc_end2:
_tile_overlayer_lowered:
.L_overlay_start_2:
0xd2: {  	(tag) =	ssettag $0x2  }
0xd3: {  	s0 =	rddreg [dreg:$0x0];
	s2 =	stileid.u32  }
0xd4: {  	s1 =	rddreg [dreg:$0x1];
	p0 =	sne.s32 s2, $0x0  }
0xd5: {  	s3 =	rddreg [dreg:$0x2];
	[bflag:$0x3] =	sbarrier.arrive $0xFFFF;
	s2 =	simm.s32 @!p0 $0x1C05  }
0xd6: {  	[timem:s3], [sflag:s2] =	dma.local @!p0 [hbm:s0], s1  }
0xd7: {  	s0 =	simm.s32 @!p0 $0x5  }
0xd8: {  	_ =	swait.ge @!p0 [sflag:s0], s1  }
0xd9: {  	s1 =	ssub.s32 @!p0 $0x0, s1;
	[sflag:s0] =	ssyncset.done @!p0 $0x0  }
0xda: {  	[sflag:s0] =	ssyncadd.s32 @!p0 s1  }
0xdb: {  	[bflag:$0x3] =	sbarrier.arrive $0xFFFF  }
0xdc: {  	_ =	shalt  }

// kernel: kernel.13.cloned.1.call-start
scs
__scs_entry_jumppad:
0x0: {  	(pc) =	sbr.rel $0x88, $3  }
0x1: {  	(tag) =	ssettag $0x0;
	lr =	simm.s32 $0x1  }
0x2: {  	[smem:$0x3F94] =	sst lr;
	_ =	strace $0xD0000000  }
0x3: {  	_ = 	snop  }
0x4: {  	_ = 	snop  }
0x5: {  	_ = 	snop  }
0x6: {  	_ = 	snop  }
0x7: {  	_ = 	snop  }
__scs_overlays_trampoline_lowered:
0x8: {  	[smem:$0x3FA3] =	sst s0  }
0x9: {  	[smem:$0x3FA4] =	sst s1  }
0xa: {  	[smem:$0x3FA5] =	sst s2  }
0xb: {  	[smem:$0x3FA6] =	sst s3  }
0xc: {  	[smem:$0x3FA7] =	sst s4  }
0xd: {  	[smem:$0x3FA8] =	sst s5  }
0xe: {  	[smem:$0x3FA9] =	sst s6  }
0xf: {  	[smem:$0x3FAA] =	sst s7  }
0x10: {  	[smem:$0x3FAB] =	sst s8  }
0x11: {  	[smem:$0x3FAC] =	sst s9;
	s0 =	simm.s32 @!p0 $0x0  }
0x12: {  	s1 =	sld [smem:$0x3F92];
	s0 =	simm.s32 @p0 $0x1  }
0x13: {  	[smem:$0x3FAD] =	sst s0;
	s0 =	simm.s32 @!p1 $0x0  }
0x14: {  	s2 =	sld [smem:$0x3F91];
	s0 =	simm.s32 @p1 $0x1  }
0x15: {  	[smem:$0x3FAE] =	sst s0;
	s0 =	simm.s32 @!p2 $0x0  }
0x16: {  	s3 =	sld [smem:$0x3FDB];
	s0 =	simm.s32 @p2 $0x1  }
0x17: {  	s4 =	simm.s32 $0x1BF5;
	[smem:$0x3FB0] =	sst s0  }
0x18: {  	s0 =	sld [smem:$0x3F93];
	_ =	swait.ge [sflag:s4], $0x0  }
0x19: {  	s7 =	sld [smem:$0x3F94]  }
0x1a: {  	s8 =	sadd.s32 $0xFFFFE003, lr  }
0x1b: {  	s9 =	sadd.s32 $0xFFFFFEF7, lr;
	s5 =	simm.s32 $0xFFFFFFFF;
	p2 =	slt.u32 s8, $0xFFFFF086  }
0x1c: {  	p1 =	slt.u32 s9, $0xF7A;
	s5 =	simm.s32 @!p2 $0x0  }
0x1d: {  	s5 =	simm.s32 @p1 $0x1;
	p0 =	seq.s32 s7, s2  }
0x1e: {  	s7 =	smul.u32 @!p0 $0xF7A, s2;
	p2 =	seq.s32 @!p0 s5, $0x0  }
0x1f: {  	s9 =	smul.u32 $0xF7A, s1;
	s8 =	simm.s32 @!p0 $0x1BF5;
	p2 =	por !p2, p0  }
0x20: {  	[sflag:s8] =	ssyncset.s32 @!p0 $0xFFFFF086;
	s6 =	sadd.s32 @!p0 s3, s7;
	s7 =	simm.s32 @!p0 $0x108  }
0x21: {  	s3 =	sadd.s32 s3, s9;
	s6 =	sadd.s32 @!p0 $0x88, s6;
	s7 =	simm.s32 @p2 $0x1082  }
0x22: {  	[simem:s7], [sflag:s8] =	dma.local @!p0 [hbm:s6], $0xF7A  }
0x23: {  	s9 =	sor.u32 $0xD0000000, s2;
	s6 =	simm.s32 $0x108;
	_ =	swait.ge @!p0 [sflag:s8], $0x0  }
0x24: {  	s3 =	sadd.s32 $0x88, s3;
	s6 =	simm.s32 @!p1 $0x1082;
	[sflag:s4] =	ssyncset.s32 $0xFFFFF086  }
0x25: {  	[simem:s6], [sflag:s4] =	dma.local [hbm:s3], $0xF7A  }
0x26: {  	[smem:$0x3F94] =	sst s1;
	(tag) =	ssettag s2;
	_ =	strace s9  }
0x27: {  	s1 =	sld [smem:$0x3FA4]  }
0x28: {  	s2 =	sld [smem:$0x3FA5]  }
0x29: {  	s4 =	sld [smem:$0x3FA7]  }
0x2a: {  	p0 =	seq.s32 s5, $0x0;
	s5 =	sld [smem:$0x3FA8]  }
0x2b: {  	s6 =	sld [smem:$0x3FA9]  }
0x2c: {  	s7 =	sld [smem:$0x3FAA]  }
0x2d: {  	s3 =	simm.s32 $0x108;
	s8 =	sld [smem:$0x3FAB]  }
0x2e: {  	s3 =	simm.s32 @!p0 $0x1082;
	s9 =	sld [smem:$0x3FAC]  }
0x2f: {  	lr =	sadd.s32 s0, s3;
	s0 =	sld [smem:$0x3FA3]  }
0x30: {  	s3 =	sld [smem:$0x3FA6]  }
0x31: {  	[smem:$0x3FAF] =	sst s10  }
0x32: {  	s10 =	sld [smem:$0x3FAD];
	_ =	sdelay $0x3  }
0x33: {  	p0 =	seq.s32 s10, $0x1;
	s10 =	sld [smem:$0x3FAF];
	_ =	sdelay $0x3  }
0x34: {  	[smem:$0x3FAF] =	sst s10  }
0x35: {  	s10 =	sld [smem:$0x3FAE];
	_ =	sdelay $0x3  }
0x36: {  	p1 =	seq.s32 s10, $0x1;
	s10 =	sld [smem:$0x3FAF];
	_ =	sdelay $0x3  }
0x37: {  	[smem:$0x3FAF] =	sst s10  }
0x38: {  	s10 =	sld [smem:$0x3FB0]  }
0x39: {  	_ = 	snop;
	(pc) =	sbr.ind lr, $3  }
0x3a: {  	_ = 	snop  }
0x3b: {  	_ = 	snop  }
0x3c: {  	p2 =	seq.s32 s10, $0x1;
	s10 =	sld [smem:$0x3FAF]  }
0x3d: {  	_ =	shalt  }
0x3e: {  	_ =	shalt  }
0x3f: {  	_ =	shalt  }
0x40: {  	_ =	shalt  }
0x41: {  	_ =	shalt  }
0x42: {  	_ =	shalt  }
0x43: {  	_ =	shalt  }
0x44: {  	_ =	shalt  }
0x45: {  	_ =	shalt  }
0x46: {  	_ =	shalt  }
0x47: {  	_ =	shalt  }
0x48: {  	_ =	shalt  }
0x49: {  	_ =	shalt  }
0x4a: {  	_ =	shalt  }
0x4b: {  	_ =	shalt  }
0x4c: {  	_ =	shalt  }
0x4d: {  	_ =	shalt  }
0x4e: {  	_ =	shalt  }
0x4f: {  	_ =	shalt  }
0x50: {  	_ =	shalt  }
0x51: {  	_ =	shalt  }
0x52: {  	_ =	shalt  }
0x53: {  	_ =	shalt  }
0x54: {  	_ =	shalt  }
0x55: {  	_ =	shalt  }
0x56: {  	_ =	shalt  }
0x57: {  	_ =	shalt  }
0x58: {  	_ =	shalt  }
0x59: {  	_ =	shalt  }
0x5a: {  	_ =	shalt  }
0x5b: {  	_ =	shalt  }
0x5c: {  	_ =	shalt  }
0x5d: {  	_ =	shalt  }
0x5e: {  	_ =	shalt  }
0x5f: {  	_ =	shalt  }
0x60: {  	_ =	shalt  }
0x61: {  	_ =	shalt  }
0x62: {  	_ =	shalt  }
0x63: {  	_ =	shalt  }
0x64: {  	_ =	shalt  }
0x65: {  	_ =	shalt  }
0x66: {  	_ =	shalt  }
0x67: {  	_ =	shalt  }
0x68: {  	_ =	shalt  }
0x69: {  	_ =	shalt  }
0x6a: {  	_ =	shalt  }
0x6b: {  	_ =	shalt  }
0x6c: {  	_ =	shalt  }
0x6d: {  	_ =	shalt  }
0x6e: {  	_ =	shalt  }
0x6f: {  	_ =	shalt  }
0x70: {  	_ =	shalt  }
0x71: {  	_ =	shalt  }
0x72: {  	_ =	shalt  }
0x73: {  	_ =	shalt  }
0x74: {  	_ =	shalt  }
0x75: {  	_ =	shalt  }
0x76: {  	_ =	shalt  }
0x77: {  	_ =	shalt  }
0x78: {  	_ =	shalt  }
0x79: {  	_ =	shalt  }
0x7a: {  	_ =	shalt  }
0x7b: {  	_ =	shalt  }
0x7c: {  	_ =	shalt  }
0x7d: {  	_ =	shalt  }
0x7e: {  	_ =	shalt  }
0x7f: {  	_ =	shalt  }
0x80: {  	_ =	shalt  }
0x81: {  	_ =	shalt  }
0x82: {  	_ =	shalt  }
0x83: {  	_ =	shalt  }
0x84: {  	_ =	shalt  }
0x85: {  	_ =	shalt  }
0x86: {  	_ =	shalt  }
0x87: {  	_ =	shalt  }
.Lfunc_end0:
.L_simem_size_0:
called_computation.1_lowered:
.L_overlay_start_0:
0x88: {  	s2 =	sld [smem:$0x3FD9]  }
0x89: {  	s3 =	sld [smem:$0x3FFE];
	_ =	sdelay $0x1  }
0x8a: {  	s1 =	srdreg.scid  }
0x8b: {  	s0 =	sand.u32 $0x1, s1  }
0x8c: {  	s16 =	sshll.u32 s0, $0xA;
	s2 =	sadd.s32 s3, s2  }
0x8d: {  	s2 =	sadd.s32 s2, s16  }
0x8e: {  	[smem:$0x3FBB] =	sst s2  }
0x8f: {  	_ = 	snop  }
0x90: {  	(tm) =	ssettm $0x1  }
0x91: {  	s17 =	sld [smem:$0x3FFB];
	_ =	sdelay $0x3  }
0x92: {  	_ =	strace s17  }
0x93: {  	s2 =	sld [smem:$0x3FFC];
	_ =	sdelay $0x3  }
0x94: {  	_ =	strace s2  }
0x95: {  	s2 =	sld [smem:$0x3FFD];
	_ =	sdelay $0x3  }
0x96: {  	_ =	strace s2  }
0x97: {  	_ =	strace $0x8FFFFFFF  }
0x98: {  	s18 =	sld [smem:$0x3FDB];
	_ =	sdelay $0x1  }
0x99: {  	s19 =	simm.s32 $_scs_section_size  }
0x9a: {  	s4 =	simm.s32 $_size__tile_overlayer_lowered;
	s5 =	simm.s32 $_tile_overlayer_lowered  }
0x9b: {  	s22 =	simm.s32 $0x1BFF;
	s21 =	sshll.u32 s5, $0x1;
	s2 =	sadd.s32 s19, s18  }
0x9c: {  	s6 =	simm.s32 $0x0;
	s20 =	sshll.u32 s4, $0x1;
	s4 =	sadd.s32 s21, s2  }
0x9d: {  	[timem:s6], [sflag:s22] =	dma.local [hbm:s4], s20  }
0x9e: {  	_ =	swait.ge [sflag:s22], s20  }
0x9f: {  	s3 =	ssub.s32 $0x0, s20;
	[sflag:s22] =	ssyncset.done $0x0  }
0xa0: {  	[sflag:s22] =	ssyncadd.s32 s3;
	_ =	sdelay $0x1  }
0xa1: {  	s23 =	simm.s32 $0x1B8B  }
0xa2: {  	_ =	swait.ge [sflag:s23], $0x1  }
0xa3: {  	[sflag:s23] =	ssyncset.done $0x0  }
0xa4: {  	s25 =	simm.s32 $0x1B8E;
	s24 =	sld [smem:$0x3FFE];
	[sflag:s23] =	ssyncadd.s32 $0xFFFFFFFF  }
0xa5: {  	s26 =	simm.s32 $execute0_lowered;
	[smem:$0x3FD2] =	sst s25  }
0xa6: {  	s4 =	sshll.u32 s26, $0x1;
	_ =	strace $0x80000049;
	[dreg:$0x1] =	wrdreg $0xFFFFFFFF  }
0xa7: {  	s28 =	simm.s32 $_size_execute0_lowered;
	s2 =	sadd.s32 s2, s4;
	[dreg:$0x0] =	wrdreg $0x0  }
0xa8: {  	s4 =	sshll.u32 s28, $0x1;
	[dreg:$0x2] =	wrdreg s2  }
0xa9: {  	[dreg:$0x3] =	wrdreg s4  }
0xaa: {  	[dreg:$0x4] =	wrdreg $0xC0  }
0xab: {  	_ =	task [dreg:s6], $0x5FFFF  }
0xac: {  	[dreg:$0x1] =	wrdreg $0xFFFFFFFF  }
0xad: {  	[dreg:$0x0] =	wrdreg $0x60  }
0xae: {  	[dreg:$0x2] =	wrdreg s24  }
0xaf: {  	[dreg:$0x3] =	wrdreg $0x0  }
0xb0: {  	[dreg:$0x4] =	wrdreg $0x9E000  }
0xb1: {  	[dreg:$0x5] =	wrdreg $0x9  }
0xb2: {  	_ =	task.clear_ibuf [dreg:s6], $0x6FFFF;
	_ =	strace $0x90000049  }
0xb3: {  	s29 =	simm.s32 $0x9;
	_ =	strace $0x8000004B  }
0xb4: {  	_ =	swait.ge [sflag:s29], $0x1  }
0xb5: {  	[sflag:s29] =	ssyncadd.s32 $0xFFFFFFFF  }
0xb6: {  	_ =	strace $0x9000004B  }
0xb7: {  	_ =	sfence  }
0xb8: {  	s30 =	sld [smem:$0x0];
	_ =	sdelay $0x2  }
0xb9: {  	s31 =	sshll.u32 s1, $0xD;
	s1 =	sshrl.u32 s1, $0x2  }
0xba: {  	s3 =	sand.u32 $0x4000, s31;
	s1 =	sadd.s32 s1, s30  }
0xbb: {  	s0 =	sor.u32 s3, s0;
	s1 =	sshll.u32 s1, $0x11  }
0xbc: {  	s0 =	sor.u32 s1, s0  }
0xbd: {  	s0 =	sadd.s32 $0x8F2B, s0  }
0xbe: {  	[sflag:s0] =	ssyncadd.remote.s32 $0x1  }
0xbf: {  	_ =	sfence.sel $0xFFFF  }
0xc0: {  	[dreg:$0x0] =	wrdreg $0xFFFFFFFF;
	(pc) =	sbr.abs _section_cstart, $3  }
0xc1: {  	[dreg:$0x1] =	wrdreg $0xFFFFFFFF  }
0xc2: {  	_ =	task.clear_ibuf [dreg:s6], $0x2FFFF;
	_ =	strace $0x9FFFFFFF  }
0xc3: {  	(tm) =	ssettm $0x7FFFFFFF  }
tec
execute0_lowered:
.L_overlay_start_1:
0x0: {  	(tag) =	ssettag $0x1  }
0x1: {  	s0 =	rddreg [dreg:$0x0]  }
0x2: {  	s1 =	rddreg [dreg:$0x1]  }
0x3: {  	s3 =	rddreg [dreg:$0x2]  }
0x4: {  	s2 =	simm.s32 $0x0;
	s18 =	stileid.u32;
	s11 =	srdreg.scid  }
0x5: {  	s19 =	simm.s32 $0x80;
	s20 =	simm.s32 $0x15000;
	s29 =	simm.s32 $0x1D000  }
0x6: {  	s30 =	simm.s32 $0x1;
	s31 =	simm.s32 $0x2;
	[smem:$0x7FF] =	sst s2  }
0x7: {  	s2 =	sadd.s32 $0x15600, s0;
	s5 =	smul.u32 $0x9E00, s18;
	s6 =	sadd.s32 $0xC7200, s0  }
0x8: {  	s7 =	sadd.s32 $0xDAE00, s0;
	s8 =	smul.u32 $0x500, s18;
	s9 =	sadd.s32 $0xEEA00, s0  }
0x9: {  	s11 =	sand.u32 $0x1, s11;
	s13 =	sadd.s32 $0x129E00, s0;
	s14 =	sadd.s32 $0x116200, s0  }
0xa: {  	s16 =	sadd.s32 $0x13DA00, s0;
	s18 =	sshll.u32 s18, $0x6;
	_ =	strace $0x8000004A  }
0xb: {  	s15 =	ssub.s32 $0x2, s11;
	s28 =	sor.u32 $0x1C0B, s18;
	p0 =	seq.s32 s11, $0x0  }
0xc: {  	s10 =	sshrl.u32 s5, $0x3;
	s8 =	sadd.s32 s8, s0;
	s17 =	sshrl.u32 s15, $0x1  }
0xd: {  	s4 =	sadd.s32 s5, s1;
	s5 =	sadd.s32 s5, s3;
	s7 =	smov.u32 @p0 s2  }
0xe: {  	s16 =	smov.u32 @p0 s13;
	s9 =	smov.u32 @p0 s6;
	s6 =	simm.s32 $0x9  }
0xf: {  	s13 =	simm.s32 $0x14D80;
	[dreg:$0x7] =	wrdreg s28;
	s12 =	sadd.s32 s10, s0  }
0x10: {  	s0 =	sadd.s32 $0x151600, s0;
	s15 =	ssub.s32 s15, s17;
	s2 =	sadd.s32 s7, s10  }
0x11: {  	s22 =	sadd.s32 s16, s10;
	s23 =	sadd.s32 s9, s10;
	s24 =	sadd.s32 $0x1600, s8  }
0x12: {  	s25 =	sadd.s32 $0x6600, s8;
	s7 =	sshrl.u32 s4, $0x3;
	s26 =	sshrl.u32 s5, $0x3  }
0x13: {  	s8 =	simm.s32 $0x4;
	s5 =	simm.s32 $0x6;
	[dreg:$0x9] =	wrdreg s2  }
0x14: {  	s16 =	simm.s32 $0x7;
	s17 =	simm.s32 $0x14E00;
	[dreg:$0xa] =	wrdreg s22  }
0x15: {  	s4 =	simm.s32 $0x14F80;
	s9 =	simm.s32 $0x0;
	[dreg:$0xb] =	wrdreg s23  }
0x16: {  	s12 =	sadd.s32 $0x102600, s12;
	s21 =	smax.u32 s15, $0x1;
	[dreg:$0x4] =	wrdreg s24  }
0x17: {  	s0 =	smov.u32 @p0 s14;
	[dreg:$0x5] =	wrdreg s25;
	s15 =	simm.s32 $0xB  }
0x18: {  	[dreg:$0xe] =	wrdreg s26;
	s22 =	simm.s32 $0x17000;
	s24 =	simm.s32 $0x19000  }
0x19: {  	s26 =	simm.s32 $0x1B000;
	s2 =	simm.s32 $0x3;
	[dreg:$0xd] =	wrdreg s7  }
0x1a: {  	s14 =	simm.s32 $0x8;
	s23 =	simm.s32 $0x14E80;
	[dreg:$0x6] =	wrdreg s12  }
0x1b: {  	s25 =	simm.s32 $0x14F00;
	[dreg:$0x8] =	wrdreg s21;
	s0 =	sadd.s32 s0, s10  }
0x1c: {  	s10 =	simm.s32 $0x5;
	s21 =	simm.s32 $0xA;
	[dreg:$0xc] =	wrdreg s0  }
.LBB2_1:
0x1d: {  	[dreg:$0xf] =	wrdreg s9  }
0x1e: {  	s0 =	rddreg [dreg:$0x6]  }
0x1f: {  	[spmem:s7], [sflag:s28] =	dma.local [hbm:s0], $0x13C0  }
0x20: {  	_ =	swait.ge [sflag:s15], $0x13C0  }
0x21: {  	[sflag:s15] =	ssyncset.done $0x0;
	s12 =	rddreg [dreg:$0x9]  }
0x22: {  	s18 =	rddreg [dreg:$0xe];
	[sflag:s15] =	ssyncadd.s32 $0xFFFFEC40  }
0x23: {  	[spmem:s18], [sflag:s28] =	dma.local [hbm:s12], $0x13C0  }
0x24: {  	_ =	swait.ge [sflag:s15], $0x13C0  }
0x25: {  	[sflag:s15] =	ssyncset.done $0x0  }
0x26: {  	[sflag:s15] =	ssyncadd.s32 $0xFFFFEC40  }
0x27: {  	[bflag:$0x0] =	sbarrier.arrive $0xFFFF  }
0x28: {  	s7 =	rddreg [dreg:$0x5]  }
0x29: {  	s9 =	simm.s32 $0x0;
	s12 =	simm.s32 $0x13C00;
	s0 =	sadd.s32 $0x0, s7  }
0x2a: {  	[tilespmem:s12], [sflag:$0xB] =	stream.linear.gather [hbm4b:s0+s9], $0xA00, $0x38;
	[tilespmem:$0x1F000] =	vst v63  }
0x2b: {  	_ =	swait.ge [sflag:s15], $0xA00  }
0x2c: {  	[sflag:s15] =	ssyncset.done $0x0;
	s18 =	rddreg [dreg:$0x4]  }
0x2d: {  	s11 =	simm.s32 $0x14600;
	[sflag:s15] =	ssyncadd.s32 $0xFFFFF600;
	s0 =	sadd.s32 $0x0, s18  }
0x2e: {  	[tilespmem:s11], [sflag:$0xB] =	stream.linear.gather [hbm4b:s0+s9], $0xA00, $0x38;
	[tilespmem:$0x1F000] =	vst v63  }
0x2f: {  	_ =	swait.ge [sflag:s15], $0xA00  }
0x30: {  	[sflag:s15] =	ssyncset.done $0x0  }
0x31: {  	[sflag:s15] =	ssyncadd.s32 $0xFFFFF600  }
0x32: {  	[tilespmem:s20], [sflag:$0x1] =	stream.indirect.gather [spmem:s3], $0x40, s12, s19, $0xb8;
	[tilespmem:$0x1F000] =	vst v63  }
0x33: {  	s9 =	simm.s32 $0x13C80  }
0x34: {  	[tilespmem:s22], [sflag:$0x2] =	stream.indirect.gather [spmem:s3], $0x40, s9, s19, $0xb8;
	[tilespmem:$0x1F000] =	vst v63  }
0x35: {  	s12 =	simm.s32 $0x13D00  }
0x36: {  	[tilespmem:s24], [sflag:$0x3] =	stream.indirect.gather [spmem:s3], $0x40, s12, s19, $0xb8;
	[tilespmem:$0x1F000] =	vst v63  }
0x37: {  	s18 =	simm.s32 $0x13D80  }
0x38: {  	[tilespmem:s26], [sflag:$0x4] =	stream.indirect.gather [spmem:s3], $0x40, s18, s19, $0xb8;
	[tilespmem:$0x1F000] =	vst v63  }
0x39: {  	s7 =	simm.s32 $0x13E00  }
0x3a: {  	[tilespmem:s29], [sflag:$0x5] =	stream.indirect.gather [spmem:s3], $0x40, s7, s19, $0xb8;
	[tilespmem:$0x1F000] =	vst v63  }
0x3b: {  	_ =	swait.ge [sflag:s30], $0x2000  }
0x3c: {  	[sflag:s30] =	ssyncset.done $0x0  }
0x3d: {  	[sflag:s30] =	ssyncadd.s32 $0xFFFFE000  }
0x3e: {  	[spmem:s1] =	stream.indirect.scatter.add.f32 [tilespmem:s20], [sflag:$0x6], $0x40, s11, s19, $0xb8;
	[tilespmem:$0x1F000] =	vst v63  }
0x3f: {  	_ =	swait.ge [sflag:s31], $0x2000  }
0x40: {  	[sflag:s31] =	ssyncset.done $0x0  }
0x41: {  	s9 =	simm.s32 $0x14680;
	[sflag:s31] =	ssyncadd.s32 $0xFFFFE000  }
0x42: {  	[spmem:s1] =	stream.indirect.scatter.add.f32 [tilespmem:s22], [sflag:$0x7], $0x40, s9, s19, $0xb8;
	[tilespmem:$0x1F000] =	vst v63  }
0x43: {  	_ =	swait.ge [sflag:s2], $0x2000  }
0x44: {  	[sflag:s2] =	ssyncset.done $0x0  }
0x45: {  	s11 =	simm.s32 $0x14700;
	[sflag:s2] =	ssyncadd.s32 $0xFFFFE000  }
0x46: {  	[spmem:s1] =	stream.indirect.scatter.add.f32 [tilespmem:s24], [sflag:$0x8], $0x40, s11, s19, $0xb8;
	[tilespmem:$0x1F000] =	vst v63  }
0x47: {  	_ =	swait.ge [sflag:s8], $0x2000  }
0x48: {  	[sflag:s8] =	ssyncset.done $0x0  }
0x49: {  	s12 =	simm.s32 $0x14780;
	[sflag:s8] =	ssyncadd.s32 $0xFFFFE000  }
0x4a: {  	[spmem:s1] =	stream.indirect.scatter.add.f32 [tilespmem:s26], [sflag:$0x9], $0x40, s12, s19, $0xb8;
	[tilespmem:$0x1F000] =	vst v63  }
0x4b: {  	_ =	swait.ge [sflag:s10], $0x2000  }
0x4c: {  	[sflag:s10] =	ssyncset.done $0x0  }
0x4d: {  	s18 =	simm.s32 $0x14800;
	[sflag:s10] =	ssyncadd.s32 $0xFFFFE000  }
0x4e: {  	[spmem:s1] =	stream.indirect.scatter.add.f32 [tilespmem:s29], [sflag:$0xA], $0x40, s18, s19, $0xb8;
	[tilespmem:$0x1F000] =	vst v63  }
0x4f: {  	_ =	swait.ge [sflag:s5], $0x2000  }
0x50: {  	[sflag:s5] =	ssyncset.done $0x0  }
0x51: {  	[sflag:s5] =	ssyncadd.s32 $0xFFFFE000  }
0x52: {  	_ =	swait.ge [sflag:s16], $0x2000  }
0x53: {  	[sflag:s16] =	ssyncset.done $0x0  }
0x54: {  	[sflag:s16] =	ssyncadd.s32 $0xFFFFE000  }
0x55: {  	_ =	swait.ge [sflag:s14], $0x2000  }
0x56: {  	[sflag:s14] =	ssyncset.done $0x0  }
0x57: {  	[sflag:s14] =	ssyncadd.s32 $0xFFFFE000  }
0x58: {  	_ =	swait.ge [sflag:s6], $0x2000  }
0x59: {  	[sflag:s6] =	ssyncset.done $0x0  }
0x5a: {  	[sflag:s6] =	ssyncadd.s32 $0xFFFFE000  }
0x5b: {  	_ =	swait.ge [sflag:s21], $0x2000  }
0x5c: {  	[sflag:s21] =	ssyncset.done $0x0  }
0x5d: {  	s7 =	simm.s32 $0x13E80;
	[sflag:s21] =	ssyncadd.s32 $0xFFFFE000  }
0x5e: {  	[tilespmem:s20], [sflag:$0x1] =	stream.indirect.gather [spmem:s3], $0x40, s7, s19, $0xb8;
	[tilespmem:$0x1F000] =	vst v63  }
0x5f: {  	s9 =	simm.s32 $0x13F00  }
0x60: {  	[tilespmem:s22], [sflag:$0x2] =	stream.indirect.gather [spmem:s3], $0x40, s9, s19, $0xb8;
	[tilespmem:$0x1F000] =	vst v63  }
0x61: {  	s11 =	simm.s32 $0x13F80  }
0x62: {  	[tilespmem:s24], [sflag:$0x3] =	stream.indirect.gather [spmem:s3], $0x40, s11, s19, $0xb8;
	[tilespmem:$0x1F000] =	vst v63  }
0x63: {  	s12 =	simm.s32 $0x14000  }
0x64: {  	[tilespmem:s26], [sflag:$0x4] =	stream.indirect.gather [spmem:s3], $0x40, s12, s19, $0xb8;
	[tilespmem:$0x1F000] =	vst v63  }
0x65: {  	s18 =	simm.s32 $0x14080  }
0x66: {  	[tilespmem:s29], [sflag:$0x5] =	stream.indirect.gather [spmem:s3], $0x40, s18, s19, $0xb8;
	[tilespmem:$0x1F000] =	vst v63  }
0x67: {  	_ =	swait.ge [sflag:s30], $0x2000  }
0x68: {  	[sflag:s30] =	ssyncset.done $0x0  }
0x69: {  	s7 =	simm.s32 $0x14880;
	[sflag:s30] =	ssyncadd.s32 $0xFFFFE000  }
0x6a: {  	[spmem:s1] =	stream.indirect.scatter.add.f32 [tilespmem:s20], [sflag:$0x6], $0x40, s7, s19, $0xb8;
	[tilespmem:$0x1F000] =	vst v63  }
0x6b: {  	_ =	swait.ge [sflag:s31], $0x2000  }
0x6c: {  	[sflag:s31] =	ssyncset.done $0x0  }
0x6d: {  	s9 =	simm.s32 $0x14900;
	[sflag:s31] =	ssyncadd.s32 $0xFFFFE000  }
0x6e: {  	[spmem:s1] =	stream.indirect.scatter.add.f32 [tilespmem:s22], [sflag:$0x7], $0x40, s9, s19, $0xb8;
	[tilespmem:$0x1F000] =	vst v63  }
0x6f: {  	_ =	swait.ge [sflag:s2], $0x2000  }
0x70: {  	[sflag:s2] =	ssyncset.done $0x0  }
0x71: {  	s11 =	simm.s32 $0x14980;
	[sflag:s2] =	ssyncadd.s32 $0xFFFFE000  }
0x72: {  	[spmem:s1] =	stream.indirect.scatter.add.f32 [tilespmem:s24], [sflag:$0x8], $0x40, s11, s19, $0xb8;
	[tilespmem:$0x1F000] =	vst v63  }
0x73: {  	_ =	swait.ge [sflag:s8], $0x2000  }
0x74: {  	[sflag:s8] =	ssyncset.done $0x0  }
0x75: {  	s12 =	simm.s32 $0x14A00;
	[sflag:s8] =	ssyncadd.s32 $0xFFFFE000  }
0x76: {  	[spmem:s1] =	stream.indirect.scatter.add.f32 [tilespmem:s26], [sflag:$0x9], $0x40, s12, s19, $0xb8;
	[tilespmem:$0x1F000] =	vst v63  }
0x77: {  	_ =	swait.ge [sflag:s10], $0x2000  }
0x78: {  	[sflag:s10] =	ssyncset.done $0x0  }
0x79: {  	s18 =	simm.s32 $0x14A80;
	[sflag:s10] =	ssyncadd.s32 $0xFFFFE000  }
0x7a: {  	[spmem:s1] =	stream.indirect.scatter.add.f32 [tilespmem:s29], [sflag:$0xA], $0x40, s18, s19, $0xb8;
	[tilespmem:$0x1F000] =	vst v63  }
0x7b: {  	_ =	swait.ge [sflag:s5], $0x2000  }
0x7c: {  	[sflag:s5] =	ssyncset.done $0x0  }
0x7d: {  	[sflag:s5] =	ssyncadd.s32 $0xFFFFE000  }
0x7e: {  	_ =	swait.ge [sflag:s16], $0x2000  }
0x7f: {  	[sflag:s16] =	ssyncset.done $0x0  }
0x80: {  	[sflag:s16] =	ssyncadd.s32 $0xFFFFE000  }
0x81: {  	_ =	swait.ge [sflag:s14], $0x2000  }
0x82: {  	[sflag:s14] =	ssyncset.done $0x0  }
0x83: {  	[sflag:s14] =	ssyncadd.s32 $0xFFFFE000  }
0x84: {  	_ =	swait.ge [sflag:s6], $0x2000  }
0x85: {  	[sflag:s6] =	ssyncset.done $0x0  }
0x86: {  	[sflag:s6] =	ssyncadd.s32 $0xFFFFE000  }
0x87: {  	_ =	swait.ge [sflag:s21], $0x2000  }
0x88: {  	[sflag:s21] =	ssyncset.done $0x0  }
0x89: {  	s7 =	simm.s32 $0x14100;
	[sflag:s21] =	ssyncadd.s32 $0xFFFFE000  }
0x8a: {  	[tilespmem:s20], [sflag:$0x1] =	stream.indirect.gather [spmem:s3], $0x40, s7, s19, $0xb8;
	[tilespmem:$0x1F000] =	vst v63  }
0x8b: {  	s9 =	simm.s32 $0x14180  }
0x8c: {  	[tilespmem:s22], [sflag:$0x2] =	stream.indirect.gather [spmem:s3], $0x40, s9, s19, $0xb8;
	[tilespmem:$0x1F000] =	vst v63  }
0x8d: {  	s11 =	simm.s32 $0x14200  }
0x8e: {  	[tilespmem:s24], [sflag:$0x3] =	stream.indirect.gather [spmem:s3], $0x40, s11, s19, $0xb8;
	[tilespmem:$0x1F000] =	vst v63  }
0x8f: {  	s12 =	simm.s32 $0x14280  }
0x90: {  	[tilespmem:s26], [sflag:$0x4] =	stream.indirect.gather [spmem:s3], $0x40, s12, s19, $0xb8;
	[tilespmem:$0x1F000] =	vst v63  }
0x91: {  	s18 =	simm.s32 $0x14300  }
0x92: {  	[tilespmem:s29], [sflag:$0x5] =	stream.indirect.gather [spmem:s3], $0x40, s18, s19, $0xb8;
	[tilespmem:$0x1F000] =	vst v63  }
0x93: {  	_ =	swait.ge [sflag:s30], $0x2000  }
0x94: {  	[sflag:s30] =	ssyncset.done $0x0  }
0x95: {  	s7 =	simm.s32 $0x14B00;
	[sflag:s30] =	ssyncadd.s32 $0xFFFFE000  }
0x96: {  	[spmem:s1] =	stream.indirect.scatter.add.f32 [tilespmem:s20], [sflag:$0x6], $0x40, s7, s19, $0xb8;
	[tilespmem:$0x1F000] =	vst v63  }
0x97: {  	_ =	swait.ge [sflag:s31], $0x2000  }
0x98: {  	[sflag:s31] =	ssyncset.done $0x0  }
0x99: {  	s9 =	simm.s32 $0x14B80;
	[sflag:s31] =	ssyncadd.s32 $0xFFFFE000  }
0x9a: {  	[spmem:s1] =	stream.indirect.scatter.add.f32 [tilespmem:s22], [sflag:$0x7], $0x40, s9, s19, $0xb8;
	[tilespmem:$0x1F000] =	vst v63  }
0x9b: {  	_ =	swait.ge [sflag:s2], $0x2000  }
0x9c: {  	[sflag:s2] =	ssyncset.done $0x0  }
0x9d: {  	s11 =	simm.s32 $0x14C00;
	[sflag:s2] =	ssyncadd.s32 $0xFFFFE000  }
0x9e: {  	[spmem:s1] =	stream.indirect.scatter.add.f32 [tilespmem:s24], [sflag:$0x8], $0x40, s11, s19, $0xb8;
	[tilespmem:$0x1F000] =	vst v63  }
0x9f: {  	_ =	swait.ge [sflag:s8], $0x2000  }
0xa0: {  	[sflag:s8] =	ssyncset.done $0x0  }
0xa1: {  	s12 =	simm.s32 $0x14C80;
	[sflag:s8] =	ssyncadd.s32 $0xFFFFE000  }
0xa2: {  	[spmem:s1] =	stream.indirect.scatter.add.f32 [tilespmem:s26], [sflag:$0x9], $0x40, s12, s19, $0xb8;
	[tilespmem:$0x1F000] =	vst v63  }
0xa3: {  	_ =	swait.ge [sflag:s10], $0x2000  }
0xa4: {  	[sflag:s10] =	ssyncset.done $0x0  }
0xa5: {  	s18 =	simm.s32 $0x14D00;
	[sflag:s10] =	ssyncadd.s32 $0xFFFFE000  }
0xa6: {  	[spmem:s1] =	stream.indirect.scatter.add.f32 [tilespmem:s29], [sflag:$0xA], $0x40, s18, s19, $0xb8;
	[tilespmem:$0x1F000] =	vst v63  }
0xa7: {  	_ =	swait.ge [sflag:s5], $0x2000  }
0xa8: {  	[sflag:s5] =	ssyncset.done $0x0  }
0xa9: {  	[sflag:s5] =	ssyncadd.s32 $0xFFFFE000  }
0xaa: {  	_ =	swait.ge [sflag:s16], $0x2000  }
0xab: {  	[sflag:s16] =	ssyncset.done $0x0  }
0xac: {  	[sflag:s16] =	ssyncadd.s32 $0xFFFFE000  }
0xad: {  	_ =	swait.ge [sflag:s14], $0x2000  }
0xae: {  	[sflag:s14] =	ssyncset.done $0x0  }
0xaf: {  	[sflag:s14] =	ssyncadd.s32 $0xFFFFE000  }
0xb0: {  	_ =	swait.ge [sflag:s6], $0x2000  }
0xb1: {  	[sflag:s6] =	ssyncset.done $0x0  }
0xb2: {  	[sflag:s6] =	ssyncadd.s32 $0xFFFFE000  }
0xb3: {  	_ =	swait.ge [sflag:s21], $0x2000  }
0xb4: {  	[sflag:s21] =	ssyncset.done $0x0  }
0xb5: {  	s7 =	simm.s32 $0x14380;
	[sflag:s21] =	ssyncadd.s32 $0xFFFFE000  }
0xb6: {  	[tilespmem:s20], [sflag:$0x1] =	stream.indirect.gather [spmem:s3], $0x40, s7, s19, $0xb8;
	[tilespmem:$0x1F000] =	vst v63  }
0xb7: {  	s9 =	simm.s32 $0x14400  }
0xb8: {  	[tilespmem:s22], [sflag:$0x2] =	stream.indirect.gather [spmem:s3], $0x40, s9, s19, $0xb8;
	[tilespmem:$0x1F000] =	vst v63  }
0xb9: {  	s11 =	simm.s32 $0x14480  }
0xba: {  	[tilespmem:s24], [sflag:$0x3] =	stream.indirect.gather [spmem:s3], $0x40, s11, s19, $0xb8;
	[tilespmem:$0x1F000] =	vst v63  }
0xbb: {  	s12 =	simm.s32 $0x14500  }
0xbc: {  	[tilespmem:s26], [sflag:$0x4] =	stream.indirect.gather [spmem:s3], $0x40, s12, s19, $0xb8;
	[tilespmem:$0x1F000] =	vst v63  }
0xbd: {  	s18 =	simm.s32 $0x14580  }
0xbe: {  	[tilespmem:s29], [sflag:$0x5] =	stream.indirect.gather [spmem:s3], $0x40, s18, s19, $0xb8;
	[tilespmem:$0x1F000] =	vst v63  }
0xbf: {  	_ =	swait.ge [sflag:s30], $0x2000  }
0xc0: {  	[sflag:s30] =	ssyncset.done $0x0  }
0xc1: {  	[sflag:s30] =	ssyncadd.s32 $0xFFFFE000  }
0xc2: {  	[spmem:s1] =	stream.indirect.scatter.add.f32 [tilespmem:s20], [sflag:$0x6], $0x40, s13, s19, $0xb8;
	[tilespmem:$0x1F000] =	vst v63  }
0xc3: {  	_ =	swait.ge [sflag:s31], $0x2000  }
0xc4: {  	[sflag:s31] =	ssyncset.done $0x0  }
0xc5: {  	[sflag:s31] =	ssyncadd.s32 $0xFFFFE000  }
0xc6: {  	[spmem:s1] =	stream.indirect.scatter.add.f32 [tilespmem:s22], [sflag:$0x7], $0x40, s17, s19, $0xb8;
	[tilespmem:$0x1F000] =	vst v63  }
0xc7: {  	_ =	swait.ge [sflag:s2], $0x2000  }
0xc8: {  	[sflag:s2] =	ssyncset.done $0x0  }
0xc9: {  	[sflag:s2] =	ssyncadd.s32 $0xFFFFE000  }
0xca: {  	[spmem:s1] =	stream.indirect.scatter.add.f32 [tilespmem:s24], [sflag:$0x8], $0x40, s23, s19, $0xb8;
	[tilespmem:$0x1F000] =	vst v63  }
0xcb: {  	_ =	swait.ge [sflag:s8], $0x2000  }
0xcc: {  	[sflag:s8] =	ssyncset.done $0x0  }
0xcd: {  	[sflag:s8] =	ssyncadd.s32 $0xFFFFE000  }
0xce: {  	[spmem:s1] =	stream.indirect.scatter.add.f32 [tilespmem:s26], [sflag:$0x9], $0x40, s25, s19, $0xb8;
	[tilespmem:$0x1F000] =	vst v63  }
0xcf: {  	_ =	swait.ge [sflag:s10], $0x2000  }
0xd0: {  	[sflag:s10] =	ssyncset.done $0x0  }
0xd1: {  	[sflag:s10] =	ssyncadd.s32 $0xFFFFE000  }
0xd2: {  	[spmem:s1] =	stream.indirect.scatter.add.f32 [tilespmem:s29], [sflag:$0xA], $0x40, s4, s19, $0xb8;
	[tilespmem:$0x1F000] =	vst v63  }
0xd3: {  	_ =	swait.ge [sflag:s5], $0x2000  }
0xd4: {  	[sflag:s5] =	ssyncset.done $0x0  }
0xd5: {  	[sflag:s5] =	ssyncadd.s32 $0xFFFFE000  }
0xd6: {  	_ =	swait.ge [sflag:s16], $0x2000  }
0xd7: {  	[sflag:s16] =	ssyncset.done $0x0  }
0xd8: {  	[sflag:s16] =	ssyncadd.s32 $0xFFFFE000  }
0xd9: {  	_ =	swait.ge [sflag:s14], $0x2000  }
0xda: {  	[sflag:s14] =	ssyncset.done $0x0  }
0xdb: {  	[sflag:s14] =	ssyncadd.s32 $0xFFFFE000  }
0xdc: {  	_ =	swait.ge [sflag:s6], $0x2000  }
0xdd: {  	[sflag:s6] =	ssyncset.done $0x0  }
0xde: {  	[sflag:s6] =	ssyncadd.s32 $0xFFFFE000  }
0xdf: {  	_ =	swait.ge [sflag:s21], $0x2000  }
0xe0: {  	s28 =	simm.s32 $0x140;
	s0 =	simm.s32 $0x280;
	[sflag:s21] =	ssyncset.done $0x0  }
.LBB2_2:
0xe1: {  	s7 =	rddreg [dreg:$0x5];
	[sflag:s21] =	ssyncadd.s32 $0xFFFFE000  }
0xe2: {  	s12 =	simm.s32 $0x0;
	s18 =	simm.s32 $0x13C00;
	s9 =	sadd.s32 s28, s7  }
0xe3: {  	[tilespmem:s18], [sflag:$0xB] =	stream.linear.gather [hbm4b:s9+s12], $0xA00, $0x38;
	[tilespmem:$0x1F000] =	vst v63  }
0xe4: {  	s11 =	smov.u32 s0;
	p0 =	sne.s32 s0, $0x3C0;
	_ =	swait.ge [sflag:s15], $0xA00  }
0xe5: {  	s7 =	sadd.s32 $0x140, s0;
	[sflag:s15] =	ssyncset.done $0x0;
	s9 =	rddreg [dreg:$0x4]  }
0xe6: {  	[sflag:s15] =	ssyncadd.s32 $0xFFFFF600;
	s0 =	sadd.s32 s28, s9;
	s9 =	simm.s32 $0x14600  }
0xe7: {  	[tilespmem:s9], [sflag:$0xB] =	stream.linear.gather [hbm4b:s0+s12], $0xA00, $0x38;
	[tilespmem:$0x1F000] =	vst v63  }
0xe8: {  	_ =	swait.ge [sflag:s15], $0xA00  }
0xe9: {  	[sflag:s15] =	ssyncset.done $0x0  }
0xea: {  	[sflag:s15] =	ssyncadd.s32 $0xFFFFF600  }
0xeb: {  	[tilespmem:s20], [sflag:$0x1] =	stream.indirect.gather [spmem:s3], $0x40, s18, s19, $0xb8;
	[tilespmem:$0x1F000] =	vst v63  }
0xec: {  	s12 =	simm.s32 $0x13C80  }
0xed: {  	[tilespmem:s22], [sflag:$0x2] =	stream.indirect.gather [spmem:s3], $0x40, s12, s19, $0xb8;
	[tilespmem:$0x1F000] =	vst v63  }
0xee: {  	s18 =	simm.s32 $0x13D00  }
0xef: {  	[tilespmem:s24], [sflag:$0x3] =	stream.indirect.gather [spmem:s3], $0x40, s18, s19, $0xb8;
	[tilespmem:$0x1F000] =	vst v63  }
0xf0: {  	s28 =	smov.u32 s11;
	s11 =	simm.s32 $0x13D80  }
0xf1: {  	[tilespmem:s26], [sflag:$0x4] =	stream.indirect.gather [spmem:s3], $0x40, s11, s19, $0xb8;
	[tilespmem:$0x1F000] =	vst v63  }
0xf2: {  	s12 =	simm.s32 $0x13E00  }
0xf3: {  	[tilespmem:s29], [sflag:$0x5] =	stream.indirect.gather [spmem:s3], $0x40, s12, s19, $0xb8;
	[tilespmem:$0x1F000] =	vst v63  }
0xf4: {  	_ =	swait.ge [sflag:s30], $0x2000  }
0xf5: {  	[sflag:s30] =	ssyncset.done $0x0  }
0xf6: {  	[sflag:s30] =	ssyncadd.s32 $0xFFFFE000  }
0xf7: {  	[spmem:s1] =	stream.indirect.scatter.add.f32 [tilespmem:s20], [sflag:$0x6], $0x40, s9, s19, $0xb8;
	[tilespmem:$0x1F000] =	vst v63  }
0xf8: {  	_ =	swait.ge [sflag:s31], $0x2000  }
0xf9: {  	[sflag:s31] =	ssyncset.done $0x0  }
0xfa: {  	s18 =	simm.s32 $0x14680;
	[sflag:s31] =	ssyncadd.s32 $0xFFFFE000  }
0xfb: {  	[spmem:s1] =	stream.indirect.scatter.add.f32 [tilespmem:s22], [sflag:$0x7], $0x40, s18, s19, $0xb8;
	[tilespmem:$0x1F000] =	vst v63  }
0xfc: {  	_ =	swait.ge [sflag:s2], $0x2000  }
0xfd: {  	[sflag:s2] =	ssyncset.done $0x0  }
0xfe: {  	s9 =	simm.s32 $0x14700;
	[sflag:s2] =	ssyncadd.s32 $0xFFFFE000  }
0xff: {  	[spmem:s1] =	stream.indirect.scatter.add.f32 [tilespmem:s24], [sflag:$0x8], $0x40, s9, s19, $0xb8;
	[tilespmem:$0x1F000] =	vst v63  }
0x100: {  	_ =	swait.ge [sflag:s8], $0x2000  }
0x101: {  	[sflag:s8] =	ssyncset.done $0x0  }
0x102: {  	s11 =	simm.s32 $0x14780;
	[sflag:s8] =	ssyncadd.s32 $0xFFFFE000  }
0x103: {  	[spmem:s1] =	stream.indirect.scatter.add.f32 [tilespmem:s26], [sflag:$0x9], $0x40, s11, s19, $0xb8;
	[tilespmem:$0x1F000] =	vst v63  }
0x104: {  	_ =	swait.ge [sflag:s10], $0x2000  }
0x105: {  	[sflag:s10] =	ssyncset.done $0x0  }
0x106: {  	s12 =	simm.s32 $0x14800;
	[sflag:s10] =	ssyncadd.s32 $0xFFFFE000  }
0x107: {  	[spmem:s1] =	stream.indirect.scatter.add.f32 [tilespmem:s29], [sflag:$0xA], $0x40, s12, s19, $0xb8;
	[tilespmem:$0x1F000] =	vst v63  }
0x108: {  	_ =	swait.ge [sflag:s5], $0x2000  }
0x109: {  	[sflag:s5] =	ssyncset.done $0x0  }
0x10a: {  	[sflag:s5] =	ssyncadd.s32 $0xFFFFE000  }
0x10b: {  	_ =	swait.ge [sflag:s16], $0x2000  }
0x10c: {  	[sflag:s16] =	ssyncset.done $0x0  }
0x10d: {  	[sflag:s16] =	ssyncadd.s32 $0xFFFFE000  }
0x10e: {  	_ =	swait.ge [sflag:s14], $0x2000  }
0x10f: {  	[sflag:s14] =	ssyncset.done $0x0  }
0x110: {  	[sflag:s14] =	ssyncadd.s32 $0xFFFFE000  }
0x111: {  	_ =	swait.ge [sflag:s6], $0x2000  }
0x112: {  	[sflag:s6] =	ssyncset.done $0x0  }
0x113: {  	[sflag:s6] =	ssyncadd.s32 $0xFFFFE000  }
0x114: {  	_ =	swait.ge [sflag:s21], $0x2000  }
0x115: {  	[sflag:s21] =	ssyncset.done $0x0  }
0x116: {  	s18 =	simm.s32 $0x13E80;
	[sflag:s21] =	ssyncadd.s32 $0xFFFFE000  }
0x117: {  	[tilespmem:s20], [sflag:$0x1] =	stream.indirect.gather [spmem:s3], $0x40, s18, s19, $0xb8;
	[tilespmem:$0x1F000] =	vst v63  }
0x118: {  	s9 =	simm.s32 $0x13F00  }
0x119: {  	[tilespmem:s22], [sflag:$0x2] =	stream.indirect.gather [spmem:s3], $0x40, s9, s19, $0xb8;
	[tilespmem:$0x1F000] =	vst v63  }
0x11a: {  	s11 =	simm.s32 $0x13F80  }
0x11b: {  	[tilespmem:s24], [sflag:$0x3] =	stream.indirect.gather [spmem:s3], $0x40, s11, s19, $0xb8;
	[tilespmem:$0x1F000] =	vst v63  }
0x11c: {  	s12 =	simm.s32 $0x14000  }
0x11d: {  	[tilespmem:s26], [sflag:$0x4] =	stream.indirect.gather [spmem:s3], $0x40, s12, s19, $0xb8;
	[tilespmem:$0x1F000] =	vst v63  }
0x11e: {  	s18 =	simm.s32 $0x14080  }
0x11f: {  	[tilespmem:s29], [sflag:$0x5] =	stream.indirect.gather [spmem:s3], $0x40, s18, s19, $0xb8;
	[tilespmem:$0x1F000] =	vst v63  }
0x120: {  	_ =	swait.ge [sflag:s30], $0x2000  }
0x121: {  	[sflag:s30] =	ssyncset.done $0x0  }
0x122: {  	s9 =	simm.s32 $0x14880;
	[sflag:s30] =	ssyncadd.s32 $0xFFFFE000  }
0x123: {  	[spmem:s1] =	stream.indirect.scatter.add.f32 [tilespmem:s20], [sflag:$0x6], $0x40, s9, s19, $0xb8;
	[tilespmem:$0x1F000] =	vst v63  }
0x124: {  	_ =	swait.ge [sflag:s31], $0x2000  }
0x125: {  	[sflag:s31] =	ssyncset.done $0x0  }
0x126: {  	s11 =	simm.s32 $0x14900;
	[sflag:s31] =	ssyncadd.s32 $0xFFFFE000  }
0x127: {  	[spmem:s1] =	stream.indirect.scatter.add.f32 [tilespmem:s22], [sflag:$0x7], $0x40, s11, s19, $0xb8;
	[tilespmem:$0x1F000] =	vst v63  }
0x128: {  	_ =	swait.ge [sflag:s2], $0x2000  }
0x129: {  	[sflag:s2] =	ssyncset.done $0x0  }
0x12a: {  	s12 =	simm.s32 $0x14980;
	[sflag:s2] =	ssyncadd.s32 $0xFFFFE000  }
0x12b: {  	[spmem:s1] =	stream.indirect.scatter.add.f32 [tilespmem:s24], [sflag:$0x8], $0x40, s12, s19, $0xb8;
	[tilespmem:$0x1F000] =	vst v63  }
0x12c: {  	_ =	swait.ge [sflag:s8], $0x2000  }
0x12d: {  	[sflag:s8] =	ssyncset.done $0x0  }
0x12e: {  	s18 =	simm.s32 $0x14A00;
	[sflag:s8] =	ssyncadd.s32 $0xFFFFE000  }
0x12f: {  	[spmem:s1] =	stream.indirect.scatter.add.f32 [tilespmem:s26], [sflag:$0x9], $0x40, s18, s19, $0xb8;
	[tilespmem:$0x1F000] =	vst v63  }
0x130: {  	_ =	swait.ge [sflag:s10], $0x2000  }
0x131: {  	[sflag:s10] =	ssyncset.done $0x0  }
0x132: {  	s9 =	simm.s32 $0x14A80;
	[sflag:s10] =	ssyncadd.s32 $0xFFFFE000  }
0x133: {  	[spmem:s1] =	stream.indirect.scatter.add.f32 [tilespmem:s29], [sflag:$0xA], $0x40, s9, s19, $0xb8;
	[tilespmem:$0x1F000] =	vst v63  }
0x134: {  	_ =	swait.ge [sflag:s5], $0x2000  }
0x135: {  	[sflag:s5] =	ssyncset.done $0x0  }
0x136: {  	[sflag:s5] =	ssyncadd.s32 $0xFFFFE000  }
0x137: {  	_ =	swait.ge [sflag:s16], $0x2000  }
0x138: {  	[sflag:s16] =	ssyncset.done $0x0  }
0x139: {  	[sflag:s16] =	ssyncadd.s32 $0xFFFFE000  }
0x13a: {  	_ =	swait.ge [sflag:s14], $0x2000  }
0x13b: {  	[sflag:s14] =	ssyncset.done $0x0  }
0x13c: {  	[sflag:s14] =	ssyncadd.s32 $0xFFFFE000  }
0x13d: {  	_ =	swait.ge [sflag:s6], $0x2000  }
0x13e: {  	[sflag:s6] =	ssyncset.done $0x0  }
0x13f: {  	[sflag:s6] =	ssyncadd.s32 $0xFFFFE000  }
0x140: {  	_ =	swait.ge [sflag:s21], $0x2000  }
0x141: {  	[sflag:s21] =	ssyncset.done $0x0  }
0x142: {  	s11 =	simm.s32 $0x14100;
	[sflag:s21] =	ssyncadd.s32 $0xFFFFE000  }
0x143: {  	[tilespmem:s20], [sflag:$0x1] =	stream.indirect.gather [spmem:s3], $0x40, s11, s19, $0xb8;
	[tilespmem:$0x1F000] =	vst v63  }
0x144: {  	s12 =	simm.s32 $0x14180  }
0x145: {  	[tilespmem:s22], [sflag:$0x2] =	stream.indirect.gather [spmem:s3], $0x40, s12, s19, $0xb8;
	[tilespmem:$0x1F000] =	vst v63  }
0x146: {  	s18 =	simm.s32 $0x14200  }
0x147: {  	[tilespmem:s24], [sflag:$0x3] =	stream.indirect.gather [spmem:s3], $0x40, s18, s19, $0xb8;
	[tilespmem:$0x1F000] =	vst v63  }
0x148: {  	s9 =	simm.s32 $0x14280  }
0x149: {  	[tilespmem:s26], [sflag:$0x4] =	stream.indirect.gather [spmem:s3], $0x40, s9, s19, $0xb8;
	[tilespmem:$0x1F000] =	vst v63  }
0x14a: {  	s11 =	simm.s32 $0x14300  }
0x14b: {  	[tilespmem:s29], [sflag:$0x5] =	stream.indirect.gather [spmem:s3], $0x40, s11, s19, $0xb8;
	[tilespmem:$0x1F000] =	vst v63  }
0x14c: {  	_ =	swait.ge [sflag:s30], $0x2000  }
0x14d: {  	[sflag:s30] =	ssyncset.done $0x0  }
0x14e: {  	s12 =	simm.s32 $0x14B00;
	[sflag:s30] =	ssyncadd.s32 $0xFFFFE000  }
0x14f: {  	[spmem:s1] =	stream.indirect.scatter.add.f32 [tilespmem:s20], [sflag:$0x6], $0x40, s12, s19, $0xb8;
	[tilespmem:$0x1F000] =	vst v63  }
0x150: {  	_ =	swait.ge [sflag:s31], $0x2000  }
0x151: {  	[sflag:s31] =	ssyncset.done $0x0  }
0x152: {  	s18 =	simm.s32 $0x14B80;
	[sflag:s31] =	ssyncadd.s32 $0xFFFFE000  }
0x153: {  	[spmem:s1] =	stream.indirect.scatter.add.f32 [tilespmem:s22], [sflag:$0x7], $0x40, s18, s19, $0xb8;
	[tilespmem:$0x1F000] =	vst v63  }
0x154: {  	_ =	swait.ge [sflag:s2], $0x2000  }
0x155: {  	[sflag:s2] =	ssyncset.done $0x0  }
0x156: {  	s9 =	simm.s32 $0x14C00;
	[sflag:s2] =	ssyncadd.s32 $0xFFFFE000  }
0x157: {  	[spmem:s1] =	stream.indirect.scatter.add.f32 [tilespmem:s24], [sflag:$0x8], $0x40, s9, s19, $0xb8;
	[tilespmem:$0x1F000] =	vst v63  }
0x158: {  	_ =	swait.ge [sflag:s8], $0x2000  }
0x159: {  	[sflag:s8] =	ssyncset.done $0x0  }
0x15a: {  	s11 =	simm.s32 $0x14C80;
	[sflag:s8] =	ssyncadd.s32 $0xFFFFE000  }
0x15b: {  	[spmem:s1] =	stream.indirect.scatter.add.f32 [tilespmem:s26], [sflag:$0x9], $0x40, s11, s19, $0xb8;
	[tilespmem:$0x1F000] =	vst v63  }
0x15c: {  	_ =	swait.ge [sflag:s10], $0x2000  }
0x15d: {  	[sflag:s10] =	ssyncset.done $0x0  }
0x15e: {  	s12 =	simm.s32 $0x14D00;
	[sflag:s10] =	ssyncadd.s32 $0xFFFFE000  }
0x15f: {  	[spmem:s1] =	stream.indirect.scatter.add.f32 [tilespmem:s29], [sflag:$0xA], $0x40, s12, s19, $0xb8;
	[tilespmem:$0x1F000] =	vst v63  }
0x160: {  	_ =	swait.ge [sflag:s5], $0x2000  }
0x161: {  	[sflag:s5] =	ssyncset.done $0x0  }
0x162: {  	[sflag:s5] =	ssyncadd.s32 $0xFFFFE000  }
0x163: {  	_ =	swait.ge [sflag:s16], $0x2000  }
0x164: {  	[sflag:s16] =	ssyncset.done $0x0  }
0x165: {  	[sflag:s16] =	ssyncadd.s32 $0xFFFFE000  }
0x166: {  	_ =	swait.ge [sflag:s14], $0x2000  }
0x167: {  	[sflag:s14] =	ssyncset.done $0x0  }
0x168: {  	[sflag:s14] =	ssyncadd.s32 $0xFFFFE000  }
0x169: {  	_ =	swait.ge [sflag:s6], $0x2000  }
0x16a: {  	[sflag:s6] =	ssyncset.done $0x0  }
0x16b: {  	[sflag:s6] =	ssyncadd.s32 $0xFFFFE000  }
0x16c: {  	_ =	swait.ge [sflag:s21], $0x2000  }
0x16d: {  	[sflag:s21] =	ssyncset.done $0x0  }
0x16e: {  	s18 =	simm.s32 $0x14380;
	[sflag:s21] =	ssyncadd.s32 $0xFFFFE000  }
0x16f: {  	[tilespmem:s20], [sflag:$0x1] =	stream.indirect.gather [spmem:s3], $0x40, s18, s19, $0xb8;
	[tilespmem:$0x1F000] =	vst v63  }
0x170: {  	s9 =	simm.s32 $0x14400  }
0x171: {  	[tilespmem:s22], [sflag:$0x2] =	stream.indirect.gather [spmem:s3], $0x40, s9, s19, $0xb8;
	[tilespmem:$0x1F000] =	vst v63  }
0x172: {  	s11 =	simm.s32 $0x14480  }
0x173: {  	[tilespmem:s24], [sflag:$0x3] =	stream.indirect.gather [spmem:s3], $0x40, s11, s19, $0xb8;
	[tilespmem:$0x1F000] =	vst v63  }
0x174: {  	s12 =	simm.s32 $0x14500  }
0x175: {  	[tilespmem:s26], [sflag:$0x4] =	stream.indirect.gather [spmem:s3], $0x40, s12, s19, $0xb8;
	[tilespmem:$0x1F000] =	vst v63  }
0x176: {  	s18 =	simm.s32 $0x14580  }
0x177: {  	[tilespmem:s29], [sflag:$0x5] =	stream.indirect.gather [spmem:s3], $0x40, s18, s19, $0xb8;
	[tilespmem:$0x1F000] =	vst v63  }
0x178: {  	_ =	swait.ge [sflag:s30], $0x2000  }
0x179: {  	[sflag:s30] =	ssyncset.done $0x0  }
0x17a: {  	[sflag:s30] =	ssyncadd.s32 $0xFFFFE000  }
0x17b: {  	[spmem:s1] =	stream.indirect.scatter.add.f32 [tilespmem:s20], [sflag:$0x6], $0x40, s13, s19, $0xb8;
	[tilespmem:$0x1F000] =	vst v63  }
0x17c: {  	_ =	swait.ge [sflag:s31], $0x2000  }
0x17d: {  	[sflag:s31] =	ssyncset.done $0x0  }
0x17e: {  	[sflag:s31] =	ssyncadd.s32 $0xFFFFE000  }
0x17f: {  	[spmem:s1] =	stream.indirect.scatter.add.f32 [tilespmem:s22], [sflag:$0x7], $0x40, s17, s19, $0xb8;
	[tilespmem:$0x1F000] =	vst v63  }
0x180: {  	_ =	swait.ge [sflag:s2], $0x2000  }
0x181: {  	[sflag:s2] =	ssyncset.done $0x0  }
0x182: {  	[sflag:s2] =	ssyncadd.s32 $0xFFFFE000  }
0x183: {  	[spmem:s1] =	stream.indirect.scatter.add.f32 [tilespmem:s24], [sflag:$0x8], $0x40, s23, s19, $0xb8;
	[tilespmem:$0x1F000] =	vst v63  }
0x184: {  	_ =	swait.ge [sflag:s8], $0x2000  }
0x185: {  	[sflag:s8] =	ssyncset.done $0x0  }
0x186: {  	[sflag:s8] =	ssyncadd.s32 $0xFFFFE000  }
0x187: {  	[spmem:s1] =	stream.indirect.scatter.add.f32 [tilespmem:s26], [sflag:$0x9], $0x40, s25, s19, $0xb8;
	[tilespmem:$0x1F000] =	vst v63  }
0x188: {  	_ =	swait.ge [sflag:s10], $0x2000  }
0x189: {  	[sflag:s10] =	ssyncset.done $0x0  }
0x18a: {  	[sflag:s10] =	ssyncadd.s32 $0xFFFFE000  }
0x18b: {  	[spmem:s1] =	stream.indirect.scatter.add.f32 [tilespmem:s29], [sflag:$0xA], $0x40, s4, s19, $0xb8;
	[tilespmem:$0x1F000] =	vst v63  }
0x18c: {  	_ =	swait.ge [sflag:s5], $0x2000  }
0x18d: {  	[sflag:s5] =	ssyncset.done $0x0  }
0x18e: {  	[sflag:s5] =	ssyncadd.s32 $0xFFFFE000  }
0x18f: {  	_ =	swait.ge [sflag:s16], $0x2000  }
0x190: {  	[sflag:s16] =	ssyncset.done $0x0  }
0x191: {  	[sflag:s16] =	ssyncadd.s32 $0xFFFFE000  }
0x192: {  	_ =	swait.ge [sflag:s14], $0x2000  }
0x193: {  	[sflag:s14] =	ssyncset.done $0x0  }
0x194: {  	[sflag:s14] =	ssyncadd.s32 $0xFFFFE000  }
.Ltmp0:
0x195: {  	_ =	swait.ge [sflag:s6], $0x2000;
	(pc) =	sbr.rel @p0 .LBB2_2-.Ltmp0, $4  }
0x196: {  	[sflag:s6] =	ssyncset.done $0x0  }
0x197: {  	[sflag:s6] =	ssyncadd.s32 $0xFFFFE000  }
0x198: {  	_ =	swait.ge [sflag:s21], $0x2000  }
0x199: {  	s0 =	smov.u32 s7;
	[sflag:s21] =	ssyncset.done $0x0  }
0x19a: {  	s23 =	rddreg [dreg:$0x5];
	[sflag:s21] =	ssyncadd.s32 $0xFFFFE000  }
0x19b: {  	s4 =	simm.s32 $0x0;
	s25 =	simm.s32 $0x13C00;
	s0 =	sadd.s32 s28, s23  }
0x19c: {  	[tilespmem:s25], [sflag:$0xB] =	stream.linear.gather [hbm4b:s0+s4], $0xA00, $0x38;
	[tilespmem:$0x1F000] =	vst v63  }
0x19d: {  	_ =	swait.ge [sflag:s15], $0xA00  }
0x19e: {  	[sflag:s15] =	ssyncset.done $0x0;
	s12 =	rddreg [dreg:$0x4]  }
0x19f: {  	s18 =	simm.s32 $0x14600;
	[sflag:s15] =	ssyncadd.s32 $0xFFFFF600;
	s17 =	sadd.s32 s28, s12  }
0x1a0: {  	[tilespmem:s18], [sflag:$0xB] =	stream.linear.gather [hbm4b:s17+s4], $0xA00, $0x38;
	[tilespmem:$0x1F000] =	vst v63  }
0x1a1: {  	_ =	swait.ge [sflag:s15], $0xA00  }
0x1a2: {  	[sflag:s15] =	ssyncset.done $0x0  }
0x1a3: {  	[sflag:s15] =	ssyncadd.s32 $0xFFFFF600  }
0x1a4: {  	[tilespmem:s20], [sflag:$0x1] =	stream.indirect.gather [spmem:s3], $0x40, s25, s19, $0xb8;
	[tilespmem:$0x1F000] =	vst v63  }
0x1a5: {  	s11 =	simm.s32 $0x13C80  }
0x1a6: {  	[tilespmem:s22], [sflag:$0x2] =	stream.indirect.gather [spmem:s3], $0x40, s11, s19, $0xb8;
	[tilespmem:$0x1F000] =	vst v63  }
0x1a7: {  	s28 =	simm.s32 $0x13D00  }
0x1a8: {  	[tilespmem:s24], [sflag:$0x3] =	stream.indirect.gather [spmem:s3], $0x40, s28, s19, $0xb8;
	[tilespmem:$0x1F000] =	vst v63  }
0x1a9: {  	s13 =	simm.s32 $0x13D80  }
0x1aa: {  	[tilespmem:s26], [sflag:$0x4] =	stream.indirect.gather [spmem:s3], $0x40, s13, s19, $0xb8;
	[tilespmem:$0x1F000] =	vst v63  }
0x1ab: {  	s17 =	simm.s32 $0x13E00  }
0x1ac: {  	[tilespmem:s29], [sflag:$0x5] =	stream.indirect.gather [spmem:s3], $0x40, s17, s19, $0xb8;
	[tilespmem:$0x1F000] =	vst v63  }
0x1ad: {  	_ =	swait.ge [sflag:s30], $0x2000  }
0x1ae: {  	[sflag:s30] =	ssyncset.done $0x0  }
0x1af: {  	[sflag:s30] =	ssyncadd.s32 $0xFFFFE000  }
0x1b0: {  	[spmem:s1] =	stream.indirect.scatter.add.f32 [tilespmem:s20], [sflag:$0x6], $0x40, s18, s19, $0xb8;
	[tilespmem:$0x1F000] =	vst v63  }
0x1b1: {  	_ =	swait.ge [sflag:s31], $0x2000  }
0x1b2: {  	[sflag:s31] =	ssyncset.done $0x0  }
0x1b3: {  	s7 =	simm.s32 $0x14680;
	[sflag:s31] =	ssyncadd.s32 $0xFFFFE000  }
0x1b4: {  	[spmem:s1] =	stream.indirect.scatter.add.f32 [tilespmem:s22], [sflag:$0x7], $0x40, s7, s19, $0xb8;
	[tilespmem:$0x1F000] =	vst v63  }
0x1b5: {  	_ =	swait.ge [sflag:s2], $0x2000  }
0x1b6: {  	[sflag:s2] =	ssyncset.done $0x0  }
0x1b7: {  	s9 =	simm.s32 $0x14700;
	[sflag:s2] =	ssyncadd.s32 $0xFFFFE000  }
0x1b8: {  	[spmem:s1] =	stream.indirect.scatter.add.f32 [tilespmem:s24], [sflag:$0x8], $0x40, s9, s19, $0xb8;
	[tilespmem:$0x1F000] =	vst v63  }
0x1b9: {  	_ =	swait.ge [sflag:s8], $0x2000  }
0x1ba: {  	[sflag:s8] =	ssyncset.done $0x0  }
0x1bb: {  	s7 =	simm.s32 $0x14780;
	[sflag:s8] =	ssyncadd.s32 $0xFFFFE000  }
0x1bc: {  	[spmem:s1] =	stream.indirect.scatter.add.f32 [tilespmem:s26], [sflag:$0x9], $0x40, s7, s19, $0xb8;
	[tilespmem:$0x1F000] =	vst v63  }
0x1bd: {  	_ =	swait.ge [sflag:s10], $0x2000  }
0x1be: {  	[sflag:s10] =	ssyncset.done $0x0  }
0x1bf: {  	s9 =	simm.s32 $0x14800;
	[sflag:s10] =	ssyncadd.s32 $0xFFFFE000  }
0x1c0: {  	[spmem:s1] =	stream.indirect.scatter.add.f32 [tilespmem:s29], [sflag:$0xA], $0x40, s9, s19, $0xb8;
	[tilespmem:$0x1F000] =	vst v63  }
0x1c1: {  	_ =	swait.ge [sflag:s5], $0x2000  }
0x1c2: {  	[sflag:s5] =	ssyncset.done $0x0  }
0x1c3: {  	[sflag:s5] =	ssyncadd.s32 $0xFFFFE000  }
0x1c4: {  	_ =	swait.ge [sflag:s16], $0x2000  }
0x1c5: {  	[sflag:s16] =	ssyncset.done $0x0  }
0x1c6: {  	[sflag:s16] =	ssyncadd.s32 $0xFFFFE000  }
0x1c7: {  	_ =	swait.ge [sflag:s14], $0x2000  }
0x1c8: {  	[sflag:s14] =	ssyncset.done $0x0  }
0x1c9: {  	[sflag:s14] =	ssyncadd.s32 $0xFFFFE000  }
0x1ca: {  	_ =	swait.ge [sflag:s6], $0x2000  }
0x1cb: {  	[sflag:s6] =	ssyncset.done $0x0  }
0x1cc: {  	[sflag:s6] =	ssyncadd.s32 $0xFFFFE000  }
0x1cd: {  	_ =	swait.ge [sflag:s21], $0x2000  }
0x1ce: {  	[sflag:s21] =	ssyncset.done $0x0  }
0x1cf: {  	s7 =	simm.s32 $0x13E80;
	[sflag:s21] =	ssyncadd.s32 $0xFFFFE000  }
0x1d0: {  	[tilespmem:s20], [sflag:$0x1] =	stream.indirect.gather [spmem:s3], $0x40, s7, s19, $0xb8;
	[tilespmem:$0x1F000] =	vst v63  }
0x1d1: {  	s9 =	simm.s32 $0x13F00  }
0x1d2: {  	[tilespmem:s22], [sflag:$0x2] =	stream.indirect.gather [spmem:s3], $0x40, s9, s19, $0xb8;
	[tilespmem:$0x1F000] =	vst v63  }
0x1d3: {  	s7 =	simm.s32 $0x13F80  }
0x1d4: {  	[tilespmem:s24], [sflag:$0x3] =	stream.indirect.gather [spmem:s3], $0x40, s7, s19, $0xb8;
	[tilespmem:$0x1F000] =	vst v63  }
0x1d5: {  	s9 =	simm.s32 $0x14000  }
0x1d6: {  	[tilespmem:s26], [sflag:$0x4] =	stream.indirect.gather [spmem:s3], $0x40, s9, s19, $0xb8;
	[tilespmem:$0x1F000] =	vst v63  }
0x1d7: {  	s7 =	simm.s32 $0x14080  }
0x1d8: {  	[tilespmem:s29], [sflag:$0x5] =	stream.indirect.gather [spmem:s3], $0x40, s7, s19, $0xb8;
	[tilespmem:$0x1F000] =	vst v63  }
0x1d9: {  	_ =	swait.ge [sflag:s30], $0x2000  }
0x1da: {  	[sflag:s30] =	ssyncset.done $0x0  }
0x1db: {  	s9 =	simm.s32 $0x14880;
	[sflag:s30] =	ssyncadd.s32 $0xFFFFE000  }
0x1dc: {  	[spmem:s1] =	stream.indirect.scatter.add.f32 [tilespmem:s20], [sflag:$0x6], $0x40, s9, s19, $0xb8;
	[tilespmem:$0x1F000] =	vst v63  }
0x1dd: {  	_ =	swait.ge [sflag:s31], $0x2000  }
0x1de: {  	[sflag:s31] =	ssyncset.done $0x0  }
0x1df: {  	s7 =	simm.s32 $0x14900;
	[sflag:s31] =	ssyncadd.s32 $0xFFFFE000  }
0x1e0: {  	[spmem:s1] =	stream.indirect.scatter.add.f32 [tilespmem:s22], [sflag:$0x7], $0x40, s7, s19, $0xb8;
	[tilespmem:$0x1F000] =	vst v63  }
0x1e1: {  	_ =	swait.ge [sflag:s2], $0x2000  }
0x1e2: {  	[sflag:s2] =	ssyncset.done $0x0  }
0x1e3: {  	s9 =	simm.s32 $0x14980;
	[sflag:s2] =	ssyncadd.s32 $0xFFFFE000  }
0x1e4: {  	[spmem:s1] =	stream.indirect.scatter.add.f32 [tilespmem:s24], [sflag:$0x8], $0x40, s9, s19, $0xb8;
	[tilespmem:$0x1F000] =	vst v63  }
0x1e5: {  	_ =	swait.ge [sflag:s8], $0x2000  }
0x1e6: {  	[sflag:s8] =	ssyncset.done $0x0  }
0x1e7: {  	s7 =	simm.s32 $0x14A00;
	[sflag:s8] =	ssyncadd.s32 $0xFFFFE000  }
0x1e8: {  	[spmem:s1] =	stream.indirect.scatter.add.f32 [tilespmem:s26], [sflag:$0x9], $0x40, s7, s19, $0xb8;
	[tilespmem:$0x1F000] =	vst v63  }
0x1e9: {  	_ =	swait.ge [sflag:s10], $0x2000  }
0x1ea: {  	[sflag:s10] =	ssyncset.done $0x0  }
0x1eb: {  	s9 =	simm.s32 $0x14A80;
	[sflag:s10] =	ssyncadd.s32 $0xFFFFE000  }
0x1ec: {  	[spmem:s1] =	stream.indirect.scatter.add.f32 [tilespmem:s29], [sflag:$0xA], $0x40, s9, s19, $0xb8;
	[tilespmem:$0x1F000] =	vst v63  }
0x1ed: {  	_ =	swait.ge [sflag:s5], $0x2000  }
0x1ee: {  	[sflag:s5] =	ssyncset.done $0x0  }
0x1ef: {  	[sflag:s5] =	ssyncadd.s32 $0xFFFFE000  }
0x1f0: {  	_ =	swait.ge [sflag:s16], $0x2000  }
0x1f1: {  	[sflag:s16] =	ssyncset.done $0x0  }
0x1f2: {  	[sflag:s16] =	ssyncadd.s32 $0xFFFFE000  }
0x1f3: {  	_ =	swait.ge [sflag:s14], $0x2000  }
0x1f4: {  	[sflag:s14] =	ssyncset.done $0x0  }
0x1f5: {  	[sflag:s14] =	ssyncadd.s32 $0xFFFFE000  }
0x1f6: {  	_ =	swait.ge [sflag:s6], $0x2000  }
0x1f7: {  	[sflag:s6] =	ssyncset.done $0x0  }
0x1f8: {  	[sflag:s6] =	ssyncadd.s32 $0xFFFFE000  }
0x1f9: {  	_ =	swait.ge [sflag:s21], $0x2000  }
0x1fa: {  	[sflag:s21] =	ssyncset.done $0x0  }
0x1fb: {  	s7 =	simm.s32 $0x14100;
	[sflag:s21] =	ssyncadd.s32 $0xFFFFE000  }
0x1fc: {  	[tilespmem:s20], [sflag:$0x1] =	stream.indirect.gather [spmem:s3], $0x40, s7, s19, $0xb8;
	[tilespmem:$0x1F000] =	vst v63  }
0x1fd: {  	s9 =	simm.s32 $0x14180  }
0x1fe: {  	[tilespmem:s22], [sflag:$0x2] =	stream.indirect.gather [spmem:s3], $0x40, s9, s19, $0xb8;
	[tilespmem:$0x1F000] =	vst v63  }
0x1ff: {  	s7 =	simm.s32 $0x14200  }
0x200: {  	[tilespmem:s24], [sflag:$0x3] =	stream.indirect.gather [spmem:s3], $0x40, s7, s19, $0xb8;
	[tilespmem:$0x1F000] =	vst v63  }
0x201: {  	s9 =	simm.s32 $0x14280  }
0x202: {  	[tilespmem:s26], [sflag:$0x4] =	stream.indirect.gather [spmem:s3], $0x40, s9, s19, $0xb8;
	[tilespmem:$0x1F000] =	vst v63  }
0x203: {  	s7 =	simm.s32 $0x14300  }
0x204: {  	[tilespmem:s29], [sflag:$0x5] =	stream.indirect.gather [spmem:s3], $0x40, s7, s19, $0xb8;
	[tilespmem:$0x1F000] =	vst v63  }
0x205: {  	_ =	swait.ge [sflag:s30], $0x2000  }
0x206: {  	[sflag:s30] =	ssyncset.done $0x0  }
0x207: {  	s9 =	simm.s32 $0x14B00;
	[sflag:s30] =	ssyncadd.s32 $0xFFFFE000  }
0x208: {  	[spmem:s1] =	stream.indirect.scatter.add.f32 [tilespmem:s20], [sflag:$0x6], $0x40, s9, s19, $0xb8;
	[tilespmem:$0x1F000] =	vst v63  }
0x209: {  	_ =	swait.ge [sflag:s31], $0x2000  }
0x20a: {  	[sflag:s31] =	ssyncset.done $0x0  }
0x20b: {  	s7 =	simm.s32 $0x14B80;
	[sflag:s31] =	ssyncadd.s32 $0xFFFFE000  }
0x20c: {  	[spmem:s1] =	stream.indirect.scatter.add.f32 [tilespmem:s22], [sflag:$0x7], $0x40, s7, s19, $0xb8;
	[tilespmem:$0x1F000] =	vst v63  }
0x20d: {  	_ =	swait.ge [sflag:s2], $0x2000  }
0x20e: {  	[sflag:s2] =	ssyncset.done $0x0  }
0x20f: {  	s9 =	simm.s32 $0x14C00;
	[sflag:s2] =	ssyncadd.s32 $0xFFFFE000  }
0x210: {  	[spmem:s1] =	stream.indirect.scatter.add.f32 [tilespmem:s24], [sflag:$0x8], $0x40, s9, s19, $0xb8;
	[tilespmem:$0x1F000] =	vst v63  }
0x211: {  	_ =	swait.ge [sflag:s8], $0x2000  }
0x212: {  	[sflag:s8] =	ssyncset.done $0x0  }
0x213: {  	s7 =	simm.s32 $0x14C80;
	[sflag:s8] =	ssyncadd.s32 $0xFFFFE000  }
0x214: {  	[spmem:s1] =	stream.indirect.scatter.add.f32 [tilespmem:s26], [sflag:$0x9], $0x40, s7, s19, $0xb8;
	[tilespmem:$0x1F000] =	vst v63  }
0x215: {  	_ =	swait.ge [sflag:s10], $0x2000  }
0x216: {  	[sflag:s10] =	ssyncset.done $0x0  }
0x217: {  	s9 =	simm.s32 $0x14D00;
	[sflag:s10] =	ssyncadd.s32 $0xFFFFE000  }
0x218: {  	[spmem:s1] =	stream.indirect.scatter.add.f32 [tilespmem:s29], [sflag:$0xA], $0x40, s9, s19, $0xb8;
	[tilespmem:$0x1F000] =	vst v63  }
0x219: {  	_ =	swait.ge [sflag:s5], $0x2000  }
0x21a: {  	[sflag:s5] =	ssyncset.done $0x0  }
0x21b: {  	[sflag:s5] =	ssyncadd.s32 $0xFFFFE000  }
0x21c: {  	_ =	swait.ge [sflag:s16], $0x2000  }
0x21d: {  	[sflag:s16] =	ssyncset.done $0x0  }
0x21e: {  	[sflag:s16] =	ssyncadd.s32 $0xFFFFE000  }
0x21f: {  	_ =	swait.ge [sflag:s14], $0x2000  }
0x220: {  	[sflag:s14] =	ssyncset.done $0x0  }
0x221: {  	[sflag:s14] =	ssyncadd.s32 $0xFFFFE000  }
0x222: {  	_ =	swait.ge [sflag:s6], $0x2000  }
0x223: {  	[sflag:s6] =	ssyncset.done $0x0  }
0x224: {  	[sflag:s6] =	ssyncadd.s32 $0xFFFFE000  }
0x225: {  	_ =	swait.ge [sflag:s21], $0x2000  }
0x226: {  	[sflag:s21] =	ssyncset.done $0x0  }
0x227: {  	s7 =	simm.s32 $0x14380;
	[sflag:s21] =	ssyncadd.s32 $0xFFFFE000  }
0x228: {  	[tilespmem:s20], [sflag:$0x1] =	stream.indirect.gather [spmem:s3], $0x40, s7, s19, $0xb8;
	[tilespmem:$0x1F000] =	vst v63  }
0x229: {  	s9 =	simm.s32 $0x14400  }
0x22a: {  	[tilespmem:s22], [sflag:$0x2] =	stream.indirect.gather [spmem:s3], $0x40, s9, s19, $0xb8;
	[tilespmem:$0x1F000] =	vst v63  }
0x22b: {  	s7 =	simm.s32 $0x14480  }
0x22c: {  	[tilespmem:s24], [sflag:$0x3] =	stream.indirect.gather [spmem:s3], $0x40, s7, s19, $0xb8;
	[tilespmem:$0x1F000] =	vst v63  }
0x22d: {  	s9 =	simm.s32 $0x14500  }
0x22e: {  	[tilespmem:s26], [sflag:$0x4] =	stream.indirect.gather [spmem:s3], $0x40, s9, s19, $0xb8;
	[tilespmem:$0x1F000] =	vst v63  }
0x22f: {  	s7 =	simm.s32 $0x14580  }
0x230: {  	[tilespmem:s29], [sflag:$0x5] =	stream.indirect.gather [spmem:s3], $0x40, s7, s19, $0xb8;
	[tilespmem:$0x1F000] =	vst v63  }
0x231: {  	_ =	swait.ge [sflag:s30], $0x2000  }
0x232: {  	[sflag:s30] =	ssyncset.done $0x0  }
0x233: {  	s9 =	simm.s32 $0x14D80;
	[sflag:s30] =	ssyncadd.s32 $0xFFFFE000  }
0x234: {  	[spmem:s1] =	stream.indirect.scatter.add.f32 [tilespmem:s20], [sflag:$0x6], $0x40, s9, s19, $0xb8;
	[tilespmem:$0x1F000] =	vst v63  }
0x235: {  	_ =	swait.ge [sflag:s31], $0x2000  }
0x236: {  	[sflag:s31] =	ssyncset.done $0x0  }
0x237: {  	s7 =	simm.s32 $0x14E00;
	[sflag:s31] =	ssyncadd.s32 $0xFFFFE000  }
0x238: {  	[spmem:s1] =	stream.indirect.scatter.add.f32 [tilespmem:s22], [sflag:$0x7], $0x40, s7, s19, $0xb8;
	[tilespmem:$0x1F000] =	vst v63  }
0x239: {  	_ =	swait.ge [sflag:s2], $0x2000  }
0x23a: {  	[sflag:s2] =	ssyncset.done $0x0  }
0x23b: {  	s9 =	simm.s32 $0x14E80;
	[sflag:s2] =	ssyncadd.s32 $0xFFFFE000  }
0x23c: {  	[spmem:s1] =	stream.indirect.scatter.add.f32 [tilespmem:s24], [sflag:$0x8], $0x40, s9, s19, $0xb8;
	[tilespmem:$0x1F000] =	vst v63  }
0x23d: {  	_ =	swait.ge [sflag:s8], $0x2000  }
0x23e: {  	[sflag:s8] =	ssyncset.done $0x0  }
0x23f: {  	s7 =	simm.s32 $0x14F00;
	[sflag:s8] =	ssyncadd.s32 $0xFFFFE000  }
0x240: {  	[spmem:s1] =	stream.indirect.scatter.add.f32 [tilespmem:s26], [sflag:$0x9], $0x40, s7, s19, $0xb8;
	[tilespmem:$0x1F000] =	vst v63  }
0x241: {  	_ =	swait.ge [sflag:s10], $0x2000  }
0x242: {  	[sflag:s10] =	ssyncset.done $0x0  }
0x243: {  	s9 =	simm.s32 $0x14F80;
	[sflag:s10] =	ssyncadd.s32 $0xFFFFE000  }
0x244: {  	[spmem:s1] =	stream.indirect.scatter.add.f32 [tilespmem:s29], [sflag:$0xA], $0x40, s9, s19, $0xb8;
	[tilespmem:$0x1F000] =	vst v63  }
0x245: {  	_ =	swait.ge [sflag:s5], $0x2000  }
0x246: {  	[sflag:s5] =	ssyncset.done $0x0  }
0x247: {  	[sflag:s5] =	ssyncadd.s32 $0xFFFFE000  }
0x248: {  	_ =	swait.ge [sflag:s16], $0x2000  }
0x249: {  	[sflag:s16] =	ssyncset.done $0x0  }
0x24a: {  	[sflag:s16] =	ssyncadd.s32 $0xFFFFE000  }
0x24b: {  	_ =	swait.ge [sflag:s14], $0x2000  }
0x24c: {  	[sflag:s14] =	ssyncset.done $0x0  }
0x24d: {  	[sflag:s14] =	ssyncadd.s32 $0xFFFFE000  }
0x24e: {  	_ =	swait.ge [sflag:s6], $0x2000  }
0x24f: {  	[sflag:s6] =	ssyncset.done $0x0  }
0x250: {  	[sflag:s6] =	ssyncadd.s32 $0xFFFFE000  }
0x251: {  	_ =	swait.ge [sflag:s21], $0x2000  }
0x252: {  	[sflag:s21] =	ssyncset.done $0x0  }
0x253: {  	[sflag:s21] =	ssyncadd.s32 $0xFFFFE000  }
0x254: {  	[bflag:$0x0] =	sbarrier.arrive $0xFFFF  }
0x255: {  	s7 =	rddreg [dreg:$0x7]  }
0x256: {  	s0 =	rddreg [dreg:$0xa]  }
0x257: {  	s9 =	rddreg [dreg:$0xd]  }
0x258: {  	[hbm:s0], [sflag:s7] =	dma.local [spmem:s9], $0x13C0  }
0x259: {  	_ =	swait.ge [sflag:s15], $0x13C0  }
0x25a: {  	[sflag:s15] =	ssyncset.done $0x0  }
0x25b: {  	s0 =	rddreg [dreg:$0x6];
	[sflag:s15] =	ssyncadd.s32 $0xFFFFEC40  }
0x25c: {  	[spmem:s9], [sflag:s7] =	dma.local [hbm:s0], $0x13C0  }
0x25d: {  	_ =	swait.ge [sflag:s15], $0x13C0  }
0x25e: {  	[sflag:s15] =	ssyncset.done $0x0;
	s0 =	rddreg [dreg:$0xb]  }
0x25f: {  	s9 =	rddreg [dreg:$0xe];
	[sflag:s15] =	ssyncadd.s32 $0xFFFFEC40  }
0x260: {  	[spmem:s9], [sflag:s7] =	dma.local [hbm:s0], $0x13C0  }
0x261: {  	_ =	swait.ge [sflag:s15], $0x13C0  }
0x262: {  	[sflag:s15] =	ssyncset.done $0x0  }
0x263: {  	[sflag:s15] =	ssyncadd.s32 $0xFFFFEC40  }
0x264: {  	s23 =	sadd.s32 $0x0, s23;
	[bflag:$0x0] =	sbarrier.arrive $0xFFFF  }
0x265: {  	[tilespmem:s25], [sflag:$0xB] =	stream.linear.gather [hbm4b:s23+s4], $0xA00, $0x38;
	[tilespmem:$0x1F000] =	vst v63  }
0x266: {  	_ =	swait.ge [sflag:s15], $0xA00  }
0x267: {  	[sflag:s15] =	ssyncset.done $0x0  }
0x268: {  	s7 =	sadd.s32 $0x0, s12;
	[sflag:s15] =	ssyncadd.s32 $0xFFFFF600  }
0x269: {  	[tilespmem:s18], [sflag:$0xB] =	stream.linear.gather [hbm4b:s7+s4], $0xA00, $0x38;
	[tilespmem:$0x1F000] =	vst v63  }
0x26a: {  	_ =	swait.ge [sflag:s15], $0xA00  }
0x26b: {  	[sflag:s15] =	ssyncset.done $0x0  }
0x26c: {  	[sflag:s15] =	ssyncadd.s32 $0xFFFFF600  }
0x26d: {  	[tilespmem:s20], [sflag:$0x1] =	stream.indirect.gather [spmem:s3], $0x40, s25, s19, $0xb8;
	[tilespmem:$0x1F000] =	vst v63  }
0x26e: {  	_ = 	snop  }
0x26f: {  	[tilespmem:s22], [sflag:$0x2] =	stream.indirect.gather [spmem:s3], $0x40, s11, s19, $0xb8;
	[tilespmem:$0x1F000] =	vst v63  }
0x270: {  	_ = 	snop  }
0x271: {  	[tilespmem:s24], [sflag:$0x3] =	stream.indirect.gather [spmem:s3], $0x40, s28, s19, $0xb8;
	[tilespmem:$0x1F000] =	vst v63  }
0x272: {  	_ = 	snop  }
0x273: {  	[tilespmem:s26], [sflag:$0x4] =	stream.indirect.gather [spmem:s3], $0x40, s13, s19, $0xb8;
	[tilespmem:$0x1F000] =	vst v63  }
0x274: {  	_ = 	snop  }
0x275: {  	[tilespmem:s29], [sflag:$0x5] =	stream.indirect.gather [spmem:s3], $0x40, s17, s19, $0xb8;
	[tilespmem:$0x1F000] =	vst v63  }
0x276: {  	_ =	swait.ge [sflag:s30], $0x2000  }
0x277: {  	[sflag:s30] =	ssyncset.done $0x0  }
0x278: {  	[sflag:s30] =	ssyncadd.s32 $0xFFFFE000  }
0x279: {  	[spmem:s1] =	stream.indirect.scatter.add.f32 [tilespmem:s20], [sflag:$0x6], $0x40, s18, s19, $0xb8;
	[tilespmem:$0x1F000] =	vst v63  }
0x27a: {  	_ =	swait.ge [sflag:s31], $0x2000  }
0x27b: {  	[sflag:s31] =	ssyncset.done $0x0  }
0x27c: {  	s9 =	simm.s32 $0x14680;
	[sflag:s31] =	ssyncadd.s32 $0xFFFFE000  }
0x27d: {  	[spmem:s1] =	stream.indirect.scatter.add.f32 [tilespmem:s22], [sflag:$0x7], $0x40, s9, s19, $0xb8;
	[tilespmem:$0x1F000] =	vst v63  }
0x27e: {  	_ =	swait.ge [sflag:s2], $0x2000  }
0x27f: {  	[sflag:s2] =	ssyncset.done $0x0  }
0x280: {  	s11 =	simm.s32 $0x14700;
	[sflag:s2] =	ssyncadd.s32 $0xFFFFE000  }
0x281: {  	[spmem:s1] =	stream.indirect.scatter.add.f32 [tilespmem:s24], [sflag:$0x8], $0x40, s11, s19, $0xb8;
	[tilespmem:$0x1F000] =	vst v63  }
0x282: {  	_ =	swait.ge [sflag:s8], $0x2000  }
0x283: {  	[sflag:s8] =	ssyncset.done $0x0  }
0x284: {  	s12 =	simm.s32 $0x14780;
	[sflag:s8] =	ssyncadd.s32 $0xFFFFE000  }
0x285: {  	[spmem:s1] =	stream.indirect.scatter.add.f32 [tilespmem:s26], [sflag:$0x9], $0x40, s12, s19, $0xb8;
	[tilespmem:$0x1F000] =	vst v63  }
0x286: {  	_ =	swait.ge [sflag:s10], $0x2000  }
0x287: {  	[sflag:s10] =	ssyncset.done $0x0  }
0x288: {  	s13 =	simm.s32 $0x14800;
	[sflag:s10] =	ssyncadd.s32 $0xFFFFE000  }
0x289: {  	[spmem:s1] =	stream.indirect.scatter.add.f32 [tilespmem:s29], [sflag:$0xA], $0x40, s13, s19, $0xb8;
	[tilespmem:$0x1F000] =	vst v63  }
0x28a: {  	_ =	swait.ge [sflag:s5], $0x2000  }
0x28b: {  	[sflag:s5] =	ssyncset.done $0x0  }
0x28c: {  	[sflag:s5] =	ssyncadd.s32 $0xFFFFE000  }
0x28d: {  	_ =	swait.ge [sflag:s16], $0x2000  }
0x28e: {  	[sflag:s16] =	ssyncset.done $0x0  }
0x28f: {  	[sflag:s16] =	ssyncadd.s32 $0xFFFFE000  }
0x290: {  	_ =	swait.ge [sflag:s14], $0x2000  }
0x291: {  	[sflag:s14] =	ssyncset.done $0x0  }
0x292: {  	[sflag:s14] =	ssyncadd.s32 $0xFFFFE000  }
0x293: {  	_ =	swait.ge [sflag:s6], $0x2000  }
0x294: {  	[sflag:s6] =	ssyncset.done $0x0  }
0x295: {  	[sflag:s6] =	ssyncadd.s32 $0xFFFFE000  }
0x296: {  	_ =	swait.ge [sflag:s21], $0x2000  }
0x297: {  	[sflag:s21] =	ssyncset.done $0x0  }
0x298: {  	s17 =	simm.s32 $0x13E80;
	[sflag:s21] =	ssyncadd.s32 $0xFFFFE000  }
0x299: {  	[tilespmem:s20], [sflag:$0x1] =	stream.indirect.gather [spmem:s3], $0x40, s17, s19, $0xb8;
	[tilespmem:$0x1F000] =	vst v63  }
0x29a: {  	s18 =	simm.s32 $0x13F00  }
0x29b: {  	[tilespmem:s22], [sflag:$0x2] =	stream.indirect.gather [spmem:s3], $0x40, s18, s19, $0xb8;
	[tilespmem:$0x1F000] =	vst v63  }
0x29c: {  	s23 =	simm.s32 $0x13F80  }
0x29d: {  	[tilespmem:s24], [sflag:$0x3] =	stream.indirect.gather [spmem:s3], $0x40, s23, s19, $0xb8;
	[tilespmem:$0x1F000] =	vst v63  }
0x29e: {  	s25 =	simm.s32 $0x14000  }
0x29f: {  	[tilespmem:s26], [sflag:$0x4] =	stream.indirect.gather [spmem:s3], $0x40, s25, s19, $0xb8;
	[tilespmem:$0x1F000] =	vst v63  }
0x2a0: {  	s4 =	simm.s32 $0x14080  }
0x2a1: {  	[tilespmem:s29], [sflag:$0x5] =	stream.indirect.gather [spmem:s3], $0x40, s4, s19, $0xb8;
	[tilespmem:$0x1F000] =	vst v63  }
0x2a2: {  	_ =	swait.ge [sflag:s30], $0x2000  }
0x2a3: {  	[sflag:s30] =	ssyncset.done $0x0  }
0x2a4: {  	s7 =	simm.s32 $0x14880;
	[sflag:s30] =	ssyncadd.s32 $0xFFFFE000  }
0x2a5: {  	[spmem:s1] =	stream.indirect.scatter.add.f32 [tilespmem:s20], [sflag:$0x6], $0x40, s7, s19, $0xb8;
	[tilespmem:$0x1F000] =	vst v63  }
0x2a6: {  	_ =	swait.ge [sflag:s31], $0x2000  }
0x2a7: {  	[sflag:s31] =	ssyncset.done $0x0  }
0x2a8: {  	s9 =	simm.s32 $0x14900;
	[sflag:s31] =	ssyncadd.s32 $0xFFFFE000  }
0x2a9: {  	[spmem:s1] =	stream.indirect.scatter.add.f32 [tilespmem:s22], [sflag:$0x7], $0x40, s9, s19, $0xb8;
	[tilespmem:$0x1F000] =	vst v63  }
0x2aa: {  	_ =	swait.ge [sflag:s2], $0x2000  }
0x2ab: {  	[sflag:s2] =	ssyncset.done $0x0  }
0x2ac: {  	s11 =	simm.s32 $0x14980;
	[sflag:s2] =	ssyncadd.s32 $0xFFFFE000  }
0x2ad: {  	[spmem:s1] =	stream.indirect.scatter.add.f32 [tilespmem:s24], [sflag:$0x8], $0x40, s11, s19, $0xb8;
	[tilespmem:$0x1F000] =	vst v63  }
0x2ae: {  	_ =	swait.ge [sflag:s8], $0x2000  }
0x2af: {  	[sflag:s8] =	ssyncset.done $0x0  }
0x2b0: {  	s12 =	simm.s32 $0x14A00;
	[sflag:s8] =	ssyncadd.s32 $0xFFFFE000  }
0x2b1: {  	[spmem:s1] =	stream.indirect.scatter.add.f32 [tilespmem:s26], [sflag:$0x9], $0x40, s12, s19, $0xb8;
	[tilespmem:$0x1F000] =	vst v63  }
0x2b2: {  	_ =	swait.ge [sflag:s10], $0x2000  }
0x2b3: {  	[sflag:s10] =	ssyncset.done $0x0  }
0x2b4: {  	s13 =	simm.s32 $0x14A80;
	[sflag:s10] =	ssyncadd.s32 $0xFFFFE000  }
0x2b5: {  	[spmem:s1] =	stream.indirect.scatter.add.f32 [tilespmem:s29], [sflag:$0xA], $0x40, s13, s19, $0xb8;
	[tilespmem:$0x1F000] =	vst v63  }
0x2b6: {  	_ =	swait.ge [sflag:s5], $0x2000  }
0x2b7: {  	[sflag:s5] =	ssyncset.done $0x0  }
0x2b8: {  	[sflag:s5] =	ssyncadd.s32 $0xFFFFE000  }
0x2b9: {  	_ =	swait.ge [sflag:s16], $0x2000  }
0x2ba: {  	[sflag:s16] =	ssyncset.done $0x0  }
0x2bb: {  	[sflag:s16] =	ssyncadd.s32 $0xFFFFE000  }
0x2bc: {  	_ =	swait.ge [sflag:s14], $0x2000  }
0x2bd: {  	[sflag:s14] =	ssyncset.done $0x0  }
0x2be: {  	[sflag:s14] =	ssyncadd.s32 $0xFFFFE000  }
0x2bf: {  	_ =	swait.ge [sflag:s6], $0x2000  }
0x2c0: {  	[sflag:s6] =	ssyncset.done $0x0  }
0x2c1: {  	[sflag:s6] =	ssyncadd.s32 $0xFFFFE000  }
0x2c2: {  	_ =	swait.ge [sflag:s21], $0x2000  }
0x2c3: {  	[sflag:s21] =	ssyncset.done $0x0  }
0x2c4: {  	s17 =	simm.s32 $0x14100;
	[sflag:s21] =	ssyncadd.s32 $0xFFFFE000  }
0x2c5: {  	[tilespmem:s20], [sflag:$0x1] =	stream.indirect.gather [spmem:s3], $0x40, s17, s19, $0xb8;
	[tilespmem:$0x1F000] =	vst v63  }
0x2c6: {  	s18 =	simm.s32 $0x14180  }
0x2c7: {  	[tilespmem:s22], [sflag:$0x2] =	stream.indirect.gather [spmem:s3], $0x40, s18, s19, $0xb8;
	[tilespmem:$0x1F000] =	vst v63  }
0x2c8: {  	s23 =	simm.s32 $0x14200  }
0x2c9: {  	[tilespmem:s24], [sflag:$0x3] =	stream.indirect.gather [spmem:s3], $0x40, s23, s19, $0xb8;
	[tilespmem:$0x1F000] =	vst v63  }
0x2ca: {  	s25 =	simm.s32 $0x14280  }
0x2cb: {  	[tilespmem:s26], [sflag:$0x4] =	stream.indirect.gather [spmem:s3], $0x40, s25, s19, $0xb8;
	[tilespmem:$0x1F000] =	vst v63  }
0x2cc: {  	s4 =	simm.s32 $0x14300  }
0x2cd: {  	[tilespmem:s29], [sflag:$0x5] =	stream.indirect.gather [spmem:s3], $0x40, s4, s19, $0xb8;
	[tilespmem:$0x1F000] =	vst v63  }
0x2ce: {  	_ =	swait.ge [sflag:s30], $0x2000  }
0x2cf: {  	[sflag:s30] =	ssyncset.done $0x0  }
0x2d0: {  	s7 =	simm.s32 $0x14B00;
	[sflag:s30] =	ssyncadd.s32 $0xFFFFE000  }
0x2d1: {  	[spmem:s1] =	stream.indirect.scatter.add.f32 [tilespmem:s20], [sflag:$0x6], $0x40, s7, s19, $0xb8;
	[tilespmem:$0x1F000] =	vst v63  }
0x2d2: {  	_ =	swait.ge [sflag:s31], $0x2000  }
0x2d3: {  	[sflag:s31] =	ssyncset.done $0x0  }
0x2d4: {  	s9 =	simm.s32 $0x14B80;
	[sflag:s31] =	ssyncadd.s32 $0xFFFFE000  }
0x2d5: {  	[spmem:s1] =	stream.indirect.scatter.add.f32 [tilespmem:s22], [sflag:$0x7], $0x40, s9, s19, $0xb8;
	[tilespmem:$0x1F000] =	vst v63  }
0x2d6: {  	_ =	swait.ge [sflag:s2], $0x2000  }
0x2d7: {  	[sflag:s2] =	ssyncset.done $0x0  }
0x2d8: {  	s11 =	simm.s32 $0x14C00;
	[sflag:s2] =	ssyncadd.s32 $0xFFFFE000  }
0x2d9: {  	[spmem:s1] =	stream.indirect.scatter.add.f32 [tilespmem:s24], [sflag:$0x8], $0x40, s11, s19, $0xb8;
	[tilespmem:$0x1F000] =	vst v63  }
0x2da: {  	_ =	swait.ge [sflag:s8], $0x2000  }
0x2db: {  	[sflag:s8] =	ssyncset.done $0x0  }
0x2dc: {  	s12 =	simm.s32 $0x14C80;
	[sflag:s8] =	ssyncadd.s32 $0xFFFFE000  }
0x2dd: {  	[spmem:s1] =	stream.indirect.scatter.add.f32 [tilespmem:s26], [sflag:$0x9], $0x40, s12, s19, $0xb8;
	[tilespmem:$0x1F000] =	vst v63  }
0x2de: {  	_ =	swait.ge [sflag:s10], $0x2000  }
0x2df: {  	[sflag:s10] =	ssyncset.done $0x0  }
0x2e0: {  	s13 =	simm.s32 $0x14D00;
	[sflag:s10] =	ssyncadd.s32 $0xFFFFE000  }
0x2e1: {  	[spmem:s1] =	stream.indirect.scatter.add.f32 [tilespmem:s29], [sflag:$0xA], $0x40, s13, s19, $0xb8;
	[tilespmem:$0x1F000] =	vst v63  }
0x2e2: {  	_ =	swait.ge [sflag:s5], $0x2000  }
0x2e3: {  	[sflag:s5] =	ssyncset.done $0x0  }
0x2e4: {  	[sflag:s5] =	ssyncadd.s32 $0xFFFFE000  }
0x2e5: {  	_ =	swait.ge [sflag:s16], $0x2000  }
0x2e6: {  	[sflag:s16] =	ssyncset.done $0x0  }
0x2e7: {  	[sflag:s16] =	ssyncadd.s32 $0xFFFFE000  }
0x2e8: {  	_ =	swait.ge [sflag:s14], $0x2000  }
0x2e9: {  	[sflag:s14] =	ssyncset.done $0x0  }
0x2ea: {  	[sflag:s14] =	ssyncadd.s32 $0xFFFFE000  }
0x2eb: {  	_ =	swait.ge [sflag:s6], $0x2000  }
0x2ec: {  	[sflag:s6] =	ssyncset.done $0x0  }
0x2ed: {  	[sflag:s6] =	ssyncadd.s32 $0xFFFFE000  }
0x2ee: {  	_ =	swait.ge [sflag:s21], $0x2000  }
0x2ef: {  	[sflag:s21] =	ssyncset.done $0x0  }
0x2f0: {  	s17 =	simm.s32 $0x14380;
	[sflag:s21] =	ssyncadd.s32 $0xFFFFE000  }
0x2f1: {  	[tilespmem:s20], [sflag:$0x1] =	stream.indirect.gather [spmem:s3], $0x40, s17, s19, $0xb8;
	[tilespmem:$0x1F000] =	vst v63  }
0x2f2: {  	s18 =	simm.s32 $0x14400  }
0x2f3: {  	[tilespmem:s22], [sflag:$0x2] =	stream.indirect.gather [spmem:s3], $0x40, s18, s19, $0xb8;
	[tilespmem:$0x1F000] =	vst v63  }
0x2f4: {  	s23 =	simm.s32 $0x14480  }
0x2f5: {  	[tilespmem:s24], [sflag:$0x3] =	stream.indirect.gather [spmem:s3], $0x40, s23, s19, $0xb8;
	[tilespmem:$0x1F000] =	vst v63  }
0x2f6: {  	s25 =	simm.s32 $0x14500  }
0x2f7: {  	[tilespmem:s26], [sflag:$0x4] =	stream.indirect.gather [spmem:s3], $0x40, s25, s19, $0xb8;
	[tilespmem:$0x1F000] =	vst v63  }
0x2f8: {  	s4 =	simm.s32 $0x14580  }
0x2f9: {  	[tilespmem:s29], [sflag:$0x5] =	stream.indirect.gather [spmem:s3], $0x40, s4, s19, $0xb8;
	[tilespmem:$0x1F000] =	vst v63  }
0x2fa: {  	_ =	swait.ge [sflag:s30], $0x2000  }
0x2fb: {  	[sflag:s30] =	ssyncset.done $0x0  }
0x2fc: {  	s7 =	simm.s32 $0x14D80;
	[sflag:s30] =	ssyncadd.s32 $0xFFFFE000  }
0x2fd: {  	[spmem:s1] =	stream.indirect.scatter.add.f32 [tilespmem:s20], [sflag:$0x6], $0x40, s7, s19, $0xb8;
	[tilespmem:$0x1F000] =	vst v63  }
0x2fe: {  	_ =	swait.ge [sflag:s31], $0x2000  }
0x2ff: {  	[sflag:s31] =	ssyncset.done $0x0  }
0x300: {  	s9 =	simm.s32 $0x14E00;
	[sflag:s31] =	ssyncadd.s32 $0xFFFFE000  }
0x301: {  	[spmem:s1] =	stream.indirect.scatter.add.f32 [tilespmem:s22], [sflag:$0x7], $0x40, s9, s19, $0xb8;
	[tilespmem:$0x1F000] =	vst v63  }
0x302: {  	_ =	swait.ge [sflag:s2], $0x2000  }
0x303: {  	[sflag:s2] =	ssyncset.done $0x0  }
0x304: {  	s11 =	simm.s32 $0x14E80;
	[sflag:s2] =	ssyncadd.s32 $0xFFFFE000  }
0x305: {  	[spmem:s1] =	stream.indirect.scatter.add.f32 [tilespmem:s24], [sflag:$0x8], $0x40, s11, s19, $0xb8;
	[tilespmem:$0x1F000] =	vst v63  }
0x306: {  	_ =	swait.ge [sflag:s8], $0x2000  }
0x307: {  	[sflag:s8] =	ssyncset.done $0x0  }
0x308: {  	s12 =	simm.s32 $0x14F00;
	[sflag:s8] =	ssyncadd.s32 $0xFFFFE000  }
0x309: {  	[spmem:s1] =	stream.indirect.scatter.add.f32 [tilespmem:s26], [sflag:$0x9], $0x40, s12, s19, $0xb8;
	[tilespmem:$0x1F000] =	vst v63  }
0x30a: {  	_ =	swait.ge [sflag:s10], $0x2000  }
0x30b: {  	[sflag:s10] =	ssyncset.done $0x0  }
0x30c: {  	s18 =	simm.s32 $0x14F80;
	[sflag:s10] =	ssyncadd.s32 $0xFFFFE000  }
0x30d: {  	[spmem:s1] =	stream.indirect.scatter.add.f32 [tilespmem:s29], [sflag:$0xA], $0x40, s18, s19, $0xb8;
	[tilespmem:$0x1F000] =	vst v63  }
0x30e: {  	_ =	swait.ge [sflag:s5], $0x2000  }
0x30f: {  	[sflag:s5] =	ssyncset.done $0x0  }
0x310: {  	[sflag:s5] =	ssyncadd.s32 $0xFFFFE000  }
0x311: {  	_ =	swait.ge [sflag:s16], $0x2000  }
0x312: {  	[sflag:s16] =	ssyncset.done $0x0  }
0x313: {  	[sflag:s16] =	ssyncadd.s32 $0xFFFFE000  }
0x314: {  	_ =	swait.ge [sflag:s14], $0x2000  }
0x315: {  	[sflag:s14] =	ssyncset.done $0x0  }
0x316: {  	[sflag:s14] =	ssyncadd.s32 $0xFFFFE000  }
0x317: {  	_ =	swait.ge [sflag:s6], $0x2000  }
0x318: {  	s28 =	simm.s32 $0x140;
	[sflag:s6] =	ssyncset.done $0x0  }
0x319: {  	s13 =	simm.s32 $0x14D80;
	s17 =	simm.s32 $0x14E00;
	[sflag:s6] =	ssyncadd.s32 $0xFFFFE000  }
0x31a: {  	s23 =	simm.s32 $0x14E80;
	s25 =	simm.s32 $0x14F00;
	_ =	swait.ge [sflag:s21], $0x2000  }
0x31b: {  	s4 =	simm.s32 $0x14F80;
	s7 =	simm.s32 $0x280;
	[sflag:s21] =	ssyncset.done $0x0  }
.LBB2_4:
0x31c: {  	s0 =	rddreg [dreg:$0x5];
	[sflag:s21] =	ssyncadd.s32 $0xFFFFE000  }
0x31d: {  	s12 =	simm.s32 $0x0;
	s18 =	simm.s32 $0x13C00;
	s9 =	sadd.s32 s28, s0  }
0x31e: {  	[tilespmem:s18], [sflag:$0xB] =	stream.linear.gather [hbm4b:s9+s12], $0xA00, $0x38;
	[tilespmem:$0x1F000] =	vst v63  }
0x31f: {  	s11 =	smov.u32 s7;
	p0 =	sne.s32 s7, $0x3C0;
	_ =	swait.ge [sflag:s15], $0xA00  }
0x320: {  	s0 =	sadd.s32 $0x140, s7;
	[sflag:s15] =	ssyncset.done $0x0;
	s9 =	rddreg [dreg:$0x4]  }
0x321: {  	[sflag:s15] =	ssyncadd.s32 $0xFFFFF600;
	s7 =	sadd.s32 s28, s9;
	s9 =	simm.s32 $0x14600  }
0x322: {  	[tilespmem:s9], [sflag:$0xB] =	stream.linear.gather [hbm4b:s7+s12], $0xA00, $0x38;
	[tilespmem:$0x1F000] =	vst v63  }
0x323: {  	_ =	swait.ge [sflag:s15], $0xA00  }
0x324: {  	[sflag:s15] =	ssyncset.done $0x0  }
0x325: {  	[sflag:s15] =	ssyncadd.s32 $0xFFFFF600  }
0x326: {  	[tilespmem:s20], [sflag:$0x1] =	stream.indirect.gather [spmem:s3], $0x40, s18, s19, $0xb8;
	[tilespmem:$0x1F000] =	vst v63  }
0x327: {  	s12 =	simm.s32 $0x13C80  }
0x328: {  	[tilespmem:s22], [sflag:$0x2] =	stream.indirect.gather [spmem:s3], $0x40, s12, s19, $0xb8;
	[tilespmem:$0x1F000] =	vst v63  }
0x329: {  	s18 =	simm.s32 $0x13D00  }
0x32a: {  	[tilespmem:s24], [sflag:$0x3] =	stream.indirect.gather [spmem:s3], $0x40, s18, s19, $0xb8;
	[tilespmem:$0x1F000] =	vst v63  }
0x32b: {  	s28 =	smov.u32 s11;
	s11 =	simm.s32 $0x13D80  }
0x32c: {  	[tilespmem:s26], [sflag:$0x4] =	stream.indirect.gather [spmem:s3], $0x40, s11, s19, $0xb8;
	[tilespmem:$0x1F000] =	vst v63  }
0x32d: {  	s12 =	simm.s32 $0x13E00  }
0x32e: {  	[tilespmem:s29], [sflag:$0x5] =	stream.indirect.gather [spmem:s3], $0x40, s12, s19, $0xb8;
	[tilespmem:$0x1F000] =	vst v63  }
0x32f: {  	_ =	swait.ge [sflag:s30], $0x2000  }
0x330: {  	[sflag:s30] =	ssyncset.done $0x0  }
0x331: {  	[sflag:s30] =	ssyncadd.s32 $0xFFFFE000  }
0x332: {  	[spmem:s1] =	stream.indirect.scatter.add.f32 [tilespmem:s20], [sflag:$0x6], $0x40, s9, s19, $0xb8;
	[tilespmem:$0x1F000] =	vst v63  }
0x333: {  	_ =	swait.ge [sflag:s31], $0x2000  }
0x334: {  	[sflag:s31] =	ssyncset.done $0x0  }
0x335: {  	s18 =	simm.s32 $0x14680;
	[sflag:s31] =	ssyncadd.s32 $0xFFFFE000  }
0x336: {  	[spmem:s1] =	stream.indirect.scatter.add.f32 [tilespmem:s22], [sflag:$0x7], $0x40, s18, s19, $0xb8;
	[tilespmem:$0x1F000] =	vst v63  }
0x337: {  	_ =	swait.ge [sflag:s2], $0x2000  }
0x338: {  	[sflag:s2] =	ssyncset.done $0x0  }
0x339: {  	s9 =	simm.s32 $0x14700;
	[sflag:s2] =	ssyncadd.s32 $0xFFFFE000  }
0x33a: {  	[spmem:s1] =	stream.indirect.scatter.add.f32 [tilespmem:s24], [sflag:$0x8], $0x40, s9, s19, $0xb8;
	[tilespmem:$0x1F000] =	vst v63  }
0x33b: {  	_ =	swait.ge [sflag:s8], $0x2000  }
0x33c: {  	[sflag:s8] =	ssyncset.done $0x0  }
0x33d: {  	s11 =	simm.s32 $0x14780;
	[sflag:s8] =	ssyncadd.s32 $0xFFFFE000  }
0x33e: {  	[spmem:s1] =	stream.indirect.scatter.add.f32 [tilespmem:s26], [sflag:$0x9], $0x40, s11, s19, $0xb8;
	[tilespmem:$0x1F000] =	vst v63  }
0x33f: {  	_ =	swait.ge [sflag:s10], $0x2000  }
0x340: {  	[sflag:s10] =	ssyncset.done $0x0  }
0x341: {  	s12 =	simm.s32 $0x14800;
	[sflag:s10] =	ssyncadd.s32 $0xFFFFE000  }
0x342: {  	[spmem:s1] =	stream.indirect.scatter.add.f32 [tilespmem:s29], [sflag:$0xA], $0x40, s12, s19, $0xb8;
	[tilespmem:$0x1F000] =	vst v63  }
0x343: {  	_ =	swait.ge [sflag:s5], $0x2000  }
0x344: {  	[sflag:s5] =	ssyncset.done $0x0  }
0x345: {  	[sflag:s5] =	ssyncadd.s32 $0xFFFFE000  }
0x346: {  	_ =	swait.ge [sflag:s16], $0x2000  }
0x347: {  	[sflag:s16] =	ssyncset.done $0x0  }
0x348: {  	[sflag:s16] =	ssyncadd.s32 $0xFFFFE000  }
0x349: {  	_ =	swait.ge [sflag:s14], $0x2000  }
0x34a: {  	[sflag:s14] =	ssyncset.done $0x0  }
0x34b: {  	[sflag:s14] =	ssyncadd.s32 $0xFFFFE000  }
0x34c: {  	_ =	swait.ge [sflag:s6], $0x2000  }
0x34d: {  	[sflag:s6] =	ssyncset.done $0x0  }
0x34e: {  	[sflag:s6] =	ssyncadd.s32 $0xFFFFE000  }
0x34f: {  	_ =	swait.ge [sflag:s21], $0x2000  }
0x350: {  	[sflag:s21] =	ssyncset.done $0x0  }
0x351: {  	s18 =	simm.s32 $0x13E80;
	[sflag:s21] =	ssyncadd.s32 $0xFFFFE000  }
0x352: {  	[tilespmem:s20], [sflag:$0x1] =	stream.indirect.gather [spmem:s3], $0x40, s18, s19, $0xb8;
	[tilespmem:$0x1F000] =	vst v63  }
0x353: {  	s9 =	simm.s32 $0x13F00  }
0x354: {  	[tilespmem:s22], [sflag:$0x2] =	stream.indirect.gather [spmem:s3], $0x40, s9, s19, $0xb8;
	[tilespmem:$0x1F000] =	vst v63  }
0x355: {  	s11 =	simm.s32 $0x13F80  }
0x356: {  	[tilespmem:s24], [sflag:$0x3] =	stream.indirect.gather [spmem:s3], $0x40, s11, s19, $0xb8;
	[tilespmem:$0x1F000] =	vst v63  }
0x357: {  	s12 =	simm.s32 $0x14000  }
0x358: {  	[tilespmem:s26], [sflag:$0x4] =	stream.indirect.gather [spmem:s3], $0x40, s12, s19, $0xb8;
	[tilespmem:$0x1F000] =	vst v63  }
0x359: {  	s18 =	simm.s32 $0x14080  }
0x35a: {  	[tilespmem:s29], [sflag:$0x5] =	stream.indirect.gather [spmem:s3], $0x40, s18, s19, $0xb8;
	[tilespmem:$0x1F000] =	vst v63  }
0x35b: {  	_ =	swait.ge [sflag:s30], $0x2000  }
0x35c: {  	[sflag:s30] =	ssyncset.done $0x0  }
0x35d: {  	s9 =	simm.s32 $0x14880;
	[sflag:s30] =	ssyncadd.s32 $0xFFFFE000  }
0x35e: {  	[spmem:s1] =	stream.indirect.scatter.add.f32 [tilespmem:s20], [sflag:$0x6], $0x40, s9, s19, $0xb8;
	[tilespmem:$0x1F000] =	vst v63  }
0x35f: {  	_ =	swait.ge [sflag:s31], $0x2000  }
0x360: {  	[sflag:s31] =	ssyncset.done $0x0  }
0x361: {  	s11 =	simm.s32 $0x14900;
	[sflag:s31] =	ssyncadd.s32 $0xFFFFE000  }
0x362: {  	[spmem:s1] =	stream.indirect.scatter.add.f32 [tilespmem:s22], [sflag:$0x7], $0x40, s11, s19, $0xb8;
	[tilespmem:$0x1F000] =	vst v63  }
0x363: {  	_ =	swait.ge [sflag:s2], $0x2000  }
0x364: {  	[sflag:s2] =	ssyncset.done $0x0  }
0x365: {  	s12 =	simm.s32 $0x14980;
	[sflag:s2] =	ssyncadd.s32 $0xFFFFE000  }
0x366: {  	[spmem:s1] =	stream.indirect.scatter.add.f32 [tilespmem:s24], [sflag:$0x8], $0x40, s12, s19, $0xb8;
	[tilespmem:$0x1F000] =	vst v63  }
0x367: {  	_ =	swait.ge [sflag:s8], $0x2000  }
0x368: {  	[sflag:s8] =	ssyncset.done $0x0  }
0x369: {  	s18 =	simm.s32 $0x14A00;
	[sflag:s8] =	ssyncadd.s32 $0xFFFFE000  }
0x36a: {  	[spmem:s1] =	stream.indirect.scatter.add.f32 [tilespmem:s26], [sflag:$0x9], $0x40, s18, s19, $0xb8;
	[tilespmem:$0x1F000] =	vst v63  }
0x36b: {  	_ =	swait.ge [sflag:s10], $0x2000  }
0x36c: {  	[sflag:s10] =	ssyncset.done $0x0  }
0x36d: {  	s9 =	simm.s32 $0x14A80;
	[sflag:s10] =	ssyncadd.s32 $0xFFFFE000  }
0x36e: {  	[spmem:s1] =	stream.indirect.scatter.add.f32 [tilespmem:s29], [sflag:$0xA], $0x40, s9, s19, $0xb8;
	[tilespmem:$0x1F000] =	vst v63  }
0x36f: {  	_ =	swait.ge [sflag:s5], $0x2000  }
0x370: {  	[sflag:s5] =	ssyncset.done $0x0  }
0x371: {  	[sflag:s5] =	ssyncadd.s32 $0xFFFFE000  }
0x372: {  	_ =	swait.ge [sflag:s16], $0x2000  }
0x373: {  	[sflag:s16] =	ssyncset.done $0x0  }
0x374: {  	[sflag:s16] =	ssyncadd.s32 $0xFFFFE000  }
0x375: {  	_ =	swait.ge [sflag:s14], $0x2000  }
0x376: {  	[sflag:s14] =	ssyncset.done $0x0  }
0x377: {  	[sflag:s14] =	ssyncadd.s32 $0xFFFFE000  }
0x378: {  	_ =	swait.ge [sflag:s6], $0x2000  }
0x379: {  	[sflag:s6] =	ssyncset.done $0x0  }
0x37a: {  	[sflag:s6] =	ssyncadd.s32 $0xFFFFE000  }
0x37b: {  	_ =	swait.ge [sflag:s21], $0x2000  }
0x37c: {  	[sflag:s21] =	ssyncset.done $0x0  }
0x37d: {  	s11 =	simm.s32 $0x14100;
	[sflag:s21] =	ssyncadd.s32 $0xFFFFE000  }
0x37e: {  	[tilespmem:s20], [sflag:$0x1] =	stream.indirect.gather [spmem:s3], $0x40, s11, s19, $0xb8;
	[tilespmem:$0x1F000] =	vst v63  }
0x37f: {  	s12 =	simm.s32 $0x14180  }
0x380: {  	[tilespmem:s22], [sflag:$0x2] =	stream.indirect.gather [spmem:s3], $0x40, s12, s19, $0xb8;
	[tilespmem:$0x1F000] =	vst v63  }
0x381: {  	s18 =	simm.s32 $0x14200  }
0x382: {  	[tilespmem:s24], [sflag:$0x3] =	stream.indirect.gather [spmem:s3], $0x40, s18, s19, $0xb8;
	[tilespmem:$0x1F000] =	vst v63  }
0x383: {  	s9 =	simm.s32 $0x14280  }
0x384: {  	[tilespmem:s26], [sflag:$0x4] =	stream.indirect.gather [spmem:s3], $0x40, s9, s19, $0xb8;
	[tilespmem:$0x1F000] =	vst v63  }
0x385: {  	s11 =	simm.s32 $0x14300  }
0x386: {  	[tilespmem:s29], [sflag:$0x5] =	stream.indirect.gather [spmem:s3], $0x40, s11, s19, $0xb8;
	[tilespmem:$0x1F000] =	vst v63  }
0x387: {  	_ =	swait.ge [sflag:s30], $0x2000  }
0x388: {  	[sflag:s30] =	ssyncset.done $0x0  }
0x389: {  	s12 =	simm.s32 $0x14B00;
	[sflag:s30] =	ssyncadd.s32 $0xFFFFE000  }
0x38a: {  	[spmem:s1] =	stream.indirect.scatter.add.f32 [tilespmem:s20], [sflag:$0x6], $0x40, s12, s19, $0xb8;
	[tilespmem:$0x1F000] =	vst v63  }
0x38b: {  	_ =	swait.ge [sflag:s31], $0x2000  }
0x38c: {  	[sflag:s31] =	ssyncset.done $0x0  }
0x38d: {  	s18 =	simm.s32 $0x14B80;
	[sflag:s31] =	ssyncadd.s32 $0xFFFFE000  }
0x38e: {  	[spmem:s1] =	stream.indirect.scatter.add.f32 [tilespmem:s22], [sflag:$0x7], $0x40, s18, s19, $0xb8;
	[tilespmem:$0x1F000] =	vst v63  }
0x38f: {  	_ =	swait.ge [sflag:s2], $0x2000  }
0x390: {  	[sflag:s2] =	ssyncset.done $0x0  }
0x391: {  	s9 =	simm.s32 $0x14C00;
	[sflag:s2] =	ssyncadd.s32 $0xFFFFE000  }
0x392: {  	[spmem:s1] =	stream.indirect.scatter.add.f32 [tilespmem:s24], [sflag:$0x8], $0x40, s9, s19, $0xb8;
	[tilespmem:$0x1F000] =	vst v63  }
0x393: {  	_ =	swait.ge [sflag:s8], $0x2000  }
0x394: {  	[sflag:s8] =	ssyncset.done $0x0  }
0x395: {  	s11 =	simm.s32 $0x14C80;
	[sflag:s8] =	ssyncadd.s32 $0xFFFFE000  }
0x396: {  	[spmem:s1] =	stream.indirect.scatter.add.f32 [tilespmem:s26], [sflag:$0x9], $0x40, s11, s19, $0xb8;
	[tilespmem:$0x1F000] =	vst v63  }
0x397: {  	_ =	swait.ge [sflag:s10], $0x2000  }
0x398: {  	[sflag:s10] =	ssyncset.done $0x0  }
0x399: {  	s12 =	simm.s32 $0x14D00;
	[sflag:s10] =	ssyncadd.s32 $0xFFFFE000  }
0x39a: {  	[spmem:s1] =	stream.indirect.scatter.add.f32 [tilespmem:s29], [sflag:$0xA], $0x40, s12, s19, $0xb8;
	[tilespmem:$0x1F000] =	vst v63  }
0x39b: {  	_ =	swait.ge [sflag:s5], $0x2000  }
0x39c: {  	[sflag:s5] =	ssyncset.done $0x0  }
0x39d: {  	[sflag:s5] =	ssyncadd.s32 $0xFFFFE000  }
0x39e: {  	_ =	swait.ge [sflag:s16], $0x2000  }
0x39f: {  	[sflag:s16] =	ssyncset.done $0x0  }
0x3a0: {  	[sflag:s16] =	ssyncadd.s32 $0xFFFFE000  }
0x3a1: {  	_ =	swait.ge [sflag:s14], $0x2000  }
0x3a2: {  	[sflag:s14] =	ssyncset.done $0x0  }
0x3a3: {  	[sflag:s14] =	ssyncadd.s32 $0xFFFFE000  }
0x3a4: {  	_ =	swait.ge [sflag:s6], $0x2000  }
0x3a5: {  	[sflag:s6] =	ssyncset.done $0x0  }
0x3a6: {  	[sflag:s6] =	ssyncadd.s32 $0xFFFFE000  }
0x3a7: {  	_ =	swait.ge [sflag:s21], $0x2000  }
0x3a8: {  	[sflag:s21] =	ssyncset.done $0x0  }
0x3a9: {  	s18 =	simm.s32 $0x14380;
	[sflag:s21] =	ssyncadd.s32 $0xFFFFE000  }
0x3aa: {  	[tilespmem:s20], [sflag:$0x1] =	stream.indirect.gather [spmem:s3], $0x40, s18, s19, $0xb8;
	[tilespmem:$0x1F000] =	vst v63  }
0x3ab: {  	s9 =	simm.s32 $0x14400  }
0x3ac: {  	[tilespmem:s22], [sflag:$0x2] =	stream.indirect.gather [spmem:s3], $0x40, s9, s19, $0xb8;
	[tilespmem:$0x1F000] =	vst v63  }
0x3ad: {  	s11 =	simm.s32 $0x14480  }
0x3ae: {  	[tilespmem:s24], [sflag:$0x3] =	stream.indirect.gather [spmem:s3], $0x40, s11, s19, $0xb8;
	[tilespmem:$0x1F000] =	vst v63  }
0x3af: {  	s12 =	simm.s32 $0x14500  }
0x3b0: {  	[tilespmem:s26], [sflag:$0x4] =	stream.indirect.gather [spmem:s3], $0x40, s12, s19, $0xb8;
	[tilespmem:$0x1F000] =	vst v63  }
0x3b1: {  	s18 =	simm.s32 $0x14580  }
0x3b2: {  	[tilespmem:s29], [sflag:$0x5] =	stream.indirect.gather [spmem:s3], $0x40, s18, s19, $0xb8;
	[tilespmem:$0x1F000] =	vst v63  }
0x3b3: {  	_ =	swait.ge [sflag:s30], $0x2000  }
0x3b4: {  	[sflag:s30] =	ssyncset.done $0x0  }
0x3b5: {  	[sflag:s30] =	ssyncadd.s32 $0xFFFFE000  }
0x3b6: {  	[spmem:s1] =	stream.indirect.scatter.add.f32 [tilespmem:s20], [sflag:$0x6], $0x40, s13, s19, $0xb8;
	[tilespmem:$0x1F000] =	vst v63  }
0x3b7: {  	_ =	swait.ge [sflag:s31], $0x2000  }
0x3b8: {  	[sflag:s31] =	ssyncset.done $0x0  }
0x3b9: {  	[sflag:s31] =	ssyncadd.s32 $0xFFFFE000  }
0x3ba: {  	[spmem:s1] =	stream.indirect.scatter.add.f32 [tilespmem:s22], [sflag:$0x7], $0x40, s17, s19, $0xb8;
	[tilespmem:$0x1F000] =	vst v63  }
0x3bb: {  	_ =	swait.ge [sflag:s2], $0x2000  }
0x3bc: {  	[sflag:s2] =	ssyncset.done $0x0  }
0x3bd: {  	[sflag:s2] =	ssyncadd.s32 $0xFFFFE000  }
0x3be: {  	[spmem:s1] =	stream.indirect.scatter.add.f32 [tilespmem:s24], [sflag:$0x8], $0x40, s23, s19, $0xb8;
	[tilespmem:$0x1F000] =	vst v63  }
0x3bf: {  	_ =	swait.ge [sflag:s8], $0x2000  }
0x3c0: {  	[sflag:s8] =	ssyncset.done $0x0  }
0x3c1: {  	[sflag:s8] =	ssyncadd.s32 $0xFFFFE000  }
0x3c2: {  	[spmem:s1] =	stream.indirect.scatter.add.f32 [tilespmem:s26], [sflag:$0x9], $0x40, s25, s19, $0xb8;
	[tilespmem:$0x1F000] =	vst v63  }
0x3c3: {  	_ =	swait.ge [sflag:s10], $0x2000  }
0x3c4: {  	[sflag:s10] =	ssyncset.done $0x0  }
0x3c5: {  	[sflag:s10] =	ssyncadd.s32 $0xFFFFE000  }
0x3c6: {  	[spmem:s1] =	stream.indirect.scatter.add.f32 [tilespmem:s29], [sflag:$0xA], $0x40, s4, s19, $0xb8;
	[tilespmem:$0x1F000] =	vst v63  }
0x3c7: {  	_ =	swait.ge [sflag:s5], $0x2000  }
0x3c8: {  	[sflag:s5] =	ssyncset.done $0x0  }
0x3c9: {  	[sflag:s5] =	ssyncadd.s32 $0xFFFFE000  }
0x3ca: {  	_ =	swait.ge [sflag:s16], $0x2000  }
0x3cb: {  	[sflag:s16] =	ssyncset.done $0x0  }
0x3cc: {  	[sflag:s16] =	ssyncadd.s32 $0xFFFFE000  }
0x3cd: {  	_ =	swait.ge [sflag:s14], $0x2000  }
0x3ce: {  	[sflag:s14] =	ssyncset.done $0x0  }
0x3cf: {  	[sflag:s14] =	ssyncadd.s32 $0xFFFFE000  }
.Ltmp1:
0x3d0: {  	_ =	swait.ge [sflag:s6], $0x2000;
	(pc) =	sbr.rel @p0 .LBB2_4-.Ltmp1, $4  }
0x3d1: {  	[sflag:s6] =	ssyncset.done $0x0  }
0x3d2: {  	[sflag:s6] =	ssyncadd.s32 $0xFFFFE000  }
0x3d3: {  	_ =	swait.ge [sflag:s21], $0x2000  }
0x3d4: {  	s7 =	smov.u32 s0;
	[sflag:s21] =	ssyncset.done $0x0  }
0x3d5: {  	s0 =	rddreg [dreg:$0x5];
	[sflag:s21] =	ssyncadd.s32 $0xFFFFE000  }
0x3d6: {  	s7 =	simm.s32 $0x0;
	s9 =	simm.s32 $0x13C00;
	s0 =	sadd.s32 s28, s0  }
0x3d7: {  	[tilespmem:s9], [sflag:$0xB] =	stream.linear.gather [hbm4b:s0+s7], $0xA00, $0x38;
	[tilespmem:$0x1F000] =	vst v63  }
0x3d8: {  	_ =	swait.ge [sflag:s15], $0xA00  }
0x3d9: {  	[sflag:s15] =	ssyncset.done $0x0;
	s11 =	rddreg [dreg:$0x4]  }
0x3da: {  	[sflag:s15] =	ssyncadd.s32 $0xFFFFF600;
	s0 =	sadd.s32 s28, s11;
	s11 =	simm.s32 $0x14600  }
0x3db: {  	[tilespmem:s11], [sflag:$0xB] =	stream.linear.gather [hbm4b:s0+s7], $0xA00, $0x38;
	[tilespmem:$0x1F000] =	vst v63  }
0x3dc: {  	_ =	swait.ge [sflag:s15], $0xA00  }
0x3dd: {  	[sflag:s15] =	ssyncset.done $0x0  }
0x3de: {  	[sflag:s15] =	ssyncadd.s32 $0xFFFFF600  }
0x3df: {  	[tilespmem:s20], [sflag:$0x1] =	stream.indirect.gather [spmem:s3], $0x40, s9, s19, $0xb8;
	[tilespmem:$0x1F000] =	vst v63  }
0x3e0: {  	s12 =	simm.s32 $0x13C80  }
0x3e1: {  	[tilespmem:s22], [sflag:$0x2] =	stream.indirect.gather [spmem:s3], $0x40, s12, s19, $0xb8;
	[tilespmem:$0x1F000] =	vst v63  }
0x3e2: {  	s18 =	simm.s32 $0x13D00  }
0x3e3: {  	[tilespmem:s24], [sflag:$0x3] =	stream.indirect.gather [spmem:s3], $0x40, s18, s19, $0xb8;
	[tilespmem:$0x1F000] =	vst v63  }
0x3e4: {  	s7 =	simm.s32 $0x13D80  }
0x3e5: {  	[tilespmem:s26], [sflag:$0x4] =	stream.indirect.gather [spmem:s3], $0x40, s7, s19, $0xb8;
	[tilespmem:$0x1F000] =	vst v63  }
0x3e6: {  	s9 =	simm.s32 $0x13E00  }
0x3e7: {  	[tilespmem:s29], [sflag:$0x5] =	stream.indirect.gather [spmem:s3], $0x40, s9, s19, $0xb8;
	[tilespmem:$0x1F000] =	vst v63  }
0x3e8: {  	_ =	swait.ge [sflag:s30], $0x2000  }
0x3e9: {  	[sflag:s30] =	ssyncset.done $0x0  }
0x3ea: {  	[sflag:s30] =	ssyncadd.s32 $0xFFFFE000  }
0x3eb: {  	[spmem:s1] =	stream.indirect.scatter.add.f32 [tilespmem:s20], [sflag:$0x6], $0x40, s11, s19, $0xb8;
	[tilespmem:$0x1F000] =	vst v63  }
0x3ec: {  	_ =	swait.ge [sflag:s31], $0x2000  }
0x3ed: {  	[sflag:s31] =	ssyncset.done $0x0  }
0x3ee: {  	s12 =	simm.s32 $0x14680;
	[sflag:s31] =	ssyncadd.s32 $0xFFFFE000  }
0x3ef: {  	[spmem:s1] =	stream.indirect.scatter.add.f32 [tilespmem:s22], [sflag:$0x7], $0x40, s12, s19, $0xb8;
	[tilespmem:$0x1F000] =	vst v63  }
0x3f0: {  	_ =	swait.ge [sflag:s2], $0x2000  }
0x3f1: {  	[sflag:s2] =	ssyncset.done $0x0  }
0x3f2: {  	s18 =	simm.s32 $0x14700;
	[sflag:s2] =	ssyncadd.s32 $0xFFFFE000  }
0x3f3: {  	[spmem:s1] =	stream.indirect.scatter.add.f32 [tilespmem:s24], [sflag:$0x8], $0x40, s18, s19, $0xb8;
	[tilespmem:$0x1F000] =	vst v63  }
0x3f4: {  	_ =	swait.ge [sflag:s8], $0x2000  }
0x3f5: {  	[sflag:s8] =	ssyncset.done $0x0  }
0x3f6: {  	s7 =	simm.s32 $0x14780;
	[sflag:s8] =	ssyncadd.s32 $0xFFFFE000  }
0x3f7: {  	[spmem:s1] =	stream.indirect.scatter.add.f32 [tilespmem:s26], [sflag:$0x9], $0x40, s7, s19, $0xb8;
	[tilespmem:$0x1F000] =	vst v63  }
0x3f8: {  	_ =	swait.ge [sflag:s10], $0x2000  }
0x3f9: {  	[sflag:s10] =	ssyncset.done $0x0  }
0x3fa: {  	s9 =	simm.s32 $0x14800;
	[sflag:s10] =	ssyncadd.s32 $0xFFFFE000  }
0x3fb: {  	[spmem:s1] =	stream.indirect.scatter.add.f32 [tilespmem:s29], [sflag:$0xA], $0x40, s9, s19, $0xb8;
	[tilespmem:$0x1F000] =	vst v63  }
0x3fc: {  	_ =	swait.ge [sflag:s5], $0x2000  }
0x3fd: {  	[sflag:s5] =	ssyncset.done $0x0  }
0x3fe: {  	[sflag:s5] =	ssyncadd.s32 $0xFFFFE000  }
0x3ff: {  	_ =	swait.ge [sflag:s16], $0x2000  }
0x400: {  	[sflag:s16] =	ssyncset.done $0x0  }
0x401: {  	[sflag:s16] =	ssyncadd.s32 $0xFFFFE000  }
0x402: {  	_ =	swait.ge [sflag:s14], $0x2000  }
0x403: {  	[sflag:s14] =	ssyncset.done $0x0  }
0x404: {  	[sflag:s14] =	ssyncadd.s32 $0xFFFFE000  }
0x405: {  	_ =	swait.ge [sflag:s6], $0x2000  }
0x406: {  	[sflag:s6] =	ssyncset.done $0x0  }
0x407: {  	[sflag:s6] =	ssyncadd.s32 $0xFFFFE000  }
0x408: {  	_ =	swait.ge [sflag:s21], $0x2000  }
0x409: {  	[sflag:s21] =	ssyncset.done $0x0  }
0x40a: {  	s11 =	simm.s32 $0x13E80;
	[sflag:s21] =	ssyncadd.s32 $0xFFFFE000  }
0x40b: {  	[tilespmem:s20], [sflag:$0x1] =	stream.indirect.gather [spmem:s3], $0x40, s11, s19, $0xb8;
	[tilespmem:$0x1F000] =	vst v63  }
0x40c: {  	s12 =	simm.s32 $0x13F00  }
0x40d: {  	[tilespmem:s22], [sflag:$0x2] =	stream.indirect.gather [spmem:s3], $0x40, s12, s19, $0xb8;
	[tilespmem:$0x1F000] =	vst v63  }
0x40e: {  	s18 =	simm.s32 $0x13F80  }
0x40f: {  	[tilespmem:s24], [sflag:$0x3] =	stream.indirect.gather [spmem:s3], $0x40, s18, s19, $0xb8;
	[tilespmem:$0x1F000] =	vst v63  }
0x410: {  	s7 =	simm.s32 $0x14000  }
0x411: {  	[tilespmem:s26], [sflag:$0x4] =	stream.indirect.gather [spmem:s3], $0x40, s7, s19, $0xb8;
	[tilespmem:$0x1F000] =	vst v63  }
0x412: {  	s9 =	simm.s32 $0x14080  }
0x413: {  	[tilespmem:s29], [sflag:$0x5] =	stream.indirect.gather [spmem:s3], $0x40, s9, s19, $0xb8;
	[tilespmem:$0x1F000] =	vst v63  }
0x414: {  	_ =	swait.ge [sflag:s30], $0x2000  }
0x415: {  	[sflag:s30] =	ssyncset.done $0x0  }
0x416: {  	s11 =	simm.s32 $0x14880;
	[sflag:s30] =	ssyncadd.s32 $0xFFFFE000  }
0x417: {  	[spmem:s1] =	stream.indirect.scatter.add.f32 [tilespmem:s20], [sflag:$0x6], $0x40, s11, s19, $0xb8;
	[tilespmem:$0x1F000] =	vst v63  }
0x418: {  	_ =	swait.ge [sflag:s31], $0x2000  }
0x419: {  	[sflag:s31] =	ssyncset.done $0x0  }
0x41a: {  	s12 =	simm.s32 $0x14900;
	[sflag:s31] =	ssyncadd.s32 $0xFFFFE000  }
0x41b: {  	[spmem:s1] =	stream.indirect.scatter.add.f32 [tilespmem:s22], [sflag:$0x7], $0x40, s12, s19, $0xb8;
	[tilespmem:$0x1F000] =	vst v63  }
0x41c: {  	_ =	swait.ge [sflag:s2], $0x2000  }
0x41d: {  	[sflag:s2] =	ssyncset.done $0x0  }
0x41e: {  	s18 =	simm.s32 $0x14980;
	[sflag:s2] =	ssyncadd.s32 $0xFFFFE000  }
0x41f: {  	[spmem:s1] =	stream.indirect.scatter.add.f32 [tilespmem:s24], [sflag:$0x8], $0x40, s18, s19, $0xb8;
	[tilespmem:$0x1F000] =	vst v63  }
0x420: {  	_ =	swait.ge [sflag:s8], $0x2000  }
0x421: {  	[sflag:s8] =	ssyncset.done $0x0  }
0x422: {  	s7 =	simm.s32 $0x14A00;
	[sflag:s8] =	ssyncadd.s32 $0xFFFFE000  }
0x423: {  	[spmem:s1] =	stream.indirect.scatter.add.f32 [tilespmem:s26], [sflag:$0x9], $0x40, s7, s19, $0xb8;
	[tilespmem:$0x1F000] =	vst v63  }
0x424: {  	_ =	swait.ge [sflag:s10], $0x2000  }
0x425: {  	[sflag:s10] =	ssyncset.done $0x0  }
0x426: {  	s9 =	simm.s32 $0x14A80;
	[sflag:s10] =	ssyncadd.s32 $0xFFFFE000  }
0x427: {  	[spmem:s1] =	stream.indirect.scatter.add.f32 [tilespmem:s29], [sflag:$0xA], $0x40, s9, s19, $0xb8;
	[tilespmem:$0x1F000] =	vst v63  }
0x428: {  	_ =	swait.ge [sflag:s5], $0x2000  }
0x429: {  	[sflag:s5] =	ssyncset.done $0x0  }
0x42a: {  	[sflag:s5] =	ssyncadd.s32 $0xFFFFE000  }
0x42b: {  	_ =	swait.ge [sflag:s16], $0x2000  }
0x42c: {  	[sflag:s16] =	ssyncset.done $0x0  }
0x42d: {  	[sflag:s16] =	ssyncadd.s32 $0xFFFFE000  }
0x42e: {  	_ =	swait.ge [sflag:s14], $0x2000  }
0x42f: {  	[sflag:s14] =	ssyncset.done $0x0  }
0x430: {  	[sflag:s14] =	ssyncadd.s32 $0xFFFFE000  }
0x431: {  	_ =	swait.ge [sflag:s6], $0x2000  }
0x432: {  	[sflag:s6] =	ssyncset.done $0x0  }
0x433: {  	[sflag:s6] =	ssyncadd.s32 $0xFFFFE000  }
0x434: {  	_ =	swait.ge [sflag:s21], $0x2000  }
0x435: {  	[sflag:s21] =	ssyncset.done $0x0  }
0x436: {  	s11 =	simm.s32 $0x14100;
	[sflag:s21] =	ssyncadd.s32 $0xFFFFE000  }
0x437: {  	[tilespmem:s20], [sflag:$0x1] =	stream.indirect.gather [spmem:s3], $0x40, s11, s19, $0xb8;
	[tilespmem:$0x1F000] =	vst v63  }
0x438: {  	s12 =	simm.s32 $0x14180  }
0x439: {  	[tilespmem:s22], [sflag:$0x2] =	stream.indirect.gather [spmem:s3], $0x40, s12, s19, $0xb8;
	[tilespmem:$0x1F000] =	vst v63  }
0x43a: {  	s18 =	simm.s32 $0x14200  }
0x43b: {  	[tilespmem:s24], [sflag:$0x3] =	stream.indirect.gather [spmem:s3], $0x40, s18, s19, $0xb8;
	[tilespmem:$0x1F000] =	vst v63  }
0x43c: {  	s7 =	simm.s32 $0x14280  }
0x43d: {  	[tilespmem:s26], [sflag:$0x4] =	stream.indirect.gather [spmem:s3], $0x40, s7, s19, $0xb8;
	[tilespmem:$0x1F000] =	vst v63  }
0x43e: {  	s9 =	simm.s32 $0x14300  }
0x43f: {  	[tilespmem:s29], [sflag:$0x5] =	stream.indirect.gather [spmem:s3], $0x40, s9, s19, $0xb8;
	[tilespmem:$0x1F000] =	vst v63  }
0x440: {  	_ =	swait.ge [sflag:s30], $0x2000  }
0x441: {  	[sflag:s30] =	ssyncset.done $0x0  }
0x442: {  	s11 =	simm.s32 $0x14B00;
	[sflag:s30] =	ssyncadd.s32 $0xFFFFE000  }
0x443: {  	[spmem:s1] =	stream.indirect.scatter.add.f32 [tilespmem:s20], [sflag:$0x6], $0x40, s11, s19, $0xb8;
	[tilespmem:$0x1F000] =	vst v63  }
0x444: {  	_ =	swait.ge [sflag:s31], $0x2000  }
0x445: {  	[sflag:s31] =	ssyncset.done $0x0  }
0x446: {  	s12 =	simm.s32 $0x14B80;
	[sflag:s31] =	ssyncadd.s32 $0xFFFFE000  }
0x447: {  	[spmem:s1] =	stream.indirect.scatter.add.f32 [tilespmem:s22], [sflag:$0x7], $0x40, s12, s19, $0xb8;
	[tilespmem:$0x1F000] =	vst v63  }
0x448: {  	_ =	swait.ge [sflag:s2], $0x2000  }
0x449: {  	[sflag:s2] =	ssyncset.done $0x0  }
0x44a: {  	s18 =	simm.s32 $0x14C00;
	[sflag:s2] =	ssyncadd.s32 $0xFFFFE000  }
0x44b: {  	[spmem:s1] =	stream.indirect.scatter.add.f32 [tilespmem:s24], [sflag:$0x8], $0x40, s18, s19, $0xb8;
	[tilespmem:$0x1F000] =	vst v63  }
0x44c: {  	_ =	swait.ge [sflag:s8], $0x2000  }
0x44d: {  	[sflag:s8] =	ssyncset.done $0x0  }
0x44e: {  	s7 =	simm.s32 $0x14C80;
	[sflag:s8] =	ssyncadd.s32 $0xFFFFE000  }
0x44f: {  	[spmem:s1] =	stream.indirect.scatter.add.f32 [tilespmem:s26], [sflag:$0x9], $0x40, s7, s19, $0xb8;
	[tilespmem:$0x1F000] =	vst v63  }
0x450: {  	_ =	swait.ge [sflag:s10], $0x2000  }
0x451: {  	[sflag:s10] =	ssyncset.done $0x0  }
0x452: {  	s9 =	simm.s32 $0x14D00;
	[sflag:s10] =	ssyncadd.s32 $0xFFFFE000  }
0x453: {  	[spmem:s1] =	stream.indirect.scatter.add.f32 [tilespmem:s29], [sflag:$0xA], $0x40, s9, s19, $0xb8;
	[tilespmem:$0x1F000] =	vst v63  }
0x454: {  	_ =	swait.ge [sflag:s5], $0x2000  }
0x455: {  	[sflag:s5] =	ssyncset.done $0x0  }
0x456: {  	[sflag:s5] =	ssyncadd.s32 $0xFFFFE000  }
0x457: {  	_ =	swait.ge [sflag:s16], $0x2000  }
0x458: {  	[sflag:s16] =	ssyncset.done $0x0  }
0x459: {  	[sflag:s16] =	ssyncadd.s32 $0xFFFFE000  }
0x45a: {  	_ =	swait.ge [sflag:s14], $0x2000  }
0x45b: {  	[sflag:s14] =	ssyncset.done $0x0  }
0x45c: {  	[sflag:s14] =	ssyncadd.s32 $0xFFFFE000  }
0x45d: {  	_ =	swait.ge [sflag:s6], $0x2000  }
0x45e: {  	[sflag:s6] =	ssyncset.done $0x0  }
0x45f: {  	[sflag:s6] =	ssyncadd.s32 $0xFFFFE000  }
0x460: {  	_ =	swait.ge [sflag:s21], $0x2000  }
0x461: {  	[sflag:s21] =	ssyncset.done $0x0  }
0x462: {  	s11 =	simm.s32 $0x14380;
	[sflag:s21] =	ssyncadd.s32 $0xFFFFE000  }
0x463: {  	[tilespmem:s20], [sflag:$0x1] =	stream.indirect.gather [spmem:s3], $0x40, s11, s19, $0xb8;
	[tilespmem:$0x1F000] =	vst v63  }
0x464: {  	s12 =	simm.s32 $0x14400  }
0x465: {  	[tilespmem:s22], [sflag:$0x2] =	stream.indirect.gather [spmem:s3], $0x40, s12, s19, $0xb8;
	[tilespmem:$0x1F000] =	vst v63  }
0x466: {  	s18 =	simm.s32 $0x14480  }
0x467: {  	[tilespmem:s24], [sflag:$0x3] =	stream.indirect.gather [spmem:s3], $0x40, s18, s19, $0xb8;
	[tilespmem:$0x1F000] =	vst v63  }
0x468: {  	s7 =	simm.s32 $0x14500  }
0x469: {  	[tilespmem:s26], [sflag:$0x4] =	stream.indirect.gather [spmem:s3], $0x40, s7, s19, $0xb8;
	[tilespmem:$0x1F000] =	vst v63  }
0x46a: {  	s9 =	simm.s32 $0x14580  }
0x46b: {  	[tilespmem:s29], [sflag:$0x5] =	stream.indirect.gather [spmem:s3], $0x40, s9, s19, $0xb8;
	[tilespmem:$0x1F000] =	vst v63  }
0x46c: {  	_ =	swait.ge [sflag:s30], $0x2000  }
0x46d: {  	[sflag:s30] =	ssyncset.done $0x0  }
0x46e: {  	[sflag:s30] =	ssyncadd.s32 $0xFFFFE000  }
0x46f: {  	[spmem:s1] =	stream.indirect.scatter.add.f32 [tilespmem:s20], [sflag:$0x6], $0x40, s13, s19, $0xb8;
	[tilespmem:$0x1F000] =	vst v63  }
0x470: {  	_ =	swait.ge [sflag:s31], $0x2000  }
0x471: {  	[sflag:s31] =	ssyncset.done $0x0  }
0x472: {  	[sflag:s31] =	ssyncadd.s32 $0xFFFFE000  }
0x473: {  	[spmem:s1] =	stream.indirect.scatter.add.f32 [tilespmem:s22], [sflag:$0x7], $0x40, s17, s19, $0xb8;
	[tilespmem:$0x1F000] =	vst v63  }
0x474: {  	_ =	swait.ge [sflag:s2], $0x2000  }
0x475: {  	[sflag:s2] =	ssyncset.done $0x0  }
0x476: {  	[sflag:s2] =	ssyncadd.s32 $0xFFFFE000  }
0x477: {  	[spmem:s1] =	stream.indirect.scatter.add.f32 [tilespmem:s24], [sflag:$0x8], $0x40, s23, s19, $0xb8;
	[tilespmem:$0x1F000] =	vst v63  }
0x478: {  	_ =	swait.ge [sflag:s8], $0x2000  }
0x479: {  	[sflag:s8] =	ssyncset.done $0x0  }
0x47a: {  	[sflag:s8] =	ssyncadd.s32 $0xFFFFE000  }
0x47b: {  	[spmem:s1] =	stream.indirect.scatter.add.f32 [tilespmem:s26], [sflag:$0x9], $0x40, s25, s19, $0xb8;
	[tilespmem:$0x1F000] =	vst v63  }
0x47c: {  	_ =	swait.ge [sflag:s10], $0x2000  }
0x47d: {  	[sflag:s10] =	ssyncset.done $0x0  }
0x47e: {  	[sflag:s10] =	ssyncadd.s32 $0xFFFFE000  }
0x47f: {  	[spmem:s1] =	stream.indirect.scatter.add.f32 [tilespmem:s29], [sflag:$0xA], $0x40, s4, s19, $0xb8;
	[tilespmem:$0x1F000] =	vst v63  }
0x480: {  	_ =	swait.ge [sflag:s5], $0x2000  }
0x481: {  	[sflag:s5] =	ssyncset.done $0x0  }
0x482: {  	[sflag:s5] =	ssyncadd.s32 $0xFFFFE000  }
0x483: {  	_ =	swait.ge [sflag:s16], $0x2000  }
0x484: {  	[sflag:s16] =	ssyncset.done $0x0  }
0x485: {  	[sflag:s16] =	ssyncadd.s32 $0xFFFFE000  }
0x486: {  	_ =	swait.ge [sflag:s14], $0x2000  }
0x487: {  	[sflag:s14] =	ssyncset.done $0x0  }
0x488: {  	[sflag:s14] =	ssyncadd.s32 $0xFFFFE000  }
0x489: {  	_ =	swait.ge [sflag:s6], $0x2000  }
0x48a: {  	[sflag:s6] =	ssyncset.done $0x0  }
0x48b: {  	[sflag:s6] =	ssyncadd.s32 $0xFFFFE000  }
0x48c: {  	_ =	swait.ge [sflag:s21], $0x2000  }
0x48d: {  	[sflag:s21] =	ssyncset.done $0x0  }
0x48e: {  	[sflag:s21] =	ssyncadd.s32 $0xFFFFE000  }
0x48f: {  	[bflag:$0x0] =	sbarrier.arrive $0xFFFF  }
0x490: {  	s28 =	rddreg [dreg:$0x7]  }
0x491: {  	s11 =	rddreg [dreg:$0xc]  }
0x492: {  	s7 =	rddreg [dreg:$0xd]  }
0x493: {  	[hbm:s11], [sflag:s28] =	dma.local [spmem:s7], $0x13C0  }
0x494: {  	_ =	swait.ge [sflag:s15], $0x13C0  }
0x495: {  	s12 =	rddreg [dreg:$0xf]  }
0x496: {  	s18 =	rddreg [dreg:$0x8];
	s9 =	sadd.s32 $0x1, s12  }
0x497: {  	p0 =	sne.s32 s9, s18  }
.Ltmp2:
0x498: {  	_ = 	snop;
	(pc) =	sbr.rel @p0 .LBB2_1-.Ltmp2, $3  }
0x499: {  	_ =	sdelay $0x1  }
0x49a: {  	[sflag:s15] =	ssyncset.done $0x0  }
0x49b: {  	[sflag:s15] =	ssyncadd.s32 $0xFFFFEC40  }
0x49c: {  	_ =	sfence.sel $0x180000  }
0x49d: {  	[bflag:$0x0] =	sbarrier.arrive $0xFFFF  }
0x49e: {  	_ =	strace $0x9000004A  }
0x49f: {  	s0 =	stileid.u32;
	[bflag:$0x2] =	sbarrier.arrive $0xFFFF  }
0x4a0: {  	p0 =	sne.s32 s0, $0x0;
	s0 =	rddreg [dreg:$0x3]  }
0x4a1: {  	s0 =	sadd.s32 @!p0 $0x100000, s0  }
0x4a2: {  	[sflag:s0] =	ssyncadd.tile.s32 @!p0 $0x1;
	_ =	shalt  }
.Lfunc_end2:
_tile_overlayer_lowered:
.L_overlay_start_2:
0x4a3: {  	(tag) =	ssettag $0x2  }
0x4a4: {  	s0 =	rddreg [dreg:$0x0];
	s2 =	stileid.u32  }
0x4a5: {  	s1 =	rddreg [dreg:$0x1];
	p0 =	sne.s32 s2, $0x0  }
0x4a6: {  	s3 =	rddreg [dreg:$0x2];
	[bflag:$0x3] =	sbarrier.arrive $0xFFFF;
	s2 =	simm.s32 @!p0 $0x1C0B  }
0x4a7: {  	[timem:s3], [sflag:s2] =	dma.local @!p0 [hbm:s0], s1  }
0x4a8: {  	s0 =	simm.s32 @!p0 $0xB  }
0x4a9: {  	_ =	swait.ge @!p0 [sflag:s0], s1  }
0x4aa: {  	s1 =	ssub.s32 @!p0 $0x0, s1;
	[sflag:s0] =	ssyncset.done @!p0 $0x0  }
0x4ab: {  	[sflag:s0] =	ssyncadd.s32 @!p0 s1  }
0x4ac: {  	[bflag:$0x3] =	sbarrier.arrive $0xFFFF  }
0x4ad: {  	_ =	shalt  }

// kernel: kernel.16.cloned.1.call-start
scs
__scs_entry_jumppad:
0x0: {  	(pc) =	sbr.rel $0x88, $3  }
0x1: {  	(tag) =	ssettag $0x0;
	lr =	simm.s32 $0x1  }
0x2: {  	[smem:$0x3F94] =	sst lr;
	_ =	strace $0xD0000000  }
0x3: {  	_ = 	snop  }
0x4: {  	_ = 	snop  }
0x5: {  	_ = 	snop  }
0x6: {  	_ = 	snop  }
0x7: {  	_ = 	snop  }
__scs_overlays_trampoline_lowered:
0x8: {  	[smem:$0x3FA3] =	sst s0  }
0x9: {  	[smem:$0x3FA4] =	sst s1  }
0xa: {  	[smem:$0x3FA5] =	sst s2  }
0xb: {  	[smem:$0x3FA6] =	sst s3  }
0xc: {  	[smem:$0x3FA7] =	sst s4  }
0xd: {  	[smem:$0x3FA8] =	sst s5  }
0xe: {  	[smem:$0x3FA9] =	sst s6  }
0xf: {  	[smem:$0x3FAA] =	sst s7  }
0x10: {  	[smem:$0x3FAB] =	sst s8  }
0x11: {  	[smem:$0x3FAC] =	sst s9;
	s0 =	simm.s32 @!p0 $0x0  }
0x12: {  	s1 =	sld [smem:$0x3F92];
	s0 =	simm.s32 @p0 $0x1  }
0x13: {  	[smem:$0x3FAD] =	sst s0;
	s0 =	simm.s32 @!p1 $0x0  }
0x14: {  	s2 =	sld [smem:$0x3F91];
	s0 =	simm.s32 @p1 $0x1  }
0x15: {  	[smem:$0x3FAE] =	sst s0;
	s0 =	simm.s32 @!p2 $0x0  }
0x16: {  	s3 =	sld [smem:$0x3FDB];
	s0 =	simm.s32 @p2 $0x1  }
0x17: {  	s4 =	simm.s32 $0x1BF5;
	[smem:$0x3FB0] =	sst s0  }
0x18: {  	s0 =	sld [smem:$0x3F93];
	_ =	swait.ge [sflag:s4], $0x0  }
0x19: {  	s7 =	sld [smem:$0x3F94]  }
0x1a: {  	s8 =	sadd.s32 $0xFFFFE003, lr  }
0x1b: {  	s9 =	sadd.s32 $0xFFFFFEF7, lr;
	s5 =	simm.s32 $0xFFFFFFFF;
	p2 =	slt.u32 s8, $0xFFFFF086  }
0x1c: {  	p1 =	slt.u32 s9, $0xF7A;
	s5 =	simm.s32 @!p2 $0x0  }
0x1d: {  	s5 =	simm.s32 @p1 $0x1;
	p0 =	seq.s32 s7, s2  }
0x1e: {  	s7 =	smul.u32 @!p0 $0xF7A, s2;
	p2 =	seq.s32 @!p0 s5, $0x0  }
0x1f: {  	s9 =	smul.u32 $0xF7A, s1;
	s8 =	simm.s32 @!p0 $0x1BF5;
	p2 =	por !p2, p0  }
0x20: {  	[sflag:s8] =	ssyncset.s32 @!p0 $0xFFFFF086;
	s6 =	sadd.s32 @!p0 s3, s7;
	s7 =	simm.s32 @!p0 $0x108  }
0x21: {  	s3 =	sadd.s32 s3, s9;
	s6 =	sadd.s32 @!p0 $0x88, s6;
	s7 =	simm.s32 @p2 $0x1082  }
0x22: {  	[simem:s7], [sflag:s8] =	dma.local @!p0 [hbm:s6], $0xF7A  }
0x23: {  	s9 =	sor.u32 $0xD0000000, s2;
	s6 =	simm.s32 $0x108;
	_ =	swait.ge @!p0 [sflag:s8], $0x0  }
0x24: {  	s3 =	sadd.s32 $0x88, s3;
	s6 =	simm.s32 @!p1 $0x1082;
	[sflag:s4] =	ssyncset.s32 $0xFFFFF086  }
0x25: {  	[simem:s6], [sflag:s4] =	dma.local [hbm:s3], $0xF7A  }
0x26: {  	[smem:$0x3F94] =	sst s1;
	(tag) =	ssettag s2;
	_ =	strace s9  }
0x27: {  	s1 =	sld [smem:$0x3FA4]  }
0x28: {  	s2 =	sld [smem:$0x3FA5]  }
0x29: {  	s4 =	sld [smem:$0x3FA7]  }
0x2a: {  	p0 =	seq.s32 s5, $0x0;
	s5 =	sld [smem:$0x3FA8]  }
0x2b: {  	s6 =	sld [smem:$0x3FA9]  }
0x2c: {  	s7 =	sld [smem:$0x3FAA]  }
0x2d: {  	s3 =	simm.s32 $0x108;
	s8 =	sld [smem:$0x3FAB]  }
0x2e: {  	s3 =	simm.s32 @!p0 $0x1082;
	s9 =	sld [smem:$0x3FAC]  }
0x2f: {  	lr =	sadd.s32 s0, s3;
	s0 =	sld [smem:$0x3FA3]  }
0x30: {  	s3 =	sld [smem:$0x3FA6]  }
0x31: {  	[smem:$0x3FAF] =	sst s10  }
0x32: {  	s10 =	sld [smem:$0x3FAD];
	_ =	sdelay $0x3  }
0x33: {  	p0 =	seq.s32 s10, $0x1;
	s10 =	sld [smem:$0x3FAF];
	_ =	sdelay $0x3  }
0x34: {  	[smem:$0x3FAF] =	sst s10  }
0x35: {  	s10 =	sld [smem:$0x3FAE];
	_ =	sdelay $0x3  }
0x36: {  	p1 =	seq.s32 s10, $0x1;
	s10 =	sld [smem:$0x3FAF];
	_ =	sdelay $0x3  }
0x37: {  	[smem:$0x3FAF] =	sst s10  }
0x38: {  	s10 =	sld [smem:$0x3FB0]  }
0x39: {  	_ = 	snop;
	(pc) =	sbr.ind lr, $3  }
0x3a: {  	_ = 	snop  }
0x3b: {  	_ = 	snop  }
0x3c: {  	p2 =	seq.s32 s10, $0x1;
	s10 =	sld [smem:$0x3FAF]  }
0x3d: {  	_ =	shalt  }
0x3e: {  	_ =	shalt  }
0x3f: {  	_ =	shalt  }
0x40: {  	_ =	shalt  }
0x41: {  	_ =	shalt  }
0x42: {  	_ =	shalt  }
0x43: {  	_ =	shalt  }
0x44: {  	_ =	shalt  }
0x45: {  	_ =	shalt  }
0x46: {  	_ =	shalt  }
0x47: {  	_ =	shalt  }
0x48: {  	_ =	shalt  }
0x49: {  	_ =	shalt  }
0x4a: {  	_ =	shalt  }
0x4b: {  	_ =	shalt  }
0x4c: {  	_ =	shalt  }
0x4d: {  	_ =	shalt  }
0x4e: {  	_ =	shalt  }
0x4f: {  	_ =	shalt  }
0x50: {  	_ =	shalt  }
0x51: {  	_ =	shalt  }
0x52: {  	_ =	shalt  }
0x53: {  	_ =	shalt  }
0x54: {  	_ =	shalt  }
0x55: {  	_ =	shalt  }
0x56: {  	_ =	shalt  }
0x57: {  	_ =	shalt  }
0x58: {  	_ =	shalt  }
0x59: {  	_ =	shalt  }
0x5a: {  	_ =	shalt  }
0x5b: {  	_ =	shalt  }
0x5c: {  	_ =	shalt  }
0x5d: {  	_ =	shalt  }
0x5e: {  	_ =	shalt  }
0x5f: {  	_ =	shalt  }
0x60: {  	_ =	shalt  }
0x61: {  	_ =	shalt  }
0x62: {  	_ =	shalt  }
0x63: {  	_ =	shalt  }
0x64: {  	_ =	shalt  }
0x65: {  	_ =	shalt  }
0x66: {  	_ =	shalt  }
0x67: {  	_ =	shalt  }
0x68: {  	_ =	shalt  }
0x69: {  	_ =	shalt  }
0x6a: {  	_ =	shalt  }
0x6b: {  	_ =	shalt  }
0x6c: {  	_ =	shalt  }
0x6d: {  	_ =	shalt  }
0x6e: {  	_ =	shalt  }
0x6f: {  	_ =	shalt  }
0x70: {  	_ =	shalt  }
0x71: {  	_ =	shalt  }
0x72: {  	_ =	shalt  }
0x73: {  	_ =	shalt  }
0x74: {  	_ =	shalt  }
0x75: {  	_ =	shalt  }
0x76: {  	_ =	shalt  }
0x77: {  	_ =	shalt  }
0x78: {  	_ =	shalt  }
0x79: {  	_ =	shalt  }
0x7a: {  	_ =	shalt  }
0x7b: {  	_ =	shalt  }
0x7c: {  	_ =	shalt  }
0x7d: {  	_ =	shalt  }
0x7e: {  	_ =	shalt  }
0x7f: {  	_ =	shalt  }
0x80: {  	_ =	shalt  }
0x81: {  	_ =	shalt  }
0x82: {  	_ =	shalt  }
0x83: {  	_ =	shalt  }
0x84: {  	_ =	shalt  }
0x85: {  	_ =	shalt  }
0x86: {  	_ =	shalt  }
0x87: {  	_ =	shalt  }
.Lfunc_end0:
.L_simem_size_0:
called_computation.2_lowered:
.L_overlay_start_0:
0x88: {  	s2 =	sld [smem:$0x3FD9]  }
0x89: {  	s3 =	sld [smem:$0x3FFE];
	_ =	sdelay $0x1  }
0x8a: {  	s1 =	srdreg.scid  }
0x8b: {  	s0 =	sand.u32 $0x1, s1  }
0x8c: {  	s16 =	sshll.u32 s0, $0xA;
	s2 =	sadd.s32 s3, s2  }
0x8d: {  	s2 =	sadd.s32 s2, s16  }
0x8e: {  	[smem:$0x3FBB] =	sst s2  }
0x8f: {  	_ = 	snop  }
0x90: {  	(tm) =	ssettm $0x1  }
0x91: {  	s17 =	sld [smem:$0x3FFB];
	_ =	sdelay $0x3  }
0x92: {  	_ =	strace s17  }
0x93: {  	s2 =	sld [smem:$0x3FFC];
	_ =	sdelay $0x3  }
0x94: {  	_ =	strace s2  }
0x95: {  	s2 =	sld [smem:$0x3FFD];
	_ =	sdelay $0x3  }
0x96: {  	_ =	strace s2  }
0x97: {  	_ =	strace $0x8FFFFFFF  }
0x98: {  	s18 =	sld [smem:$0x3FDB];
	_ =	sdelay $0x1  }
0x99: {  	s19 =	simm.s32 $_scs_section_size  }
0x9a: {  	s4 =	simm.s32 $_size__tile_overlayer_lowered;
	s5 =	simm.s32 $_tile_overlayer_lowered  }
0x9b: {  	s22 =	simm.s32 $0x1BFF;
	s21 =	sshll.u32 s5, $0x1;
	s2 =	sadd.s32 s19, s18  }
0x9c: {  	s6 =	simm.s32 $0x0;
	s20 =	sshll.u32 s4, $0x1;
	s4 =	sadd.s32 s21, s2  }
0x9d: {  	[timem:s6], [sflag:s22] =	dma.local [hbm:s4], s20  }
0x9e: {  	_ =	swait.ge [sflag:s22], s20  }
0x9f: {  	s3 =	ssub.s32 $0x0, s20;
	[sflag:s22] =	ssyncset.done $0x0  }
0xa0: {  	[sflag:s22] =	ssyncadd.s32 s3;
	_ =	sdelay $0x1  }
0xa1: {  	s23 =	simm.s32 $0x1B8B  }
0xa2: {  	_ =	swait.ge [sflag:s23], $0x1  }
0xa3: {  	[sflag:s23] =	ssyncset.done $0x0  }
0xa4: {  	s25 =	simm.s32 $0x1B8E;
	s24 =	sld [smem:$0x3FFE];
	[sflag:s23] =	ssyncadd.s32 $0xFFFFFFFF  }
0xa5: {  	s26 =	simm.s32 $execute0_lowered;
	[smem:$0x3FD2] =	sst s25  }
0xa6: {  	s4 =	sshll.u32 s26, $0x1;
	_ =	strace $0x8000004C;
	[dreg:$0x1] =	wrdreg $0xFFFFFFFF  }
0xa7: {  	s28 =	simm.s32 $_size_execute0_lowered;
	s2 =	sadd.s32 s2, s4;
	[dreg:$0x0] =	wrdreg $0x0  }
0xa8: {  	s4 =	sshll.u32 s28, $0x1;
	[dreg:$0x2] =	wrdreg s2  }
0xa9: {  	[dreg:$0x3] =	wrdreg s4  }
0xaa: {  	[dreg:$0x4] =	wrdreg $0xC0  }
0xab: {  	_ =	task [dreg:s6], $0x5FFFF  }
0xac: {  	[dreg:$0x1] =	wrdreg $0xFFFFFFFF  }
0xad: {  	[dreg:$0x0] =	wrdreg $0x60  }
0xae: {  	[dreg:$0x2] =	wrdreg s24  }
0xaf: {  	[dreg:$0x3] =	wrdreg $0x0  }
0xb0: {  	[dreg:$0x4] =	wrdreg $0x4F000  }
0xb1: {  	[dreg:$0x5] =	wrdreg $0x9  }
0xb2: {  	_ =	task.clear_ibuf [dreg:s6], $0x6FFFF;
	_ =	strace $0x9000004C  }
0xb3: {  	s29 =	simm.s32 $0x9;
	_ =	strace $0x8000004E  }
0xb4: {  	_ =	swait.ge [sflag:s29], $0x1  }
0xb5: {  	[sflag:s29] =	ssyncadd.s32 $0xFFFFFFFF  }
0xb6: {  	_ =	strace $0x9000004E  }
0xb7: {  	_ =	sfence  }
0xb8: {  	s30 =	sld [smem:$0x0];
	_ =	sdelay $0x2  }
0xb9: {  	s31 =	sshll.u32 s1, $0xD;
	s1 =	sshrl.u32 s1, $0x2  }
0xba: {  	s3 =	sand.u32 $0x4000, s31;
	s1 =	sadd.s32 s1, s30  }
0xbb: {  	s0 =	sor.u32 s3, s0;
	s1 =	sshll.u32 s1, $0x11  }
0xbc: {  	s0 =	sor.u32 s1, s0  }
0xbd: {  	s0 =	sadd.s32 $0x8F2B, s0  }
0xbe: {  	[sflag:s0] =	ssyncadd.remote.s32 $0x1  }
0xbf: {  	_ =	sfence.sel $0xFFFF  }
0xc0: {  	[dreg:$0x0] =	wrdreg $0xFFFFFFFF;
	(pc) =	sbr.abs _section_cstart, $3  }
0xc1: {  	[dreg:$0x1] =	wrdreg $0xFFFFFFFF  }
0xc2: {  	_ =	task.clear_ibuf [dreg:s6], $0x2FFFF;
	_ =	strace $0x9FFFFFFF  }
0xc3: {  	(tm) =	ssettm $0x7FFFFFFF  }
tec
execute0_lowered:
.L_overlay_start_1:
0x0: {  	(tag) =	ssettag $0x1  }
0x1: {  	s0 =	rddreg [dreg:$0x0]  }
0x2: {  	s1 =	rddreg [dreg:$0x1]  }
0x3: {  	s3 =	rddreg [dreg:$0x2]  }
0x4: {  	s4 =	simm.s32 $0x0;
	s15 =	stileid.u32;
	s7 =	srdreg.scid  }
0x5: {  	s20 =	simm.s32 $0x9E80;
	s21 =	simm.s32 $0x9F00;
	s22 =	simm.s32 $0x9F80  }
0x6: {  	s23 =	simm.s32 $0xA680;
	s25 =	simm.s32 $0xA700;
	[smem:$0x7FF] =	sst s4  }
0x7: {  	s26 =	simm.s32 $0xA780;
	_ =	strace $0x8000004D;
	[dreg:$0x6] =	wrdreg s20  }
0x8: {  	s16 =	simm.s32 $0xA880;
	s17 =	simm.s32 $0xA900;
	[dreg:$0x7] =	wrdreg s21  }
0x9: {  	s28 =	simm.s32 $0x8;
	s29 =	simm.s32 $0xA400;
	[dreg:$0x8] =	wrdreg s22  }
0xa: {  	s30 =	simm.s32 $0xA480;
	s2 =	smul.u32 $0x4F00, s15;
	[dreg:$0x9] =	wrdreg s23  }
0xb: {  	s31 =	simm.s32 $0xA500;
	s6 =	smul.u32 $0x500, s15;
	[dreg:$0xa] =	wrdreg s25  }
0xc: {  	s19 =	sshll.u32 s15, $0x6;
	s15 =	simm.s32 $0xA800;
	[dreg:$0xb] =	wrdreg s26  }
0xd: {  	s5 =	sadd.s32 $0x1600, s0;
	s8 =	sadd.s32 $0x15600, s0;
	[dreg:$0x10] =	wrdreg s15  }
0xe: {  	s7 =	sand.u32 $0x1, s7;
	s12 =	sadd.s32 $0xD1000, s0;
	[dreg:$0x11] =	wrdreg s16  }
0xf: {  	s11 =	ssub.s32 $0x2, s7;
	p0 =	seq.s32 s7, $0x0;
	[dreg:$0x12] =	wrdreg s17  }
0x10: {  	s15 =	simm.s32 $0x80;
	s16 =	simm.s32 $0xAE00;
	s20 =	simm.s32 $0xA280  }
0x11: {  	s17 =	simm.s32 $0xBE00;
	s21 =	simm.s32 $0xA300;
	s22 =	simm.s32 $0xA380  }
0x12: {  	s23 =	simm.s32 $0xAA00;
	s25 =	simm.s32 $0xAB00;
	s26 =	simm.s32 $0xAB80  }
0x13: {  	s9 =	sshrl.u32 s2, $0x3;
	s6 =	sadd.s32 s6, s0;
	[dreg:$0x15] =	wrdreg s20  }
0x14: {  	s13 =	sshrl.u32 s11, $0x1;
	s18 =	sadd.s32 s2, s1;
	[dreg:$0x16] =	wrdreg s21  }
0x15: {  	s2 =	sadd.s32 s2, s3;
	s8 =	smov.u32 @p0 s5;
	[dreg:$0x17] =	wrdreg s22  }
0x16: {  	s20 =	simm.s32 $0x1;
	[dreg:$0x18] =	wrdreg s23;
	s21 =	simm.s32 $0x2  }
0x17: {  	s22 =	simm.s32 $0x3;
	[dreg:$0x1a] =	wrdreg s25;
	s23 =	simm.s32 $0x4  }
0x18: {  	[dreg:$0x1b] =	wrdreg s26;
	s25 =	simm.s32 $0x6;
	s14 =	sadd.s32 $0xB600, s6  }
0x19: {  	s26 =	simm.s32 $0x7;
	s6 =	sadd.s32 $0x10600, s6;
	[dreg:$0x4] =	wrdreg s14  }
0x1a: {  	s5 =	simm.s32 $0xAC80;
	s7 =	sadd.s32 s8, s9;
	[dreg:$0x5] =	wrdreg s6  }
0x1b: {  	s10 =	sadd.s32 s9, s0;
	s8 =	simm.s32 $0xA000;
	[dreg:$0x1f] =	wrdreg s7  }
0x1c: {  	s0 =	sadd.s32 $0xC7200, s0;
	s2 =	sshrl.u32 s2, $0x3;
	[dreg:$0xc] =	wrdreg s8  }
0x1d: {  	s11 =	ssub.s32 s11, s13;
	s10 =	sadd.s32 $0x1F400, s10;
	[smem:$0x7FC] =	sst s2  }
0x1e: {  	s13 =	simm.s32 $0x9E00;
	s24 =	smax.u32 s11, $0x1;
	[dreg:$0x1c] =	wrdreg s10  }
0x1f: {  	s0 =	smov.u32 @p0 s12;
	s11 =	simm.s32 $0xA080;
	[dreg:$0x1e] =	wrdreg s24  }
0x20: {  	s12 =	simm.s32 $0xA100;
	s14 =	simm.s32 $0xA180;
	[dreg:$0xd] =	wrdreg s11  }
0x21: {  	s2 =	simm.s32 $0xAC00;
	s7 =	simm.s32 $0xAD00;
	[dreg:$0xe] =	wrdreg s12  }
0x22: {  	s8 =	simm.s32 $0xAD80;
	s0 =	sadd.s32 s0, s9;
	[dreg:$0xf] =	wrdreg s14  }
0x23: {  	s9 =	sshrl.u32 s18, $0x3;
	s18 =	simm.s32 $0xA980;
	[smem:$0x7FB] =	sst s0  }
0x24: {  	s10 =	sor.u32 $0x1C09, s19;
	s19 =	simm.s32 $0xA200;
	[dreg:$0x13] =	wrdreg s18  }
0x25: {  	s11 =	simm.s32 $0x9;
	s24 =	simm.s32 $0xAA80;
	[dreg:$0x14] =	wrdreg s19  }
0x26: {  	s14 =	simm.s32 $0xA600;
	s12 =	simm.s32 $0x0;
	[dreg:$0x19] =	wrdreg s24  }
0x27: {  	s18 =	simm.s32 $0xCE00;
	s19 =	simm.s32 $0xDE00;
	[dreg:$0x1d] =	wrdreg s10  }
0x28: {  	s24 =	simm.s32 $0x5;
	s0 =	simm.s32 $0xA580;
	[smem:$0x7FD] =	sst s9  }
.LBB2_1:
0x29: {  	[smem:$0x7FA] =	sst s12  }
0x2a: {  	s6 =	rddreg [dreg:$0x1c]  }
0x2b: {  	[spmem:s9], [sflag:s10] =	dma.local [hbm:s6], $0x9E0  }
0x2c: {  	_ =	swait.ge [sflag:s11], $0x9E0  }
0x2d: {  	s12 =	sld [smem:$0x7FC]  }
0x2e: {  	[sflag:s11] =	ssyncset.done $0x0  }
0x2f: {  	s9 =	rddreg [dreg:$0x1f];
	[sflag:s11] =	ssyncadd.s32 $0xFFFFF620  }
0x30: {  	[spmem:s12], [sflag:s10] =	dma.local [hbm:s9], $0x9E0  }
0x31: {  	_ =	swait.ge [sflag:s11], $0x9E0  }
0x32: {  	[sflag:s11] =	ssyncset.done $0x0  }
0x33: {  	[sflag:s11] =	ssyncadd.s32 $0xFFFFF620  }
0x34: {  	[bflag:$0x0] =	sbarrier.arrive $0xFFFF  }
0x35: {  	s12 =	rddreg [dreg:$0x5]  }
0x36: {  	s6 =	sadd.s32 $0x0, s12  }
0x37: {  	[tilespmem:s13], [sflag:$0x9] =	stream.linear.gather [hbm4b:s6+s4], $0x800, $0x38;
	[tilespmem:$0xEE00] =	vst v63  }
0x38: {  	_ =	swait.ge [sflag:s11], $0x800  }
0x39: {  	s9 =	rddreg [dreg:$0x4];
	[sflag:s11] =	ssyncset.done $0x0  }
0x3a: {  	[sflag:s11] =	ssyncadd.s32 $0xFFFFF800;
	s6 =	sadd.s32 $0x0, s9  }
0x3b: {  	[tilespmem:s14], [sflag:$0x9] =	stream.linear.gather [hbm4b:s6+s4], $0x800, $0x38;
	[tilespmem:$0xEE00] =	vst v63  }
0x3c: {  	_ =	swait.ge [sflag:s11], $0x800  }
0x3d: {  	[sflag:s11] =	ssyncset.done $0x0  }
0x3e: {  	[sflag:s11] =	ssyncadd.s32 $0xFFFFF800  }
0x3f: {  	[tilespmem:s16], [sflag:$0x1] =	stream.indirect.gather [spmem:s3], $0x20, s13, s15, $0xb8;
	[tilespmem:$0xEE00] =	vst v63  }
0x40: {  	s10 =	rddreg [dreg:$0x6]  }
0x41: {  	[tilespmem:s17], [sflag:$0x2] =	stream.indirect.gather [spmem:s3], $0x20, s10, s15, $0xb8;
	[tilespmem:$0xEE00] =	vst v63  }
0x42: {  	s12 =	rddreg [dreg:$0x7]  }
0x43: {  	[tilespmem:s18], [sflag:$0x3] =	stream.indirect.gather [spmem:s3], $0x20, s12, s15, $0xb8;
	[tilespmem:$0xEE00] =	vst v63  }
0x44: {  	s9 =	rddreg [dreg:$0x8]  }
0x45: {  	[tilespmem:s19], [sflag:$0x4] =	stream.indirect.gather [spmem:s3], $0x20, s9, s15, $0xb8;
	[tilespmem:$0xEE00] =	vst v63  }
0x46: {  	_ =	swait.ge [sflag:s20], $0x1000  }
0x47: {  	[sflag:s20] =	ssyncset.done $0x0  }
0x48: {  	[sflag:s20] =	ssyncadd.s32 $0xFFFFF000  }
0x49: {  	[spmem:s1] =	stream.indirect.scatter.add.f32 [tilespmem:s16], [sflag:$0x5], $0x20, s14, s15, $0xb8;
	[tilespmem:$0xEE00] =	vst v63  }
0x4a: {  	_ =	swait.ge [sflag:s21], $0x1000  }
0x4b: {  	[sflag:s21] =	ssyncset.done $0x0  }
0x4c: {  	s12 =	rddreg [dreg:$0x9];
	[sflag:s21] =	ssyncadd.s32 $0xFFFFF000  }
0x4d: {  	[spmem:s1] =	stream.indirect.scatter.add.f32 [tilespmem:s17], [sflag:$0x6], $0x20, s12, s15, $0xb8;
	[tilespmem:$0xEE00] =	vst v63  }
0x4e: {  	_ =	swait.ge [sflag:s22], $0x1000  }
0x4f: {  	[sflag:s22] =	ssyncset.done $0x0  }
0x50: {  	s9 =	rddreg [dreg:$0xa];
	[sflag:s22] =	ssyncadd.s32 $0xFFFFF000  }
0x51: {  	[spmem:s1] =	stream.indirect.scatter.add.f32 [tilespmem:s18], [sflag:$0x7], $0x20, s9, s15, $0xb8;
	[tilespmem:$0xEE00] =	vst v63  }
0x52: {  	_ =	swait.ge [sflag:s23], $0x1000  }
0x53: {  	[sflag:s23] =	ssyncset.done $0x0  }
0x54: {  	s10 =	rddreg [dreg:$0xb];
	[sflag:s23] =	ssyncadd.s32 $0xFFFFF000  }
0x55: {  	[spmem:s1] =	stream.indirect.scatter.add.f32 [tilespmem:s19], [sflag:$0x8], $0x20, s10, s15, $0xb8;
	[tilespmem:$0xEE00] =	vst v63  }
0x56: {  	_ =	swait.ge [sflag:s24], $0x1000  }
0x57: {  	[sflag:s24] =	ssyncset.done $0x0  }
0x58: {  	[sflag:s24] =	ssyncadd.s32 $0xFFFFF000  }
0x59: {  	_ =	swait.ge [sflag:s25], $0x1000  }
0x5a: {  	[sflag:s25] =	ssyncset.done $0x0  }
0x5b: {  	[sflag:s25] =	ssyncadd.s32 $0xFFFFF000  }
0x5c: {  	_ =	swait.ge [sflag:s26], $0x1000  }
0x5d: {  	[sflag:s26] =	ssyncset.done $0x0  }
0x5e: {  	[sflag:s26] =	ssyncadd.s32 $0xFFFFF000  }
0x5f: {  	_ =	swait.ge [sflag:s28], $0x1000  }
0x60: {  	[sflag:s28] =	ssyncset.done $0x0  }
0x61: {  	s12 =	rddreg [dreg:$0xc];
	[sflag:s28] =	ssyncadd.s32 $0xFFFFF000  }
0x62: {  	[tilespmem:s16], [sflag:$0x1] =	stream.indirect.gather [spmem:s3], $0x20, s12, s15, $0xb8;
	[tilespmem:$0xEE00] =	vst v63  }
0x63: {  	s9 =	rddreg [dreg:$0xd]  }
0x64: {  	[tilespmem:s17], [sflag:$0x2] =	stream.indirect.gather [spmem:s3], $0x20, s9, s15, $0xb8;
	[tilespmem:$0xEE00] =	vst v63  }
0x65: {  	s12 =	rddreg [dreg:$0xe]  }
0x66: {  	[tilespmem:s18], [sflag:$0x3] =	stream.indirect.gather [spmem:s3], $0x20, s12, s15, $0xb8;
	[tilespmem:$0xEE00] =	vst v63  }
0x67: {  	s9 =	rddreg [dreg:$0xf]  }
0x68: {  	[tilespmem:s19], [sflag:$0x4] =	stream.indirect.gather [spmem:s3], $0x20, s9, s15, $0xb8;
	[tilespmem:$0xEE00] =	vst v63  }
0x69: {  	_ =	swait.ge [sflag:s20], $0x1000  }
0x6a: {  	[sflag:s20] =	ssyncset.done $0x0  }
0x6b: {  	s10 =	rddreg [dreg:$0x10];
	[sflag:s20] =	ssyncadd.s32 $0xFFFFF000  }
0x6c: {  	[spmem:s1] =	stream.indirect.scatter.add.f32 [tilespmem:s16], [sflag:$0x5], $0x20, s10, s15, $0xb8;
	[tilespmem:$0xEE00] =	vst v63  }
0x6d: {  	_ =	swait.ge [sflag:s21], $0x1000  }
0x6e: {  	[sflag:s21] =	ssyncset.done $0x0  }
0x6f: {  	s12 =	rddreg [dreg:$0x11];
	[sflag:s21] =	ssyncadd.s32 $0xFFFFF000  }
0x70: {  	[spmem:s1] =	stream.indirect.scatter.add.f32 [tilespmem:s17], [sflag:$0x6], $0x20, s12, s15, $0xb8;
	[tilespmem:$0xEE00] =	vst v63  }
0x71: {  	_ =	swait.ge [sflag:s22], $0x1000  }
0x72: {  	[sflag:s22] =	ssyncset.done $0x0  }
0x73: {  	s9 =	rddreg [dreg:$0x12];
	[sflag:s22] =	ssyncadd.s32 $0xFFFFF000  }
0x74: {  	[spmem:s1] =	stream.indirect.scatter.add.f32 [tilespmem:s18], [sflag:$0x7], $0x20, s9, s15, $0xb8;
	[tilespmem:$0xEE00] =	vst v63  }
0x75: {  	_ =	swait.ge [sflag:s23], $0x1000  }
0x76: {  	[sflag:s23] =	ssyncset.done $0x0  }
0x77: {  	s10 =	rddreg [dreg:$0x13];
	[sflag:s23] =	ssyncadd.s32 $0xFFFFF000  }
0x78: {  	[spmem:s1] =	stream.indirect.scatter.add.f32 [tilespmem:s19], [sflag:$0x8], $0x20, s10, s15, $0xb8;
	[tilespmem:$0xEE00] =	vst v63  }
0x79: {  	_ =	swait.ge [sflag:s24], $0x1000  }
0x7a: {  	[sflag:s24] =	ssyncset.done $0x0  }
0x7b: {  	[sflag:s24] =	ssyncadd.s32 $0xFFFFF000  }
0x7c: {  	_ =	swait.ge [sflag:s25], $0x1000  }
0x7d: {  	[sflag:s25] =	ssyncset.done $0x0  }
0x7e: {  	[sflag:s25] =	ssyncadd.s32 $0xFFFFF000  }
0x7f: {  	_ =	swait.ge [sflag:s26], $0x1000  }
0x80: {  	[sflag:s26] =	ssyncset.done $0x0  }
0x81: {  	[sflag:s26] =	ssyncadd.s32 $0xFFFFF000  }
0x82: {  	_ =	swait.ge [sflag:s28], $0x1000  }
0x83: {  	[sflag:s28] =	ssyncset.done $0x0  }
0x84: {  	s12 =	rddreg [dreg:$0x14];
	[sflag:s28] =	ssyncadd.s32 $0xFFFFF000  }
0x85: {  	[tilespmem:s16], [sflag:$0x1] =	stream.indirect.gather [spmem:s3], $0x20, s12, s15, $0xb8;
	[tilespmem:$0xEE00] =	vst v63  }
0x86: {  	s9 =	rddreg [dreg:$0x15]  }
0x87: {  	[tilespmem:s17], [sflag:$0x2] =	stream.indirect.gather [spmem:s3], $0x20, s9, s15, $0xb8;
	[tilespmem:$0xEE00] =	vst v63  }
0x88: {  	s12 =	rddreg [dreg:$0x16]  }
0x89: {  	[tilespmem:s18], [sflag:$0x3] =	stream.indirect.gather [spmem:s3], $0x20, s12, s15, $0xb8;
	[tilespmem:$0xEE00] =	vst v63  }
0x8a: {  	s9 =	rddreg [dreg:$0x17]  }
0x8b: {  	[tilespmem:s19], [sflag:$0x4] =	stream.indirect.gather [spmem:s3], $0x20, s9, s15, $0xb8;
	[tilespmem:$0xEE00] =	vst v63  }
0x8c: {  	_ =	swait.ge [sflag:s20], $0x1000  }
0x8d: {  	[sflag:s20] =	ssyncset.done $0x0  }
0x8e: {  	s12 =	rddreg [dreg:$0x18];
	[sflag:s20] =	ssyncadd.s32 $0xFFFFF000  }
0x8f: {  	[spmem:s1] =	stream.indirect.scatter.add.f32 [tilespmem:s16], [sflag:$0x5], $0x20, s12, s15, $0xb8;
	[tilespmem:$0xEE00] =	vst v63  }
0x90: {  	_ =	swait.ge [sflag:s21], $0x1000  }
0x91: {  	[sflag:s21] =	ssyncset.done $0x0  }
0x92: {  	s9 =	rddreg [dreg:$0x19];
	[sflag:s21] =	ssyncadd.s32 $0xFFFFF000  }
0x93: {  	[spmem:s1] =	stream.indirect.scatter.add.f32 [tilespmem:s17], [sflag:$0x6], $0x20, s9, s15, $0xb8;
	[tilespmem:$0xEE00] =	vst v63  }
0x94: {  	_ =	swait.ge [sflag:s22], $0x1000  }
0x95: {  	[sflag:s22] =	ssyncset.done $0x0  }
0x96: {  	s10 =	rddreg [dreg:$0x1a];
	[sflag:s22] =	ssyncadd.s32 $0xFFFFF000  }
0x97: {  	[spmem:s1] =	stream.indirect.scatter.add.f32 [tilespmem:s18], [sflag:$0x7], $0x20, s10, s15, $0xb8;
	[tilespmem:$0xEE00] =	vst v63  }
0x98: {  	_ =	swait.ge [sflag:s23], $0x1000  }
0x99: {  	[sflag:s23] =	ssyncset.done $0x0  }
0x9a: {  	s12 =	rddreg [dreg:$0x1b];
	[sflag:s23] =	ssyncadd.s32 $0xFFFFF000  }
0x9b: {  	[spmem:s1] =	stream.indirect.scatter.add.f32 [tilespmem:s19], [sflag:$0x8], $0x20, s12, s15, $0xb8;
	[tilespmem:$0xEE00] =	vst v63  }
0x9c: {  	_ =	swait.ge [sflag:s24], $0x1000  }
0x9d: {  	[sflag:s24] =	ssyncset.done $0x0  }
0x9e: {  	[sflag:s24] =	ssyncadd.s32 $0xFFFFF000  }
0x9f: {  	_ =	swait.ge [sflag:s25], $0x1000  }
0xa0: {  	[sflag:s25] =	ssyncset.done $0x0  }
0xa1: {  	[sflag:s25] =	ssyncadd.s32 $0xFFFFF000  }
0xa2: {  	_ =	swait.ge [sflag:s26], $0x1000  }
0xa3: {  	[sflag:s26] =	ssyncset.done $0x0  }
0xa4: {  	[sflag:s26] =	ssyncadd.s32 $0xFFFFF000  }
0xa5: {  	_ =	swait.ge [sflag:s28], $0x1000  }
0xa6: {  	[sflag:s28] =	ssyncset.done $0x0  }
0xa7: {  	[sflag:s28] =	ssyncadd.s32 $0xFFFFF000  }
0xa8: {  	[tilespmem:s16], [sflag:$0x1] =	stream.indirect.gather [spmem:s3], $0x20, s29, s15, $0xb8;
	[tilespmem:$0xEE00] =	vst v63  }
0xa9: {  	_ = 	snop  }
0xaa: {  	[tilespmem:s17], [sflag:$0x2] =	stream.indirect.gather [spmem:s3], $0x20, s30, s15, $0xb8;
	[tilespmem:$0xEE00] =	vst v63  }
0xab: {  	_ = 	snop  }
0xac: {  	[tilespmem:s18], [sflag:$0x3] =	stream.indirect.gather [spmem:s3], $0x20, s31, s15, $0xb8;
	[tilespmem:$0xEE00] =	vst v63  }
0xad: {  	_ = 	snop  }
0xae: {  	[tilespmem:s19], [sflag:$0x4] =	stream.indirect.gather [spmem:s3], $0x20, s0, s15, $0xb8;
	[tilespmem:$0xEE00] =	vst v63  }
0xaf: {  	_ =	swait.ge [sflag:s20], $0x1000  }
0xb0: {  	[sflag:s20] =	ssyncset.done $0x0  }
0xb1: {  	[sflag:s20] =	ssyncadd.s32 $0xFFFFF000  }
0xb2: {  	[spmem:s1] =	stream.indirect.scatter.add.f32 [tilespmem:s16], [sflag:$0x5], $0x20, s2, s15, $0xb8;
	[tilespmem:$0xEE00] =	vst v63  }
0xb3: {  	_ =	swait.ge [sflag:s21], $0x1000  }
0xb4: {  	[sflag:s21] =	ssyncset.done $0x0  }
0xb5: {  	[sflag:s21] =	ssyncadd.s32 $0xFFFFF000  }
0xb6: {  	[spmem:s1] =	stream.indirect.scatter.add.f32 [tilespmem:s17], [sflag:$0x6], $0x20, s5, s15, $0xb8;
	[tilespmem:$0xEE00] =	vst v63  }
0xb7: {  	_ =	swait.ge [sflag:s22], $0x1000  }
0xb8: {  	[sflag:s22] =	ssyncset.done $0x0  }
0xb9: {  	[sflag:s22] =	ssyncadd.s32 $0xFFFFF000  }
0xba: {  	[spmem:s1] =	stream.indirect.scatter.add.f32 [tilespmem:s18], [sflag:$0x7], $0x20, s7, s15, $0xb8;
	[tilespmem:$0xEE00] =	vst v63  }
0xbb: {  	_ =	swait.ge [sflag:s23], $0x1000  }
0xbc: {  	[sflag:s23] =	ssyncset.done $0x0  }
0xbd: {  	[sflag:s23] =	ssyncadd.s32 $0xFFFFF000  }
0xbe: {  	[spmem:s1] =	stream.indirect.scatter.add.f32 [tilespmem:s19], [sflag:$0x8], $0x20, s8, s15, $0xb8;
	[tilespmem:$0xEE00] =	vst v63  }
0xbf: {  	_ =	swait.ge [sflag:s24], $0x1000  }
0xc0: {  	[sflag:s24] =	ssyncset.done $0x0  }
0xc1: {  	[sflag:s24] =	ssyncadd.s32 $0xFFFFF000  }
0xc2: {  	_ =	swait.ge [sflag:s25], $0x1000  }
0xc3: {  	[sflag:s25] =	ssyncset.done $0x0  }
0xc4: {  	[sflag:s25] =	ssyncadd.s32 $0xFFFFF000  }
0xc5: {  	_ =	swait.ge [sflag:s26], $0x1000  }
0xc6: {  	[sflag:s26] =	ssyncset.done $0x0  }
0xc7: {  	[sflag:s26] =	ssyncadd.s32 $0xFFFFF000  }
0xc8: {  	s10 =	simm.s32 $0x200;
	_ =	swait.ge [sflag:s28], $0x1000  }
0xc9: {  	s12 =	simm.s32 $0x100;
	s6 =	rddreg [dreg:$0x5];
	[sflag:s28] =	ssyncset.done $0x0  }
.LBB2_2:
0xca: {  	[sflag:s28] =	ssyncadd.s32 $0xFFFFF000;
	s6 =	sadd.s32 s12, s6  }
0xcb: {  	[tilespmem:s13], [sflag:$0x9] =	stream.linear.gather [hbm4b:s6+s4], $0x800, $0x38;
	[tilespmem:$0xEE00] =	vst v63  }
0xcc: {  	_ =	swait.ge [sflag:s11], $0x800  }
0xcd: {  	s6 =	rddreg [dreg:$0x4];
	[sflag:s11] =	ssyncset.done $0x0  }
0xce: {  	[sflag:s11] =	ssyncadd.s32 $0xFFFFF800;
	s6 =	sadd.s32 s12, s6  }
0xcf: {  	[tilespmem:s14], [sflag:$0x9] =	stream.linear.gather [hbm4b:s6+s4], $0x800, $0x38;
	[tilespmem:$0xEE00] =	vst v63  }
0xd0: {  	_ =	swait.ge [sflag:s11], $0x800  }
0xd1: {  	[sflag:s11] =	ssyncset.done $0x0  }
0xd2: {  	[sflag:s11] =	ssyncadd.s32 $0xFFFFF800  }
0xd3: {  	[tilespmem:s16], [sflag:$0x1] =	stream.indirect.gather [spmem:s3], $0x20, s13, s15, $0xb8;
	[tilespmem:$0xEE00] =	vst v63  }
0xd4: {  	s9 =	smov.u32 s10;
	s6 =	rddreg [dreg:$0x6]  }
0xd5: {  	[tilespmem:s17], [sflag:$0x2] =	stream.indirect.gather [spmem:s3], $0x20, s6, s15, $0xb8;
	[tilespmem:$0xEE00] =	vst v63  }
0xd6: {  	s12 =	smov.u32 s9;
	s9 =	rddreg [dreg:$0x7]  }
0xd7: {  	[tilespmem:s18], [sflag:$0x3] =	stream.indirect.gather [spmem:s3], $0x20, s9, s15, $0xb8;
	[tilespmem:$0xEE00] =	vst v63  }
0xd8: {  	s6 =	rddreg [dreg:$0x8]  }
0xd9: {  	[tilespmem:s19], [sflag:$0x4] =	stream.indirect.gather [spmem:s3], $0x20, s6, s15, $0xb8;
	[tilespmem:$0xEE00] =	vst v63  }
0xda: {  	_ =	swait.ge [sflag:s20], $0x1000  }
0xdb: {  	[sflag:s20] =	ssyncset.done $0x0  }
0xdc: {  	[sflag:s20] =	ssyncadd.s32 $0xFFFFF000  }
0xdd: {  	[spmem:s1] =	stream.indirect.scatter.add.f32 [tilespmem:s16], [sflag:$0x5], $0x20, s14, s15, $0xb8;
	[tilespmem:$0xEE00] =	vst v63  }
0xde: {  	_ =	swait.ge [sflag:s21], $0x1000  }
0xdf: {  	[sflag:s21] =	ssyncset.done $0x0  }
0xe0: {  	s9 =	rddreg [dreg:$0x9];
	[sflag:s21] =	ssyncadd.s32 $0xFFFFF000  }
0xe1: {  	[spmem:s1] =	stream.indirect.scatter.add.f32 [tilespmem:s17], [sflag:$0x6], $0x20, s9, s15, $0xb8;
	[tilespmem:$0xEE00] =	vst v63  }
0xe2: {  	_ =	swait.ge [sflag:s22], $0x1000  }
0xe3: {  	[sflag:s22] =	ssyncset.done $0x0  }
0xe4: {  	s9 =	rddreg [dreg:$0xa];
	[sflag:s22] =	ssyncadd.s32 $0xFFFFF000  }
0xe5: {  	[spmem:s1] =	stream.indirect.scatter.add.f32 [tilespmem:s18], [sflag:$0x7], $0x20, s9, s15, $0xb8;
	[tilespmem:$0xEE00] =	vst v63  }
0xe6: {  	_ =	swait.ge [sflag:s23], $0x1000  }
0xe7: {  	[sflag:s23] =	ssyncset.done $0x0  }
0xe8: {  	s9 =	rddreg [dreg:$0xb];
	[sflag:s23] =	ssyncadd.s32 $0xFFFFF000  }
0xe9: {  	[spmem:s1] =	stream.indirect.scatter.add.f32 [tilespmem:s19], [sflag:$0x8], $0x20, s9, s15, $0xb8;
	[tilespmem:$0xEE00] =	vst v63  }
0xea: {  	_ =	swait.ge [sflag:s24], $0x1000  }
0xeb: {  	[sflag:s24] =	ssyncset.done $0x0  }
0xec: {  	[sflag:s24] =	ssyncadd.s32 $0xFFFFF000  }
0xed: {  	_ =	swait.ge [sflag:s25], $0x1000  }
0xee: {  	[sflag:s25] =	ssyncset.done $0x0  }
0xef: {  	[sflag:s25] =	ssyncadd.s32 $0xFFFFF000  }
0xf0: {  	_ =	swait.ge [sflag:s26], $0x1000  }
0xf1: {  	[sflag:s26] =	ssyncset.done $0x0  }
0xf2: {  	[sflag:s26] =	ssyncadd.s32 $0xFFFFF000  }
0xf3: {  	_ =	swait.ge [sflag:s28], $0x1000  }
0xf4: {  	[sflag:s28] =	ssyncset.done $0x0  }
0xf5: {  	s6 =	rddreg [dreg:$0xc];
	[sflag:s28] =	ssyncadd.s32 $0xFFFFF000  }
0xf6: {  	[tilespmem:s16], [sflag:$0x1] =	stream.indirect.gather [spmem:s3], $0x20, s6, s15, $0xb8;
	[tilespmem:$0xEE00] =	vst v63  }
0xf7: {  	s9 =	rddreg [dreg:$0xd]  }
0xf8: {  	[tilespmem:s17], [sflag:$0x2] =	stream.indirect.gather [spmem:s3], $0x20, s9, s15, $0xb8;
	[tilespmem:$0xEE00] =	vst v63  }
0xf9: {  	s6 =	rddreg [dreg:$0xe]  }
0xfa: {  	[tilespmem:s18], [sflag:$0x3] =	stream.indirect.gather [spmem:s3], $0x20, s6, s15, $0xb8;
	[tilespmem:$0xEE00] =	vst v63  }
0xfb: {  	s9 =	rddreg [dreg:$0xf]  }
0xfc: {  	[tilespmem:s19], [sflag:$0x4] =	stream.indirect.gather [spmem:s3], $0x20, s9, s15, $0xb8;
	[tilespmem:$0xEE00] =	vst v63  }
0xfd: {  	_ =	swait.ge [sflag:s20], $0x1000  }
0xfe: {  	[sflag:s20] =	ssyncset.done $0x0  }
0xff: {  	s9 =	rddreg [dreg:$0x10];
	[sflag:s20] =	ssyncadd.s32 $0xFFFFF000  }
0x100: {  	[spmem:s1] =	stream.indirect.scatter.add.f32 [tilespmem:s16], [sflag:$0x5], $0x20, s9, s15, $0xb8;
	[tilespmem:$0xEE00] =	vst v63  }
0x101: {  	_ =	swait.ge [sflag:s21], $0x1000  }
0x102: {  	[sflag:s21] =	ssyncset.done $0x0  }
0x103: {  	s9 =	rddreg [dreg:$0x11];
	[sflag:s21] =	ssyncadd.s32 $0xFFFFF000  }
0x104: {  	[spmem:s1] =	stream.indirect.scatter.add.f32 [tilespmem:s17], [sflag:$0x6], $0x20, s9, s15, $0xb8;
	[tilespmem:$0xEE00] =	vst v63  }
0x105: {  	_ =	swait.ge [sflag:s22], $0x1000  }
0x106: {  	[sflag:s22] =	ssyncset.done $0x0  }
0x107: {  	s9 =	rddreg [dreg:$0x12];
	[sflag:s22] =	ssyncadd.s32 $0xFFFFF000  }
0x108: {  	[spmem:s1] =	stream.indirect.scatter.add.f32 [tilespmem:s18], [sflag:$0x7], $0x20, s9, s15, $0xb8;
	[tilespmem:$0xEE00] =	vst v63  }
0x109: {  	_ =	swait.ge [sflag:s23], $0x1000  }
0x10a: {  	[sflag:s23] =	ssyncset.done $0x0  }
0x10b: {  	s9 =	rddreg [dreg:$0x13];
	[sflag:s23] =	ssyncadd.s32 $0xFFFFF000  }
0x10c: {  	[spmem:s1] =	stream.indirect.scatter.add.f32 [tilespmem:s19], [sflag:$0x8], $0x20, s9, s15, $0xb8;
	[tilespmem:$0xEE00] =	vst v63  }
0x10d: {  	_ =	swait.ge [sflag:s24], $0x1000  }
0x10e: {  	[sflag:s24] =	ssyncset.done $0x0  }
0x10f: {  	[sflag:s24] =	ssyncadd.s32 $0xFFFFF000  }
0x110: {  	_ =	swait.ge [sflag:s25], $0x1000  }
0x111: {  	[sflag:s25] =	ssyncset.done $0x0  }
0x112: {  	[sflag:s25] =	ssyncadd.s32 $0xFFFFF000  }
0x113: {  	_ =	swait.ge [sflag:s26], $0x1000  }
0x114: {  	[sflag:s26] =	ssyncset.done $0x0  }
0x115: {  	[sflag:s26] =	ssyncadd.s32 $0xFFFFF000  }
0x116: {  	_ =	swait.ge [sflag:s28], $0x1000  }
0x117: {  	[sflag:s28] =	ssyncset.done $0x0  }
0x118: {  	s6 =	rddreg [dreg:$0x14];
	[sflag:s28] =	ssyncadd.s32 $0xFFFFF000  }
0x119: {  	[tilespmem:s16], [sflag:$0x1] =	stream.indirect.gather [spmem:s3], $0x20, s6, s15, $0xb8;
	[tilespmem:$0xEE00] =	vst v63  }
0x11a: {  	s9 =	rddreg [dreg:$0x15]  }
0x11b: {  	[tilespmem:s17], [sflag:$0x2] =	stream.indirect.gather [spmem:s3], $0x20, s9, s15, $0xb8;
	[tilespmem:$0xEE00] =	vst v63  }
0x11c: {  	s6 =	rddreg [dreg:$0x16]  }
0x11d: {  	[tilespmem:s18], [sflag:$0x3] =	stream.indirect.gather [spmem:s3], $0x20, s6, s15, $0xb8;
	[tilespmem:$0xEE00] =	vst v63  }
0x11e: {  	s9 =	rddreg [dreg:$0x17]  }
0x11f: {  	[tilespmem:s19], [sflag:$0x4] =	stream.indirect.gather [spmem:s3], $0x20, s9, s15, $0xb8;
	[tilespmem:$0xEE00] =	vst v63  }
0x120: {  	_ =	swait.ge [sflag:s20], $0x1000  }
0x121: {  	[sflag:s20] =	ssyncset.done $0x0  }
0x122: {  	s9 =	rddreg [dreg:$0x18];
	[sflag:s20] =	ssyncadd.s32 $0xFFFFF000  }
0x123: {  	[spmem:s1] =	stream.indirect.scatter.add.f32 [tilespmem:s16], [sflag:$0x5], $0x20, s9, s15, $0xb8;
	[tilespmem:$0xEE00] =	vst v63  }
0x124: {  	_ =	swait.ge [sflag:s21], $0x1000  }
0x125: {  	[sflag:s21] =	ssyncset.done $0x0  }
0x126: {  	s9 =	rddreg [dreg:$0x19];
	[sflag:s21] =	ssyncadd.s32 $0xFFFFF000  }
0x127: {  	[spmem:s1] =	stream.indirect.scatter.add.f32 [tilespmem:s17], [sflag:$0x6], $0x20, s9, s15, $0xb8;
	[tilespmem:$0xEE00] =	vst v63  }
0x128: {  	_ =	swait.ge [sflag:s22], $0x1000  }
0x129: {  	[sflag:s22] =	ssyncset.done $0x0  }
0x12a: {  	s9 =	rddreg [dreg:$0x1a];
	[sflag:s22] =	ssyncadd.s32 $0xFFFFF000  }
0x12b: {  	[spmem:s1] =	stream.indirect.scatter.add.f32 [tilespmem:s18], [sflag:$0x7], $0x20, s9, s15, $0xb8;
	[tilespmem:$0xEE00] =	vst v63  }
0x12c: {  	_ =	swait.ge [sflag:s23], $0x1000  }
0x12d: {  	[sflag:s23] =	ssyncset.done $0x0  }
0x12e: {  	s9 =	rddreg [dreg:$0x1b];
	[sflag:s23] =	ssyncadd.s32 $0xFFFFF000  }
0x12f: {  	[spmem:s1] =	stream.indirect.scatter.add.f32 [tilespmem:s19], [sflag:$0x8], $0x20, s9, s15, $0xb8;
	[tilespmem:$0xEE00] =	vst v63  }
0x130: {  	_ =	swait.ge [sflag:s24], $0x1000  }
0x131: {  	[sflag:s24] =	ssyncset.done $0x0  }
0x132: {  	[sflag:s24] =	ssyncadd.s32 $0xFFFFF000  }
0x133: {  	_ =	swait.ge [sflag:s25], $0x1000  }
0x134: {  	[sflag:s25] =	ssyncset.done $0x0  }
0x135: {  	[sflag:s25] =	ssyncadd.s32 $0xFFFFF000  }
0x136: {  	_ =	swait.ge [sflag:s26], $0x1000  }
0x137: {  	[sflag:s26] =	ssyncset.done $0x0  }
0x138: {  	[sflag:s26] =	ssyncadd.s32 $0xFFFFF000  }
0x139: {  	_ =	swait.ge [sflag:s28], $0x1000  }
0x13a: {  	[sflag:s28] =	ssyncset.done $0x0  }
0x13b: {  	[sflag:s28] =	ssyncadd.s32 $0xFFFFF000  }
0x13c: {  	[tilespmem:s16], [sflag:$0x1] =	stream.indirect.gather [spmem:s3], $0x20, s29, s15, $0xb8;
	[tilespmem:$0xEE00] =	vst v63  }
0x13d: {  	_ = 	snop  }
0x13e: {  	[tilespmem:s17], [sflag:$0x2] =	stream.indirect.gather [spmem:s3], $0x20, s30, s15, $0xb8;
	[tilespmem:$0xEE00] =	vst v63  }
0x13f: {  	_ = 	snop  }
0x140: {  	[tilespmem:s18], [sflag:$0x3] =	stream.indirect.gather [spmem:s3], $0x20, s31, s15, $0xb8;
	[tilespmem:$0xEE00] =	vst v63  }
0x141: {  	_ = 	snop  }
0x142: {  	[tilespmem:s19], [sflag:$0x4] =	stream.indirect.gather [spmem:s3], $0x20, s0, s15, $0xb8;
	[tilespmem:$0xEE00] =	vst v63  }
0x143: {  	_ =	swait.ge [sflag:s20], $0x1000  }
0x144: {  	[sflag:s20] =	ssyncset.done $0x0  }
0x145: {  	[sflag:s20] =	ssyncadd.s32 $0xFFFFF000  }
0x146: {  	[spmem:s1] =	stream.indirect.scatter.add.f32 [tilespmem:s16], [sflag:$0x5], $0x20, s2, s15, $0xb8;
	[tilespmem:$0xEE00] =	vst v63  }
0x147: {  	_ =	swait.ge [sflag:s21], $0x1000  }
0x148: {  	[sflag:s21] =	ssyncset.done $0x0  }
0x149: {  	[sflag:s21] =	ssyncadd.s32 $0xFFFFF000  }
0x14a: {  	[spmem:s1] =	stream.indirect.scatter.add.f32 [tilespmem:s17], [sflag:$0x6], $0x20, s5, s15, $0xb8;
	[tilespmem:$0xEE00] =	vst v63  }
0x14b: {  	_ =	swait.ge [sflag:s22], $0x1000  }
0x14c: {  	[sflag:s22] =	ssyncset.done $0x0  }
0x14d: {  	[sflag:s22] =	ssyncadd.s32 $0xFFFFF000  }
0x14e: {  	[spmem:s1] =	stream.indirect.scatter.add.f32 [tilespmem:s18], [sflag:$0x7], $0x20, s7, s15, $0xb8;
	[tilespmem:$0xEE00] =	vst v63  }
0x14f: {  	_ =	swait.ge [sflag:s23], $0x1000  }
0x150: {  	[sflag:s23] =	ssyncset.done $0x0  }
0x151: {  	[sflag:s23] =	ssyncadd.s32 $0xFFFFF000  }
0x152: {  	[spmem:s1] =	stream.indirect.scatter.add.f32 [tilespmem:s19], [sflag:$0x8], $0x20, s8, s15, $0xb8;
	[tilespmem:$0xEE00] =	vst v63  }
0x153: {  	_ =	swait.ge [sflag:s24], $0x1000  }
0x154: {  	[sflag:s24] =	ssyncset.done $0x0  }
0x155: {  	[sflag:s24] =	ssyncadd.s32 $0xFFFFF000  }
0x156: {  	_ =	swait.ge [sflag:s25], $0x1000  }
0x157: {  	[sflag:s25] =	ssyncset.done $0x0  }
0x158: {  	p0 =	sne.s32 s10, $0x400;
	[sflag:s25] =	ssyncadd.s32 $0xFFFFF000  }
.Ltmp0:
0x159: {  	_ =	swait.ge [sflag:s26], $0x1000;
	(pc) =	sbr.rel @p0 .LBB2_2-.Ltmp0, $4  }
0x15a: {  	[sflag:s26] =	ssyncset.done $0x0  }
0x15b: {  	[sflag:s26] =	ssyncadd.s32 $0xFFFFF000  }
0x15c: {  	_ =	swait.ge [sflag:s28], $0x1000  }
0x15d: {  	s10 =	sadd.s32 $0x100, s10;
	s6 =	rddreg [dreg:$0x5];
	[sflag:s28] =	ssyncset.done $0x0  }
0x15e: {  	[sflag:s28] =	ssyncadd.s32 $0xFFFFF000;
	s6 =	sadd.s32 s12, s6  }
0x15f: {  	[tilespmem:s13], [sflag:$0x9] =	stream.linear.gather [hbm4b:s6+s4], $0x800, $0x38;
	[tilespmem:$0xEE00] =	vst v63  }
0x160: {  	_ =	swait.ge [sflag:s11], $0x800  }
0x161: {  	s9 =	rddreg [dreg:$0x4];
	[sflag:s11] =	ssyncset.done $0x0  }
0x162: {  	[sflag:s11] =	ssyncadd.s32 $0xFFFFF800;
	s6 =	sadd.s32 s12, s9  }
0x163: {  	[tilespmem:s14], [sflag:$0x9] =	stream.linear.gather [hbm4b:s6+s4], $0x800, $0x38;
	[tilespmem:$0xEE00] =	vst v63  }
0x164: {  	_ =	swait.ge [sflag:s11], $0x800  }
0x165: {  	[sflag:s11] =	ssyncset.done $0x0  }
0x166: {  	[sflag:s11] =	ssyncadd.s32 $0xFFFFF800  }
0x167: {  	[tilespmem:s16], [sflag:$0x1] =	stream.indirect.gather [spmem:s3], $0x20, s13, s15, $0xb8;
	[tilespmem:$0xEE00] =	vst v63  }
0x168: {  	s10 =	rddreg [dreg:$0x6]  }
0x169: {  	[tilespmem:s17], [sflag:$0x2] =	stream.indirect.gather [spmem:s3], $0x20, s10, s15, $0xb8;
	[tilespmem:$0xEE00] =	vst v63  }
0x16a: {  	s9 =	rddreg [dreg:$0x7]  }
0x16b: {  	[tilespmem:s18], [sflag:$0x3] =	stream.indirect.gather [spmem:s3], $0x20, s9, s15, $0xb8;
	[tilespmem:$0xEE00] =	vst v63  }
0x16c: {  	s12 =	rddreg [dreg:$0x8]  }
0x16d: {  	[tilespmem:s19], [sflag:$0x4] =	stream.indirect.gather [spmem:s3], $0x20, s12, s15, $0xb8;
	[tilespmem:$0xEE00] =	vst v63  }
0x16e: {  	_ =	swait.ge [sflag:s20], $0x1000  }
0x16f: {  	[sflag:s20] =	ssyncset.done $0x0  }
0x170: {  	[sflag:s20] =	ssyncadd.s32 $0xFFFFF000  }
0x171: {  	[spmem:s1] =	stream.indirect.scatter.add.f32 [tilespmem:s16], [sflag:$0x5], $0x20, s14, s15, $0xb8;
	[tilespmem:$0xEE00] =	vst v63  }
0x172: {  	_ =	swait.ge [sflag:s21], $0x1000  }
0x173: {  	[sflag:s21] =	ssyncset.done $0x0  }
0x174: {  	s10 =	rddreg [dreg:$0x9];
	[sflag:s21] =	ssyncadd.s32 $0xFFFFF000  }
0x175: {  	[spmem:s1] =	stream.indirect.scatter.add.f32 [tilespmem:s17], [sflag:$0x6], $0x20, s10, s15, $0xb8;
	[tilespmem:$0xEE00] =	vst v63  }
0x176: {  	_ =	swait.ge [sflag:s22], $0x1000  }
0x177: {  	[sflag:s22] =	ssyncset.done $0x0  }
0x178: {  	s12 =	rddreg [dreg:$0xa];
	[sflag:s22] =	ssyncadd.s32 $0xFFFFF000  }
0x179: {  	[spmem:s1] =	stream.indirect.scatter.add.f32 [tilespmem:s18], [sflag:$0x7], $0x20, s12, s15, $0xb8;
	[tilespmem:$0xEE00] =	vst v63  }
0x17a: {  	_ =	swait.ge [sflag:s23], $0x1000  }
0x17b: {  	[sflag:s23] =	ssyncset.done $0x0  }
0x17c: {  	s9 =	rddreg [dreg:$0xb];
	[sflag:s23] =	ssyncadd.s32 $0xFFFFF000  }
0x17d: {  	[spmem:s1] =	stream.indirect.scatter.add.f32 [tilespmem:s19], [sflag:$0x8], $0x20, s9, s15, $0xb8;
	[tilespmem:$0xEE00] =	vst v63  }
0x17e: {  	_ =	swait.ge [sflag:s24], $0x1000  }
0x17f: {  	[sflag:s24] =	ssyncset.done $0x0  }
0x180: {  	[sflag:s24] =	ssyncadd.s32 $0xFFFFF000  }
0x181: {  	_ =	swait.ge [sflag:s25], $0x1000  }
0x182: {  	[sflag:s25] =	ssyncset.done $0x0  }
0x183: {  	[sflag:s25] =	ssyncadd.s32 $0xFFFFF000  }
0x184: {  	_ =	swait.ge [sflag:s26], $0x1000  }
0x185: {  	[sflag:s26] =	ssyncset.done $0x0  }
0x186: {  	[sflag:s26] =	ssyncadd.s32 $0xFFFFF000  }
0x187: {  	_ =	swait.ge [sflag:s28], $0x1000  }
0x188: {  	[sflag:s28] =	ssyncset.done $0x0  }
0x189: {  	s10 =	rddreg [dreg:$0xc];
	[sflag:s28] =	ssyncadd.s32 $0xFFFFF000  }
0x18a: {  	[tilespmem:s16], [sflag:$0x1] =	stream.indirect.gather [spmem:s3], $0x20, s10, s15, $0xb8;
	[tilespmem:$0xEE00] =	vst v63  }
0x18b: {  	s12 =	rddreg [dreg:$0xd]  }
0x18c: {  	[tilespmem:s17], [sflag:$0x2] =	stream.indirect.gather [spmem:s3], $0x20, s12, s15, $0xb8;
	[tilespmem:$0xEE00] =	vst v63  }
0x18d: {  	s10 =	rddreg [dreg:$0xe]  }
0x18e: {  	[tilespmem:s18], [sflag:$0x3] =	stream.indirect.gather [spmem:s3], $0x20, s10, s15, $0xb8;
	[tilespmem:$0xEE00] =	vst v63  }
0x18f: {  	s12 =	rddreg [dreg:$0xf]  }
0x190: {  	[tilespmem:s19], [sflag:$0x4] =	stream.indirect.gather [spmem:s3], $0x20, s12, s15, $0xb8;
	[tilespmem:$0xEE00] =	vst v63  }
0x191: {  	_ =	swait.ge [sflag:s20], $0x1000  }
0x192: {  	[sflag:s20] =	ssyncset.done $0x0  }
0x193: {  	s9 =	rddreg [dreg:$0x10];
	[sflag:s20] =	ssyncadd.s32 $0xFFFFF000  }
0x194: {  	[spmem:s1] =	stream.indirect.scatter.add.f32 [tilespmem:s16], [sflag:$0x5], $0x20, s9, s15, $0xb8;
	[tilespmem:$0xEE00] =	vst v63  }
0x195: {  	_ =	swait.ge [sflag:s21], $0x1000  }
0x196: {  	[sflag:s21] =	ssyncset.done $0x0  }
0x197: {  	s10 =	rddreg [dreg:$0x11];
	[sflag:s21] =	ssyncadd.s32 $0xFFFFF000  }
0x198: {  	[spmem:s1] =	stream.indirect.scatter.add.f32 [tilespmem:s17], [sflag:$0x6], $0x20, s10, s15, $0xb8;
	[tilespmem:$0xEE00] =	vst v63  }
0x199: {  	_ =	swait.ge [sflag:s22], $0x1000  }
0x19a: {  	[sflag:s22] =	ssyncset.done $0x0  }
0x19b: {  	s12 =	rddreg [dreg:$0x12];
	[sflag:s22] =	ssyncadd.s32 $0xFFFFF000  }
0x19c: {  	[spmem:s1] =	stream.indirect.scatter.add.f32 [tilespmem:s18], [sflag:$0x7], $0x20, s12, s15, $0xb8;
	[tilespmem:$0xEE00] =	vst v63  }
0x19d: {  	_ =	swait.ge [sflag:s23], $0x1000  }
0x19e: {  	[sflag:s23] =	ssyncset.done $0x0  }
0x19f: {  	s9 =	rddreg [dreg:$0x13];
	[sflag:s23] =	ssyncadd.s32 $0xFFFFF000  }
0x1a0: {  	[spmem:s1] =	stream.indirect.scatter.add.f32 [tilespmem:s19], [sflag:$0x8], $0x20, s9, s15, $0xb8;
	[tilespmem:$0xEE00] =	vst v63  }
0x1a1: {  	_ =	swait.ge [sflag:s24], $0x1000  }
0x1a2: {  	[sflag:s24] =	ssyncset.done $0x0  }
0x1a3: {  	[sflag:s24] =	ssyncadd.s32 $0xFFFFF000  }
0x1a4: {  	_ =	swait.ge [sflag:s25], $0x1000  }
0x1a5: {  	[sflag:s25] =	ssyncset.done $0x0  }
0x1a6: {  	[sflag:s25] =	ssyncadd.s32 $0xFFFFF000  }
0x1a7: {  	_ =	swait.ge [sflag:s26], $0x1000  }
0x1a8: {  	[sflag:s26] =	ssyncset.done $0x0  }
0x1a9: {  	[sflag:s26] =	ssyncadd.s32 $0xFFFFF000  }
0x1aa: {  	_ =	swait.ge [sflag:s28], $0x1000  }
0x1ab: {  	[sflag:s28] =	ssyncset.done $0x0  }
0x1ac: {  	s10 =	rddreg [dreg:$0x14];
	[sflag:s28] =	ssyncadd.s32 $0xFFFFF000  }
0x1ad: {  	[tilespmem:s16], [sflag:$0x1] =	stream.indirect.gather [spmem:s3], $0x20, s10, s15, $0xb8;
	[tilespmem:$0xEE00] =	vst v63  }
0x1ae: {  	s12 =	rddreg [dreg:$0x15]  }
0x1af: {  	[tilespmem:s17], [sflag:$0x2] =	stream.indirect.gather [spmem:s3], $0x20, s12, s15, $0xb8;
	[tilespmem:$0xEE00] =	vst v63  }
0x1b0: {  	s10 =	rddreg [dreg:$0x16]  }
0x1b1: {  	[tilespmem:s18], [sflag:$0x3] =	stream.indirect.gather [spmem:s3], $0x20, s10, s15, $0xb8;
	[tilespmem:$0xEE00] =	vst v63  }
0x1b2: {  	s12 =	rddreg [dreg:$0x17]  }
0x1b3: {  	[tilespmem:s19], [sflag:$0x4] =	stream.indirect.gather [spmem:s3], $0x20, s12, s15, $0xb8;
	[tilespmem:$0xEE00] =	vst v63  }
0x1b4: {  	_ =	swait.ge [sflag:s20], $0x1000  }
0x1b5: {  	[sflag:s20] =	ssyncset.done $0x0  }
0x1b6: {  	s10 =	rddreg [dreg:$0x18];
	[sflag:s20] =	ssyncadd.s32 $0xFFFFF000  }
0x1b7: {  	[spmem:s1] =	stream.indirect.scatter.add.f32 [tilespmem:s16], [sflag:$0x5], $0x20, s10, s15, $0xb8;
	[tilespmem:$0xEE00] =	vst v63  }
0x1b8: {  	_ =	swait.ge [sflag:s21], $0x1000  }
0x1b9: {  	[sflag:s21] =	ssyncset.done $0x0  }
0x1ba: {  	s12 =	rddreg [dreg:$0x19];
	[sflag:s21] =	ssyncadd.s32 $0xFFFFF000  }
0x1bb: {  	[spmem:s1] =	stream.indirect.scatter.add.f32 [tilespmem:s17], [sflag:$0x6], $0x20, s12, s15, $0xb8;
	[tilespmem:$0xEE00] =	vst v63  }
0x1bc: {  	_ =	swait.ge [sflag:s22], $0x1000  }
0x1bd: {  	[sflag:s22] =	ssyncset.done $0x0  }
0x1be: {  	s9 =	rddreg [dreg:$0x1a];
	[sflag:s22] =	ssyncadd.s32 $0xFFFFF000  }
0x1bf: {  	[spmem:s1] =	stream.indirect.scatter.add.f32 [tilespmem:s18], [sflag:$0x7], $0x20, s9, s15, $0xb8;
	[tilespmem:$0xEE00] =	vst v63  }
0x1c0: {  	_ =	swait.ge [sflag:s23], $0x1000  }
0x1c1: {  	[sflag:s23] =	ssyncset.done $0x0  }
0x1c2: {  	s10 =	rddreg [dreg:$0x1b];
	[sflag:s23] =	ssyncadd.s32 $0xFFFFF000  }
0x1c3: {  	[spmem:s1] =	stream.indirect.scatter.add.f32 [tilespmem:s19], [sflag:$0x8], $0x20, s10, s15, $0xb8;
	[tilespmem:$0xEE00] =	vst v63  }
0x1c4: {  	_ =	swait.ge [sflag:s24], $0x1000  }
0x1c5: {  	[sflag:s24] =	ssyncset.done $0x0  }
0x1c6: {  	[sflag:s24] =	ssyncadd.s32 $0xFFFFF000  }
0x1c7: {  	_ =	swait.ge [sflag:s25], $0x1000  }
0x1c8: {  	[sflag:s25] =	ssyncset.done $0x0  }
0x1c9: {  	[sflag:s25] =	ssyncadd.s32 $0xFFFFF000  }
0x1ca: {  	_ =	swait.ge [sflag:s26], $0x1000  }
0x1cb: {  	[sflag:s26] =	ssyncset.done $0x0  }
0x1cc: {  	[sflag:s26] =	ssyncadd.s32 $0xFFFFF000  }
0x1cd: {  	_ =	swait.ge [sflag:s28], $0x1000  }
0x1ce: {  	[sflag:s28] =	ssyncset.done $0x0  }
0x1cf: {  	[sflag:s28] =	ssyncadd.s32 $0xFFFFF000  }
0x1d0: {  	[tilespmem:s16], [sflag:$0x1] =	stream.indirect.gather [spmem:s3], $0x20, s29, s15, $0xb8;
	[tilespmem:$0xEE00] =	vst v63  }
0x1d1: {  	_ = 	snop  }
0x1d2: {  	[tilespmem:s17], [sflag:$0x2] =	stream.indirect.gather [spmem:s3], $0x20, s30, s15, $0xb8;
	[tilespmem:$0xEE00] =	vst v63  }
0x1d3: {  	_ = 	snop  }
0x1d4: {  	[tilespmem:s18], [sflag:$0x3] =	stream.indirect.gather [spmem:s3], $0x20, s31, s15, $0xb8;
	[tilespmem:$0xEE00] =	vst v63  }
0x1d5: {  	_ = 	snop  }
0x1d6: {  	[tilespmem:s19], [sflag:$0x4] =	stream.indirect.gather [spmem:s3], $0x20, s0, s15, $0xb8;
	[tilespmem:$0xEE00] =	vst v63  }
0x1d7: {  	_ =	swait.ge [sflag:s20], $0x1000  }
0x1d8: {  	[sflag:s20] =	ssyncset.done $0x0  }
0x1d9: {  	[sflag:s20] =	ssyncadd.s32 $0xFFFFF000  }
0x1da: {  	[spmem:s1] =	stream.indirect.scatter.add.f32 [tilespmem:s16], [sflag:$0x5], $0x20, s2, s15, $0xb8;
	[tilespmem:$0xEE00] =	vst v63  }
0x1db: {  	_ =	swait.ge [sflag:s21], $0x1000  }
0x1dc: {  	[sflag:s21] =	ssyncset.done $0x0  }
0x1dd: {  	[sflag:s21] =	ssyncadd.s32 $0xFFFFF000  }
0x1de: {  	[spmem:s1] =	stream.indirect.scatter.add.f32 [tilespmem:s17], [sflag:$0x6], $0x20, s5, s15, $0xb8;
	[tilespmem:$0xEE00] =	vst v63  }
0x1df: {  	_ =	swait.ge [sflag:s22], $0x1000  }
0x1e0: {  	[sflag:s22] =	ssyncset.done $0x0  }
0x1e1: {  	[sflag:s22] =	ssyncadd.s32 $0xFFFFF000  }
0x1e2: {  	[spmem:s1] =	stream.indirect.scatter.add.f32 [tilespmem:s18], [sflag:$0x7], $0x20, s7, s15, $0xb8;
	[tilespmem:$0xEE00] =	vst v63  }
0x1e3: {  	_ =	swait.ge [sflag:s23], $0x1000  }
0x1e4: {  	[sflag:s23] =	ssyncset.done $0x0  }
0x1e5: {  	[sflag:s23] =	ssyncadd.s32 $0xFFFFF000  }
0x1e6: {  	[spmem:s1] =	stream.indirect.scatter.add.f32 [tilespmem:s19], [sflag:$0x8], $0x20, s8, s15, $0xb8;
	[tilespmem:$0xEE00] =	vst v63  }
0x1e7: {  	_ =	swait.ge [sflag:s24], $0x1000  }
0x1e8: {  	[sflag:s24] =	ssyncset.done $0x0  }
0x1e9: {  	[sflag:s24] =	ssyncadd.s32 $0xFFFFF000  }
0x1ea: {  	_ =	swait.ge [sflag:s25], $0x1000  }
0x1eb: {  	[sflag:s25] =	ssyncset.done $0x0  }
0x1ec: {  	[sflag:s25] =	ssyncadd.s32 $0xFFFFF000  }
0x1ed: {  	_ =	swait.ge [sflag:s26], $0x1000  }
0x1ee: {  	[sflag:s26] =	ssyncset.done $0x0  }
0x1ef: {  	[sflag:s26] =	ssyncadd.s32 $0xFFFFF000  }
0x1f0: {  	_ =	swait.ge [sflag:s28], $0x1000  }
0x1f1: {  	[sflag:s28] =	ssyncset.done $0x0  }
0x1f2: {  	[sflag:s28] =	ssyncadd.s32 $0xFFFFF000  }
0x1f3: {  	[bflag:$0x0] =	sbarrier.arrive $0xFFFF  }
0x1f4: {  	s12 =	sld [smem:$0x7FB]  }
0x1f5: {  	s9 =	sld [smem:$0x7FD];
	_ =	sdelay $0x1  }
0x1f6: {  	s10 =	rddreg [dreg:$0x1d]  }
0x1f7: {  	[hbm:s12], [sflag:s10] =	dma.local [spmem:s9], $0x9E0  }
0x1f8: {  	_ =	swait.ge [sflag:s11], $0x9E0  }
0x1f9: {  	s6 =	sld [smem:$0x7FA];
	_ =	sdelay $0x2  }
0x1fa: {  	s12 =	sadd.s32 $0x1, s6;
	s6 =	rddreg [dreg:$0x1e]  }
0x1fb: {  	p0 =	sne.s32 s12, s6  }
.Ltmp1:
0x1fc: {  	_ = 	snop;
	(pc) =	sbr.rel @p0 .LBB2_1-.Ltmp1, $3  }
0x1fd: {  	_ =	sdelay $0x1  }
0x1fe: {  	[sflag:s11] =	ssyncset.done $0x0  }
0x1ff: {  	[sflag:s11] =	ssyncadd.s32 $0xFFFFF620  }
0x200: {  	_ =	sfence.sel $0x180000  }
0x201: {  	[bflag:$0x0] =	sbarrier.arrive $0xFFFF  }
0x202: {  	_ =	strace $0x9000004D  }
0x203: {  	s0 =	stileid.u32;
	[bflag:$0x2] =	sbarrier.arrive $0xFFFF  }
0x204: {  	p0 =	sne.s32 s0, $0x0;
	s0 =	rddreg [dreg:$0x3]  }
0x205: {  	s0 =	sadd.s32 @!p0 $0x100000, s0  }
0x206: {  	[sflag:s0] =	ssyncadd.tile.s32 @!p0 $0x1;
	_ =	shalt  }
.Lfunc_end2:
_tile_overlayer_lowered:
.L_overlay_start_2:
0x207: {  	(tag) =	ssettag $0x2  }
0x208: {  	s0 =	rddreg [dreg:$0x0];
	s2 =	stileid.u32  }
0x209: {  	s1 =	rddreg [dreg:$0x1];
	p0 =	sne.s32 s2, $0x0  }
0x20a: {  	s3 =	rddreg [dreg:$0x2];
	[bflag:$0x3] =	sbarrier.arrive $0xFFFF;
	s2 =	simm.s32 @!p0 $0x1C09  }
0x20b: {  	[timem:s3], [sflag:s2] =	dma.local @!p0 [hbm:s0], s1  }
0x20c: {  	s0 =	simm.s32 @!p0 $0x9  }
0x20d: {  	_ =	swait.ge @!p0 [sflag:s0], s1  }
0x20e: {  	s1 =	ssub.s32 @!p0 $0x0, s1;
	[sflag:s0] =	ssyncset.done @!p0 $0x0  }
0x20f: {  	[sflag:s0] =	ssyncadd.s32 @!p0 s1  }
0x210: {  	[bflag:$0x3] =	sbarrier.arrive $0xFFFF  }
0x211: {  	_ =	shalt  }

// kernel: kernel.19.cloned.1.call-start
scs
__scs_entry_jumppad:
0x0: {  	(pc) =	sbr.rel $0x88, $3  }
0x1: {  	(tag) =	ssettag $0x0;
	lr =	simm.s32 $0x1  }
0x2: {  	[smem:$0x3F94] =	sst lr;
	_ =	strace $0xD0000000  }
0x3: {  	_ = 	snop  }
0x4: {  	_ = 	snop  }
0x5: {  	_ = 	snop  }
0x6: {  	_ = 	snop  }
0x7: {  	_ = 	snop  }
__scs_overlays_trampoline_lowered:
0x8: {  	[smem:$0x3FA3] =	sst s0  }
0x9: {  	[smem:$0x3FA4] =	sst s1  }
0xa: {  	[smem:$0x3FA5] =	sst s2  }
0xb: {  	[smem:$0x3FA6] =	sst s3  }
0xc: {  	[smem:$0x3FA7] =	sst s4  }
0xd: {  	[smem:$0x3FA8] =	sst s5  }
0xe: {  	[smem:$0x3FA9] =	sst s6  }
0xf: {  	[smem:$0x3FAA] =	sst s7  }
0x10: {  	[smem:$0x3FAB] =	sst s8  }
0x11: {  	[smem:$0x3FAC] =	sst s9;
	s0 =	simm.s32 @!p0 $0x0  }
0x12: {  	s1 =	sld [smem:$0x3F92];
	s0 =	simm.s32 @p0 $0x1  }
0x13: {  	[smem:$0x3FAD] =	sst s0;
	s0 =	simm.s32 @!p1 $0x0  }
0x14: {  	s2 =	sld [smem:$0x3F91];
	s0 =	simm.s32 @p1 $0x1  }
0x15: {  	[smem:$0x3FAE] =	sst s0;
	s0 =	simm.s32 @!p2 $0x0  }
0x16: {  	s3 =	sld [smem:$0x3FDB];
	s0 =	simm.s32 @p2 $0x1  }
0x17: {  	s4 =	simm.s32 $0x1BF5;
	[smem:$0x3FB0] =	sst s0  }
0x18: {  	s0 =	sld [smem:$0x3F93];
	_ =	swait.ge [sflag:s4], $0x0  }
0x19: {  	s7 =	sld [smem:$0x3F94]  }
0x1a: {  	s8 =	sadd.s32 $0xFFFFE003, lr  }
0x1b: {  	s9 =	sadd.s32 $0xFFFFFEF7, lr;
	s5 =	simm.s32 $0xFFFFFFFF;
	p2 =	slt.u32 s8, $0xFFFFF086  }
0x1c: {  	p1 =	slt.u32 s9, $0xF7A;
	s5 =	simm.s32 @!p2 $0x0  }
0x1d: {  	s5 =	simm.s32 @p1 $0x1;
	p0 =	seq.s32 s7, s2  }
0x1e: {  	s7 =	smul.u32 @!p0 $0xF7A, s2;
	p2 =	seq.s32 @!p0 s5, $0x0  }
0x1f: {  	s9 =	smul.u32 $0xF7A, s1;
	s8 =	simm.s32 @!p0 $0x1BF5;
	p2 =	por !p2, p0  }
0x20: {  	[sflag:s8] =	ssyncset.s32 @!p0 $0xFFFFF086;
	s6 =	sadd.s32 @!p0 s3, s7;
	s7 =	simm.s32 @!p0 $0x108  }
0x21: {  	s3 =	sadd.s32 s3, s9;
	s6 =	sadd.s32 @!p0 $0x88, s6;
	s7 =	simm.s32 @p2 $0x1082  }
0x22: {  	[simem:s7], [sflag:s8] =	dma.local @!p0 [hbm:s6], $0xF7A  }
0x23: {  	s9 =	sor.u32 $0xD0000000, s2;
	s6 =	simm.s32 $0x108;
	_ =	swait.ge @!p0 [sflag:s8], $0x0  }
0x24: {  	s3 =	sadd.s32 $0x88, s3;
	s6 =	simm.s32 @!p1 $0x1082;
	[sflag:s4] =	ssyncset.s32 $0xFFFFF086  }
0x25: {  	[simem:s6], [sflag:s4] =	dma.local [hbm:s3], $0xF7A  }
0x26: {  	[smem:$0x3F94] =	sst s1;
	(tag) =	ssettag s2;
	_ =	strace s9  }
0x27: {  	s1 =	sld [smem:$0x3FA4]  }
0x28: {  	s2 =	sld [smem:$0x3FA5]  }
0x29: {  	s4 =	sld [smem:$0x3FA7]  }
0x2a: {  	p0 =	seq.s32 s5, $0x0;
	s5 =	sld [smem:$0x3FA8]  }
0x2b: {  	s6 =	sld [smem:$0x3FA9]  }
0x2c: {  	s7 =	sld [smem:$0x3FAA]  }
0x2d: {  	s3 =	simm.s32 $0x108;
	s8 =	sld [smem:$0x3FAB]  }
0x2e: {  	s3 =	simm.s32 @!p0 $0x1082;
	s9 =	sld [smem:$0x3FAC]  }
0x2f: {  	lr =	sadd.s32 s0, s3;
	s0 =	sld [smem:$0x3FA3]  }
0x30: {  	s3 =	sld [smem:$0x3FA6]  }
0x31: {  	[smem:$0x3FAF] =	sst s10  }
0x32: {  	s10 =	sld [smem:$0x3FAD];
	_ =	sdelay $0x3  }
0x33: {  	p0 =	seq.s32 s10, $0x1;
	s10 =	sld [smem:$0x3FAF];
	_ =	sdelay $0x3  }
0x34: {  	[smem:$0x3FAF] =	sst s10  }
0x35: {  	s10 =	sld [smem:$0x3FAE];
	_ =	sdelay $0x3  }
0x36: {  	p1 =	seq.s32 s10, $0x1;
	s10 =	sld [smem:$0x3FAF];
	_ =	sdelay $0x3  }
0x37: {  	[smem:$0x3FAF] =	sst s10  }
0x38: {  	s10 =	sld [smem:$0x3FB0]  }
0x39: {  	_ = 	snop;
	(pc) =	sbr.ind lr, $3  }
0x3a: {  	_ = 	snop  }
0x3b: {  	_ = 	snop  }
0x3c: {  	p2 =	seq.s32 s10, $0x1;
	s10 =	sld [smem:$0x3FAF]  }
0x3d: {  	_ =	shalt  }
0x3e: {  	_ =	shalt  }
0x3f: {  	_ =	shalt  }
0x40: {  	_ =	shalt  }
0x41: {  	_ =	shalt  }
0x42: {  	_ =	shalt  }
0x43: {  	_ =	shalt  }
0x44: {  	_ =	shalt  }
0x45: {  	_ =	shalt  }
0x46: {  	_ =	shalt  }
0x47: {  	_ =	shalt  }
0x48: {  	_ =	shalt  }
0x49: {  	_ =	shalt  }
0x4a: {  	_ =	shalt  }
0x4b: {  	_ =	shalt  }
0x4c: {  	_ =	shalt  }
0x4d: {  	_ =	shalt  }
0x4e: {  	_ =	shalt  }
0x4f: {  	_ =	shalt  }
0x50: {  	_ =	shalt  }
0x51: {  	_ =	shalt  }
0x52: {  	_ =	shalt  }
0x53: {  	_ =	shalt  }
0x54: {  	_ =	shalt  }
0x55: {  	_ =	shalt  }
0x56: {  	_ =	shalt  }
0x57: {  	_ =	shalt  }
0x58: {  	_ =	shalt  }
0x59: {  	_ =	shalt  }
0x5a: {  	_ =	shalt  }
0x5b: {  	_ =	shalt  }
0x5c: {  	_ =	shalt  }
0x5d: {  	_ =	shalt  }
0x5e: {  	_ =	shalt  }
0x5f: {  	_ =	shalt  }
0x60: {  	_ =	shalt  }
0x61: {  	_ =	shalt  }
0x62: {  	_ =	shalt  }
0x63: {  	_ =	shalt  }
0x64: {  	_ =	shalt  }
0x65: {  	_ =	shalt  }
0x66: {  	_ =	shalt  }
0x67: {  	_ =	shalt  }
0x68: {  	_ =	shalt  }
0x69: {  	_ =	shalt  }
0x6a: {  	_ =	shalt  }
0x6b: {  	_ =	shalt  }
0x6c: {  	_ =	shalt  }
0x6d: {  	_ =	shalt  }
0x6e: {  	_ =	shalt  }
0x6f: {  	_ =	shalt  }
0x70: {  	_ =	shalt  }
0x71: {  	_ =	shalt  }
0x72: {  	_ =	shalt  }
0x73: {  	_ =	shalt  }
0x74: {  	_ =	shalt  }
0x75: {  	_ =	shalt  }
0x76: {  	_ =	shalt  }
0x77: {  	_ =	shalt  }
0x78: {  	_ =	shalt  }
0x79: {  	_ =	shalt  }
0x7a: {  	_ =	shalt  }
0x7b: {  	_ =	shalt  }
0x7c: {  	_ =	shalt  }
0x7d: {  	_ =	shalt  }
0x7e: {  	_ =	shalt  }
0x7f: {  	_ =	shalt  }
0x80: {  	_ =	shalt  }
0x81: {  	_ =	shalt  }
0x82: {  	_ =	shalt  }
0x83: {  	_ =	shalt  }
0x84: {  	_ =	shalt  }
0x85: {  	_ =	shalt  }
0x86: {  	_ =	shalt  }
0x87: {  	_ =	shalt  }
.Lfunc_end0:
.L_simem_size_0:
called_computation.3_lowered:
.L_overlay_start_0:
0x88: {  	s2 =	sld [smem:$0x3FD9]  }
0x89: {  	s3 =	sld [smem:$0x3FFE];
	_ =	sdelay $0x1  }
0x8a: {  	s1 =	srdreg.scid  }
0x8b: {  	s0 =	sand.u32 $0x1, s1  }
0x8c: {  	s16 =	sshll.u32 s0, $0xA;
	s2 =	sadd.s32 s3, s2  }
0x8d: {  	s2 =	sadd.s32 s2, s16  }
0x8e: {  	[smem:$0x3FBB] =	sst s2  }
0x8f: {  	_ = 	snop  }
0x90: {  	(tm) =	ssettm $0x1  }
0x91: {  	s17 =	sld [smem:$0x3FFB];
	_ =	sdelay $0x3  }
0x92: {  	_ =	strace s17  }
0x93: {  	s2 =	sld [smem:$0x3FFC];
	_ =	sdelay $0x3  }
0x94: {  	_ =	strace s2  }
0x95: {  	s2 =	sld [smem:$0x3FFD];
	_ =	sdelay $0x3  }
0x96: {  	_ =	strace s2  }
0x97: {  	_ =	strace $0x8FFFFFFF  }
0x98: {  	s18 =	sld [smem:$0x3FDB];
	_ =	sdelay $0x1  }
0x99: {  	s19 =	simm.s32 $_scs_section_size  }
0x9a: {  	s4 =	simm.s32 $_size__tile_overlayer_lowered;
	s5 =	simm.s32 $_tile_overlayer_lowered  }
0x9b: {  	s22 =	simm.s32 $0x1BFF;
	s21 =	sshll.u32 s5, $0x1;
	s2 =	sadd.s32 s19, s18  }
0x9c: {  	s6 =	simm.s32 $0x0;
	s20 =	sshll.u32 s4, $0x1;
	s4 =	sadd.s32 s21, s2  }
0x9d: {  	[timem:s6], [sflag:s22] =	dma.local [hbm:s4], s20  }
0x9e: {  	_ =	swait.ge [sflag:s22], s20  }
0x9f: {  	s3 =	ssub.s32 $0x0, s20;
	[sflag:s22] =	ssyncset.done $0x0  }
0xa0: {  	[sflag:s22] =	ssyncadd.s32 s3;
	_ =	sdelay $0x1  }
0xa1: {  	s23 =	simm.s32 $0x1B8B  }
0xa2: {  	_ =	swait.ge [sflag:s23], $0x1  }
0xa3: {  	[sflag:s23] =	ssyncset.done $0x0  }
0xa4: {  	s25 =	simm.s32 $0x1B8E;
	s24 =	sld [smem:$0x3FFE];
	[sflag:s23] =	ssyncadd.s32 $0xFFFFFFFF  }
0xa5: {  	s26 =	simm.s32 $execute0_lowered;
	[smem:$0x3FD2] =	sst s25  }
0xa6: {  	s4 =	sshll.u32 s26, $0x1;
	_ =	strace $0x8000004F;
	[dreg:$0x1] =	wrdreg $0xFFFFFFFF  }
0xa7: {  	s28 =	simm.s32 $_size_execute0_lowered;
	s2 =	sadd.s32 s2, s4;
	[dreg:$0x0] =	wrdreg $0x0  }
0xa8: {  	s4 =	sshll.u32 s28, $0x1;
	[dreg:$0x2] =	wrdreg s2  }
0xa9: {  	[dreg:$0x3] =	wrdreg s4  }
0xaa: {  	[dreg:$0x4] =	wrdreg $0xC0  }
0xab: {  	_ =	task [dreg:s6], $0x5FFFF  }
0xac: {  	[dreg:$0x1] =	wrdreg $0xFFFFFFFF  }
0xad: {  	[dreg:$0x0] =	wrdreg $0x60  }
0xae: {  	[dreg:$0x2] =	wrdreg s24  }
0xaf: {  	[dreg:$0x3] =	wrdreg $0x0  }
0xb0: {  	[dreg:$0x4] =	wrdreg $0x9E000  }
0xb1: {  	[dreg:$0x5] =	wrdreg $0x9  }
0xb2: {  	_ =	task.clear_ibuf [dreg:s6], $0x6FFFF;
	_ =	strace $0x9000004F  }
0xb3: {  	s29 =	simm.s32 $0x9;
	_ =	strace $0x80000051  }
0xb4: {  	_ =	swait.ge [sflag:s29], $0x1  }
0xb5: {  	[sflag:s29] =	ssyncadd.s32 $0xFFFFFFFF  }
0xb6: {  	_ =	strace $0x90000051  }
0xb7: {  	_ =	sfence  }
0xb8: {  	s30 =	sld [smem:$0x0];
	_ =	sdelay $0x2  }
0xb9: {  	s31 =	sshll.u32 s1, $0xD;
	s1 =	sshrl.u32 s1, $0x2  }
0xba: {  	s3 =	sand.u32 $0x4000, s31;
	s1 =	sadd.s32 s1, s30  }
0xbb: {  	s0 =	sor.u32 s3, s0;
	s1 =	sshll.u32 s1, $0x11  }
0xbc: {  	s0 =	sor.u32 s1, s0  }
0xbd: {  	s0 =	sadd.s32 $0x8F2B, s0  }
0xbe: {  	[sflag:s0] =	ssyncadd.remote.s32 $0x1  }
0xbf: {  	_ =	sfence.sel $0xFFFF  }
0xc0: {  	[dreg:$0x0] =	wrdreg $0xFFFFFFFF;
	(pc) =	sbr.abs _section_cstart, $3  }
0xc1: {  	[dreg:$0x1] =	wrdreg $0xFFFFFFFF  }
0xc2: {  	_ =	task.clear_ibuf [dreg:s6], $0x2FFFF;
	_ =	strace $0x9FFFFFFF  }
0xc3: {  	(tm) =	ssettm $0x7FFFFFFF  }
tec
execute0_lowered:
.L_overlay_start_1:
0x0: {  	(tag) =	ssettag $0x1  }
0x1: {  	s0 =	rddreg [dreg:$0x0]  }
0x2: {  	s1 =	rddreg [dreg:$0x1]  }
0x3: {  	s3 =	rddreg [dreg:$0x2];
	s4 =	simm.s32 $0x0  }
0x4: {  	s12 =	stileid.u32;
	s5 =	srdreg.scid;
	s18 =	simm.s32 $0x6  }
0x5: {  	s28 =	simm.s32 $0x2;
	s29 =	simm.s32 $0x3;
	s2 =	smul.u32 $0x9E00, s12  }
0x6: {  	s30 =	simm.s32 $0x4;
	s31 =	simm.s32 $0x5;
	s6 =	smul.u32 $0x1C0, s12  }
0x7: {  	[smem:$0x7FF] =	sst s4;
	s8 =	sand.u32 $0x1, s5;
	s7 =	smul.u32 $0x7000, s12  }
0x8: {  	s22 =	sshll.u32 s12, $0x6;
	_ =	strace $0x80000050;
	s9 =	ssub.s32 $0x2, s8  }
0x9: {  	p0 =	seq.s32 s8, $0x1;
	s20 =	sshrl.u32 s2, $0x3;
	s11 =	sadd.s32 s6, s0  }
0xa: {  	s21 =	sshrl.u32 s9, $0x1;
	s17 =	sadd.s32 s2, s1;
	s6 =	sor.u32 $0x1C06, s22  }
0xb: {  	s2 =	sadd.s32 s2, s3;
	s22 =	simm.s32 $0x14A00;
	s10 =	sadd.s32 s20, s0  }
0xc: {  	s0 =	sadd.s32 s7, s0;
	s9 =	ssub.s32 s9, s21;
	s23 =	sadd.s32 $0xDCA00, s11  }
0xd: {  	s24 =	sadd.s32 $0xDAE00, s11;
	s25 =	sadd.s32 $0xE0200, s11;
	s26 =	sadd.s32 $0xDE600, s11  }
0xe: {  	s17 =	sshrl.u32 s17, $0x3;
	s19 =	sshrl.u32 s2, $0x3;
	[dreg:$0x4] =	wrdreg s23  }
0xf: {  	s20 =	simm.s32 $0x13C00;
	s21 =	simm.s32 $0x80;
	[dreg:$0x5] =	wrdreg s24  }
.Ltmp0:
0x10: {  	s5 =	sadd.s32 $0x1600, s10;
	[dreg:$0x6] =	wrdreg s25;
	(pc) =	sbr.rel .LBB2_1-.Ltmp0, $4  }
0x11: {  	s7 =	sadd.s32 $0x15200, s10;
	[dreg:$0x7] =	wrdreg s26;
	s12 =	sadd.s32 $0xE1E00, s0  }
0x12: {  	s13 =	sadd.s32 $0x28E00, s0;
	s14 =	smax.u32 s9, $0x1;
	s15 =	sadd.s32 $0x151E00, s0  }
0x13: {  	s16 =	sadd.s32 $0x1C1E00, s0;
	s23 =	simm.s32 $0x16A00;
	s24 =	simm.s32 $0x18A00  }
0x14: {  	s25 =	simm.s32 $0x1AA00;
	s26 =	simm.s32 $0x1;
	s0 =	simm.s32 $0x0  }
.LBB2_11:
0x15: {  	s9 =	sadd.s32 $0xFFFFFE80, s8;
	[sflag:s31] =	ssyncadd.s32 $0xFFFF8000  }
0x16: {  	[tilespmem:s22], [sflag:$0x1] =	stream.indirect.gather [spmem:s3], $0x40, s9, s21, $0xb8;
	[tilespmem:$0x1CA00] =	vst v63  }
0x17: {  	s10 =	sadd.s32 $0xFFFFFF00, s8  }
0x18: {  	[tilespmem:s23], [sflag:$0x2] =	stream.indirect.gather [spmem:s3], $0x40, s10, s21, $0xb8;
	[tilespmem:$0x1CA00] =	vst v63  }
0x19: {  	s11 =	sadd.s32 $0xFFFFFF80, s8  }
0x1a: {  	[tilespmem:s24], [sflag:$0x3] =	stream.indirect.gather [spmem:s3], $0x40, s11, s21, $0xb8;
	[tilespmem:$0x1CA00] =	vst v63  }
0x1b: {  	_ = 	snop  }
0x1c: {  	[tilespmem:s25], [sflag:$0x4] =	stream.indirect.gather [spmem:s3], $0x40, s8, s21, $0xb8;
	[tilespmem:$0x1CA00] =	vst v63  }
0x1d: {  	_ =	swait.ge [sflag:s26], $0x2000  }
0x1e: {  	[sflag:s26] =	ssyncset.done $0x0  }
0x1f: {  	[sflag:s26] =	ssyncadd.s32 $0xFFFFE000  }
0x20: {  	_ =	swait.ge [sflag:s28], $0x2000  }
0x21: {  	[sflag:s28] =	ssyncset.done $0x0  }
0x22: {  	[sflag:s28] =	ssyncadd.s32 $0xFFFFE000  }
0x23: {  	_ =	swait.ge [sflag:s29], $0x2000  }
0x24: {  	[sflag:s29] =	ssyncset.done $0x0  }
0x25: {  	[sflag:s29] =	ssyncadd.s32 $0xFFFFE000  }
0x26: {  	_ =	swait.ge [sflag:s30], $0x2000  }
0x27: {  	[sflag:s30] =	ssyncset.done $0x0  }
0x28: {  	s2 =	sadd.s32 s2, s16;
	[sflag:s30] =	ssyncadd.s32 $0xFFFFE000  }
0x29: {  	[hbm4b:s2+s4] =	stream.linear.scatter [tilespmem:s22], [sflag:$0x5], $0x8000, $0x38;
	[tilespmem:$0x1CA00] =	vst v63  }
0x2a: {  	_ =	swait.ge [sflag:s31], $0x8000  }
0x2b: {  	[sflag:s31] =	ssyncset.done $0x0  }
0x2c: {  	[sflag:s31] =	ssyncadd.s32 $0xFFFF8000  }
.LBB2_12:
0x2d: {  	s0 =	sadd.s32 $0x1, s0  }
0x2e: {  	p1 =	sne.s32 s0, s14  }
.Ltmp1:
0x2f: {  	_ = 	snop;
	(pc) =	sbr.rel @!p1 .LBB2_13-.Ltmp1, $1  }
0x30: {  	_ =	sdelay $0x3  }
.LBB2_1:
0x31: {  	[spmem:s17], [sflag:s6] =	dma.local [hbm:s5], $0x13C0  }
0x32: {  	_ =	swait.ge [sflag:s18], $0x13C0  }
0x33: {  	[sflag:s18] =	ssyncset.done $0x0  }
0x34: {  	[sflag:s18] =	ssyncadd.s32 $0xFFFFEC40  }
0x35: {  	[spmem:s19], [sflag:s6] =	dma.local [hbm:s7], $0x13C0  }
.Ltmp2:
0x36: {  	_ =	swait.ge [sflag:s18], $0x13C0;
	(pc) =	sbr.rel @!p0 .LBB2_2-.Ltmp2, $4  }
0x37: {  	[sflag:s18] =	ssyncset.done $0x0  }
0x38: {  	[sflag:s18] =	ssyncadd.s32 $0xFFFFEC40  }
0x39: {  	[bflag:$0x0] =	sbarrier.arrive $0xFFFF  }
0x3a: {  	s2 =	simm.s32 $0x0  }
0x3b: {  	s8 =	rddreg [dreg:$0x6]  }
0x3c: {  	[tilespmem:s20], [sflag:$0x6] =	stream.linear.gather [hbm4b:s8+s2], $0xE00, $0x38;
	[tilespmem:$0x1CA00] =	vst v63  }
0x3d: {  	_ =	swait.ge [sflag:s18], $0xE00  }
0x3e: {  	[sflag:s18] =	ssyncset.done $0x0  }
0x3f: {  	s11 =	simm.s32 $0x13C00;
	[sflag:s18] =	ssyncadd.s32 $0xFFFFF200  }
0x40: {  	[tilespmem:s22], [sflag:$0x1] =	stream.indirect.gather [spmem:s1], $0x40, s11, s21, $0xb8;
	[tilespmem:$0x1CA00] =	vst v63  }
0x41: {  	s8 =	simm.s32 $0x13C80  }
0x42: {  	[tilespmem:s23], [sflag:$0x2] =	stream.indirect.gather [spmem:s1], $0x40, s8, s21, $0xb8;
	[tilespmem:$0x1CA00] =	vst v63  }
0x43: {  	s9 =	simm.s32 $0x13D00  }
0x44: {  	[tilespmem:s24], [sflag:$0x3] =	stream.indirect.gather [spmem:s1], $0x40, s9, s21, $0xb8;
	[tilespmem:$0x1CA00] =	vst v63  }
0x45: {  	s10 =	simm.s32 $0x13D80  }
0x46: {  	[tilespmem:s25], [sflag:$0x4] =	stream.indirect.gather [spmem:s1], $0x40, s10, s21, $0xb8;
	[tilespmem:$0x1CA00] =	vst v63  }
0x47: {  	_ =	swait.ge [sflag:s26], $0x2000  }
0x48: {  	[sflag:s26] =	ssyncset.done $0x0  }
0x49: {  	[sflag:s26] =	ssyncadd.s32 $0xFFFFE000  }
0x4a: {  	_ =	swait.ge [sflag:s28], $0x2000  }
0x4b: {  	[sflag:s28] =	ssyncset.done $0x0  }
0x4c: {  	[sflag:s28] =	ssyncadd.s32 $0xFFFFE000  }
0x4d: {  	_ =	swait.ge [sflag:s29], $0x2000  }
0x4e: {  	[sflag:s29] =	ssyncset.done $0x0  }
0x4f: {  	[sflag:s29] =	ssyncadd.s32 $0xFFFFE000  }
0x50: {  	_ =	swait.ge [sflag:s30], $0x2000  }
0x51: {  	[sflag:s30] =	ssyncset.done $0x0  }
0x52: {  	s11 =	sadd.s32 $0x0, s15;
	[sflag:s30] =	ssyncadd.s32 $0xFFFFE000  }
0x53: {  	[hbm4b:s11+s4] =	stream.linear.scatter [tilespmem:s22], [sflag:$0x5], $0x8000, $0x38;
	[tilespmem:$0x1CA00] =	vst v63  }
0x54: {  	s2 =	simm.s32 $0x1000;
	_ =	swait.ge [sflag:s31], $0x8000  }
0x55: {  	s8 =	simm.s32 $0x13F80;
	s9 =	simm.s32 $0x2000;
	[sflag:s31] =	ssyncset.done $0x0  }
.LBB2_8:
0x56: {  	p1 =	sne.s32 s9, $0x6000;
	s10 =	sadd.s32 $0xFFFFFE80, s8;
	[sflag:s31] =	ssyncadd.s32 $0xFFFF8000  }
0x57: {  	[tilespmem:s22], [sflag:$0x1] =	stream.indirect.gather [spmem:s1], $0x40, s10, s21, $0xb8;
	[tilespmem:$0x1CA00] =	vst v63  }
0x58: {  	s11 =	smov.u32 s9;
	s9 =	sadd.s32 $0x1000, s9;
	s10 =	sadd.s32 $0xFFFFFF00, s8  }
0x59: {  	[tilespmem:s23], [sflag:$0x2] =	stream.indirect.gather [spmem:s1], $0x40, s10, s21, $0xb8;
	[tilespmem:$0x1CA00] =	vst v63  }
0x5a: {  	s10 =	sadd.s32 $0xFFFFFF80, s8  }
0x5b: {  	[tilespmem:s24], [sflag:$0x3] =	stream.indirect.gather [spmem:s1], $0x40, s10, s21, $0xb8;
	[tilespmem:$0x1CA00] =	vst v63  }
0x5c: {  	_ = 	snop  }
0x5d: {  	[tilespmem:s25], [sflag:$0x4] =	stream.indirect.gather [spmem:s1], $0x40, s8, s21, $0xb8;
	[tilespmem:$0x1CA00] =	vst v63  }
0x5e: {  	_ =	swait.ge [sflag:s26], $0x2000  }
0x5f: {  	[sflag:s26] =	ssyncset.done $0x0  }
0x60: {  	[sflag:s26] =	ssyncadd.s32 $0xFFFFE000  }
0x61: {  	_ =	swait.ge [sflag:s28], $0x2000  }
0x62: {  	[sflag:s28] =	ssyncset.done $0x0  }
0x63: {  	[sflag:s28] =	ssyncadd.s32 $0xFFFFE000  }
0x64: {  	_ =	swait.ge [sflag:s29], $0x2000  }
0x65: {  	[sflag:s29] =	ssyncset.done $0x0  }
0x66: {  	[sflag:s29] =	ssyncadd.s32 $0xFFFFE000  }
0x67: {  	_ =	swait.ge [sflag:s30], $0x2000  }
.Ltmp3:
0x68: {  	[sflag:s30] =	ssyncset.done $0x0;
	(pc) =	sbr.rel @p1 .LBB2_8-.Ltmp3, $4  }
0x69: {  	s10 =	sadd.s32 s2, s15;
	s2 =	smov.u32 s11;
	[sflag:s30] =	ssyncadd.s32 $0xFFFFE000  }
0x6a: {  	[hbm4b:s10+s4] =	stream.linear.scatter [tilespmem:s22], [sflag:$0x5], $0x8000, $0x38;
	[tilespmem:$0x1CA00] =	vst v63  }
0x6b: {  	_ =	swait.ge [sflag:s31], $0x8000  }
0x6c: {  	s8 =	sadd.s32 $0x200, s8;
	[sflag:s31] =	ssyncset.done $0x0  }
0x6d: {  	s9 =	sadd.s32 $0xFFFFFE80, s8;
	[sflag:s31] =	ssyncadd.s32 $0xFFFF8000  }
0x6e: {  	[tilespmem:s22], [sflag:$0x1] =	stream.indirect.gather [spmem:s1], $0x40, s9, s21, $0xb8;
	[tilespmem:$0x1CA00] =	vst v63  }
0x6f: {  	s10 =	sadd.s32 $0xFFFFFF00, s8  }
0x70: {  	[tilespmem:s23], [sflag:$0x2] =	stream.indirect.gather [spmem:s1], $0x40, s10, s21, $0xb8;
	[tilespmem:$0x1CA00] =	vst v63  }
0x71: {  	s11 =	sadd.s32 $0xFFFFFF80, s8  }
0x72: {  	[tilespmem:s24], [sflag:$0x3] =	stream.indirect.gather [spmem:s1], $0x40, s11, s21, $0xb8;
	[tilespmem:$0x1CA00] =	vst v63  }
0x73: {  	_ = 	snop  }
0x74: {  	[tilespmem:s25], [sflag:$0x4] =	stream.indirect.gather [spmem:s1], $0x40, s8, s21, $0xb8;
	[tilespmem:$0x1CA00] =	vst v63  }
0x75: {  	_ =	swait.ge [sflag:s26], $0x2000  }
0x76: {  	[sflag:s26] =	ssyncset.done $0x0  }
0x77: {  	[sflag:s26] =	ssyncadd.s32 $0xFFFFE000  }
0x78: {  	_ =	swait.ge [sflag:s28], $0x2000  }
0x79: {  	[sflag:s28] =	ssyncset.done $0x0  }
0x7a: {  	[sflag:s28] =	ssyncadd.s32 $0xFFFFE000  }
0x7b: {  	_ =	swait.ge [sflag:s29], $0x2000  }
0x7c: {  	[sflag:s29] =	ssyncset.done $0x0  }
0x7d: {  	[sflag:s29] =	ssyncadd.s32 $0xFFFFE000  }
0x7e: {  	_ =	swait.ge [sflag:s30], $0x2000  }
0x7f: {  	[sflag:s30] =	ssyncset.done $0x0  }
0x80: {  	s2 =	sadd.s32 s2, s15;
	[sflag:s30] =	ssyncadd.s32 $0xFFFFE000  }
0x81: {  	[hbm4b:s2+s4] =	stream.linear.scatter [tilespmem:s22], [sflag:$0x5], $0x8000, $0x38;
	[tilespmem:$0x1CA00] =	vst v63  }
0x82: {  	_ =	swait.ge [sflag:s31], $0x8000  }
0x83: {  	[sflag:s31] =	ssyncset.done $0x0  }
0x84: {  	s9 =	simm.s32 $0x0;
	s10 =	rddreg [dreg:$0x7];
	[sflag:s31] =	ssyncadd.s32 $0xFFFF8000  }
0x85: {  	[tilespmem:s20], [sflag:$0x6] =	stream.linear.gather [hbm4b:s10+s9], $0xE00, $0x38;
	[tilespmem:$0x1CA00] =	vst v63  }
0x86: {  	_ =	swait.ge [sflag:s18], $0xE00  }
0x87: {  	[sflag:s18] =	ssyncset.done $0x0  }
0x88: {  	s11 =	simm.s32 $0x13C00;
	[sflag:s18] =	ssyncadd.s32 $0xFFFFF200  }
0x89: {  	[tilespmem:s22], [sflag:$0x1] =	stream.indirect.gather [spmem:s3], $0x40, s11, s21, $0xb8;
	[tilespmem:$0x1CA00] =	vst v63  }
0x8a: {  	s8 =	simm.s32 $0x13C80  }
0x8b: {  	[tilespmem:s23], [sflag:$0x2] =	stream.indirect.gather [spmem:s3], $0x40, s8, s21, $0xb8;
	[tilespmem:$0x1CA00] =	vst v63  }
0x8c: {  	s9 =	simm.s32 $0x13D00  }
0x8d: {  	[tilespmem:s24], [sflag:$0x3] =	stream.indirect.gather [spmem:s3], $0x40, s9, s21, $0xb8;
	[tilespmem:$0x1CA00] =	vst v63  }
0x8e: {  	s10 =	simm.s32 $0x13D80  }
0x8f: {  	[tilespmem:s25], [sflag:$0x4] =	stream.indirect.gather [spmem:s3], $0x40, s10, s21, $0xb8;
	[tilespmem:$0x1CA00] =	vst v63  }
0x90: {  	_ =	swait.ge [sflag:s26], $0x2000  }
0x91: {  	[sflag:s26] =	ssyncset.done $0x0  }
0x92: {  	[sflag:s26] =	ssyncadd.s32 $0xFFFFE000  }
0x93: {  	_ =	swait.ge [sflag:s28], $0x2000  }
0x94: {  	[sflag:s28] =	ssyncset.done $0x0  }
0x95: {  	[sflag:s28] =	ssyncadd.s32 $0xFFFFE000  }
0x96: {  	_ =	swait.ge [sflag:s29], $0x2000  }
0x97: {  	[sflag:s29] =	ssyncset.done $0x0  }
0x98: {  	[sflag:s29] =	ssyncadd.s32 $0xFFFFE000  }
0x99: {  	_ =	swait.ge [sflag:s30], $0x2000  }
0x9a: {  	[sflag:s30] =	ssyncset.done $0x0  }
0x9b: {  	s11 =	sadd.s32 $0x0, s16;
	[sflag:s30] =	ssyncadd.s32 $0xFFFFE000  }
0x9c: {  	[hbm4b:s11+s4] =	stream.linear.scatter [tilespmem:s22], [sflag:$0x5], $0x8000, $0x38;
	[tilespmem:$0x1CA00] =	vst v63  }
0x9d: {  	s2 =	simm.s32 $0x1000;
	_ =	swait.ge [sflag:s31], $0x8000  }
0x9e: {  	s8 =	simm.s32 $0x13F80;
	s9 =	simm.s32 $0x2000;
	[sflag:s31] =	ssyncset.done $0x0  }
.LBB2_10:
0x9f: {  	p1 =	sne.s32 s9, $0x6000;
	s10 =	sadd.s32 $0xFFFFFE80, s8;
	[sflag:s31] =	ssyncadd.s32 $0xFFFF8000  }
0xa0: {  	[tilespmem:s22], [sflag:$0x1] =	stream.indirect.gather [spmem:s3], $0x40, s10, s21, $0xb8;
	[tilespmem:$0x1CA00] =	vst v63  }
0xa1: {  	s11 =	smov.u32 s9;
	s9 =	sadd.s32 $0x1000, s9;
	s10 =	sadd.s32 $0xFFFFFF00, s8  }
0xa2: {  	[tilespmem:s23], [sflag:$0x2] =	stream.indirect.gather [spmem:s3], $0x40, s10, s21, $0xb8;
	[tilespmem:$0x1CA00] =	vst v63  }
0xa3: {  	s10 =	sadd.s32 $0xFFFFFF80, s8  }
0xa4: {  	[tilespmem:s24], [sflag:$0x3] =	stream.indirect.gather [spmem:s3], $0x40, s10, s21, $0xb8;
	[tilespmem:$0x1CA00] =	vst v63  }
0xa5: {  	_ = 	snop  }
0xa6: {  	[tilespmem:s25], [sflag:$0x4] =	stream.indirect.gather [spmem:s3], $0x40, s8, s21, $0xb8;
	[tilespmem:$0x1CA00] =	vst v63  }
0xa7: {  	_ =	swait.ge [sflag:s26], $0x2000  }
0xa8: {  	[sflag:s26] =	ssyncset.done $0x0  }
0xa9: {  	[sflag:s26] =	ssyncadd.s32 $0xFFFFE000  }
0xaa: {  	_ =	swait.ge [sflag:s28], $0x2000  }
0xab: {  	[sflag:s28] =	ssyncset.done $0x0  }
0xac: {  	[sflag:s28] =	ssyncadd.s32 $0xFFFFE000  }
0xad: {  	_ =	swait.ge [sflag:s29], $0x2000  }
0xae: {  	[sflag:s29] =	ssyncset.done $0x0  }
0xaf: {  	[sflag:s29] =	ssyncadd.s32 $0xFFFFE000  }
0xb0: {  	_ =	swait.ge [sflag:s30], $0x2000  }
.Ltmp4:
0xb1: {  	[sflag:s30] =	ssyncset.done $0x0;
	(pc) =	sbr.rel @p1 .LBB2_10-.Ltmp4, $4  }
0xb2: {  	s10 =	sadd.s32 s2, s16;
	s2 =	smov.u32 s11;
	[sflag:s30] =	ssyncadd.s32 $0xFFFFE000  }
0xb3: {  	[hbm4b:s10+s4] =	stream.linear.scatter [tilespmem:s22], [sflag:$0x5], $0x8000, $0x38;
	[tilespmem:$0x1CA00] =	vst v63  }
0xb4: {  	_ =	swait.ge [sflag:s31], $0x8000  }
0xb5: {  	s8 =	sadd.s32 $0x200, s8;
	[sflag:s31] =	ssyncset.done $0x0  }
.Ltmp5:
0xb6: {  	_ = 	snop;
	(pc) =	sbr.rel .LBB2_11-.Ltmp5, $1  }
0xb7: {  	_ =	sdelay $0x3  }
.LBB2_2:
0xb8: {  	s8 =	rddreg [dreg:$0x4]  }
0xb9: {  	[tilespmem:s20], [sflag:$0x6] =	stream.linear.gather [hbm4b:s8+s2], $0xE00, $0x38;
	[tilespmem:$0x1CA00] =	vst v63  }
0xba: {  	_ =	swait.ge [sflag:s18], $0xE00  }
0xbb: {  	[sflag:s18] =	ssyncset.done $0x0  }
0xbc: {  	s11 =	simm.s32 $0x13C00;
	[sflag:s18] =	ssyncadd.s32 $0xFFFFF200  }
0xbd: {  	[tilespmem:s22], [sflag:$0x1] =	stream.indirect.gather [spmem:s1], $0x40, s11, s21, $0xb8;
	[tilespmem:$0x1CA00] =	vst v63  }
0xbe: {  	s8 =	simm.s32 $0x13C80  }
0xbf: {  	[tilespmem:s23], [sflag:$0x2] =	stream.indirect.gather [spmem:s1], $0x40, s8, s21, $0xb8;
	[tilespmem:$0x1CA00] =	vst v63  }
0xc0: {  	s9 =	simm.s32 $0x13D00  }
0xc1: {  	[tilespmem:s24], [sflag:$0x3] =	stream.indirect.gather [spmem:s1], $0x40, s9, s21, $0xb8;
	[tilespmem:$0x1CA00] =	vst v63  }
0xc2: {  	s10 =	simm.s32 $0x13D80  }
0xc3: {  	[tilespmem:s25], [sflag:$0x4] =	stream.indirect.gather [spmem:s1], $0x40, s10, s21, $0xb8;
	[tilespmem:$0x1CA00] =	vst v63  }
0xc4: {  	_ =	swait.ge [sflag:s26], $0x2000  }
0xc5: {  	[sflag:s26] =	ssyncset.done $0x0  }
0xc6: {  	[sflag:s26] =	ssyncadd.s32 $0xFFFFE000  }
0xc7: {  	_ =	swait.ge [sflag:s28], $0x2000  }
0xc8: {  	[sflag:s28] =	ssyncset.done $0x0  }
0xc9: {  	[sflag:s28] =	ssyncadd.s32 $0xFFFFE000  }
0xca: {  	_ =	swait.ge [sflag:s29], $0x2000  }
0xcb: {  	[sflag:s29] =	ssyncset.done $0x0  }
0xcc: {  	[sflag:s29] =	ssyncadd.s32 $0xFFFFE000  }
0xcd: {  	_ =	swait.ge [sflag:s30], $0x2000  }
0xce: {  	[sflag:s30] =	ssyncset.done $0x0  }
0xcf: {  	s11 =	sadd.s32 $0x0, s12;
	[sflag:s30] =	ssyncadd.s32 $0xFFFFE000  }
0xd0: {  	[hbm4b:s11+s4] =	stream.linear.scatter [tilespmem:s22], [sflag:$0x5], $0x8000, $0x38;
	[tilespmem:$0x1CA00] =	vst v63  }
0xd1: {  	s2 =	simm.s32 $0x1000;
	_ =	swait.ge [sflag:s31], $0x8000  }
0xd2: {  	s8 =	simm.s32 $0x13F80;
	s9 =	simm.s32 $0x2000;
	[sflag:s31] =	ssyncset.done $0x0  }
.LBB2_3:
0xd3: {  	p1 =	sne.s32 s9, $0x6000;
	s10 =	sadd.s32 $0xFFFFFE80, s8;
	[sflag:s31] =	ssyncadd.s32 $0xFFFF8000  }
0xd4: {  	[tilespmem:s22], [sflag:$0x1] =	stream.indirect.gather [spmem:s1], $0x40, s10, s21, $0xb8;
	[tilespmem:$0x1CA00] =	vst v63  }
0xd5: {  	s11 =	smov.u32 s9;
	s9 =	sadd.s32 $0x1000, s9;
	s10 =	sadd.s32 $0xFFFFFF00, s8  }
0xd6: {  	[tilespmem:s23], [sflag:$0x2] =	stream.indirect.gather [spmem:s1], $0x40, s10, s21, $0xb8;
	[tilespmem:$0x1CA00] =	vst v63  }
0xd7: {  	s10 =	sadd.s32 $0xFFFFFF80, s8  }
0xd8: {  	[tilespmem:s24], [sflag:$0x3] =	stream.indirect.gather [spmem:s1], $0x40, s10, s21, $0xb8;
	[tilespmem:$0x1CA00] =	vst v63  }
0xd9: {  	_ = 	snop  }
0xda: {  	[tilespmem:s25], [sflag:$0x4] =	stream.indirect.gather [spmem:s1], $0x40, s8, s21, $0xb8;
	[tilespmem:$0x1CA00] =	vst v63  }
0xdb: {  	_ =	swait.ge [sflag:s26], $0x2000  }
0xdc: {  	[sflag:s26] =	ssyncset.done $0x0  }
0xdd: {  	[sflag:s26] =	ssyncadd.s32 $0xFFFFE000  }
0xde: {  	_ =	swait.ge [sflag:s28], $0x2000  }
0xdf: {  	[sflag:s28] =	ssyncset.done $0x0  }
0xe0: {  	[sflag:s28] =	ssyncadd.s32 $0xFFFFE000  }
0xe1: {  	_ =	swait.ge [sflag:s29], $0x2000  }
0xe2: {  	[sflag:s29] =	ssyncset.done $0x0  }
0xe3: {  	[sflag:s29] =	ssyncadd.s32 $0xFFFFE000  }
0xe4: {  	_ =	swait.ge [sflag:s30], $0x2000  }
.Ltmp6:
0xe5: {  	[sflag:s30] =	ssyncset.done $0x0;
	(pc) =	sbr.rel @p1 .LBB2_3-.Ltmp6, $4  }
0xe6: {  	s10 =	sadd.s32 s2, s12;
	s2 =	smov.u32 s11;
	[sflag:s30] =	ssyncadd.s32 $0xFFFFE000  }
0xe7: {  	[hbm4b:s10+s4] =	stream.linear.scatter [tilespmem:s22], [sflag:$0x5], $0x8000, $0x38;
	[tilespmem:$0x1CA00] =	vst v63  }
0xe8: {  	_ =	swait.ge [sflag:s31], $0x8000  }
0xe9: {  	s8 =	sadd.s32 $0x200, s8;
	[sflag:s31] =	ssyncset.done $0x0  }
0xea: {  	s9 =	sadd.s32 $0xFFFFFE80, s8;
	[sflag:s31] =	ssyncadd.s32 $0xFFFF8000  }
0xeb: {  	[tilespmem:s22], [sflag:$0x1] =	stream.indirect.gather [spmem:s1], $0x40, s9, s21, $0xb8;
	[tilespmem:$0x1CA00] =	vst v63  }
0xec: {  	s10 =	sadd.s32 $0xFFFFFF00, s8  }
0xed: {  	[tilespmem:s23], [sflag:$0x2] =	stream.indirect.gather [spmem:s1], $0x40, s10, s21, $0xb8;
	[tilespmem:$0x1CA00] =	vst v63  }
0xee: {  	s11 =	sadd.s32 $0xFFFFFF80, s8  }
0xef: {  	[tilespmem:s24], [sflag:$0x3] =	stream.indirect.gather [spmem:s1], $0x40, s11, s21, $0xb8;
	[tilespmem:$0x1CA00] =	vst v63  }
0xf0: {  	_ = 	snop  }
0xf1: {  	[tilespmem:s25], [sflag:$0x4] =	stream.indirect.gather [spmem:s1], $0x40, s8, s21, $0xb8;
	[tilespmem:$0x1CA00] =	vst v63  }
0xf2: {  	_ =	swait.ge [sflag:s26], $0x2000  }
0xf3: {  	[sflag:s26] =	ssyncset.done $0x0  }
0xf4: {  	[sflag:s26] =	ssyncadd.s32 $0xFFFFE000  }
0xf5: {  	_ =	swait.ge [sflag:s28], $0x2000  }
0xf6: {  	[sflag:s28] =	ssyncset.done $0x0  }
0xf7: {  	[sflag:s28] =	ssyncadd.s32 $0xFFFFE000  }
0xf8: {  	_ =	swait.ge [sflag:s29], $0x2000  }
0xf9: {  	[sflag:s29] =	ssyncset.done $0x0  }
0xfa: {  	[sflag:s29] =	ssyncadd.s32 $0xFFFFE000  }
0xfb: {  	_ =	swait.ge [sflag:s30], $0x2000  }
0xfc: {  	[sflag:s30] =	ssyncset.done $0x0  }
0xfd: {  	s2 =	sadd.s32 s2, s12;
	[sflag:s30] =	ssyncadd.s32 $0xFFFFE000  }
0xfe: {  	[hbm4b:s2+s4] =	stream.linear.scatter [tilespmem:s22], [sflag:$0x5], $0x8000, $0x38;
	[tilespmem:$0x1CA00] =	vst v63  }
0xff: {  	_ =	swait.ge [sflag:s31], $0x8000  }
0x100: {  	[sflag:s31] =	ssyncset.done $0x0  }
0x101: {  	s9 =	simm.s32 $0x0;
	s10 =	rddreg [dreg:$0x5];
	[sflag:s31] =	ssyncadd.s32 $0xFFFF8000  }
0x102: {  	[tilespmem:s20], [sflag:$0x6] =	stream.linear.gather [hbm4b:s10+s9], $0xE00, $0x38;
	[tilespmem:$0x1CA00] =	vst v63  }
0x103: {  	_ =	swait.ge [sflag:s18], $0xE00  }
0x104: {  	[sflag:s18] =	ssyncset.done $0x0  }
0x105: {  	s11 =	simm.s32 $0x13C00;
	[sflag:s18] =	ssyncadd.s32 $0xFFFFF200  }
0x106: {  	[tilespmem:s22], [sflag:$0x1] =	stream.indirect.gather [spmem:s3], $0x40, s11, s21, $0xb8;
	[tilespmem:$0x1CA00] =	vst v63  }
0x107: {  	s8 =	simm.s32 $0x13C80  }
0x108: {  	[tilespmem:s23], [sflag:$0x2] =	stream.indirect.gather [spmem:s3], $0x40, s8, s21, $0xb8;
	[tilespmem:$0x1CA00] =	vst v63  }
0x109: {  	s9 =	simm.s32 $0x13D00  }
0x10a: {  	[tilespmem:s24], [sflag:$0x3] =	stream.indirect.gather [spmem:s3], $0x40, s9, s21, $0xb8;
	[tilespmem:$0x1CA00] =	vst v63  }
0x10b: {  	s10 =	simm.s32 $0x13D80  }
0x10c: {  	[tilespmem:s25], [sflag:$0x4] =	stream.indirect.gather [spmem:s3], $0x40, s10, s21, $0xb8;
	[tilespmem:$0x1CA00] =	vst v63  }
0x10d: {  	_ =	swait.ge [sflag:s26], $0x2000  }
0x10e: {  	[sflag:s26] =	ssyncset.done $0x0  }
0x10f: {  	[sflag:s26] =	ssyncadd.s32 $0xFFFFE000  }
0x110: {  	_ =	swait.ge [sflag:s28], $0x2000  }
0x111: {  	[sflag:s28] =	ssyncset.done $0x0  }
0x112: {  	[sflag:s28] =	ssyncadd.s32 $0xFFFFE000  }
0x113: {  	_ =	swait.ge [sflag:s29], $0x2000  }
0x114: {  	[sflag:s29] =	ssyncset.done $0x0  }
0x115: {  	[sflag:s29] =	ssyncadd.s32 $0xFFFFE000  }
0x116: {  	_ =	swait.ge [sflag:s30], $0x2000  }
0x117: {  	[sflag:s30] =	ssyncset.done $0x0  }
0x118: {  	s11 =	sadd.s32 $0x0, s13;
	[sflag:s30] =	ssyncadd.s32 $0xFFFFE000  }
0x119: {  	[hbm4b:s11+s4] =	stream.linear.scatter [tilespmem:s22], [sflag:$0x5], $0x8000, $0x38;
	[tilespmem:$0x1CA00] =	vst v63  }
0x11a: {  	s2 =	simm.s32 $0x1000;
	_ =	swait.ge [sflag:s31], $0x8000  }
0x11b: {  	s8 =	simm.s32 $0x13F80;
	s9 =	simm.s32 $0x2000;
	[sflag:s31] =	ssyncset.done $0x0  }
.LBB2_5:
0x11c: {  	p1 =	seq.s32 s9, $0x6000;
	s10 =	sadd.s32 $0xFFFFFE80, s8;
	[sflag:s31] =	ssyncadd.s32 $0xFFFF8000  }
0x11d: {  	[tilespmem:s22], [sflag:$0x1] =	stream.indirect.gather [spmem:s3], $0x40, s10, s21, $0xb8;
	[tilespmem:$0x1CA00] =	vst v63  }
0x11e: {  	s11 =	smov.u32 s9;
	s9 =	sadd.s32 $0x1000, s9;
	s10 =	sadd.s32 $0xFFFFFF00, s8  }
0x11f: {  	[tilespmem:s23], [sflag:$0x2] =	stream.indirect.gather [spmem:s3], $0x40, s10, s21, $0xb8;
	[tilespmem:$0x1CA00] =	vst v63  }
0x120: {  	s10 =	sadd.s32 $0xFFFFFF80, s8  }
0x121: {  	[tilespmem:s24], [sflag:$0x3] =	stream.indirect.gather [spmem:s3], $0x40, s10, s21, $0xb8;
	[tilespmem:$0x1CA00] =	vst v63  }
0x122: {  	_ = 	snop  }
0x123: {  	[tilespmem:s25], [sflag:$0x4] =	stream.indirect.gather [spmem:s3], $0x40, s8, s21, $0xb8;
	[tilespmem:$0x1CA00] =	vst v63  }
0x124: {  	_ =	swait.ge [sflag:s26], $0x2000  }
0x125: {  	[sflag:s26] =	ssyncset.done $0x0  }
0x126: {  	[sflag:s26] =	ssyncadd.s32 $0xFFFFE000  }
0x127: {  	_ =	swait.ge [sflag:s28], $0x2000  }
0x128: {  	[sflag:s28] =	ssyncset.done $0x0  }
0x129: {  	[sflag:s28] =	ssyncadd.s32 $0xFFFFE000  }
0x12a: {  	_ =	swait.ge [sflag:s29], $0x2000  }
0x12b: {  	[sflag:s29] =	ssyncset.done $0x0  }
0x12c: {  	[sflag:s29] =	ssyncadd.s32 $0xFFFFE000  }
0x12d: {  	_ =	swait.ge [sflag:s30], $0x2000  }
.Ltmp7:
0x12e: {  	[sflag:s30] =	ssyncset.done $0x0;
	(pc) =	sbr.rel @!p1 .LBB2_5-.Ltmp7, $4  }
0x12f: {  	s10 =	sadd.s32 s2, s13;
	s2 =	smov.u32 s11;
	[sflag:s30] =	ssyncadd.s32 $0xFFFFE000  }
0x130: {  	[hbm4b:s10+s4] =	stream.linear.scatter [tilespmem:s22], [sflag:$0x5], $0x8000, $0x38;
	[tilespmem:$0x1CA00] =	vst v63  }
0x131: {  	_ =	swait.ge [sflag:s31], $0x8000  }
0x132: {  	s8 =	sadd.s32 $0x200, s8;
	[sflag:s31] =	ssyncset.done $0x0  }
0x133: {  	s9 =	sadd.s32 $0xFFFFFE80, s8;
	[sflag:s31] =	ssyncadd.s32 $0xFFFF8000  }
0x134: {  	[tilespmem:s22], [sflag:$0x1] =	stream.indirect.gather [spmem:s3], $0x40, s9, s21, $0xb8;
	[tilespmem:$0x1CA00] =	vst v63  }
0x135: {  	s10 =	sadd.s32 $0xFFFFFF00, s8  }
0x136: {  	[tilespmem:s23], [sflag:$0x2] =	stream.indirect.gather [spmem:s3], $0x40, s10, s21, $0xb8;
	[tilespmem:$0x1CA00] =	vst v63  }
0x137: {  	s11 =	sadd.s32 $0xFFFFFF80, s8  }
0x138: {  	[tilespmem:s24], [sflag:$0x3] =	stream.indirect.gather [spmem:s3], $0x40, s11, s21, $0xb8;
	[tilespmem:$0x1CA00] =	vst v63  }
0x139: {  	_ = 	snop  }
0x13a: {  	[tilespmem:s25], [sflag:$0x4] =	stream.indirect.gather [spmem:s3], $0x40, s8, s21, $0xb8;
	[tilespmem:$0x1CA00] =	vst v63  }
0x13b: {  	_ =	swait.ge [sflag:s26], $0x2000  }
0x13c: {  	[sflag:s26] =	ssyncset.done $0x0  }
0x13d: {  	[sflag:s26] =	ssyncadd.s32 $0xFFFFE000  }
0x13e: {  	_ =	swait.ge [sflag:s28], $0x2000  }
0x13f: {  	[sflag:s28] =	ssyncset.done $0x0  }
0x140: {  	[sflag:s28] =	ssyncadd.s32 $0xFFFFE000  }
0x141: {  	_ =	swait.ge [sflag:s29], $0x2000  }
0x142: {  	[sflag:s29] =	ssyncset.done $0x0  }
0x143: {  	[sflag:s29] =	ssyncadd.s32 $0xFFFFE000  }
0x144: {  	_ =	swait.ge [sflag:s30], $0x2000  }
0x145: {  	[sflag:s30] =	ssyncset.done $0x0  }
.Ltmp8:
0x146: {  	s2 =	sadd.s32 s2, s13;
	[sflag:s30] =	ssyncadd.s32 $0xFFFFE000;
	(pc) =	sbr.rel .LBB2_12-.Ltmp8, $4  }
0x147: {  	[hbm4b:s2+s4] =	stream.linear.scatter [tilespmem:s22], [sflag:$0x5], $0x8000, $0x38;
	[tilespmem:$0x1CA00] =	vst v63  }
0x148: {  	_ =	swait.ge [sflag:s31], $0x8000  }
0x149: {  	[sflag:s31] =	ssyncset.done $0x0  }
0x14a: {  	[sflag:s31] =	ssyncadd.s32 $0xFFFF8000  }
.LBB2_13:
0x14b: {  	_ =	sfence.sel $0x180000  }
0x14c: {  	[bflag:$0x0] =	sbarrier.arrive $0xFFFF  }
0x14d: {  	_ =	strace $0x90000050  }
0x14e: {  	s0 =	stileid.u32;
	[bflag:$0x2] =	sbarrier.arrive $0xFFFF  }
0x14f: {  	p0 =	sne.s32 s0, $0x0;
	s0 =	rddreg [dreg:$0x3]  }
0x150: {  	s0 =	sadd.s32 @!p0 $0x100000, s0  }
0x151: {  	[sflag:s0] =	ssyncadd.tile.s32 @!p0 $0x1;
	_ =	shalt  }
.Lfunc_end2:
_tile_overlayer_lowered:
.L_overlay_start_2:
0x152: {  	(tag) =	ssettag $0x2  }
0x153: {  	s0 =	rddreg [dreg:$0x0];
	s2 =	stileid.u32  }
0x154: {  	s1 =	rddreg [dreg:$0x1];
	p0 =	sne.s32 s2, $0x0  }
0x155: {  	s3 =	rddreg [dreg:$0x2];
	[bflag:$0x3] =	sbarrier.arrive $0xFFFF;
	s2 =	simm.s32 @!p0 $0x1C06  }
0x156: {  	[timem:s3], [sflag:s2] =	dma.local @!p0 [hbm:s0], s1  }
0x157: {  	s0 =	simm.s32 @!p0 $0x6  }
0x158: {  	_ =	swait.ge @!p0 [sflag:s0], s1  }
0x159: {  	s1 =	ssub.s32 @!p0 $0x0, s1;
	[sflag:s0] =	ssyncset.done @!p0 $0x0  }
0x15a: {  	[sflag:s0] =	ssyncadd.s32 @!p0 s1  }
0x15b: {  	[bflag:$0x3] =	sbarrier.arrive $0xFFFF  }
0x15c: {  	_ =	shalt  }

</sc_bundles>
